<compile_context>
chip_gen: v7x
topology: tpu7x:2x2x1
jax: 0.10.2.dev20260603
libtpu: 0.0.44.dev20260713+nightly
codegen_flags: <defaults>
</compile_context>

<pallas_src>
import functools
import math

import jax
import jax.numpy as jnp
from jax import lax
from jax.experimental import pallas as pl
from jax.experimental.pallas import tpu as pltpu
from jax.experimental.pallas import tpu_sc as plsc

N_NODES = 10000
N_EDGES = 320000
F = 128
NUM_RBF = 20
CUTOFF = 5.0

N_PAD = 10240
E_PAD = 327680
N_ACC = 10112
B = 64
N_BLK = E_PAD // B
BLK_PER_TILE = N_BLK // 16



def _dense_body(s_ref, dist_ref, r4_ref, W1_ref, b1_ref, W2p_ref, b2p_ref,
                Wwp21_ref, phi_ref, w4_ref, rh_ref):
    s = s_ref[...]
    h = jnp.dot(s, W1_ref[...].T, preferred_element_type=jnp.float32) + b1_ref[...]
    h = h * jax.nn.sigmoid(h)
    phi_ref[...] = jnp.dot(h, W2p_ref[...].T, preferred_element_type=jnp.float32) + b2p_ref[...]

    a = dist_ref[...] * (math.pi / CUTOFF)
    s1 = jnp.sin(a)
    c1 = jnp.sin(a + (math.pi / 2.0))
    fcut = jnp.where(a < math.pi, 0.5 * c1 + 0.5, 0.0)
    inv_d = (math.pi / CUTOFF) / a
    m = fcut * inv_d
    twoc = c1 + c1
    rows = [s1]
    for _ in range(NUM_RBF - 1):
        nxt = twoc * rows[-1] - (rows[-2] if len(rows) > 1 else 0.0)
        rows.append(nxt)
    basis_t = jnp.concatenate([r * m for r in rows] + [fcut], axis=0)
    rbf21 = basis_t.T
    w = jnp.dot(rbf21, Wwp21_ref[...].T, preferred_element_type=jnp.float32)
    for qq in range(4):
        w4_ref[qq] = w[:, 64 * qq:64 * qq + 64]
    rh_ref[...] = r4_ref[...] * inv_d.T


def _dense_stage(s_pad, dist_pad, r4_pad, W1, b1, W2p, b2p, Wwp21):
    ng = 80
    bn = N_PAD // ng
    be = E_PAD // ng
    return pl.pallas_call(
        _dense_body,
        grid=(ng,),
        in_specs=[
            pl.BlockSpec((bn, F), lambda i: (i, 0)),
            pl.BlockSpec((1, be), lambda i: (0, i)),
            pl.BlockSpec((be, 4), lambda i: (i, 0)),
        ] + [pl.BlockSpec(x.shape, lambda i, nd=x.ndim: (0,) * nd) for x in
             (W1, b1, W2p, b2p, Wwp21)],
        out_specs=[
            pl.BlockSpec((bn, 256), lambda i: (i, 0)),
            pl.BlockSpec((4, be, 64), lambda i: (0, i, 0)),
            pl.BlockSpec((be, 4), lambda i: (i, 0)),
        ],
        out_shape=[
            jax.ShapeDtypeStruct((N_PAD, 256), jnp.float32),
            jax.ShapeDtypeStruct((4, E_PAD, 64), jnp.float32),
            jax.ShapeDtypeStruct((E_PAD, 4), jnp.float32),
        ],
    )(s_pad, dist_pad, r4_pad, W1, b1, W2p, b2p, Wwp21)



def _sc_stage(phi_t, vv_t, w3, rh4, dstq, src2, zer):
    mesh = plsc.VectorSubcoreMesh(core_axis_name="c", subcore_axis_name="s")

    @functools.partial(
        pl.kernel,
        mesh=mesh,
        compiler_params=pltpu.CompilerParams(use_tc_tiling_on_sc=False),
        out_type=(jax.ShapeDtypeStruct((N_ACC, 128), jnp.float32),
                  jax.ShapeDtypeStruct((N_ACC, 3, 128), jnp.float32)),
        scratch_types=[
            pltpu.VMEM_SHARED((N_ACC, 128), jnp.float32),
            pltpu.VMEM((2, B), jnp.int32),
            pltpu.VMEM((4, B), jnp.int32),
            pltpu.VMEM((2, B, 64), jnp.float32),
            pltpu.VMEM((2, B, 96), jnp.float32),
            pltpu.VMEM((2, B // 2, 128), jnp.float32),
            pltpu.VMEM((2, 4 * B), jnp.float32),
            pltpu.VMEM((2, B, 128), jnp.float32),
            pltpu.SemaphoreType.DMA,
            pltpu.SemaphoreType.DMA,
            pltpu.SemaphoreType.DMA,
        ],
    )
    def sc_kernel(phi_hbm, vv_hbm, w3_hbm, rh_hbm, dstq_hbm, src_hbm, zer_hbm,
                  outs_hbm, outv_hbm, acc, dq2, sr4, phib2, vb2, wb2, rh2, outb2,
                  si, sg, ss):
        c = lax.axis_index("c")
        t = lax.axis_index("s")
        NB = BLK_PER_TILE

        dnums = lax.GatherDimensionNumbers(
            offset_dims=(), collapsed_slice_dims=(0,), start_index_map=(0,))

        for p in range(2):
            q = c * 2 + p
            pltpu.sync_copy(zer_hbm.at[pl.ds(t * 632, 632)],
                            acc.at[pl.ds(t * 632, 632)])
            plsc.subcore_barrier()

            def start_idx(n):
                gg = n * 16 + t
                pltpu.async_copy(dstq_hbm.at[q, gg], dq2.at[n % 2], si)
                pltpu.async_copy(src_hbm.at[gg], sr4.at[n % 4], si)
                pltpu.async_copy(w3_hbm.at[q, pl.ds(gg * (B // 2), B // 2)], wb2.at[n % 2], si)
                pltpu.async_copy(rh_hbm.at[pl.ds(gg * B * 4, 4 * B)], rh2.at[n % 2], si)

            def wait_idx(n):
                gg = n * 16 + t
                pltpu.make_async_copy(dstq_hbm.at[q, gg], dq2.at[n % 2], si).wait()
                pltpu.make_async_copy(src_hbm.at[gg], sr4.at[n % 4], si).wait()
                pltpu.make_async_copy(w3_hbm.at[q, pl.ds(gg * (B // 2), B // 2)], wb2.at[n % 2], si).wait()
                pltpu.make_async_copy(rh_hbm.at[pl.ds(gg * B * 4, 4 * B)], rh2.at[n % 2], si).wait()

            def start_gather(n):
                pltpu.async_copy(phi_hbm.at[dq2.at[n % 2]], phib2.at[n % 2], sg)
                pltpu.async_copy(vv_hbm.at[dq2.at[n % 2]], vb2.at[n % 2], sg)

            def wait_gather(n):
                pltpu.make_async_copy(phi_hbm.at[dq2.at[n % 2]], phib2.at[n % 2], sg).wait()
                pltpu.make_async_copy(vv_hbm.at[dq2.at[n % 2]], vb2.at[n % 2], sg).wait()

            def wait_scatter(n):
                pltpu.make_async_copy(outb2.at[n % 2], acc.at[sr4.at[n % 4]], ss).wait()

            start_idx(jnp.int32(0))
            start_idx(jnp.int32(1))
            wait_idx(jnp.int32(0))
            start_gather(jnp.int32(0))

            def blk_body(g, carry):
                slot = g % 2
                wait_gather(g)

                @pl.when(g >= 2)
                def _():
                    wait_scatter(g - 2)

                @pl.when(g <= NB - 2)
                def _():
                    wait_idx(g + 1)
                    start_gather(g + 1)

                def edge_body(eg, carry2):
                    rquad = rh2[slot, pl.ds(eg * 16, 16)]
                    for i in range(4):
                        e = eg * 4 + i
                        wrow = eg * 2 + (i // 2)
                        wcol = (i % 2) * 64
                        wa0 = wb2[slot, wrow, wcol + 0:wcol + 16]
                        wa1 = wb2[slot, wrow, wcol + 16:wcol + 32]
                        wc0 = wb2[slot, wrow, wcol + 32:wcol + 48]
                        wc1 = wb2[slot, wrow, wcol + 48:wcol + 64]
                        pa0 = phib2[slot, e, 0:16]
                        pa1 = phib2[slot, e, 16:32]
                        pc0 = phib2[slot, e, 32:48]
                        pc1 = phib2[slot, e, 48:64]
                        wvv0 = wa0 * pa0
                        wvv1 = wa1 * pa1
                        wvs0 = wc0 * pc0
                        wvs1 = wc1 * pc1
                        outb2[slot, e, 0:16] = wvs0
                        outb2[slot, e, 16:32] = wvs1
                        for d in range(3):
                            rsp = lax.gather(
                                rquad,
                                jnp.full((16, 1), 4 * i + d, jnp.int32),
                                dnums, slice_sizes=(1,),
                                mode=lax.GatherScatterMode.PROMISE_IN_BOUNDS)
                            vg0 = vb2[slot, e, 32 * d:32 * d + 16]
                            vg1 = vb2[slot, e, 32 * d + 16:32 * d + 32]
                            outb2[slot, e, 32 + 32 * d:48 + 32 * d] = vg0 * wvv0 + rsp * wvs0
                            outb2[slot, e, 48 + 32 * d:64 + 32 * d] = vg1 * wvv1 + rsp * wvs1
                    return carry2

                lax.fori_loop(0, B // 4, edge_body, 0)
                pltpu.async_copy(outb2.at[slot], acc.at[sr4.at[g % 4]], ss, add=True)

                @pl.when(g <= NB - 3)
                def _():
                    start_idx(g + 2)

                return carry

            lax.fori_loop(0, NB, blk_body, 0)
            wait_scatter(jnp.int32(NB - 2))
            wait_scatter(jnp.int32(NB - 1))
            plsc.subcore_barrier()
            rows = pl.ds(t * 632, 632)
            pltpu.sync_copy(acc.at[rows, pl.ds(0, 32)],
                            outs_hbm.at[rows, pl.ds(q * 32, 32)])
            for dd in range(3):
                pltpu.sync_copy(acc.at[rows, pl.ds(32 + 32 * dd, 32)],
                                outv_hbm.at[rows, dd, pl.ds(q * 32, 32)])

    return sc_kernel(phi_t, vv_t, w3, rh4.reshape(-1), dstq, src2, zer)



def _permute_rows(M):
    A, C = M[:F], M[F:]
    return jnp.concatenate(
        [jnp.stack([A.reshape(4, 32, -1)[q] for q in range(4)], 0),
         jnp.stack([C.reshape(4, 32, -1)[q] for q in range(4)], 0)],
        axis=1).reshape(256, -1)


def kernel(s, v, edge_indexes, r_ij, distance, W1, b1, W2, b2, Ww, bw):
    f32 = jnp.float32
    W2u = jnp.concatenate([W2[0:F], W2[2 * F:3 * F]], 0)
    b2u = jnp.concatenate([b2[0:F], b2[2 * F:3 * F]], 0)
    Wwu = jnp.concatenate([Ww[0:F], Ww[2 * F:3 * F]], 0)
    bwu = jnp.concatenate([bw[0:F], bw[2 * F:3 * F]], 0)
    W2p = _permute_rows(W2u)
    b2p = _permute_rows(b2u[:, None])[:, 0]
    Wwp = _permute_rows(Wwu)
    bwp = _permute_rows(bwu[:, None])[:, 0]
    Wwp21 = jnp.concatenate([Wwp, bwp[:, None]], axis=1)

    s_pad = jnp.pad(s, ((0, N_PAD - N_NODES), (0, 0)))
    dist_pad = jnp.pad(distance, (0, E_PAD - N_EDGES), constant_values=1.0)[None, :]
    r4_pad = jnp.pad(r_ij, ((0, E_PAD - N_EDGES), (0, 1)))

    phi_p, w4, rh4 = _dense_stage(s_pad, dist_pad, r4_pad, W1, b1, W2p, b2p, Wwp21)

    phi_t = phi_p.reshape(N_PAD, 4, 64).transpose(1, 0, 2).reshape(4 * N_PAD, 64)
    v_pad = jnp.pad(v, ((0, N_PAD - N_NODES), (0, 0), (0, 0)))
    vv_t = v_pad.reshape(N_PAD, 3, 4, 32).transpose(2, 0, 1, 3).reshape(4 * N_PAD, 96)
    w3 = w4.reshape(4, E_PAD // 2, 128)

    dst = edge_indexes[:, 1].astype(jnp.int32)
    src = edge_indexes[:, 0].astype(jnp.int32)
    dst_pad = jnp.pad(dst, (0, E_PAD - N_EDGES))
    src_pad = jnp.pad(src, (0, E_PAD - N_EDGES), constant_values=10008)
    dstq = (dst_pad[None, :] + (jnp.arange(4, dtype=jnp.int32) * N_PAD)[:, None]
            ).reshape(4, N_BLK, B)
    src2 = src_pad.reshape(N_BLK, B)
    zer = jnp.zeros((N_ACC, 128), f32)

    out_s, out_v = _sc_stage(phi_t, vv_t, w3, rh4, dstq, src2, zer)
    return (s + out_s[:N_NODES], v + out_v[:N_NODES])

# --- scband reference (transcript-rebuilt; emitter-appended) ---
"""Pipeline reference for scband-message-layer-38929583571218 (READ-ONLY COPY).

The authoritative reference and input builder live on the scoring server;
editing this copy changes nothing except your own understanding.
"""

import jax, jax.numpy as jnp
import numpy as np

N_NODES = 10000
N_EDGES = 320000
NUM_FEATURES = 128
NUM_RBF = 20
CUTOFF = 5.0


def setup_inputs(seed: int = 0) -> dict:
    key = jax.random.key(seed)
    ks = jax.random.split(key, 12)
    s = jax.random.normal(ks[0], (N_NODES, NUM_FEATURES), dtype=jnp.float32)
    v = jax.random.normal(ks[1], (N_NODES, 3, NUM_FEATURES), dtype=jnp.float32)
    edge_indexes = jax.random.randint(ks[2], (N_EDGES, 2), 0, N_NODES, dtype=jnp.int64 if jax.config.jax_enable_x64 else jnp.int32)
    r_ij = jax.random.normal(ks[3], (N_EDGES, 3), dtype=jnp.float32)
    # distances strictly positive (divided by); realistic interatomic range
    distance = jax.random.uniform(ks[4], (N_EDGES,), dtype=jnp.float32, minval=0.5, maxval=6.0)
    # phi_path: Linear(F, F) -> SiLU -> Linear(F, 3F)
    W1 = jax.random.normal(ks[5], (NUM_FEATURES, NUM_FEATURES), dtype=jnp.float32) * (1.0 / np.sqrt(NUM_FEATURES))
    b1 = jnp.zeros((NUM_FEATURES,), dtype=jnp.float32)
    W2 = jax.random.normal(ks[6], (3 * NUM_FEATURES, NUM_FEATURES), dtype=jnp.float32) * (1.0 / np.sqrt(NUM_FEATURES))
    b2 = jnp.zeros((3 * NUM_FEATURES,), dtype=jnp.float32)
    # W_path: Linear(num_rbf, 3F)
    Ww = jax.random.normal(ks[7], (3 * NUM_FEATURES, NUM_RBF), dtype=jnp.float32) * (1.0 / np.sqrt(NUM_RBF))
    bw = jnp.zeros((3 * NUM_FEATURES,), dtype=jnp.float32)
    return {"s": s, "v": v, "edge_indexes": edge_indexes, "r_ij": r_ij, "distance": distance,
            "W1": W1, "b1": b1, "W2": W2, "b2": b2, "Ww": Ww, "bw": bw}


def _f_cut(distance, cutoff):
    return jnp.where(distance < cutoff, 0.5 * (jnp.cos(jnp.pi * distance / cutoff) + 1.0), 0.0)


def _rbf(distance, num_rbf, cutoff):
    n = jnp.arange(num_rbf, dtype=distance.dtype) + 1.0
    return jnp.sin(distance[:, None] * n * jnp.pi / cutoff) / distance[:, None]


def reference(s, v, edge_indexes, r_ij, distance, W1, b1, W2, b2, Ww, bw):
    F = NUM_FEATURES
    W = _rbf(distance, NUM_RBF, CUTOFF) @ Ww.T + bw
    W = W * _f_cut(distance, CUTOFF)[:, None]
    h = s @ W1.T + b1
    h = h * jax.nn.sigmoid(h)  # SiLU
    phi = h @ W2.T + b2
    dst = edge_indexes[:, 1]
    src = edge_indexes[:, 0]
    split = W * phi[dst]
    # faithful to original: Wvv, Wvs, Wvs = split -> second assignment overwritten by third chunk
    Wvv = split[:, 0:F]
    Wvs = split[:, 2 * F:3 * F]
    v_1 = v[dst] * Wvv[:, None, :]
    v_2 = Wvs[:, None, :] * (r_ij / distance[:, None])[:, :, None]
    v_sum = v_1 + v_2
    delta_s = jnp.zeros_like(s).at[src].add(Wvs)
    delta_v = jnp.zeros_like(v).at[src].add(v_sum)
    return (s + delta_s, v + delta_v)

if __name__ == "__main__":
    import jax
    _d = setup_inputs()
    print(jax.jit(kernel)(*tuple(_d.values())))

</pallas_src>

<mosaic_0001>
#map = affine_map<(d0, d1) -> (0, 0)>
#map1 = affine_map<(d0, d1) -> (0, 0, 0)>
#map2 = affine_map<(d0, d1) -> (0)>
module attributes {stable_mosaic.version = 14 : i64} {
  func.func @sc_kernel(%arg0: i32, %arg1: i32, %arg2: memref<40960x64xf32, #tpu.memory_space<hbm>>, %arg3: memref<40960x96xf32, #tpu.memory_space<hbm>>, %arg4: memref<4x163840x128xf32, #tpu.memory_space<hbm>>, %arg5: memref<1310720xf32, #tpu.memory_space<hbm>>, %arg6: memref<4x5120x64xi32, #tpu.memory_space<hbm>>, %arg7: memref<5120x64xi32, #tpu.memory_space<hbm>>, %arg8: memref<10112x128xf32, #tpu.memory_space<hbm>>, %arg9: memref<10112x128xf32, #tpu.memory_space<hbm>>, %arg10: memref<10112x3x128xf32, #tpu.memory_space<hbm>>, %arg11: memref<10112x128xf32, #tpu.memory_space<vmem_shared>>, %arg12: memref<2x64xi32, #tpu.memory_space<vmem>>, %arg13: memref<4x64xi32, #tpu.memory_space<vmem>>, %arg14: memref<2x64x64xf32, #tpu.memory_space<vmem>>, %arg15: memref<2x64x96xf32, #tpu.memory_space<vmem>>, %arg16: memref<2x32x128xf32, #tpu.memory_space<vmem>>, %arg17: memref<2x256xf32, #tpu.memory_space<vmem>>, %arg18: memref<2x64x128xf32, #tpu.memory_space<vmem>>, %arg19: memref<!tpu.dma_semaphore, #tpu.memory_space<semaphore_mem>>, %arg20: memref<!tpu.dma_semaphore, #tpu.memory_space<semaphore_mem>>, %arg21: memref<!tpu.dma_semaphore, #tpu.memory_space<semaphore_mem>>) attributes {dimension_semantics = [#tpu.dimension_semantics<core_parallel>, #tpu.dimension_semantics<subcore_parallel>], iteration_bounds = array<i64: 2, 16>, scalar_prefetch = 0 : i64, scratch_operands = 11 : i64, tpu.core_type = #tpu.core_type<sc_vector_subcore>, window_params = [{transform_indices = #map}, {transform_indices = #map}, {transform_indices = #map1}, {transform_indices = #map2}, {transform_indices = #map1}, {transform_indices = #map}, {transform_indices = #map}, {transform_indices = #map}, {transform_indices = #map1}]} {
    %mul3A = arith.constant 2 : i32
    %mul3A_0 = arith.muli %arg0, %mul3A : i32
    %add3A = arith.constant 0 : i32
    %add3A_1 = arith.addi %mul3A_0, %add3A : i32
    %mul3A_2 = arith.constant 632 : i32
    %mul3A_3 = arith.muli %arg1, %mul3A_2 : i32
    %mul3A_4 = arith.constant 632 : i32
    %mul3A_5 = arith.muli %arg1, %mul3A_4 : i32
    "tpu.region"() ({
      %run_scoped3A_1140 = tpu.sem_alloc : memref<!tpu.dma_semaphore, #tpu.memory_space<semaphore_mem>>
      %dma_start3A_1141 = arith.constant 0 : i32
      %dma_start3A_1142 = tpu.memref_slice %arg11[%mul3A_5, %dma_start3A_1141] : memref<10112x128xf32, #tpu.memory_space<vmem_shared>> -> memref<632x128xf32, #tpu.memory_space<vmem_shared>>
      %dma_start3A_1143 = arith.constant 0 : i32
      %dma_start3A_1144 = tpu.memref_slice %arg8[%mul3A_3, %dma_start3A_1143] : memref<10112x128xf32, #tpu.memory_space<hbm>> -> memref<632x128xf32, #tpu.memory_space<hbm>>
      tpu.enqueue_dma source(%dma_start3A_1144 : memref<632x128xf32, #tpu.memory_space<hbm>>) target(%dma_start3A_1142 : memref<632x128xf32, #tpu.memory_space<vmem_shared>>) target_semaphore(%run_scoped3A_1140 : memref<!tpu.dma_semaphore, #tpu.memory_space<semaphore_mem>>)
      %dma_wait3A_1145 = arith.constant 0 : i32
      %dma_wait3A_1146 = tpu.memref_slice %arg11[%mul3A_5, %dma_wait3A_1145] : memref<10112x128xf32, #tpu.memory_space<vmem_shared>> -> memref<632x128xf32, #tpu.memory_space<vmem_shared>>
      %dma_wait3A_1147 = arith.constant 0 : i32
      %dma_wait3A_1148 = tpu.memref_slice %arg8[%mul3A_3, %dma_wait3A_1147] : memref<10112x128xf32, #tpu.memory_space<hbm>> -> memref<632x128xf32, #tpu.memory_space<hbm>>
      tpu.wait_dma2 semaphore(%run_scoped3A_1140 : memref<!tpu.dma_semaphore, #tpu.memory_space<semaphore_mem>>) src(%dma_wait3A_1148 : memref<632x128xf32, #tpu.memory_space<hbm>>) dst(%dma_wait3A_1146 : memref<632x128xf32, #tpu.memory_space<vmem_shared>>)
      tpu.yield
    }) : () -> ()
    %barrier3A = arith.constant 0 : index
    tpu.barrier barrier_id(%barrier3A)
    %mul3A_6 = arith.constant 0 : i32
    %mul3A_7 = arith.constant 16 : i32
    %mul3A_8 = arith.muli %mul3A_6, %mul3A_7 : i32
    %add3A_9 = arith.addi %mul3A_8, %arg1 : i32
    %jit3A = arith.constant 0 : i32
    %jit3A_10 = arith.constant 2 : i32
    %eq3A = arith.constant 0 : i32
    %eq3A_11 = arith.cmpi eq, %jit3A_10, %eq3A : i32
    %jit3A_12 = arith.constant 1 : i32
    %select_n3A = arith.select %eq3A_11, %jit3A_12, %jit3A_10 : i32
    %rem3A = arith.remsi %jit3A, %select_n3A : i32
    %ne3A = arith.constant 0 : i32
    %ne3A_13 = arith.cmpi ne, %rem3A, %ne3A : i32
    %lt3A = arith.constant 0 : i32
    %lt3A_14 = arith.cmpi slt, %rem3A, %lt3A : i32
    %lt3A_15 = arith.constant 0 : i32
    %lt3A_16 = arith.cmpi slt, %select_n3A, %lt3A_15 : i32
    %ne3A_17 = arith.xori %lt3A_14, %lt3A_16 : i1
    %and3A = arith.andi %ne3A_17, %ne3A_13 : i1
    %add3A_18 = arith.addi %rem3A, %select_n3A : i32
    %select_n3A_19 = arith.select %and3A, %add3A_18, %rem3A : i32
    %dma_start3A = arith.constant 0 : i32
    %dma_start3A_20 = tpu.memref_slice %arg12[%select_n3A_19, %dma_start3A] : memref<2x64xi32, #tpu.memory_space<vmem>> -> memref<1x64xi32, #tpu.memory_space<vmem>>
    %dma_start3A_21 = tpu.memref_squeeze %dma_start3A_20 : memref<1x64xi32, #tpu.memory_space<vmem>> -> memref<64xi32, #tpu.memory_space<vmem>>
    %dma_start3A_22 = arith.constant 0 : i32
    %dma_start3A_23 = tpu.memref_slice %arg6[%add3A_1, %add3A_9, %dma_start3A_22] : memref<4x5120x64xi32, #tpu.memory_space<hbm>> -> memref<1x1x64xi32, #tpu.memory_space<hbm>>
    %dma_start3A_24 = tpu.memref_squeeze %dma_start3A_23 : memref<1x1x64xi32, #tpu.memory_space<hbm>> -> memref<64xi32, #tpu.memory_space<hbm>>
    %dma_start3A_25 = arith.constant 0 : i32
    %dma_start3A_26 = tpu.memref_slice %arg12[%select_n3A_19, %dma_start3A_25] : memref<2x64xi32, #tpu.memory_space<vmem>> -> memref<1x64xi32, #tpu.memory_space<vmem>>
    %dma_start3A_27 = tpu.memref_squeeze %dma_start3A_26 : memref<1x64xi32, #tpu.memory_space<vmem>> -> memref<64xi32, #tpu.memory_space<vmem>>
    %dma_start3A_28 = arith.constant 0 : i32
    %dma_start3A_29 = tpu.memref_slice %arg6[%add3A_1, %add3A_9, %dma_start3A_28] : memref<4x5120x64xi32, #tpu.memory_space<hbm>> -> memref<1x1x64xi32, #tpu.memory_space<hbm>>
    %dma_start3A_30 = tpu.memref_squeeze %dma_start3A_29 : memref<1x1x64xi32, #tpu.memory_space<hbm>> -> memref<64xi32, #tpu.memory_space<hbm>>
    tpu.enqueue_dma source(%dma_start3A_30 : memref<64xi32, #tpu.memory_space<hbm>>) target(%dma_start3A_27 : memref<64xi32, #tpu.memory_space<vmem>>) target_semaphore(%arg19 : memref<!tpu.dma_semaphore, #tpu.memory_space<semaphore_mem>>)
    %jit3A_31 = arith.constant 0 : i32
    %jit3A_32 = arith.constant 4 : i32
    %eq3A_33 = arith.constant 0 : i32
    %eq3A_34 = arith.cmpi eq, %jit3A_32, %eq3A_33 : i32
    %jit3A_35 = arith.constant 1 : i32
    %select_n3A_36 = arith.select %eq3A_34, %jit3A_35, %jit3A_32 : i32
    %rem3A_37 = arith.remsi %jit3A_31, %select_n3A_36 : i32
    %ne3A_38 = arith.constant 0 : i32
    %ne3A_39 = arith.cmpi ne, %rem3A_37, %ne3A_38 : i32
    %lt3A_40 = arith.constant 0 : i32
    %lt3A_41 = arith.cmpi slt, %rem3A_37, %lt3A_40 : i32
    %lt3A_42 = arith.constant 0 : i32
    %lt3A_43 = arith.cmpi slt, %select_n3A_36, %lt3A_42 : i32
    %ne3A_44 = arith.xori %lt3A_41, %lt3A_43 : i1
    %and3A_45 = arith.andi %ne3A_44, %ne3A_39 : i1
    %add3A_46 = arith.addi %rem3A_37, %select_n3A_36 : i32
    %select_n3A_47 = arith.select %and3A_45, %add3A_46, %rem3A_37 : i32
    %dma_start3A_48 = arith.constant 0 : i32
    %dma_start3A_49 = tpu.memref_slice %arg13[%select_n3A_47, %dma_start3A_48] : memref<4x64xi32, #tpu.memory_space<vmem>> -> memref<1x64xi32, #tpu.memory_space<vmem>>
    %dma_start3A_50 = tpu.memref_squeeze %dma_start3A_49 : memref<1x64xi32, #tpu.memory_space<vmem>> -> memref<64xi32, #tpu.memory_space<vmem>>
    %dma_start3A_51 = arith.constant 0 : i32
    %dma_start3A_52 = tpu.memref_slice %arg7[%add3A_9, %dma_start3A_51] : memref<5120x64xi32, #tpu.memory_space<hbm>> -> memref<1x64xi32, #tpu.memory_space<hbm>>
    %dma_start3A_53 = tpu.memref_squeeze %dma_start3A_52 : memref<1x64xi32, #tpu.memory_space<hbm>> -> memref<64xi32, #tpu.memory_space<hbm>>
    %dma_start3A_54 = arith.constant 0 : i32
    %dma_start3A_55 = tpu.memref_slice %arg13[%select_n3A_47, %dma_start3A_54] : memref<4x64xi32, #tpu.memory_space<vmem>> -> memref<1x64xi32, #tpu.memory_space<vmem>>
    %dma_start3A_56 = tpu.memref_squeeze %dma_start3A_55 : memref<1x64xi32, #tpu.memory_space<vmem>> -> memref<64xi32, #tpu.memory_space<vmem>>
    %dma_start3A_57 = arith.constant 0 : i32
    %dma_start3A_58 = tpu.memref_slice %arg7[%add3A_9, %dma_start3A_57] : memref<5120x64xi32, #tpu.memory_space<hbm>> -> memref<1x64xi32, #tpu.memory_space<hbm>>
    %dma_start3A_59 = tpu.memref_squeeze %dma_start3A_58 : memref<1x64xi32, #tpu.memory_space<hbm>> -> memref<64xi32, #tpu.memory_space<hbm>>
    tpu.enqueue_dma source(%dma_start3A_59 : memref<64xi32, #tpu.memory_space<hbm>>) target(%dma_start3A_56 : memref<64xi32, #tpu.memory_space<vmem>>) target_semaphore(%arg19 : memref<!tpu.dma_semaphore, #tpu.memory_space<semaphore_mem>>)
    %mul3A_60 = arith.constant 32 : i32
    %mul3A_61 = arith.muli %add3A_9, %mul3A_60 : i32
    %jit3A_62 = arith.constant 0 : i32
    %jit3A_63 = arith.constant 2 : i32
    %eq3A_64 = arith.constant 0 : i32
    %eq3A_65 = arith.cmpi eq, %jit3A_63, %eq3A_64 : i32
    %jit3A_66 = arith.constant 1 : i32
    %select_n3A_67 = arith.select %eq3A_65, %jit3A_66, %jit3A_63 : i32
    %rem3A_68 = arith.remsi %jit3A_62, %select_n3A_67 : i32
    %ne3A_69 = arith.constant 0 : i32
    %ne3A_70 = arith.cmpi ne, %rem3A_68, %ne3A_69 : i32
    %lt3A_71 = arith.constant 0 : i32
    %lt3A_72 = arith.cmpi slt, %rem3A_68, %lt3A_71 : i32
    %lt3A_73 = arith.constant 0 : i32
    %lt3A_74 = arith.cmpi slt, %select_n3A_67, %lt3A_73 : i32
    %ne3A_75 = arith.xori %lt3A_72, %lt3A_74 : i1
    %and3A_76 = arith.andi %ne3A_75, %ne3A_70 : i1
    %add3A_77 = arith.addi %rem3A_68, %select_n3A_67 : i32
    %select_n3A_78 = arith.select %and3A_76, %add3A_77, %rem3A_68 : i32
    %dma_start3A_79 = arith.constant 0 : i32
    %dma_start3A_80 = arith.constant 0 : i32
    %dma_start3A_81 = tpu.memref_slice %arg16[%select_n3A_78, %dma_start3A_79, %dma_start3A_80] : memref<2x32x128xf32, #tpu.memory_space<vmem>> -> memref<1x32x128xf32, #tpu.memory_space<vmem>>
    %dma_start3A_82 = tpu.memref_squeeze %dma_start3A_81 : memref<1x32x128xf32, #tpu.memory_space<vmem>> -> memref<32x128xf32, #tpu.memory_space<vmem>>
    %dma_start3A_83 = arith.constant 0 : i32
    %dma_start3A_84 = tpu.memref_slice %arg4[%add3A_1, %mul3A_61, %dma_start3A_83] : memref<4x163840x128xf32, #tpu.memory_space<hbm>> -> memref<1x32x128xf32, #tpu.memory_space<hbm>>
    %dma_start3A_85 = tpu.memref_squeeze %dma_start3A_84 : memref<1x32x128xf32, #tpu.memory_space<hbm>> -> memref<32x128xf32, #tpu.memory_space<hbm>>
    %dma_start3A_86 = arith.constant 0 : i32
    %dma_start3A_87 = arith.constant 0 : i32
    %dma_start3A_88 = tpu.memref_slice %arg16[%select_n3A_78, %dma_start3A_86, %dma_start3A_87] : memref<2x32x128xf32, #tpu.memory_space<vmem>> -> memref<1x32x128xf32, #tpu.memory_space<vmem>>
    %dma_start3A_89 = tpu.memref_squeeze %dma_start3A_88 : memref<1x32x128xf32, #tpu.memory_space<vmem>> -> memref<32x128xf32, #tpu.memory_space<vmem>>
    %dma_start3A_90 = arith.constant 0 : i32
    %dma_start3A_91 = tpu.memref_slice %arg4[%add3A_1, %mul3A_61, %dma_start3A_90] : memref<4x163840x128xf32, #tpu.memory_space<hbm>> -> memref<1x32x128xf32, #tpu.memory_space<hbm>>
    %dma_start3A_92 = tpu.memref_squeeze %dma_start3A_91 : memref<1x32x128xf32, #tpu.memory_space<hbm>> -> memref<32x128xf32, #tpu.memory_space<hbm>>
    tpu.enqueue_dma source(%dma_start3A_92 : memref<32x128xf32, #tpu.memory_space<hbm>>) target(%dma_start3A_89 : memref<32x128xf32, #tpu.memory_space<vmem>>) target_semaphore(%arg19 : memref<!tpu.dma_semaphore, #tpu.memory_space<semaphore_mem>>)
    %mul3A_93 = arith.constant 64 : i32
    %mul3A_94 = arith.muli %add3A_9, %mul3A_93 : i32
    %mul3A_95 = arith.constant 4 : i32
    %mul3A_96 = arith.muli %mul3A_94, %mul3A_95 : i32
    %jit3A_97 = arith.constant 0 : i32
    %jit3A_98 = arith.constant 2 : i32
    %eq3A_99 = arith.constant 0 : i32
    %eq3A_100 = arith.cmpi eq, %jit3A_98, %eq3A_99 : i32
    %jit3A_101 = arith.constant 1 : i32
    %select_n3A_102 = arith.select %eq3A_100, %jit3A_101, %jit3A_98 : i32
    %rem3A_103 = arith.remsi %jit3A_97, %select_n3A_102 : i32
    %ne3A_104 = arith.constant 0 : i32
    %ne3A_105 = arith.cmpi ne, %rem3A_103, %ne3A_104 : i32
    %lt3A_106 = arith.constant 0 : i32
    %lt3A_107 = arith.cmpi slt, %rem3A_103, %lt3A_106 : i32
    %lt3A_108 = arith.constant 0 : i32
    %lt3A_109 = arith.cmpi slt, %select_n3A_102, %lt3A_108 : i32
    %ne3A_110 = arith.xori %lt3A_107, %lt3A_109 : i1
    %and3A_111 = arith.andi %ne3A_110, %ne3A_105 : i1
    %add3A_112 = arith.addi %rem3A_103, %select_n3A_102 : i32
    %select_n3A_113 = arith.select %and3A_111, %add3A_112, %rem3A_103 : i32
    %dma_start3A_114 = arith.constant 0 : i32
    %dma_start3A_115 = tpu.memref_slice %arg17[%select_n3A_113, %dma_start3A_114] : memref<2x256xf32, #tpu.memory_space<vmem>> -> memref<1x256xf32, #tpu.memory_space<vmem>>
    %dma_start3A_116 = tpu.memref_squeeze %dma_start3A_115 : memref<1x256xf32, #tpu.memory_space<vmem>> -> memref<256xf32, #tpu.memory_space<vmem>>
    %dma_start3A_117 = tpu.memref_slice %arg5[%mul3A_96] : memref<1310720xf32, #tpu.memory_space<hbm>> -> memref<256xf32, #tpu.memory_space<hbm>>
    %dma_start3A_118 = arith.constant 0 : i32
    %dma_start3A_119 = tpu.memref_slice %arg17[%select_n3A_113, %dma_start3A_118] : memref<2x256xf32, #tpu.memory_space<vmem>> -> memref<1x256xf32, #tpu.memory_space<vmem>>
    %dma_start3A_120 = tpu.memref_squeeze %dma_start3A_119 : memref<1x256xf32, #tpu.memory_space<vmem>> -> memref<256xf32, #tpu.memory_space<vmem>>
    %dma_start3A_121 = tpu.memref_slice %arg5[%mul3A_96] : memref<1310720xf32, #tpu.memory_space<hbm>> -> memref<256xf32, #tpu.memory_space<hbm>>
    tpu.enqueue_dma source(%dma_start3A_121 : memref<256xf32, #tpu.memory_space<hbm>>) target(%dma_start3A_120 : memref<256xf32, #tpu.memory_space<vmem>>) target_semaphore(%arg19 : memref<!tpu.dma_semaphore, #tpu.memory_space<semaphore_mem>>)
    %mul3A_122 = arith.constant 1 : i32
    %mul3A_123 = arith.constant 16 : i32
    %mul3A_124 = arith.muli %mul3A_122, %mul3A_123 : i32
    %add3A_125 = arith.addi %mul3A_124, %arg1 : i32
    %jit3A_126 = arith.constant 1 : i32
    %jit3A_127 = arith.constant 2 : i32
    %eq3A_128 = arith.constant 0 : i32
    %eq3A_129 = arith.cmpi eq, %jit3A_127, %eq3A_128 : i32
    %jit3A_130 = arith.constant 1 : i32
    %select_n3A_131 = arith.select %eq3A_129, %jit3A_130, %jit3A_127 : i32
    %rem3A_132 = arith.remsi %jit3A_126, %select_n3A_131 : i32
    %ne3A_133 = arith.constant 0 : i32
    %ne3A_134 = arith.cmpi ne, %rem3A_132, %ne3A_133 : i32
    %lt3A_135 = arith.constant 0 : i32
    %lt3A_136 = arith.cmpi slt, %rem3A_132, %lt3A_135 : i32
    %lt3A_137 = arith.constant 0 : i32
    %lt3A_138 = arith.cmpi slt, %select_n3A_131, %lt3A_137 : i32
    %ne3A_139 = arith.xori %lt3A_136, %lt3A_138 : i1
    %and3A_140 = arith.andi %ne3A_139, %ne3A_134 : i1
    %add3A_141 = arith.addi %rem3A_132, %select_n3A_131 : i32
    %select_n3A_142 = arith.select %and3A_140, %add3A_141, %rem3A_132 : i32
    %dma_start3A_143 = arith.constant 0 : i32
    %dma_start3A_144 = tpu.memref_slice %arg12[%select_n3A_142, %dma_start3A_143] : memref<2x64xi32, #tpu.memory_space<vmem>> -> memref<1x64xi32, #tpu.memory_space<vmem>>
    %dma_start3A_145 = tpu.memref_squeeze %dma_start3A_144 : memref<1x64xi32, #tpu.memory_space<vmem>> -> memref<64xi32, #tpu.memory_space<vmem>>
    %dma_start3A_146 = arith.constant 0 : i32
    %dma_start3A_147 = tpu.memref_slice %arg6[%add3A_1, %add3A_125, %dma_start3A_146] : memref<4x5120x64xi32, #tpu.memory_space<hbm>> -> memref<1x1x64xi32, #tpu.memory_space<hbm>>
    %dma_start3A_148 = tpu.memref_squeeze %dma_start3A_147 : memref<1x1x64xi32, #tpu.memory_space<hbm>> -> memref<64xi32, #tpu.memory_space<hbm>>
    %dma_start3A_149 = arith.constant 0 : i32
    %dma_start3A_150 = tpu.memref_slice %arg12[%select_n3A_142, %dma_start3A_149] : memref<2x64xi32, #tpu.memory_space<vmem>> -> memref<1x64xi32, #tpu.memory_space<vmem>>
    %dma_start3A_151 = tpu.memref_squeeze %dma_start3A_150 : memref<1x64xi32, #tpu.memory_space<vmem>> -> memref<64xi32, #tpu.memory_space<vmem>>
    %dma_start3A_152 = arith.constant 0 : i32
    %dma_start3A_153 = tpu.memref_slice %arg6[%add3A_1, %add3A_125, %dma_start3A_152] : memref<4x5120x64xi32, #tpu.memory_space<hbm>> -> memref<1x1x64xi32, #tpu.memory_space<hbm>>
    %dma_start3A_154 = tpu.memref_squeeze %dma_start3A_153 : memref<1x1x64xi32, #tpu.memory_space<hbm>> -> memref<64xi32, #tpu.memory_space<hbm>>
    tpu.enqueue_dma source(%dma_start3A_154 : memref<64xi32, #tpu.memory_space<hbm>>) target(%dma_start3A_151 : memref<64xi32, #tpu.memory_space<vmem>>) target_semaphore(%arg19 : memref<!tpu.dma_semaphore, #tpu.memory_space<semaphore_mem>>)
    %jit3A_155 = arith.constant 1 : i32
    %jit3A_156 = arith.constant 4 : i32
    %eq3A_157 = arith.constant 0 : i32
    %eq3A_158 = arith.cmpi eq, %jit3A_156, %eq3A_157 : i32
    %jit3A_159 = arith.constant 1 : i32
    %select_n3A_160 = arith.select %eq3A_158, %jit3A_159, %jit3A_156 : i32
    %rem3A_161 = arith.remsi %jit3A_155, %select_n3A_160 : i32
    %ne3A_162 = arith.constant 0 : i32
    %ne3A_163 = arith.cmpi ne, %rem3A_161, %ne3A_162 : i32
    %lt3A_164 = arith.constant 0 : i32
    %lt3A_165 = arith.cmpi slt, %rem3A_161, %lt3A_164 : i32
    %lt3A_166 = arith.constant 0 : i32
    %lt3A_167 = arith.cmpi slt, %select_n3A_160, %lt3A_166 : i32
    %ne3A_168 = arith.xori %lt3A_165, %lt3A_167 : i1
    %and3A_169 = arith.andi %ne3A_168, %ne3A_163 : i1
    %add3A_170 = arith.addi %rem3A_161, %select_n3A_160 : i32
    %select_n3A_171 = arith.select %and3A_169, %add3A_170, %rem3A_161 : i32
    %dma_start3A_172 = arith.constant 0 : i32
    %dma_start3A_173 = tpu.memref_slice %arg13[%select_n3A_171, %dma_start3A_172] : memref<4x64xi32, #tpu.memory_space<vmem>> -> memref<1x64xi32, #tpu.memory_space<vmem>>
    %dma_start3A_174 = tpu.memref_squeeze %dma_start3A_173 : memref<1x64xi32, #tpu.memory_space<vmem>> -> memref<64xi32, #tpu.memory_space<vmem>>
    %dma_start3A_175 = arith.constant 0 : i32
    %dma_start3A_176 = tpu.memref_slice %arg7[%add3A_125, %dma_start3A_175] : memref<5120x64xi32, #tpu.memory_space<hbm>> -> memref<1x64xi32, #tpu.memory_space<hbm>>
    %dma_start3A_177 = tpu.memref_squeeze %dma_start3A_176 : memref<1x64xi32, #tpu.memory_space<hbm>> -> memref<64xi32, #tpu.memory_space<hbm>>
    %dma_start3A_178 = arith.constant 0 : i32
    %dma_start3A_179 = tpu.memref_slice %arg13[%select_n3A_171, %dma_start3A_178] : memref<4x64xi32, #tpu.memory_space<vmem>> -> memref<1x64xi32, #tpu.memory_space<vmem>>
    %dma_start3A_180 = tpu.memref_squeeze %dma_start3A_179 : memref<1x64xi32, #tpu.memory_space<vmem>> -> memref<64xi32, #tpu.memory_space<vmem>>
    %dma_start3A_181 = arith.constant 0 : i32
    %dma_start3A_182 = tpu.memref_slice %arg7[%add3A_125, %dma_start3A_181] : memref<5120x64xi32, #tpu.memory_space<hbm>> -> memref<1x64xi32, #tpu.memory_space<hbm>>
    %dma_start3A_183 = tpu.memref_squeeze %dma_start3A_182 : memref<1x64xi32, #tpu.memory_space<hbm>> -> memref<64xi32, #tpu.memory_space<hbm>>
    tpu.enqueue_dma source(%dma_start3A_183 : memref<64xi32, #tpu.memory_space<hbm>>) target(%dma_start3A_180 : memref<64xi32, #tpu.memory_space<vmem>>) target_semaphore(%arg19 : memref<!tpu.dma_semaphore, #tpu.memory_space<semaphore_mem>>)
    %mul3A_184 = arith.constant 32 : i32
    %mul3A_185 = arith.muli %add3A_125, %mul3A_184 : i32
    %jit3A_186 = arith.constant 1 : i32
    %jit3A_187 = arith.constant 2 : i32
    %eq3A_188 = arith.constant 0 : i32
    %eq3A_189 = arith.cmpi eq, %jit3A_187, %eq3A_188 : i32
    %jit3A_190 = arith.constant 1 : i32
    %select_n3A_191 = arith.select %eq3A_189, %jit3A_190, %jit3A_187 : i32
    %rem3A_192 = arith.remsi %jit3A_186, %select_n3A_191 : i32
    %ne3A_193 = arith.constant 0 : i32
    %ne3A_194 = arith.cmpi ne, %rem3A_192, %ne3A_193 : i32
    %lt3A_195 = arith.constant 0 : i32
    %lt3A_196 = arith.cmpi slt, %rem3A_192, %lt3A_195 : i32
    %lt3A_197 = arith.constant 0 : i32
    %lt3A_198 = arith.cmpi slt, %select_n3A_191, %lt3A_197 : i32
    %ne3A_199 = arith.xori %lt3A_196, %lt3A_198 : i1
    %and3A_200 = arith.andi %ne3A_199, %ne3A_194 : i1
    %add3A_201 = arith.addi %rem3A_192, %select_n3A_191 : i32
    %select_n3A_202 = arith.select %and3A_200, %add3A_201, %rem3A_192 : i32
    %dma_start3A_203 = arith.constant 0 : i32
    %dma_start3A_204 = arith.constant 0 : i32
    %dma_start3A_205 = tpu.memref_slice %arg16[%select_n3A_202, %dma_start3A_203, %dma_start3A_204] : memref<2x32x128xf32, #tpu.memory_space<vmem>> -> memref<1x32x128xf32, #tpu.memory_space<vmem>>
    %dma_start3A_206 = tpu.memref_squeeze %dma_start3A_205 : memref<1x32x128xf32, #tpu.memory_space<vmem>> -> memref<32x128xf32, #tpu.memory_space<vmem>>
    %dma_start3A_207 = arith.constant 0 : i32
    %dma_start3A_208 = tpu.memref_slice %arg4[%add3A_1, %mul3A_185, %dma_start3A_207] : memref<4x163840x128xf32, #tpu.memory_space<hbm>> -> memref<1x32x128xf32, #tpu.memory_space<hbm>>
    %dma_start3A_209 = tpu.memref_squeeze %dma_start3A_208 : memref<1x32x128xf32, #tpu.memory_space<hbm>> -> memref<32x128xf32, #tpu.memory_space<hbm>>
    %dma_start3A_210 = arith.constant 0 : i32
    %dma_start3A_211 = arith.constant 0 : i32
    %dma_start3A_212 = tpu.memref_slice %arg16[%select_n3A_202, %dma_start3A_210, %dma_start3A_211] : memref<2x32x128xf32, #tpu.memory_space<vmem>> -> memref<1x32x128xf32, #tpu.memory_space<vmem>>
    %dma_start3A_213 = tpu.memref_squeeze %dma_start3A_212 : memref<1x32x128xf32, #tpu.memory_space<vmem>> -> memref<32x128xf32, #tpu.memory_space<vmem>>
    %dma_start3A_214 = arith.constant 0 : i32
    %dma_start3A_215 = tpu.memref_slice %arg4[%add3A_1, %mul3A_185, %dma_start3A_214] : memref<4x163840x128xf32, #tpu.memory_space<hbm>> -> memref<1x32x128xf32, #tpu.memory_space<hbm>>
    %dma_start3A_216 = tpu.memref_squeeze %dma_start3A_215 : memref<1x32x128xf32, #tpu.memory_space<hbm>> -> memref<32x128xf32, #tpu.memory_space<hbm>>
    tpu.enqueue_dma source(%dma_start3A_216 : memref<32x128xf32, #tpu.memory_space<hbm>>) target(%dma_start3A_213 : memref<32x128xf32, #tpu.memory_space<vmem>>) target_semaphore(%arg19 : memref<!tpu.dma_semaphore, #tpu.memory_space<semaphore_mem>>)
    %mul3A_217 = arith.constant 64 : i32
    %mul3A_218 = arith.muli %add3A_125, %mul3A_217 : i32
    %mul3A_219 = arith.constant 4 : i32
    %mul3A_220 = arith.muli %mul3A_218, %mul3A_219 : i32
    %jit3A_221 = arith.constant 1 : i32
    %jit3A_222 = arith.constant 2 : i32
    %eq3A_223 = arith.constant 0 : i32
    %eq3A_224 = arith.cmpi eq, %jit3A_222, %eq3A_223 : i32
    %jit3A_225 = arith.constant 1 : i32
    %select_n3A_226 = arith.select %eq3A_224, %jit3A_225, %jit3A_222 : i32
    %rem3A_227 = arith.remsi %jit3A_221, %select_n3A_226 : i32
    %ne3A_228 = arith.constant 0 : i32
    %ne3A_229 = arith.cmpi ne, %rem3A_227, %ne3A_228 : i32
    %lt3A_230 = arith.constant 0 : i32
    %lt3A_231 = arith.cmpi slt, %rem3A_227, %lt3A_230 : i32
    %lt3A_232 = arith.constant 0 : i32
    %lt3A_233 = arith.cmpi slt, %select_n3A_226, %lt3A_232 : i32
    %ne3A_234 = arith.xori %lt3A_231, %lt3A_233 : i1
    %and3A_235 = arith.andi %ne3A_234, %ne3A_229 : i1
    %add3A_236 = arith.addi %rem3A_227, %select_n3A_226 : i32
    %select_n3A_237 = arith.select %and3A_235, %add3A_236, %rem3A_227 : i32
    %dma_start3A_238 = arith.constant 0 : i32
    %dma_start3A_239 = tpu.memref_slice %arg17[%select_n3A_237, %dma_start3A_238] : memref<2x256xf32, #tpu.memory_space<vmem>> -> memref<1x256xf32, #tpu.memory_space<vmem>>
    %dma_start3A_240 = tpu.memref_squeeze %dma_start3A_239 : memref<1x256xf32, #tpu.memory_space<vmem>> -> memref<256xf32, #tpu.memory_space<vmem>>
    %dma_start3A_241 = tpu.memref_slice %arg5[%mul3A_220] : memref<1310720xf32, #tpu.memory_space<hbm>> -> memref<256xf32, #tpu.memory_space<hbm>>
    %dma_start3A_242 = arith.constant 0 : i32
    %dma_start3A_243 = tpu.memref_slice %arg17[%select_n3A_237, %dma_start3A_242] : memref<2x256xf32, #tpu.memory_space<vmem>> -> memref<1x256xf32, #tpu.memory_space<vmem>>
    %dma_start3A_244 = tpu.memref_squeeze %dma_start3A_243 : memref<1x256xf32, #tpu.memory_space<vmem>> -> memref<256xf32, #tpu.memory_space<vmem>>
    %dma_start3A_245 = tpu.memref_slice %arg5[%mul3A_220] : memref<1310720xf32, #tpu.memory_space<hbm>> -> memref<256xf32, #tpu.memory_space<hbm>>
    tpu.enqueue_dma source(%dma_start3A_245 : memref<256xf32, #tpu.memory_space<hbm>>) target(%dma_start3A_244 : memref<256xf32, #tpu.memory_space<vmem>>) target_semaphore(%arg19 : memref<!tpu.dma_semaphore, #tpu.memory_space<semaphore_mem>>)
    %mul3A_246 = arith.constant 0 : i32
    %mul3A_247 = arith.constant 16 : i32
    %mul3A_248 = arith.muli %mul3A_246, %mul3A_247 : i32
    %add3A_249 = arith.addi %mul3A_248, %arg1 : i32
    %jit3A_250 = arith.constant 0 : i32
    %jit3A_251 = arith.constant 2 : i32
    %eq3A_252 = arith.constant 0 : i32
    %eq3A_253 = arith.cmpi eq, %jit3A_251, %eq3A_252 : i32
    %jit3A_254 = arith.constant 1 : i32
    %select_n3A_255 = arith.select %eq3A_253, %jit3A_254, %jit3A_251 : i32
    %rem3A_256 = arith.remsi %jit3A_250, %select_n3A_255 : i32
    %ne3A_257 = arith.constant 0 : i32
    %ne3A_258 = arith.cmpi ne, %rem3A_256, %ne3A_257 : i32
    %lt3A_259 = arith.constant 0 : i32
    %lt3A_260 = arith.cmpi slt, %rem3A_256, %lt3A_259 : i32
    %lt3A_261 = arith.constant 0 : i32
    %lt3A_262 = arith.cmpi slt, %select_n3A_255, %lt3A_261 : i32
    %ne3A_263 = arith.xori %lt3A_260, %lt3A_262 : i1
    %and3A_264 = arith.andi %ne3A_263, %ne3A_258 : i1
    %add3A_265 = arith.addi %rem3A_256, %select_n3A_255 : i32
    %select_n3A_266 = arith.select %and3A_264, %add3A_265, %rem3A_256 : i32
    %dma_wait3A = arith.constant 0 : i32
    %dma_wait3A_267 = tpu.memref_slice %arg12[%select_n3A_266, %dma_wait3A] : memref<2x64xi32, #tpu.memory_space<vmem>> -> memref<1x64xi32, #tpu.memory_space<vmem>>
    %dma_wait3A_268 = tpu.memref_squeeze %dma_wait3A_267 : memref<1x64xi32, #tpu.memory_space<vmem>> -> memref<64xi32, #tpu.memory_space<vmem>>
    %dma_wait3A_269 = arith.constant 0 : i32
    %dma_wait3A_270 = tpu.memref_slice %arg6[%add3A_1, %add3A_249, %dma_wait3A_269] : memref<4x5120x64xi32, #tpu.memory_space<hbm>> -> memref<1x1x64xi32, #tpu.memory_space<hbm>>
    %dma_wait3A_271 = tpu.memref_squeeze %dma_wait3A_270 : memref<1x1x64xi32, #tpu.memory_space<hbm>> -> memref<64xi32, #tpu.memory_space<hbm>>
    %dma_wait3A_272 = arith.constant 0 : i32
    %dma_wait3A_273 = tpu.memref_slice %arg12[%select_n3A_266, %dma_wait3A_272] : memref<2x64xi32, #tpu.memory_space<vmem>> -> memref<1x64xi32, #tpu.memory_space<vmem>>
    %dma_wait3A_274 = tpu.memref_squeeze %dma_wait3A_273 : memref<1x64xi32, #tpu.memory_space<vmem>> -> memref<64xi32, #tpu.memory_space<vmem>>
    %dma_wait3A_275 = arith.constant 0 : i32
    %dma_wait3A_276 = tpu.memref_slice %arg6[%add3A_1, %add3A_249, %dma_wait3A_275] : memref<4x5120x64xi32, #tpu.memory_space<hbm>> -> memref<1x1x64xi32, #tpu.memory_space<hbm>>
    %dma_wait3A_277 = tpu.memref_squeeze %dma_wait3A_276 : memref<1x1x64xi32, #tpu.memory_space<hbm>> -> memref<64xi32, #tpu.memory_space<hbm>>
    tpu.wait_dma2 semaphore(%arg19 : memref<!tpu.dma_semaphore, #tpu.memory_space<semaphore_mem>>) src(%dma_wait3A_277 : memref<64xi32, #tpu.memory_space<hbm>>) dst(%dma_wait3A_274 : memref<64xi32, #tpu.memory_space<vmem>>)
    %jit3A_278 = arith.constant 0 : i32
    %jit3A_279 = arith.constant 4 : i32
    %eq3A_280 = arith.constant 0 : i32
    %eq3A_281 = arith.cmpi eq, %jit3A_279, %eq3A_280 : i32
    %jit3A_282 = arith.constant 1 : i32
    %select_n3A_283 = arith.select %eq3A_281, %jit3A_282, %jit3A_279 : i32
    %rem3A_284 = arith.remsi %jit3A_278, %select_n3A_283 : i32
    %ne3A_285 = arith.constant 0 : i32
    %ne3A_286 = arith.cmpi ne, %rem3A_284, %ne3A_285 : i32
    %lt3A_287 = arith.constant 0 : i32
    %lt3A_288 = arith.cmpi slt, %rem3A_284, %lt3A_287 : i32
    %lt3A_289 = arith.constant 0 : i32
    %lt3A_290 = arith.cmpi slt, %select_n3A_283, %lt3A_289 : i32
    %ne3A_291 = arith.xori %lt3A_288, %lt3A_290 : i1
    %and3A_292 = arith.andi %ne3A_291, %ne3A_286 : i1
    %add3A_293 = arith.addi %rem3A_284, %select_n3A_283 : i32
    %select_n3A_294 = arith.select %and3A_292, %add3A_293, %rem3A_284 : i32
    %dma_wait3A_295 = arith.constant 0 : i32
    %dma_wait3A_296 = tpu.memref_slice %arg13[%select_n3A_294, %dma_wait3A_295] : memref<4x64xi32, #tpu.memory_space<vmem>> -> memref<1x64xi32, #tpu.memory_space<vmem>>
    %dma_wait3A_297 = tpu.memref_squeeze %dma_wait3A_296 : memref<1x64xi32, #tpu.memory_space<vmem>> -> memref<64xi32, #tpu.memory_space<vmem>>
    %dma_wait3A_298 = arith.constant 0 : i32
    %dma_wait3A_299 = tpu.memref_slice %arg7[%add3A_249, %dma_wait3A_298] : memref<5120x64xi32, #tpu.memory_space<hbm>> -> memref<1x64xi32, #tpu.memory_space<hbm>>
    %dma_wait3A_300 = tpu.memref_squeeze %dma_wait3A_299 : memref<1x64xi32, #tpu.memory_space<hbm>> -> memref<64xi32, #tpu.memory_space<hbm>>
    %dma_wait3A_301 = arith.constant 0 : i32
    %dma_wait3A_302 = tpu.memref_slice %arg13[%select_n3A_294, %dma_wait3A_301] : memref<4x64xi32, #tpu.memory_space<vmem>> -> memref<1x64xi32, #tpu.memory_space<vmem>>
    %dma_wait3A_303 = tpu.memref_squeeze %dma_wait3A_302 : memref<1x64xi32, #tpu.memory_space<vmem>> -> memref<64xi32, #tpu.memory_space<vmem>>
    %dma_wait3A_304 = arith.constant 0 : i32
    %dma_wait3A_305 = tpu.memref_slice %arg7[%add3A_249, %dma_wait3A_304] : memref<5120x64xi32, #tpu.memory_space<hbm>> -> memref<1x64xi32, #tpu.memory_space<hbm>>
    %dma_wait3A_306 = tpu.memref_squeeze %dma_wait3A_305 : memref<1x64xi32, #tpu.memory_space<hbm>> -> memref<64xi32, #tpu.memory_space<hbm>>
    tpu.wait_dma2 semaphore(%arg19 : memref<!tpu.dma_semaphore, #tpu.memory_space<semaphore_mem>>) src(%dma_wait3A_306 : memref<64xi32, #tpu.memory_space<hbm>>) dst(%dma_wait3A_303 : memref<64xi32, #tpu.memory_space<vmem>>)
    %mul3A_307 = arith.constant 32 : i32
    %mul3A_308 = arith.muli %add3A_249, %mul3A_307 : i32
    %jit3A_309 = arith.constant 0 : i32
    %jit3A_310 = arith.constant 2 : i32
    %eq3A_311 = arith.constant 0 : i32
    %eq3A_312 = arith.cmpi eq, %jit3A_310, %eq3A_311 : i32
    %jit3A_313 = arith.constant 1 : i32
    %select_n3A_314 = arith.select %eq3A_312, %jit3A_313, %jit3A_310 : i32
    %rem3A_315 = arith.remsi %jit3A_309, %select_n3A_314 : i32
    %ne3A_316 = arith.constant 0 : i32
    %ne3A_317 = arith.cmpi ne, %rem3A_315, %ne3A_316 : i32
    %lt3A_318 = arith.constant 0 : i32
    %lt3A_319 = arith.cmpi slt, %rem3A_315, %lt3A_318 : i32
    %lt3A_320 = arith.constant 0 : i32
    %lt3A_321 = arith.cmpi slt, %select_n3A_314, %lt3A_320 : i32
    %ne3A_322 = arith.xori %lt3A_319, %lt3A_321 : i1
    %and3A_323 = arith.andi %ne3A_322, %ne3A_317 : i1
    %add3A_324 = arith.addi %rem3A_315, %select_n3A_314 : i32
    %select_n3A_325 = arith.select %and3A_323, %add3A_324, %rem3A_315 : i32
    %dma_wait3A_326 = arith.constant 0 : i32
    %dma_wait3A_327 = arith.constant 0 : i32
    %dma_wait3A_328 = tpu.memref_slice %arg16[%select_n3A_325, %dma_wait3A_326, %dma_wait3A_327] : memref<2x32x128xf32, #tpu.memory_space<vmem>> -> memref<1x32x128xf32, #tpu.memory_space<vmem>>
    %dma_wait3A_329 = tpu.memref_squeeze %dma_wait3A_328 : memref<1x32x128xf32, #tpu.memory_space<vmem>> -> memref<32x128xf32, #tpu.memory_space<vmem>>
    %dma_wait3A_330 = arith.constant 0 : i32
    %dma_wait3A_331 = tpu.memref_slice %arg4[%add3A_1, %mul3A_308, %dma_wait3A_330] : memref<4x163840x128xf32, #tpu.memory_space<hbm>> -> memref<1x32x128xf32, #tpu.memory_space<hbm>>
    %dma_wait3A_332 = tpu.memref_squeeze %dma_wait3A_331 : memref<1x32x128xf32, #tpu.memory_space<hbm>> -> memref<32x128xf32, #tpu.memory_space<hbm>>
    %dma_wait3A_333 = arith.constant 0 : i32
    %dma_wait3A_334 = arith.constant 0 : i32
    %dma_wait3A_335 = tpu.memref_slice %arg16[%select_n3A_325, %dma_wait3A_333, %dma_wait3A_334] : memref<2x32x128xf32, #tpu.memory_space<vmem>> -> memref<1x32x128xf32, #tpu.memory_space<vmem>>
    %dma_wait3A_336 = tpu.memref_squeeze %dma_wait3A_335 : memref<1x32x128xf32, #tpu.memory_space<vmem>> -> memref<32x128xf32, #tpu.memory_space<vmem>>
    %dma_wait3A_337 = arith.constant 0 : i32
    %dma_wait3A_338 = tpu.memref_slice %arg4[%add3A_1, %mul3A_308, %dma_wait3A_337] : memref<4x163840x128xf32, #tpu.memory_space<hbm>> -> memref<1x32x128xf32, #tpu.memory_space<hbm>>
    %dma_wait3A_339 = tpu.memref_squeeze %dma_wait3A_338 : memref<1x32x128xf32, #tpu.memory_space<hbm>> -> memref<32x128xf32, #tpu.memory_space<hbm>>
    tpu.wait_dma2 semaphore(%arg19 : memref<!tpu.dma_semaphore, #tpu.memory_space<semaphore_mem>>) src(%dma_wait3A_339 : memref<32x128xf32, #tpu.memory_space<hbm>>) dst(%dma_wait3A_336 : memref<32x128xf32, #tpu.memory_space<vmem>>)
    %mul3A_340 = arith.constant 64 : i32
    %mul3A_341 = arith.muli %add3A_249, %mul3A_340 : i32
    %mul3A_342 = arith.constant 4 : i32
    %mul3A_343 = arith.muli %mul3A_341, %mul3A_342 : i32
    %jit3A_344 = arith.constant 0 : i32
    %jit3A_345 = arith.constant 2 : i32
    %eq3A_346 = arith.constant 0 : i32
    %eq3A_347 = arith.cmpi eq, %jit3A_345, %eq3A_346 : i32
    %jit3A_348 = arith.constant 1 : i32
    %select_n3A_349 = arith.select %eq3A_347, %jit3A_348, %jit3A_345 : i32
    %rem3A_350 = arith.remsi %jit3A_344, %select_n3A_349 : i32
    %ne3A_351 = arith.constant 0 : i32
    %ne3A_352 = arith.cmpi ne, %rem3A_350, %ne3A_351 : i32
    %lt3A_353 = arith.constant 0 : i32
    %lt3A_354 = arith.cmpi slt, %rem3A_350, %lt3A_353 : i32
    %lt3A_355 = arith.constant 0 : i32
    %lt3A_356 = arith.cmpi slt, %select_n3A_349, %lt3A_355 : i32
    %ne3A_357 = arith.xori %lt3A_354, %lt3A_356 : i1
    %and3A_358 = arith.andi %ne3A_357, %ne3A_352 : i1
    %add3A_359 = arith.addi %rem3A_350, %select_n3A_349 : i32
    %select_n3A_360 = arith.select %and3A_358, %add3A_359, %rem3A_350 : i32
    %dma_wait3A_361 = arith.constant 0 : i32
    %dma_wait3A_362 = tpu.memref_slice %arg17[%select_n3A_360, %dma_wait3A_361] : memref<2x256xf32, #tpu.memory_space<vmem>> -> memref<1x256xf32, #tpu.memory_space<vmem>>
    %dma_wait3A_363 = tpu.memref_squeeze %dma_wait3A_362 : memref<1x256xf32, #tpu.memory_space<vmem>> -> memref<256xf32, #tpu.memory_space<vmem>>
    %dma_wait3A_364 = tpu.memref_slice %arg5[%mul3A_343] : memref<1310720xf32, #tpu.memory_space<hbm>> -> memref<256xf32, #tpu.memory_space<hbm>>
    %dma_wait3A_365 = arith.constant 0 : i32
    %dma_wait3A_366 = tpu.memref_slice %arg17[%select_n3A_360, %dma_wait3A_365] : memref<2x256xf32, #tpu.memory_space<vmem>> -> memref<1x256xf32, #tpu.memory_space<vmem>>
    %dma_wait3A_367 = tpu.memref_squeeze %dma_wait3A_366 : memref<1x256xf32, #tpu.memory_space<vmem>> -> memref<256xf32, #tpu.memory_space<vmem>>
    %dma_wait3A_368 = tpu.memref_slice %arg5[%mul3A_343] : memref<1310720xf32, #tpu.memory_space<hbm>> -> memref<256xf32, #tpu.memory_space<hbm>>
    tpu.wait_dma2 semaphore(%arg19 : memref<!tpu.dma_semaphore, #tpu.memory_space<semaphore_mem>>) src(%dma_wait3A_368 : memref<256xf32, #tpu.memory_space<hbm>>) dst(%dma_wait3A_367 : memref<256xf32, #tpu.memory_space<vmem>>)
    %jit3A_369 = arith.constant 0 : i32
    %jit3A_370 = arith.constant 2 : i32
    %eq3A_371 = arith.constant 0 : i32
    %eq3A_372 = arith.cmpi eq, %jit3A_370, %eq3A_371 : i32
    %jit3A_373 = arith.constant 1 : i32
    %select_n3A_374 = arith.select %eq3A_372, %jit3A_373, %jit3A_370 : i32
    %rem3A_375 = arith.remsi %jit3A_369, %select_n3A_374 : i32
    %ne3A_376 = arith.constant 0 : i32
    %ne3A_377 = arith.cmpi ne, %rem3A_375, %ne3A_376 : i32
    %lt3A_378 = arith.constant 0 : i32
    %lt3A_379 = arith.cmpi slt, %rem3A_375, %lt3A_378 : i32
    %lt3A_380 = arith.constant 0 : i32
    %lt3A_381 = arith.cmpi slt, %select_n3A_374, %lt3A_380 : i32
    %ne3A_382 = arith.xori %lt3A_379, %lt3A_381 : i1
    %and3A_383 = arith.andi %ne3A_382, %ne3A_377 : i1
    %add3A_384 = arith.addi %rem3A_375, %select_n3A_374 : i32
    %select_n3A_385 = arith.select %and3A_383, %add3A_384, %rem3A_375 : i32
    %jit3A_386 = arith.constant 0 : i32
    %jit3A_387 = arith.constant 2 : i32
    %eq3A_388 = arith.constant 0 : i32
    %eq3A_389 = arith.cmpi eq, %jit3A_387, %eq3A_388 : i32
    %jit3A_390 = arith.constant 1 : i32
    %select_n3A_391 = arith.select %eq3A_389, %jit3A_390, %jit3A_387 : i32
    %rem3A_392 = arith.remsi %jit3A_386, %select_n3A_391 : i32
    %ne3A_393 = arith.constant 0 : i32
    %ne3A_394 = arith.cmpi ne, %rem3A_392, %ne3A_393 : i32
    %lt3A_395 = arith.constant 0 : i32
    %lt3A_396 = arith.cmpi slt, %rem3A_392, %lt3A_395 : i32
    %lt3A_397 = arith.constant 0 : i32
    %lt3A_398 = arith.cmpi slt, %select_n3A_391, %lt3A_397 : i32
    %ne3A_399 = arith.xori %lt3A_396, %lt3A_398 : i1
    %and3A_400 = arith.andi %ne3A_399, %ne3A_394 : i1
    %add3A_401 = arith.addi %rem3A_392, %select_n3A_391 : i32
    %select_n3A_402 = arith.select %and3A_400, %add3A_401, %rem3A_392 : i32
    %dma_start3A_403 = arith.constant 0 : i32
    %dma_start3A_404 = arith.constant 0 : i32
    %dma_start3A_405 = tpu.memref_slice %arg14[%select_n3A_402, %dma_start3A_403, %dma_start3A_404] : memref<2x64x64xf32, #tpu.memory_space<vmem>> -> memref<1x64x64xf32, #tpu.memory_space<vmem>>
    %dma_start3A_406 = tpu.memref_squeeze %dma_start3A_405 : memref<1x64x64xf32, #tpu.memory_space<vmem>> -> memref<64x64xf32, #tpu.memory_space<vmem>>
    %dma_start3A_407 = arith.constant 0 : i32
    %dma_start3A_408 = tpu.memref_slice %arg12[%select_n3A_385, %dma_start3A_407] : memref<2x64xi32, #tpu.memory_space<vmem>> -> memref<1x64xi32, #tpu.memory_space<vmem>>
    %dma_start3A_409 = tpu.memref_squeeze %dma_start3A_408 : memref<1x64xi32, #tpu.memory_space<vmem>> -> memref<64xi32, #tpu.memory_space<vmem>>
    %dma_start3A_410 = arith.constant 0 : i32
    %dma_start3A_411 = arith.constant 0 : i32
    %dma_start3A_412 = tpu.memref_slice %arg2[%dma_start3A_410, %dma_start3A_411] : memref<40960x64xf32, #tpu.memory_space<hbm>> -> memref<40960x64xf32, #tpu.memory_space<hbm>>
    tpu.enqueue_indirect_dma source(%dma_start3A_412 : memref<40960x64xf32, #tpu.memory_space<hbm>>) target(%dma_start3A_406 : memref<64x64xf32, #tpu.memory_space<vmem>>) offsets(%dma_start3A_409 : memref<64xi32, #tpu.memory_space<vmem>>) semaphore(%arg20 : memref<!tpu.dma_semaphore, #tpu.memory_space<semaphore_mem>>)
    %jit3A_413 = arith.constant 0 : i32
    %jit3A_414 = arith.constant 2 : i32
    %eq3A_415 = arith.constant 0 : i32
    %eq3A_416 = arith.cmpi eq, %jit3A_414, %eq3A_415 : i32
    %jit3A_417 = arith.constant 1 : i32
    %select_n3A_418 = arith.select %eq3A_416, %jit3A_417, %jit3A_414 : i32
    %rem3A_419 = arith.remsi %jit3A_413, %select_n3A_418 : i32
    %ne3A_420 = arith.constant 0 : i32
    %ne3A_421 = arith.cmpi ne, %rem3A_419, %ne3A_420 : i32
    %lt3A_422 = arith.constant 0 : i32
    %lt3A_423 = arith.cmpi slt, %rem3A_419, %lt3A_422 : i32
    %lt3A_424 = arith.constant 0 : i32
    %lt3A_425 = arith.cmpi slt, %select_n3A_418, %lt3A_424 : i32
    %ne3A_426 = arith.xori %lt3A_423, %lt3A_425 : i1
    %and3A_427 = arith.andi %ne3A_426, %ne3A_421 : i1
    %add3A_428 = arith.addi %rem3A_419, %select_n3A_418 : i32
    %select_n3A_429 = arith.select %and3A_427, %add3A_428, %rem3A_419 : i32
    %jit3A_430 = arith.constant 0 : i32
    %jit3A_431 = arith.constant 2 : i32
    %eq3A_432 = arith.constant 0 : i32
    %eq3A_433 = arith.cmpi eq, %jit3A_431, %eq3A_432 : i32
    %jit3A_434 = arith.constant 1 : i32
    %select_n3A_435 = arith.select %eq3A_433, %jit3A_434, %jit3A_431 : i32
    %rem3A_436 = arith.remsi %jit3A_430, %select_n3A_435 : i32
    %ne3A_437 = arith.constant 0 : i32
    %ne3A_438 = arith.cmpi ne, %rem3A_436, %ne3A_437 : i32
    %lt3A_439 = arith.constant 0 : i32
    %lt3A_440 = arith.cmpi slt, %rem3A_436, %lt3A_439 : i32
    %lt3A_441 = arith.constant 0 : i32
    %lt3A_442 = arith.cmpi slt, %select_n3A_435, %lt3A_441 : i32
    %ne3A_443 = arith.xori %lt3A_440, %lt3A_442 : i1
    %and3A_444 = arith.andi %ne3A_443, %ne3A_438 : i1
    %add3A_445 = arith.addi %rem3A_436, %select_n3A_435 : i32
    %select_n3A_446 = arith.select %and3A_444, %add3A_445, %rem3A_436 : i32
    %dma_start3A_447 = arith.constant 0 : i32
    %dma_start3A_448 = arith.constant 0 : i32
    %dma_start3A_449 = tpu.memref_slice %arg15[%select_n3A_446, %dma_start3A_447, %dma_start3A_448] : memref<2x64x96xf32, #tpu.memory_space<vmem>> -> memref<1x64x96xf32, #tpu.memory_space<vmem>>
    %dma_start3A_450 = tpu.memref_squeeze %dma_start3A_449 : memref<1x64x96xf32, #tpu.memory_space<vmem>> -> memref<64x96xf32, #tpu.memory_space<vmem>>
    %dma_start3A_451 = arith.constant 0 : i32
    %dma_start3A_452 = tpu.memref_slice %arg12[%select_n3A_429, %dma_start3A_451] : memref<2x64xi32, #tpu.memory_space<vmem>> -> memref<1x64xi32, #tpu.memory_space<vmem>>
    %dma_start3A_453 = tpu.memref_squeeze %dma_start3A_452 : memref<1x64xi32, #tpu.memory_space<vmem>> -> memref<64xi32, #tpu.memory_space<vmem>>
    %dma_start3A_454 = arith.constant 0 : i32
    %dma_start3A_455 = arith.constant 0 : i32
    %dma_start3A_456 = tpu.memref_slice %arg3[%dma_start3A_454, %dma_start3A_455] : memref<40960x96xf32, #tpu.memory_space<hbm>> -> memref<40960x96xf32, #tpu.memory_space<hbm>>
    tpu.enqueue_indirect_dma source(%dma_start3A_456 : memref<40960x96xf32, #tpu.memory_space<hbm>>) target(%dma_start3A_450 : memref<64x96xf32, #tpu.memory_space<vmem>>) offsets(%dma_start3A_453 : memref<64xi32, #tpu.memory_space<vmem>>) semaphore(%arg20 : memref<!tpu.dma_semaphore, #tpu.memory_space<semaphore_mem>>)
    %scan3A = arith.constant 0 : i32
    %scan3A_457 = arith.constant 0 : i32
    %scan3A_458 = arith.constant 320 : i32
    %scan3A_459 = arith.addi %scan3A_457, %scan3A_458 : i32
    %scan3A_460 = arith.constant 1 : i32
    scf.for %scan3A_1140 = %scan3A_457 to %scan3A_459 step %scan3A_460  : i32 {
      %jit3A_1141 = arith.constant 2 : i32
      %eq3A_1142 = arith.constant 0 : i32
      %eq3A_1143 = arith.cmpi eq, %jit3A_1141, %eq3A_1142 : i32
      %jit3A_1144 = arith.constant 1 : i32
      %select_n3A_1145 = arith.select %eq3A_1143, %jit3A_1144, %jit3A_1141 : i32
      %rem3A_1146 = arith.remsi %scan3A_1140, %select_n3A_1145 : i32
      %ne3A_1147 = arith.constant 0 : i32
      %ne3A_1148 = arith.cmpi ne, %rem3A_1146, %ne3A_1147 : i32
      %lt3A_1149 = arith.constant 0 : i32
      %lt3A_1150 = arith.cmpi slt, %rem3A_1146, %lt3A_1149 : i32
      %lt3A_1151 = arith.constant 0 : i32
      %lt3A_1152 = arith.cmpi slt, %select_n3A_1145, %lt3A_1151 : i32
      %ne3A_1153 = arith.xori %lt3A_1150, %lt3A_1152 : i1
      %and3A_1154 = arith.andi %ne3A_1153, %ne3A_1148 : i1
      %add3A_1155 = arith.addi %rem3A_1146, %select_n3A_1145 : i32
      %select_n3A_1156 = arith.select %and3A_1154, %add3A_1155, %rem3A_1146 : i32
      %jit3A_1157 = arith.constant 2 : i32
      %eq3A_1158 = arith.constant 0 : i32
      %eq3A_1159 = arith.cmpi eq, %jit3A_1157, %eq3A_1158 : i32
      %jit3A_1160 = arith.constant 1 : i32
      %select_n3A_1161 = arith.select %eq3A_1159, %jit3A_1160, %jit3A_1157 : i32
      %rem3A_1162 = arith.remsi %scan3A_1140, %select_n3A_1161 : i32
      %ne3A_1163 = arith.constant 0 : i32
      %ne3A_1164 = arith.cmpi ne, %rem3A_1162, %ne3A_1163 : i32
      %lt3A_1165 = arith.constant 0 : i32
      %lt3A_1166 = arith.cmpi slt, %rem3A_1162, %lt3A_1165 : i32
      %lt3A_1167 = arith.constant 0 : i32
      %lt3A_1168 = arith.cmpi slt, %select_n3A_1161, %lt3A_1167 : i32
      %ne3A_1169 = arith.xori %lt3A_1166, %lt3A_1168 : i1
      %and3A_1170 = arith.andi %ne3A_1169, %ne3A_1164 : i1
      %add3A_1171 = arith.addi %rem3A_1162, %select_n3A_1161 : i32
      %select_n3A_1172 = arith.select %and3A_1170, %add3A_1171, %rem3A_1162 : i32
      %jit3A_1173 = arith.constant 2 : i32
      %eq3A_1174 = arith.constant 0 : i32
      %eq3A_1175 = arith.cmpi eq, %jit3A_1173, %eq3A_1174 : i32
      %jit3A_1176 = arith.constant 1 : i32
      %select_n3A_1177 = arith.select %eq3A_1175, %jit3A_1176, %jit3A_1173 : i32
      %rem3A_1178 = arith.remsi %scan3A_1140, %select_n3A_1177 : i32
      %ne3A_1179 = arith.constant 0 : i32
      %ne3A_1180 = arith.cmpi ne, %rem3A_1178, %ne3A_1179 : i32
      %lt3A_1181 = arith.constant 0 : i32
      %lt3A_1182 = arith.cmpi slt, %rem3A_1178, %lt3A_1181 : i32
      %lt3A_1183 = arith.constant 0 : i32
      %lt3A_1184 = arith.cmpi slt, %select_n3A_1177, %lt3A_1183 : i32
      %ne3A_1185 = arith.xori %lt3A_1182, %lt3A_1184 : i1
      %and3A_1186 = arith.andi %ne3A_1185, %ne3A_1180 : i1
      %add3A_1187 = arith.addi %rem3A_1178, %select_n3A_1177 : i32
      %select_n3A_1188 = arith.select %and3A_1186, %add3A_1187, %rem3A_1178 : i32
      %dma_wait3A_1189 = arith.constant 0 : i32
      %dma_wait3A_1190 = arith.constant 0 : i32
      %dma_wait3A_1191 = tpu.memref_slice %arg14[%select_n3A_1188, %dma_wait3A_1189, %dma_wait3A_1190] : memref<2x64x64xf32, #tpu.memory_space<vmem>> -> memref<1x64x64xf32, #tpu.memory_space<vmem>>
      %dma_wait3A_1192 = tpu.memref_squeeze %dma_wait3A_1191 : memref<1x64x64xf32, #tpu.memory_space<vmem>> -> memref<64x64xf32, #tpu.memory_space<vmem>>
      %dma_wait3A_1193 = arith.constant 0 : i32
      %dma_wait3A_1194 = tpu.memref_slice %arg12[%select_n3A_1172, %dma_wait3A_1193] : memref<2x64xi32, #tpu.memory_space<vmem>> -> memref<1x64xi32, #tpu.memory_space<vmem>>
      %dma_wait3A_1195 = tpu.memref_squeeze %dma_wait3A_1194 : memref<1x64xi32, #tpu.memory_space<vmem>> -> memref<64xi32, #tpu.memory_space<vmem>>
      %dma_wait3A_1196 = arith.constant 0 : i32
      %dma_wait3A_1197 = arith.constant 0 : i32
      %dma_wait3A_1198 = tpu.memref_slice %arg2[%dma_wait3A_1196, %dma_wait3A_1197] : memref<40960x64xf32, #tpu.memory_space<hbm>> -> memref<40960x64xf32, #tpu.memory_space<hbm>>
      tpu.wait_indirect_dma semaphore(%arg20 : memref<!tpu.dma_semaphore, #tpu.memory_space<semaphore_mem>>) src(%dma_wait3A_1198 : memref<40960x64xf32, #tpu.memory_space<hbm>>) dst(%dma_wait3A_1192 : memref<64x64xf32, #tpu.memory_space<vmem>>)
      %jit3A_1199 = arith.constant 2 : i32
      %eq3A_1200 = arith.constant 0 : i32
      %eq3A_1201 = arith.cmpi eq, %jit3A_1199, %eq3A_1200 : i32
      %jit3A_1202 = arith.constant 1 : i32
      %select_n3A_1203 = arith.select %eq3A_1201, %jit3A_1202, %jit3A_1199 : i32
      %rem3A_1204 = arith.remsi %scan3A_1140, %select_n3A_1203 : i32
      %ne3A_1205 = arith.constant 0 : i32
      %ne3A_1206 = arith.cmpi ne, %rem3A_1204, %ne3A_1205 : i32
      %lt3A_1207 = arith.constant 0 : i32
      %lt3A_1208 = arith.cmpi slt, %rem3A_1204, %lt3A_1207 : i32
      %lt3A_1209 = arith.constant 0 : i32
      %lt3A_1210 = arith.cmpi slt, %select_n3A_1203, %lt3A_1209 : i32
      %ne3A_1211 = arith.xori %lt3A_1208, %lt3A_1210 : i1
      %and3A_1212 = arith.andi %ne3A_1211, %ne3A_1206 : i1
      %add3A_1213 = arith.addi %rem3A_1204, %select_n3A_1203 : i32
      %select_n3A_1214 = arith.select %and3A_1212, %add3A_1213, %rem3A_1204 : i32
      %jit3A_1215 = arith.constant 2 : i32
      %eq3A_1216 = arith.constant 0 : i32
      %eq3A_1217 = arith.cmpi eq, %jit3A_1215, %eq3A_1216 : i32
      %jit3A_1218 = arith.constant 1 : i32
      %select_n3A_1219 = arith.select %eq3A_1217, %jit3A_1218, %jit3A_1215 : i32
      %rem3A_1220 = arith.remsi %scan3A_1140, %select_n3A_1219 : i32
      %ne3A_1221 = arith.constant 0 : i32
      %ne3A_1222 = arith.cmpi ne, %rem3A_1220, %ne3A_1221 : i32
      %lt3A_1223 = arith.constant 0 : i32
      %lt3A_1224 = arith.cmpi slt, %rem3A_1220, %lt3A_1223 : i32
      %lt3A_1225 = arith.constant 0 : i32
      %lt3A_1226 = arith.cmpi slt, %select_n3A_1219, %lt3A_1225 : i32
      %ne3A_1227 = arith.xori %lt3A_1224, %lt3A_1226 : i1
      %and3A_1228 = arith.andi %ne3A_1227, %ne3A_1222 : i1
      %add3A_1229 = arith.addi %rem3A_1220, %select_n3A_1219 : i32
      %select_n3A_1230 = arith.select %and3A_1228, %add3A_1229, %rem3A_1220 : i32
      %dma_wait3A_1231 = arith.constant 0 : i32
      %dma_wait3A_1232 = arith.constant 0 : i32
      %dma_wait3A_1233 = tpu.memref_slice %arg15[%select_n3A_1230, %dma_wait3A_1231, %dma_wait3A_1232] : memref<2x64x96xf32, #tpu.memory_space<vmem>> -> memref<1x64x96xf32, #tpu.memory_space<vmem>>
      %dma_wait3A_1234 = tpu.memref_squeeze %dma_wait3A_1233 : memref<1x64x96xf32, #tpu.memory_space<vmem>> -> memref<64x96xf32, #tpu.memory_space<vmem>>
      %dma_wait3A_1235 = arith.constant 0 : i32
      %dma_wait3A_1236 = tpu.memref_slice %arg12[%select_n3A_1214, %dma_wait3A_1235] : memref<2x64xi32, #tpu.memory_space<vmem>> -> memref<1x64xi32, #tpu.memory_space<vmem>>
      %dma_wait3A_1237 = tpu.memref_squeeze %dma_wait3A_1236 : memref<1x64xi32, #tpu.memory_space<vmem>> -> memref<64xi32, #tpu.memory_space<vmem>>
      %dma_wait3A_1238 = arith.constant 0 : i32
      %dma_wait3A_1239 = arith.constant 0 : i32
      %dma_wait3A_1240 = tpu.memref_slice %arg3[%dma_wait3A_1238, %dma_wait3A_1239] : memref<40960x96xf32, #tpu.memory_space<hbm>> -> memref<40960x96xf32, #tpu.memory_space<hbm>>
      tpu.wait_indirect_dma semaphore(%arg20 : memref<!tpu.dma_semaphore, #tpu.memory_space<semaphore_mem>>) src(%dma_wait3A_1240 : memref<40960x96xf32, #tpu.memory_space<hbm>>) dst(%dma_wait3A_1234 : memref<64x96xf32, #tpu.memory_space<vmem>>)
      %ge3A = arith.constant 2 : i32
      %ge3A_1241 = arith.cmpi sge, %scan3A_1140, %ge3A : i32
      %convert_element_type3A = arith.extui %ge3A_1241 : i1 to i32
      %cond3A = arith.constant 0 : i32
      %cond3A_1242 = arith.cmpi ne, %convert_element_type3A, %cond3A : i32
      scf.if %cond3A_1242 {
        %sub3A = arith.constant 2 : i32
        %sub3A_1284 = arith.subi %scan3A_1140, %sub3A : i32
        %jit3A_1285 = arith.constant 2 : i32
        %eq3A_1286 = arith.constant 0 : i32
        %eq3A_1287 = arith.cmpi eq, %jit3A_1285, %eq3A_1286 : i32
        %jit3A_1288 = arith.constant 1 : i32
        %select_n3A_1289 = arith.select %eq3A_1287, %jit3A_1288, %jit3A_1285 : i32
        %rem3A_1290 = arith.remsi %sub3A_1284, %select_n3A_1289 : i32
        %ne3A_1291 = arith.constant 0 : i32
        %ne3A_1292 = arith.cmpi ne, %rem3A_1290, %ne3A_1291 : i32
        %lt3A_1293 = arith.constant 0 : i32
        %lt3A_1294 = arith.cmpi slt, %rem3A_1290, %lt3A_1293 : i32
        %lt3A_1295 = arith.constant 0 : i32
        %lt3A_1296 = arith.cmpi slt, %select_n3A_1289, %lt3A_1295 : i32
        %ne3A_1297 = arith.xori %lt3A_1294, %lt3A_1296 : i1
        %and3A_1298 = arith.andi %ne3A_1297, %ne3A_1292 : i1
        %add3A_1299 = arith.addi %rem3A_1290, %select_n3A_1289 : i32
        %select_n3A_1300 = arith.select %and3A_1298, %add3A_1299, %rem3A_1290 : i32
        %jit3A_1301 = arith.constant 4 : i32
        %eq3A_1302 = arith.constant 0 : i32
        %eq3A_1303 = arith.cmpi eq, %jit3A_1301, %eq3A_1302 : i32
        %jit3A_1304 = arith.constant 1 : i32
        %select_n3A_1305 = arith.select %eq3A_1303, %jit3A_1304, %jit3A_1301 : i32
        %rem3A_1306 = arith.remsi %sub3A_1284, %select_n3A_1305 : i32
        %ne3A_1307 = arith.constant 0 : i32
        %ne3A_1308 = arith.cmpi ne, %rem3A_1306, %ne3A_1307 : i32
        %lt3A_1309 = arith.constant 0 : i32
        %lt3A_1310 = arith.cmpi slt, %rem3A_1306, %lt3A_1309 : i32
        %lt3A_1311 = arith.constant 0 : i32
        %lt3A_1312 = arith.cmpi slt, %select_n3A_1305, %lt3A_1311 : i32
        %ne3A_1313 = arith.xori %lt3A_1310, %lt3A_1312 : i1
        %and3A_1314 = arith.andi %ne3A_1313, %ne3A_1308 : i1
        %add3A_1315 = arith.addi %rem3A_1306, %select_n3A_1305 : i32
        %select_n3A_1316 = arith.select %and3A_1314, %add3A_1315, %rem3A_1306 : i32
        %dma_wait3A_1317 = arith.constant 0 : i32
        %dma_wait3A_1318 = arith.constant 0 : i32
        %dma_wait3A_1319 = tpu.memref_slice %arg18[%select_n3A_1300, %dma_wait3A_1317, %dma_wait3A_1318] : memref<2x64x128xf32, #tpu.memory_space<vmem>> -> memref<1x64x128xf32, #tpu.memory_space<vmem>>
        %dma_wait3A_1320 = tpu.memref_squeeze %dma_wait3A_1319 : memref<1x64x128xf32, #tpu.memory_space<vmem>> -> memref<64x128xf32, #tpu.memory_space<vmem>>
        %dma_wait3A_1321 = arith.constant 0 : i32
        %dma_wait3A_1322 = tpu.memref_slice %arg13[%select_n3A_1316, %dma_wait3A_1321] : memref<4x64xi32, #tpu.memory_space<vmem>> -> memref<1x64xi32, #tpu.memory_space<vmem>>
        %dma_wait3A_1323 = tpu.memref_squeeze %dma_wait3A_1322 : memref<1x64xi32, #tpu.memory_space<vmem>> -> memref<64xi32, #tpu.memory_space<vmem>>
        %dma_wait3A_1324 = arith.constant 0 : i32
        %dma_wait3A_1325 = arith.constant 0 : i32
        %dma_wait3A_1326 = tpu.memref_slice %arg11[%dma_wait3A_1324, %dma_wait3A_1325] : memref<10112x128xf32, #tpu.memory_space<vmem_shared>> -> memref<10112x128xf32, #tpu.memory_space<vmem_shared>>
        tpu.wait_indirect_dma semaphore(%arg21 : memref<!tpu.dma_semaphore, #tpu.memory_space<semaphore_mem>>) src(%dma_wait3A_1320 : memref<64x128xf32, #tpu.memory_space<vmem>>) dst(%dma_wait3A_1326 : memref<10112x128xf32, #tpu.memory_space<vmem_shared>>)
      } else {
      }
      %le3A = arith.constant 318 : i32
      %le3A_1243 = arith.cmpi sle, %scan3A_1140, %le3A : i32
      %convert_element_type3A_1244 = arith.extui %le3A_1243 : i1 to i32
      %cond3A_1245 = arith.constant 0 : i32
      %cond3A_1246 = arith.cmpi ne, %convert_element_type3A_1244, %cond3A_1245 : i32
      scf.if %cond3A_1246 {
        %add3A_1284 = arith.constant 1 : i32
        %add3A_1285 = arith.addi %scan3A_1140, %add3A_1284 : i32
        %mul3A_1286 = arith.constant 16 : i32
        %mul3A_1287 = arith.muli %add3A_1285, %mul3A_1286 : i32
        %add3A_1288 = arith.addi %mul3A_1287, %arg1 : i32
        %jit3A_1289 = arith.constant 2 : i32
        %eq3A_1290 = arith.constant 0 : i32
        %eq3A_1291 = arith.cmpi eq, %jit3A_1289, %eq3A_1290 : i32
        %jit3A_1292 = arith.constant 1 : i32
        %select_n3A_1293 = arith.select %eq3A_1291, %jit3A_1292, %jit3A_1289 : i32
        %rem3A_1294 = arith.remsi %add3A_1285, %select_n3A_1293 : i32
        %ne3A_1295 = arith.constant 0 : i32
        %ne3A_1296 = arith.cmpi ne, %rem3A_1294, %ne3A_1295 : i32
        %lt3A_1297 = arith.constant 0 : i32
        %lt3A_1298 = arith.cmpi slt, %rem3A_1294, %lt3A_1297 : i32
        %lt3A_1299 = arith.constant 0 : i32
        %lt3A_1300 = arith.cmpi slt, %select_n3A_1293, %lt3A_1299 : i32
        %ne3A_1301 = arith.xori %lt3A_1298, %lt3A_1300 : i1
        %and3A_1302 = arith.andi %ne3A_1301, %ne3A_1296 : i1
        %add3A_1303 = arith.addi %rem3A_1294, %select_n3A_1293 : i32
        %select_n3A_1304 = arith.select %and3A_1302, %add3A_1303, %rem3A_1294 : i32
        %dma_wait3A_1305 = arith.constant 0 : i32
        %dma_wait3A_1306 = tpu.memref_slice %arg12[%select_n3A_1304, %dma_wait3A_1305] : memref<2x64xi32, #tpu.memory_space<vmem>> -> memref<1x64xi32, #tpu.memory_space<vmem>>
        %dma_wait3A_1307 = tpu.memref_squeeze %dma_wait3A_1306 : memref<1x64xi32, #tpu.memory_space<vmem>> -> memref<64xi32, #tpu.memory_space<vmem>>
        %dma_wait3A_1308 = arith.constant 0 : i32
        %dma_wait3A_1309 = tpu.memref_slice %arg6[%add3A_1, %add3A_1288, %dma_wait3A_1308] : memref<4x5120x64xi32, #tpu.memory_space<hbm>> -> memref<1x1x64xi32, #tpu.memory_space<hbm>>
        %dma_wait3A_1310 = tpu.memref_squeeze %dma_wait3A_1309 : memref<1x1x64xi32, #tpu.memory_space<hbm>> -> memref<64xi32, #tpu.memory_space<hbm>>
        %dma_wait3A_1311 = arith.constant 0 : i32
        %dma_wait3A_1312 = tpu.memref_slice %arg12[%select_n3A_1304, %dma_wait3A_1311] : memref<2x64xi32, #tpu.memory_space<vmem>> -> memref<1x64xi32, #tpu.memory_space<vmem>>
        %dma_wait3A_1313 = tpu.memref_squeeze %dma_wait3A_1312 : memref<1x64xi32, #tpu.memory_space<vmem>> -> memref<64xi32, #tpu.memory_space<vmem>>
        %dma_wait3A_1314 = arith.constant 0 : i32
        %dma_wait3A_1315 = tpu.memref_slice %arg6[%add3A_1, %add3A_1288, %dma_wait3A_1314] : memref<4x5120x64xi32, #tpu.memory_space<hbm>> -> memref<1x1x64xi32, #tpu.memory_space<hbm>>
        %dma_wait3A_1316 = tpu.memref_squeeze %dma_wait3A_1315 : memref<1x1x64xi32, #tpu.memory_space<hbm>> -> memref<64xi32, #tpu.memory_space<hbm>>
        tpu.wait_dma2 semaphore(%arg19 : memref<!tpu.dma_semaphore, #tpu.memory_space<semaphore_mem>>) src(%dma_wait3A_1316 : memref<64xi32, #tpu.memory_space<hbm>>) dst(%dma_wait3A_1313 : memref<64xi32, #tpu.memory_space<vmem>>)
        %jit3A_1317 = arith.constant 4 : i32
        %eq3A_1318 = arith.constant 0 : i32
        %eq3A_1319 = arith.cmpi eq, %jit3A_1317, %eq3A_1318 : i32
        %jit3A_1320 = arith.constant 1 : i32
        %select_n3A_1321 = arith.select %eq3A_1319, %jit3A_1320, %jit3A_1317 : i32
        %rem3A_1322 = arith.remsi %add3A_1285, %select_n3A_1321 : i32
        %ne3A_1323 = arith.constant 0 : i32
        %ne3A_1324 = arith.cmpi ne, %rem3A_1322, %ne3A_1323 : i32
        %lt3A_1325 = arith.constant 0 : i32
        %lt3A_1326 = arith.cmpi slt, %rem3A_1322, %lt3A_1325 : i32
        %lt3A_1327 = arith.constant 0 : i32
        %lt3A_1328 = arith.cmpi slt, %select_n3A_1321, %lt3A_1327 : i32
        %ne3A_1329 = arith.xori %lt3A_1326, %lt3A_1328 : i1
        %and3A_1330 = arith.andi %ne3A_1329, %ne3A_1324 : i1
        %add3A_1331 = arith.addi %rem3A_1322, %select_n3A_1321 : i32
        %select_n3A_1332 = arith.select %and3A_1330, %add3A_1331, %rem3A_1322 : i32
        %dma_wait3A_1333 = arith.constant 0 : i32
        %dma_wait3A_1334 = tpu.memref_slice %arg13[%select_n3A_1332, %dma_wait3A_1333] : memref<4x64xi32, #tpu.memory_space<vmem>> -> memref<1x64xi32, #tpu.memory_space<vmem>>
        %dma_wait3A_1335 = tpu.memref_squeeze %dma_wait3A_1334 : memref<1x64xi32, #tpu.memory_space<vmem>> -> memref<64xi32, #tpu.memory_space<vmem>>
        %dma_wait3A_1336 = arith.constant 0 : i32
        %dma_wait3A_1337 = tpu.memref_slice %arg7[%add3A_1288, %dma_wait3A_1336] : memref<5120x64xi32, #tpu.memory_space<hbm>> -> memref<1x64xi32, #tpu.memory_space<hbm>>
        %dma_wait3A_1338 = tpu.memref_squeeze %dma_wait3A_1337 : memref<1x64xi32, #tpu.memory_space<hbm>> -> memref<64xi32, #tpu.memory_space<hbm>>
        %dma_wait3A_1339 = arith.constant 0 : i32
        %dma_wait3A_1340 = tpu.memref_slice %arg13[%select_n3A_1332, %dma_wait3A_1339] : memref<4x64xi32, #tpu.memory_space<vmem>> -> memref<1x64xi32, #tpu.memory_space<vmem>>
        %dma_wait3A_1341 = tpu.memref_squeeze %dma_wait3A_1340 : memref<1x64xi32, #tpu.memory_space<vmem>> -> memref<64xi32, #tpu.memory_space<vmem>>
        %dma_wait3A_1342 = arith.constant 0 : i32
        %dma_wait3A_1343 = tpu.memref_slice %arg7[%add3A_1288, %dma_wait3A_1342] : memref<5120x64xi32, #tpu.memory_space<hbm>> -> memref<1x64xi32, #tpu.memory_space<hbm>>
        %dma_wait3A_1344 = tpu.memref_squeeze %dma_wait3A_1343 : memref<1x64xi32, #tpu.memory_space<hbm>> -> memref<64xi32, #tpu.memory_space<hbm>>
        tpu.wait_dma2 semaphore(%arg19 : memref<!tpu.dma_semaphore, #tpu.memory_space<semaphore_mem>>) src(%dma_wait3A_1344 : memref<64xi32, #tpu.memory_space<hbm>>) dst(%dma_wait3A_1341 : memref<64xi32, #tpu.memory_space<vmem>>)
        %mul3A_1345 = arith.constant 32 : i32
        %mul3A_1346 = arith.muli %add3A_1288, %mul3A_1345 : i32
        %jit3A_1347 = arith.constant 2 : i32
        %eq3A_1348 = arith.constant 0 : i32
        %eq3A_1349 = arith.cmpi eq, %jit3A_1347, %eq3A_1348 : i32
        %jit3A_1350 = arith.constant 1 : i32
        %select_n3A_1351 = arith.select %eq3A_1349, %jit3A_1350, %jit3A_1347 : i32
        %rem3A_1352 = arith.remsi %add3A_1285, %select_n3A_1351 : i32
        %ne3A_1353 = arith.constant 0 : i32
        %ne3A_1354 = arith.cmpi ne, %rem3A_1352, %ne3A_1353 : i32
        %lt3A_1355 = arith.constant 0 : i32
        %lt3A_1356 = arith.cmpi slt, %rem3A_1352, %lt3A_1355 : i32
        %lt3A_1357 = arith.constant 0 : i32
        %lt3A_1358 = arith.cmpi slt, %select_n3A_1351, %lt3A_1357 : i32
        %ne3A_1359 = arith.xori %lt3A_1356, %lt3A_1358 : i1
        %and3A_1360 = arith.andi %ne3A_1359, %ne3A_1354 : i1
        %add3A_1361 = arith.addi %rem3A_1352, %select_n3A_1351 : i32
        %select_n3A_1362 = arith.select %and3A_1360, %add3A_1361, %rem3A_1352 : i32
        %dma_wait3A_1363 = arith.constant 0 : i32
        %dma_wait3A_1364 = arith.constant 0 : i32
        %dma_wait3A_1365 = tpu.memref_slice %arg16[%select_n3A_1362, %dma_wait3A_1363, %dma_wait3A_1364] : memref<2x32x128xf32, #tpu.memory_space<vmem>> -> memref<1x32x128xf32, #tpu.memory_space<vmem>>
        %dma_wait3A_1366 = tpu.memref_squeeze %dma_wait3A_1365 : memref<1x32x128xf32, #tpu.memory_space<vmem>> -> memref<32x128xf32, #tpu.memory_space<vmem>>
        %dma_wait3A_1367 = arith.constant 0 : i32
        %dma_wait3A_1368 = tpu.memref_slice %arg4[%add3A_1, %mul3A_1346, %dma_wait3A_1367] : memref<4x163840x128xf32, #tpu.memory_space<hbm>> -> memref<1x32x128xf32, #tpu.memory_space<hbm>>
        %dma_wait3A_1369 = tpu.memref_squeeze %dma_wait3A_1368 : memref<1x32x128xf32, #tpu.memory_space<hbm>> -> memref<32x128xf32, #tpu.memory_space<hbm>>
        %dma_wait3A_1370 = arith.constant 0 : i32
        %dma_wait3A_1371 = arith.constant 0 : i32
        %dma_wait3A_1372 = tpu.memref_slice %arg16[%select_n3A_1362, %dma_wait3A_1370, %dma_wait3A_1371] : memref<2x32x128xf32, #tpu.memory_space<vmem>> -> memref<1x32x128xf32, #tpu.memory_space<vmem>>
        %dma_wait3A_1373 = tpu.memref_squeeze %dma_wait3A_1372 : memref<1x32x128xf32, #tpu.memory_space<vmem>> -> memref<32x128xf32, #tpu.memory_space<vmem>>
        %dma_wait3A_1374 = arith.constant 0 : i32
        %dma_wait3A_1375 = tpu.memref_slice %arg4[%add3A_1, %mul3A_1346, %dma_wait3A_1374] : memref<4x163840x128xf32, #tpu.memory_space<hbm>> -> memref<1x32x128xf32, #tpu.memory_space<hbm>>
        %dma_wait3A_1376 = tpu.memref_squeeze %dma_wait3A_1375 : memref<1x32x128xf32, #tpu.memory_space<hbm>> -> memref<32x128xf32, #tpu.memory_space<hbm>>
        tpu.wait_dma2 semaphore(%arg19 : memref<!tpu.dma_semaphore, #tpu.memory_space<semaphore_mem>>) src(%dma_wait3A_1376 : memref<32x128xf32, #tpu.memory_space<hbm>>) dst(%dma_wait3A_1373 : memref<32x128xf32, #tpu.memory_space<vmem>>)
        %mul3A_1377 = arith.constant 64 : i32
        %mul3A_1378 = arith.muli %add3A_1288, %mul3A_1377 : i32
        %mul3A_1379 = arith.constant 4 : i32
        %mul3A_1380 = arith.muli %mul3A_1378, %mul3A_1379 : i32
        %jit3A_1381 = arith.constant 2 : i32
        %eq3A_1382 = arith.constant 0 : i32
        %eq3A_1383 = arith.cmpi eq, %jit3A_1381, %eq3A_1382 : i32
        %jit3A_1384 = arith.constant 1 : i32
        %select_n3A_1385 = arith.select %eq3A_1383, %jit3A_1384, %jit3A_1381 : i32
        %rem3A_1386 = arith.remsi %add3A_1285, %select_n3A_1385 : i32
        %ne3A_1387 = arith.constant 0 : i32
        %ne3A_1388 = arith.cmpi ne, %rem3A_1386, %ne3A_1387 : i32
        %lt3A_1389 = arith.constant 0 : i32
        %lt3A_1390 = arith.cmpi slt, %rem3A_1386, %lt3A_1389 : i32
        %lt3A_1391 = arith.constant 0 : i32
        %lt3A_1392 = arith.cmpi slt, %select_n3A_1385, %lt3A_1391 : i32
        %ne3A_1393 = arith.xori %lt3A_1390, %lt3A_1392 : i1
        %and3A_1394 = arith.andi %ne3A_1393, %ne3A_1388 : i1
        %add3A_1395 = arith.addi %rem3A_1386, %select_n3A_1385 : i32
        %select_n3A_1396 = arith.select %and3A_1394, %add3A_1395, %rem3A_1386 : i32
        %dma_wait3A_1397 = arith.constant 0 : i32
        %dma_wait3A_1398 = tpu.memref_slice %arg17[%select_n3A_1396, %dma_wait3A_1397] : memref<2x256xf32, #tpu.memory_space<vmem>> -> memref<1x256xf32, #tpu.memory_space<vmem>>
        %dma_wait3A_1399 = tpu.memref_squeeze %dma_wait3A_1398 : memref<1x256xf32, #tpu.memory_space<vmem>> -> memref<256xf32, #tpu.memory_space<vmem>>
        %dma_wait3A_1400 = tpu.memref_slice %arg5[%mul3A_1380] : memref<1310720xf32, #tpu.memory_space<hbm>> -> memref<256xf32, #tpu.memory_space<hbm>>
        %dma_wait3A_1401 = arith.constant 0 : i32
        %dma_wait3A_1402 = tpu.memref_slice %arg17[%select_n3A_1396, %dma_wait3A_1401] : memref<2x256xf32, #tpu.memory_space<vmem>> -> memref<1x256xf32, #tpu.memory_space<vmem>>
        %dma_wait3A_1403 = tpu.memref_squeeze %dma_wait3A_1402 : memref<1x256xf32, #tpu.memory_space<vmem>> -> memref<256xf32, #tpu.memory_space<vmem>>
        %dma_wait3A_1404 = tpu.memref_slice %arg5[%mul3A_1380] : memref<1310720xf32, #tpu.memory_space<hbm>> -> memref<256xf32, #tpu.memory_space<hbm>>
        tpu.wait_dma2 semaphore(%arg19 : memref<!tpu.dma_semaphore, #tpu.memory_space<semaphore_mem>>) src(%dma_wait3A_1404 : memref<256xf32, #tpu.memory_space<hbm>>) dst(%dma_wait3A_1403 : memref<256xf32, #tpu.memory_space<vmem>>)
        %add3A_1405 = arith.constant 1 : i32
        %add3A_1406 = arith.addi %scan3A_1140, %add3A_1405 : i32
        %jit3A_1407 = arith.constant 2 : i32
        %eq3A_1408 = arith.constant 0 : i32
        %eq3A_1409 = arith.cmpi eq, %jit3A_1407, %eq3A_1408 : i32
        %jit3A_1410 = arith.constant 1 : i32
        %select_n3A_1411 = arith.select %eq3A_1409, %jit3A_1410, %jit3A_1407 : i32
        %rem3A_1412 = arith.remsi %add3A_1406, %select_n3A_1411 : i32
        %ne3A_1413 = arith.constant 0 : i32
        %ne3A_1414 = arith.cmpi ne, %rem3A_1412, %ne3A_1413 : i32
        %lt3A_1415 = arith.constant 0 : i32
        %lt3A_1416 = arith.cmpi slt, %rem3A_1412, %lt3A_1415 : i32
        %lt3A_1417 = arith.constant 0 : i32
        %lt3A_1418 = arith.cmpi slt, %select_n3A_1411, %lt3A_1417 : i32
        %ne3A_1419 = arith.xori %lt3A_1416, %lt3A_1418 : i1
        %and3A_1420 = arith.andi %ne3A_1419, %ne3A_1414 : i1
        %add3A_1421 = arith.addi %rem3A_1412, %select_n3A_1411 : i32
        %select_n3A_1422 = arith.select %and3A_1420, %add3A_1421, %rem3A_1412 : i32
        %jit3A_1423 = arith.constant 2 : i32
        %eq3A_1424 = arith.constant 0 : i32
        %eq3A_1425 = arith.cmpi eq, %jit3A_1423, %eq3A_1424 : i32
        %jit3A_1426 = arith.constant 1 : i32
        %select_n3A_1427 = arith.select %eq3A_1425, %jit3A_1426, %jit3A_1423 : i32
        %rem3A_1428 = arith.remsi %add3A_1406, %select_n3A_1427 : i32
        %ne3A_1429 = arith.constant 0 : i32
        %ne3A_1430 = arith.cmpi ne, %rem3A_1428, %ne3A_1429 : i32
        %lt3A_1431 = arith.constant 0 : i32
        %lt3A_1432 = arith.cmpi slt, %rem3A_1428, %lt3A_1431 : i32
        %lt3A_1433 = arith.constant 0 : i32
        %lt3A_1434 = arith.cmpi slt, %select_n3A_1427, %lt3A_1433 : i32
        %ne3A_1435 = arith.xori %lt3A_1432, %lt3A_1434 : i1
        %and3A_1436 = arith.andi %ne3A_1435, %ne3A_1430 : i1
        %add3A_1437 = arith.addi %rem3A_1428, %select_n3A_1427 : i32
        %select_n3A_1438 = arith.select %and3A_1436, %add3A_1437, %rem3A_1428 : i32
        %dma_start3A_1439 = arith.constant 0 : i32
        %dma_start3A_1440 = arith.constant 0 : i32
        %dma_start3A_1441 = tpu.memref_slice %arg14[%select_n3A_1438, %dma_start3A_1439, %dma_start3A_1440] : memref<2x64x64xf32, #tpu.memory_space<vmem>> -> memref<1x64x64xf32, #tpu.memory_space<vmem>>
        %dma_start3A_1442 = tpu.memref_squeeze %dma_start3A_1441 : memref<1x64x64xf32, #tpu.memory_space<vmem>> -> memref<64x64xf32, #tpu.memory_space<vmem>>
        %dma_start3A_1443 = arith.constant 0 : i32
        %dma_start3A_1444 = tpu.memref_slice %arg12[%select_n3A_1422, %dma_start3A_1443] : memref<2x64xi32, #tpu.memory_space<vmem>> -> memref<1x64xi32, #tpu.memory_space<vmem>>
        %dma_start3A_1445 = tpu.memref_squeeze %dma_start3A_1444 : memref<1x64xi32, #tpu.memory_space<vmem>> -> memref<64xi32, #tpu.memory_space<vmem>>
        %dma_start3A_1446 = arith.constant 0 : i32
        %dma_start3A_1447 = arith.constant 0 : i32
        %dma_start3A_1448 = tpu.memref_slice %arg2[%dma_start3A_1446, %dma_start3A_1447] : memref<40960x64xf32, #tpu.memory_space<hbm>> -> memref<40960x64xf32, #tpu.memory_space<hbm>>
        tpu.enqueue_indirect_dma source(%dma_start3A_1448 : memref<40960x64xf32, #tpu.memory_space<hbm>>) target(%dma_start3A_1442 : memref<64x64xf32, #tpu.memory_space<vmem>>) offsets(%dma_start3A_1445 : memref<64xi32, #tpu.memory_space<vmem>>) semaphore(%arg20 : memref<!tpu.dma_semaphore, #tpu.memory_space<semaphore_mem>>)
        %jit3A_1449 = arith.constant 2 : i32
        %eq3A_1450 = arith.constant 0 : i32
        %eq3A_1451 = arith.cmpi eq, %jit3A_1449, %eq3A_1450 : i32
        %jit3A_1452 = arith.constant 1 : i32
        %select_n3A_1453 = arith.select %eq3A_1451, %jit3A_1452, %jit3A_1449 : i32
        %rem3A_1454 = arith.remsi %add3A_1406, %select_n3A_1453 : i32
        %ne3A_1455 = arith.constant 0 : i32
        %ne3A_1456 = arith.cmpi ne, %rem3A_1454, %ne3A_1455 : i32
        %lt3A_1457 = arith.constant 0 : i32
        %lt3A_1458 = arith.cmpi slt, %rem3A_1454, %lt3A_1457 : i32
        %lt3A_1459 = arith.constant 0 : i32
        %lt3A_1460 = arith.cmpi slt, %select_n3A_1453, %lt3A_1459 : i32
        %ne3A_1461 = arith.xori %lt3A_1458, %lt3A_1460 : i1
        %and3A_1462 = arith.andi %ne3A_1461, %ne3A_1456 : i1
        %add3A_1463 = arith.addi %rem3A_1454, %select_n3A_1453 : i32
        %select_n3A_1464 = arith.select %and3A_1462, %add3A_1463, %rem3A_1454 : i32
        %jit3A_1465 = arith.constant 2 : i32
        %eq3A_1466 = arith.constant 0 : i32
        %eq3A_1467 = arith.cmpi eq, %jit3A_1465, %eq3A_1466 : i32
        %jit3A_1468 = arith.constant 1 : i32
        %select_n3A_1469 = arith.select %eq3A_1467, %jit3A_1468, %jit3A_1465 : i32
        %rem3A_1470 = arith.remsi %add3A_1406, %select_n3A_1469 : i32
        %ne3A_1471 = arith.constant 0 : i32
        %ne3A_1472 = arith.cmpi ne, %rem3A_1470, %ne3A_1471 : i32
        %lt3A_1473 = arith.constant 0 : i32
        %lt3A_1474 = arith.cmpi slt, %rem3A_1470, %lt3A_1473 : i32
        %lt3A_1475 = arith.constant 0 : i32
        %lt3A_1476 = arith.cmpi slt, %select_n3A_1469, %lt3A_1475 : i32
        %ne3A_1477 = arith.xori %lt3A_1474, %lt3A_1476 : i1
        %and3A_1478 = arith.andi %ne3A_1477, %ne3A_1472 : i1
        %add3A_1479 = arith.addi %rem3A_1470, %select_n3A_1469 : i32
        %select_n3A_1480 = arith.select %and3A_1478, %add3A_1479, %rem3A_1470 : i32
        %dma_start3A_1481 = arith.constant 0 : i32
        %dma_start3A_1482 = arith.constant 0 : i32
        %dma_start3A_1483 = tpu.memref_slice %arg15[%select_n3A_1480, %dma_start3A_1481, %dma_start3A_1482] : memref<2x64x96xf32, #tpu.memory_space<vmem>> -> memref<1x64x96xf32, #tpu.memory_space<vmem>>
        %dma_start3A_1484 = tpu.memref_squeeze %dma_start3A_1483 : memref<1x64x96xf32, #tpu.memory_space<vmem>> -> memref<64x96xf32, #tpu.memory_space<vmem>>
        %dma_start3A_1485 = arith.constant 0 : i32
        %dma_start3A_1486 = tpu.memref_slice %arg12[%select_n3A_1464, %dma_start3A_1485] : memref<2x64xi32, #tpu.memory_space<vmem>> -> memref<1x64xi32, #tpu.memory_space<vmem>>
        %dma_start3A_1487 = tpu.memref_squeeze %dma_start3A_1486 : memref<1x64xi32, #tpu.memory_space<vmem>> -> memref<64xi32, #tpu.memory_space<vmem>>
        %dma_start3A_1488 = arith.constant 0 : i32
        %dma_start3A_1489 = arith.constant 0 : i32
        %dma_start3A_1490 = tpu.memref_slice %arg3[%dma_start3A_1488, %dma_start3A_1489] : memref<40960x96xf32, #tpu.memory_space<hbm>> -> memref<40960x96xf32, #tpu.memory_space<hbm>>
        tpu.enqueue_indirect_dma source(%dma_start3A_1490 : memref<40960x96xf32, #tpu.memory_space<hbm>>) target(%dma_start3A_1484 : memref<64x96xf32, #tpu.memory_space<vmem>>) offsets(%dma_start3A_1487 : memref<64xi32, #tpu.memory_space<vmem>>) semaphore(%arg20 : memref<!tpu.dma_semaphore, #tpu.memory_space<semaphore_mem>>)
      } else {
      }
      %scan3A_1247 = arith.constant 0 : i32
      %scan3A_1248 = arith.constant 0 : i32
      %scan3A_1249 = arith.constant 16 : i32
      %scan3A_1250 = arith.addi %scan3A_1248, %scan3A_1249 : i32
      %scan3A_1251 = arith.constant 1 : i32
      scf.for %scan3A_1284 = %scan3A_1248 to %scan3A_1250 step %scan3A_1251  : i32 {
        %mul3A_1285 = arith.constant 16 : i32
        %mul3A_1286 = arith.muli %scan3A_1284, %mul3A_1285 : i32
        %get3A = arith.index_cast %select_n3A_1156 : i32 to index
        %get3A_1287 = arith.index_cast %mul3A_1286 : i32 to index
        %get3A_1288 = tpu.vector_load %arg17[%get3A, %get3A_1287] {strides = array<i32>} : memref<2x256xf32, #tpu.memory_space<vmem>>, vector<1x16xf32>,
        %get3A_1289 = vector.shape_cast %get3A_1288 : vector<1x16xf32> to vector<16xf32>
        %mul3A_1290 = arith.constant 4 : i32
        %mul3A_1291 = arith.muli %scan3A_1284, %mul3A_1290 : i32
        %add3A_1292 = arith.constant 0 : i32
        %add3A_1293 = arith.addi %mul3A_1291, %add3A_1292 : i32
        %mul3A_1294 = arith.constant 2 : i32
        %mul3A_1295 = arith.muli %scan3A_1284, %mul3A_1294 : i32
        %add3A_1296 = arith.constant 0 : i32
        %add3A_1297 = arith.addi %mul3A_1295, %add3A_1296 : i32
        %get3A_1298 = arith.index_cast %select_n3A_1156 : i32 to index
        %get3A_1299 = arith.index_cast %add3A_1297 : i32 to index
        %get3A_1300 = arith.constant 0 : index
        %get3A_1301 = tpu.vector_load %arg16[%get3A_1298, %get3A_1299, %get3A_1300] {strides = array<i32>} : memref<2x32x128xf32, #tpu.memory_space<vmem>>, vector<1x1x16xf32>,
        %get3A_1302 = vector.shape_cast %get3A_1301 : vector<1x1x16xf32> to vector<16xf32>
        %get3A_1303 = arith.index_cast %select_n3A_1156 : i32 to index
        %get3A_1304 = arith.index_cast %add3A_1297 : i32 to index
        %get3A_1305 = arith.constant 16 : index
        %get3A_1306 = tpu.vector_load %arg16[%get3A_1303, %get3A_1304, %get3A_1305] {strides = array<i32>} : memref<2x32x128xf32, #tpu.memory_space<vmem>>, vector<1x1x16xf32>,
        %get3A_1307 = vector.shape_cast %get3A_1306 : vector<1x1x16xf32> to vector<16xf32>
        %get3A_1308 = arith.index_cast %select_n3A_1156 : i32 to index
        %get3A_1309 = arith.index_cast %add3A_1297 : i32 to index
        %get3A_1310 = arith.constant 32 : index
        %get3A_1311 = tpu.vector_load %arg16[%get3A_1308, %get3A_1309, %get3A_1310] {strides = array<i32>} : memref<2x32x128xf32, #tpu.memory_space<vmem>>, vector<1x1x16xf32>,
        %get3A_1312 = vector.shape_cast %get3A_1311 : vector<1x1x16xf32> to vector<16xf32>
        %get3A_1313 = arith.index_cast %select_n3A_1156 : i32 to index
        %get3A_1314 = arith.index_cast %add3A_1297 : i32 to index
        %get3A_1315 = arith.constant 48 : index
        %get3A_1316 = tpu.vector_load %arg16[%get3A_1313, %get3A_1314, %get3A_1315] {strides = array<i32>} : memref<2x32x128xf32, #tpu.memory_space<vmem>>, vector<1x1x16xf32>,
        %get3A_1317 = vector.shape_cast %get3A_1316 : vector<1x1x16xf32> to vector<16xf32>
        %get3A_1318 = arith.index_cast %select_n3A_1156 : i32 to index
        %get3A_1319 = arith.index_cast %add3A_1293 : i32 to index
        %get3A_1320 = arith.constant 0 : index
        %get3A_1321 = tpu.vector_load %arg14[%get3A_1318, %get3A_1319, %get3A_1320] {strides = array<i32>} : memref<2x64x64xf32, #tpu.memory_space<vmem>>, vector<1x1x16xf32>,
        %get3A_1322 = vector.shape_cast %get3A_1321 : vector<1x1x16xf32> to vector<16xf32>
        %get3A_1323 = arith.index_cast %select_n3A_1156 : i32 to index
        %get3A_1324 = arith.index_cast %add3A_1293 : i32 to index
        %get3A_1325 = arith.constant 16 : index
        %get3A_1326 = tpu.vector_load %arg14[%get3A_1323, %get3A_1324, %get3A_1325] {strides = array<i32>} : memref<2x64x64xf32, #tpu.memory_space<vmem>>, vector<1x1x16xf32>,
        %get3A_1327 = vector.shape_cast %get3A_1326 : vector<1x1x16xf32> to vector<16xf32>
        %get3A_1328 = arith.index_cast %select_n3A_1156 : i32 to index
        %get3A_1329 = arith.index_cast %add3A_1293 : i32 to index
        %get3A_1330 = arith.constant 32 : index
        %get3A_1331 = tpu.vector_load %arg14[%get3A_1328, %get3A_1329, %get3A_1330] {strides = array<i32>} : memref<2x64x64xf32, #tpu.memory_space<vmem>>, vector<1x1x16xf32>,
        %get3A_1332 = vector.shape_cast %get3A_1331 : vector<1x1x16xf32> to vector<16xf32>
        %get3A_1333 = arith.index_cast %select_n3A_1156 : i32 to index
        %get3A_1334 = arith.index_cast %add3A_1293 : i32 to index
        %get3A_1335 = arith.constant 48 : index
        %get3A_1336 = tpu.vector_load %arg14[%get3A_1333, %get3A_1334, %get3A_1335] {strides = array<i32>} : memref<2x64x64xf32, #tpu.memory_space<vmem>>, vector<1x1x16xf32>,
        %get3A_1337 = vector.shape_cast %get3A_1336 : vector<1x1x16xf32> to vector<16xf32>
        %mul3A_1338 = arith.mulf %get3A_1302, %get3A_1322 : vector<16xf32>
        %mul3A_1339 = arith.mulf %get3A_1307, %get3A_1327 : vector<16xf32>
        %mul3A_1340 = arith.mulf %get3A_1312, %get3A_1332 : vector<16xf32>
        %mul3A_1341 = arith.mulf %get3A_1317, %get3A_1337 : vector<16xf32>
        %swap3A = arith.index_cast %select_n3A_1156 : i32 to index
        %swap3A_1342 = arith.index_cast %add3A_1293 : i32 to index
        %swap3A_1343 = arith.constant 0 : index
        %swap3A_1344 = tpu.vector_load %arg18[%swap3A, %swap3A_1342, %swap3A_1343] {strides = array<i32>} : memref<2x64x128xf32, #tpu.memory_space<vmem>>, vector<1x1x16xf32>,
        %swap3A_1345 = vector.shape_cast %swap3A_1344 : vector<1x1x16xf32> to vector<16xf32>
        %swap3A_1346 = vector.shape_cast %mul3A_1340 : vector<16xf32> to vector<1x1x16xf32>
        tpu.vector_store %arg18[%swap3A, %swap3A_1342, %swap3A_1343], %swap3A_1346 {strides = array<i32>} : memref<2x64x128xf32, #tpu.memory_space<vmem>>, vector<1x1x16xf32>,
        %swap3A_1347 = arith.index_cast %select_n3A_1156 : i32 to index
        %swap3A_1348 = arith.index_cast %add3A_1293 : i32 to index
        %swap3A_1349 = arith.constant 16 : index
        %swap3A_1350 = tpu.vector_load %arg18[%swap3A_1347, %swap3A_1348, %swap3A_1349] {strides = array<i32>} : memref<2x64x128xf32, #tpu.memory_space<vmem>>, vector<1x1x16xf32>,
        %swap3A_1351 = vector.shape_cast %swap3A_1350 : vector<1x1x16xf32> to vector<16xf32>
        %swap3A_1352 = vector.shape_cast %mul3A_1341 : vector<16xf32> to vector<1x1x16xf32>
        tpu.vector_store %arg18[%swap3A_1347, %swap3A_1348, %swap3A_1349], %swap3A_1352 {strides = array<i32>} : memref<2x64x128xf32, #tpu.memory_space<vmem>>, vector<1x1x16xf32>,
        %broadcast_in_dim3A = arith.constant 0 : i32
        %broadcast_in_dim3A_1353 = vector.broadcast %broadcast_in_dim3A : i32 to vector<16x1xi32>
        %gather3A = vector.shape_cast %broadcast_in_dim3A_1353 : vector<16x1xi32> to vector<16xi32>
        %gather3A_1354 = tpu.dynamic_gather %get3A_1289[%gather3A] in [0] : vector<16xf32>, vector<16xi32> -> vector<16xf32>
        %get3A_1355 = arith.index_cast %select_n3A_1156 : i32 to index
        %get3A_1356 = arith.index_cast %add3A_1293 : i32 to index
        %get3A_1357 = arith.constant 0 : index
        %get3A_1358 = tpu.vector_load %arg15[%get3A_1355, %get3A_1356, %get3A_1357] {strides = array<i32>} : memref<2x64x96xf32, #tpu.memory_space<vmem>>, vector<1x1x16xf32>,
        %get3A_1359 = vector.shape_cast %get3A_1358 : vector<1x1x16xf32> to vector<16xf32>
        %get3A_1360 = arith.index_cast %select_n3A_1156 : i32 to index
        %get3A_1361 = arith.index_cast %add3A_1293 : i32 to index
        %get3A_1362 = arith.constant 16 : index
        %get3A_1363 = tpu.vector_load %arg15[%get3A_1360, %get3A_1361, %get3A_1362] {strides = array<i32>} : memref<2x64x96xf32, #tpu.memory_space<vmem>>, vector<1x1x16xf32>,
        %get3A_1364 = vector.shape_cast %get3A_1363 : vector<1x1x16xf32> to vector<16xf32>
        %mul3A_1365 = arith.mulf %get3A_1359, %mul3A_1338 : vector<16xf32>
        %mul3A_1366 = arith.mulf %gather3A_1354, %mul3A_1340 : vector<16xf32>
        %add3A_1367 = arith.addf %mul3A_1365, %mul3A_1366 : vector<16xf32>
        %swap3A_1368 = arith.index_cast %select_n3A_1156 : i32 to index
        %swap3A_1369 = arith.index_cast %add3A_1293 : i32 to index
        %swap3A_1370 = arith.constant 32 : index
        %swap3A_1371 = tpu.vector_load %arg18[%swap3A_1368, %swap3A_1369, %swap3A_1370] {strides = array<i32>} : memref<2x64x128xf32, #tpu.memory_space<vmem>>, vector<1x1x16xf32>,
        %swap3A_1372 = vector.shape_cast %swap3A_1371 : vector<1x1x16xf32> to vector<16xf32>
        %swap3A_1373 = vector.shape_cast %add3A_1367 : vector<16xf32> to vector<1x1x16xf32>
        tpu.vector_store %arg18[%swap3A_1368, %swap3A_1369, %swap3A_1370], %swap3A_1373 {strides = array<i32>} : memref<2x64x128xf32, #tpu.memory_space<vmem>>, vector<1x1x16xf32>,
        %mul3A_1374 = arith.mulf %get3A_1364, %mul3A_1339 : vector<16xf32>
        %mul3A_1375 = arith.mulf %gather3A_1354, %mul3A_1341 : vector<16xf32>
        %add3A_1376 = arith.addf %mul3A_1374, %mul3A_1375 : vector<16xf32>
        %swap3A_1377 = arith.index_cast %select_n3A_1156 : i32 to index
        %swap3A_1378 = arith.index_cast %add3A_1293 : i32 to index
        %swap3A_1379 = arith.constant 48 : index
        %swap3A_1380 = tpu.vector_load %arg18[%swap3A_1377, %swap3A_1378, %swap3A_1379] {strides = array<i32>} : memref<2x64x128xf32, #tpu.memory_space<vmem>>, vector<1x1x16xf32>,
        %swap3A_1381 = vector.shape_cast %swap3A_1380 : vector<1x1x16xf32> to vector<16xf32>
        %swap3A_1382 = vector.shape_cast %add3A_1376 : vector<16xf32> to vector<1x1x16xf32>
        tpu.vector_store %arg18[%swap3A_1377, %swap3A_1378, %swap3A_1379], %swap3A_1382 {strides = array<i32>} : memref<2x64x128xf32, #tpu.memory_space<vmem>>, vector<1x1x16xf32>,
        %broadcast_in_dim3A_1383 = arith.constant 1 : i32
        %broadcast_in_dim3A_1384 = vector.broadcast %broadcast_in_dim3A_1383 : i32 to vector<16x1xi32>
        %gather3A_1385 = vector.shape_cast %broadcast_in_dim3A_1384 : vector<16x1xi32> to vector<16xi32>
        %gather3A_1386 = tpu.dynamic_gather %get3A_1289[%gather3A_1385] in [0] : vector<16xf32>, vector<16xi32> -> vector<16xf32>
        %get3A_1387 = arith.index_cast %select_n3A_1156 : i32 to index
        %get3A_1388 = arith.index_cast %add3A_1293 : i32 to index
        %get3A_1389 = arith.constant 32 : index
        %get3A_1390 = tpu.vector_load %arg15[%get3A_1387, %get3A_1388, %get3A_1389] {strides = array<i32>} : memref<2x64x96xf32, #tpu.memory_space<vmem>>, vector<1x1x16xf32>,
        %get3A_1391 = vector.shape_cast %get3A_1390 : vector<1x1x16xf32> to vector<16xf32>
        %get3A_1392 = arith.index_cast %select_n3A_1156 : i32 to index
        %get3A_1393 = arith.index_cast %add3A_1293 : i32 to index
        %get3A_1394 = arith.constant 48 : index
        %get3A_1395 = tpu.vector_load %arg15[%get3A_1392, %get3A_1393, %get3A_1394] {strides = array<i32>} : memref<2x64x96xf32, #tpu.memory_space<vmem>>, vector<1x1x16xf32>,
        %get3A_1396 = vector.shape_cast %get3A_1395 : vector<1x1x16xf32> to vector<16xf32>
        %mul3A_1397 = arith.mulf %get3A_1391, %mul3A_1338 : vector<16xf32>
        %mul3A_1398 = arith.mulf %gather3A_1386, %mul3A_1340 : vector<16xf32>
        %add3A_1399 = arith.addf %mul3A_1397, %mul3A_1398 : vector<16xf32>
        %swap3A_1400 = arith.index_cast %select_n3A_1156 : i32 to index
        %swap3A_1401 = arith.index_cast %add3A_1293 : i32 to index
        %swap3A_1402 = arith.constant 64 : index
        %swap3A_1403 = tpu.vector_load %arg18[%swap3A_1400, %swap3A_1401, %swap3A_1402] {strides = array<i32>} : memref<2x64x128xf32, #tpu.memory_space<vmem>>, vector<1x1x16xf32>,
        %swap3A_1404 = vector.shape_cast %swap3A_1403 : vector<1x1x16xf32> to vector<16xf32>
        %swap3A_1405 = vector.shape_cast %add3A_1399 : vector<16xf32> to vector<1x1x16xf32>
        tpu.vector_store %arg18[%swap3A_1400, %swap3A_1401, %swap3A_1402], %swap3A_1405 {strides = array<i32>} : memref<2x64x128xf32, #tpu.memory_space<vmem>>, vector<1x1x16xf32>,
        %mul3A_1406 = arith.mulf %get3A_1396, %mul3A_1339 : vector<16xf32>
        %mul3A_1407 = arith.mulf %gather3A_1386, %mul3A_1341 : vector<16xf32>
        %add3A_1408 = arith.addf %mul3A_1406, %mul3A_1407 : vector<16xf32>
        %swap3A_1409 = arith.index_cast %select_n3A_1156 : i32 to index
        %swap3A_1410 = arith.index_cast %add3A_1293 : i32 to index
        %swap3A_1411 = arith.constant 80 : index
        %swap3A_1412 = tpu.vector_load %arg18[%swap3A_1409, %swap3A_1410, %swap3A_1411] {strides = array<i32>} : memref<2x64x128xf32, #tpu.memory_space<vmem>>, vector<1x1x16xf32>,
        %swap3A_1413 = vector.shape_cast %swap3A_1412 : vector<1x1x16xf32> to vector<16xf32>
        %swap3A_1414 = vector.shape_cast %add3A_1408 : vector<16xf32> to vector<1x1x16xf32>
        tpu.vector_store %arg18[%swap3A_1409, %swap3A_1410, %swap3A_1411], %swap3A_1414 {strides = array<i32>} : memref<2x64x128xf32, #tpu.memory_space<vmem>>, vector<1x1x16xf32>,
        %broadcast_in_dim3A_1415 = arith.constant 2 : i32
        %broadcast_in_dim3A_1416 = vector.broadcast %broadcast_in_dim3A_1415 : i32 to vector<16x1xi32>
        %gather3A_1417 = vector.shape_cast %broadcast_in_dim3A_1416 : vector<16x1xi32> to vector<16xi32>
        %gather3A_1418 = tpu.dynamic_gather %get3A_1289[%gather3A_1417] in [0] : vector<16xf32>, vector<16xi32> -> vector<16xf32>
        %get3A_1419 = arith.index_cast %select_n3A_1156 : i32 to index
        %get3A_1420 = arith.index_cast %add3A_1293 : i32 to index
        %get3A_1421 = arith.constant 64 : index
        %get3A_1422 = tpu.vector_load %arg15[%get3A_1419, %get3A_1420, %get3A_1421] {strides = array<i32>} : memref<2x64x96xf32, #tpu.memory_space<vmem>>, vector<1x1x16xf32>,
        %get3A_1423 = vector.shape_cast %get3A_1422 : vector<1x1x16xf32> to vector<16xf32>
        %get3A_1424 = arith.index_cast %select_n3A_1156 : i32 to index
        %get3A_1425 = arith.index_cast %add3A_1293 : i32 to index
        %get3A_1426 = arith.constant 80 : index
        %get3A_1427 = tpu.vector_load %arg15[%get3A_1424, %get3A_1425, %get3A_1426] {strides = array<i32>} : memref<2x64x96xf32, #tpu.memory_space<vmem>>, vector<1x1x16xf32>,
        %get3A_1428 = vector.shape_cast %get3A_1427 : vector<1x1x16xf32> to vector<16xf32>
        %mul3A_1429 = arith.mulf %get3A_1423, %mul3A_1338 : vector<16xf32>
        %mul3A_1430 = arith.mulf %gather3A_1418, %mul3A_1340 : vector<16xf32>
        %add3A_1431 = arith.addf %mul3A_1429, %mul3A_1430 : vector<16xf32>
        %swap3A_1432 = arith.index_cast %select_n3A_1156 : i32 to index
        %swap3A_1433 = arith.index_cast %add3A_1293 : i32 to index
        %swap3A_1434 = arith.constant 96 : index
        %swap3A_1435 = tpu.vector_load %arg18[%swap3A_1432, %swap3A_1433, %swap3A_1434] {strides = array<i32>} : memref<2x64x128xf32, #tpu.memory_space<vmem>>, vector<1x1x16xf32>,
        %swap3A_1436 = vector.shape_cast %swap3A_1435 : vector<1x1x16xf32> to vector<16xf32>
        %swap3A_1437 = vector.shape_cast %add3A_1431 : vector<16xf32> to vector<1x1x16xf32>
        tpu.vector_store %arg18[%swap3A_1432, %swap3A_1433, %swap3A_1434], %swap3A_1437 {strides = array<i32>} : memref<2x64x128xf32, #tpu.memory_space<vmem>>, vector<1x1x16xf32>,
        %mul3A_1438 = arith.mulf %get3A_1428, %mul3A_1339 : vector<16xf32>
        %mul3A_1439 = arith.mulf %gather3A_1418, %mul3A_1341 : vector<16xf32>
        %add3A_1440 = arith.addf %mul3A_1438, %mul3A_1439 : vector<16xf32>
        %swap3A_1441 = arith.index_cast %select_n3A_1156 : i32 to index
        %swap3A_1442 = arith.index_cast %add3A_1293 : i32 to index
        %swap3A_1443 = arith.constant 112 : index
        %swap3A_1444 = tpu.vector_load %arg18[%swap3A_1441, %swap3A_1442, %swap3A_1443] {strides = array<i32>} : memref<2x64x128xf32, #tpu.memory_space<vmem>>, vector<1x1x16xf32>,
        %swap3A_1445 = vector.shape_cast %swap3A_1444 : vector<1x1x16xf32> to vector<16xf32>
        %swap3A_1446 = vector.shape_cast %add3A_1440 : vector<16xf32> to vector<1x1x16xf32>
        tpu.vector_store %arg18[%swap3A_1441, %swap3A_1442, %swap3A_1443], %swap3A_1446 {strides = array<i32>} : memref<2x64x128xf32, #tpu.memory_space<vmem>>, vector<1x1x16xf32>,
        %mul3A_1447 = arith.constant 4 : i32
        %mul3A_1448 = arith.muli %scan3A_1284, %mul3A_1447 : i32
        %add3A_1449 = arith.constant 1 : i32
        %add3A_1450 = arith.addi %mul3A_1448, %add3A_1449 : i32
        %mul3A_1451 = arith.constant 2 : i32
        %mul3A_1452 = arith.muli %scan3A_1284, %mul3A_1451 : i32
        %add3A_1453 = arith.constant 0 : i32
        %add3A_1454 = arith.addi %mul3A_1452, %add3A_1453 : i32
        %get3A_1455 = arith.index_cast %select_n3A_1156 : i32 to index
        %get3A_1456 = arith.index_cast %add3A_1454 : i32 to index
        %get3A_1457 = arith.constant 64 : index
        %get3A_1458 = tpu.vector_load %arg16[%get3A_1455, %get3A_1456, %get3A_1457] {strides = array<i32>} : memref<2x32x128xf32, #tpu.memory_space<vmem>>, vector<1x1x16xf32>,
        %get3A_1459 = vector.shape_cast %get3A_1458 : vector<1x1x16xf32> to vector<16xf32>
        %get3A_1460 = arith.index_cast %select_n3A_1156 : i32 to index
        %get3A_1461 = arith.index_cast %add3A_1454 : i32 to index
        %get3A_1462 = arith.constant 80 : index
        %get3A_1463 = tpu.vector_load %arg16[%get3A_1460, %get3A_1461, %get3A_1462] {strides = array<i32>} : memref<2x32x128xf32, #tpu.memory_space<vmem>>, vector<1x1x16xf32>,
        %get3A_1464 = vector.shape_cast %get3A_1463 : vector<1x1x16xf32> to vector<16xf32>
        %get3A_1465 = arith.index_cast %select_n3A_1156 : i32 to index
        %get3A_1466 = arith.index_cast %add3A_1454 : i32 to index
        %get3A_1467 = arith.constant 96 : index
        %get3A_1468 = tpu.vector_load %arg16[%get3A_1465, %get3A_1466, %get3A_1467] {strides = array<i32>} : memref<2x32x128xf32, #tpu.memory_space<vmem>>, vector<1x1x16xf32>,
        %get3A_1469 = vector.shape_cast %get3A_1468 : vector<1x1x16xf32> to vector<16xf32>
        %get3A_1470 = arith.index_cast %select_n3A_1156 : i32 to index
        %get3A_1471 = arith.index_cast %add3A_1454 : i32 to index
        %get3A_1472 = arith.constant 112 : index
        %get3A_1473 = tpu.vector_load %arg16[%get3A_1470, %get3A_1471, %get3A_1472] {strides = array<i32>} : memref<2x32x128xf32, #tpu.memory_space<vmem>>, vector<1x1x16xf32>,
        %get3A_1474 = vector.shape_cast %get3A_1473 : vector<1x1x16xf32> to vector<16xf32>
        %get3A_1475 = arith.index_cast %select_n3A_1156 : i32 to index
        %get3A_1476 = arith.index_cast %add3A_1450 : i32 to index
        %get3A_1477 = arith.constant 0 : index
        %get3A_1478 = tpu.vector_load %arg14[%get3A_1475, %get3A_1476, %get3A_1477] {strides = array<i32>} : memref<2x64x64xf32, #tpu.memory_space<vmem>>, vector<1x1x16xf32>,
        %get3A_1479 = vector.shape_cast %get3A_1478 : vector<1x1x16xf32> to vector<16xf32>
        %get3A_1480 = arith.index_cast %select_n3A_1156 : i32 to index
        %get3A_1481 = arith.index_cast %add3A_1450 : i32 to index
        %get3A_1482 = arith.constant 16 : index
        %get3A_1483 = tpu.vector_load %arg14[%get3A_1480, %get3A_1481, %get3A_1482] {strides = array<i32>} : memref<2x64x64xf32, #tpu.memory_space<vmem>>, vector<1x1x16xf32>,
        %get3A_1484 = vector.shape_cast %get3A_1483 : vector<1x1x16xf32> to vector<16xf32>
        %get3A_1485 = arith.index_cast %select_n3A_1156 : i32 to index
        %get3A_1486 = arith.index_cast %add3A_1450 : i32 to index
        %get3A_1487 = arith.constant 32 : index
        %get3A_1488 = tpu.vector_load %arg14[%get3A_1485, %get3A_1486, %get3A_1487] {strides = array<i32>} : memref<2x64x64xf32, #tpu.memory_space<vmem>>, vector<1x1x16xf32>,
        %get3A_1489 = vector.shape_cast %get3A_1488 : vector<1x1x16xf32> to vector<16xf32>
        %get3A_1490 = arith.index_cast %select_n3A_1156 : i32 to index
        %get3A_1491 = arith.index_cast %add3A_1450 : i32 to index
        %get3A_1492 = arith.constant 48 : index
        %get3A_1493 = tpu.vector_load %arg14[%get3A_1490, %get3A_1491, %get3A_1492] {strides = array<i32>} : memref<2x64x64xf32, #tpu.memory_space<vmem>>, vector<1x1x16xf32>,
        %get3A_1494 = vector.shape_cast %get3A_1493 : vector<1x1x16xf32> to vector<16xf32>
        %mul3A_1495 = arith.mulf %get3A_1459, %get3A_1479 : vector<16xf32>
        %mul3A_1496 = arith.mulf %get3A_1464, %get3A_1484 : vector<16xf32>
        %mul3A_1497 = arith.mulf %get3A_1469, %get3A_1489 : vector<16xf32>
        %mul3A_1498 = arith.mulf %get3A_1474, %get3A_1494 : vector<16xf32>
        %swap3A_1499 = arith.index_cast %select_n3A_1156 : i32 to index
        %swap3A_1500 = arith.index_cast %add3A_1450 : i32 to index
        %swap3A_1501 = arith.constant 0 : index
        %swap3A_1502 = tpu.vector_load %arg18[%swap3A_1499, %swap3A_1500, %swap3A_1501] {strides = array<i32>} : memref<2x64x128xf32, #tpu.memory_space<vmem>>, vector<1x1x16xf32>,
        %swap3A_1503 = vector.shape_cast %swap3A_1502 : vector<1x1x16xf32> to vector<16xf32>
        %swap3A_1504 = vector.shape_cast %mul3A_1497 : vector<16xf32> to vector<1x1x16xf32>
        tpu.vector_store %arg18[%swap3A_1499, %swap3A_1500, %swap3A_1501], %swap3A_1504 {strides = array<i32>} : memref<2x64x128xf32, #tpu.memory_space<vmem>>, vector<1x1x16xf32>,
        %swap3A_1505 = arith.index_cast %select_n3A_1156 : i32 to index
        %swap3A_1506 = arith.index_cast %add3A_1450 : i32 to index
        %swap3A_1507 = arith.constant 16 : index
        %swap3A_1508 = tpu.vector_load %arg18[%swap3A_1505, %swap3A_1506, %swap3A_1507] {strides = array<i32>} : memref<2x64x128xf32, #tpu.memory_space<vmem>>, vector<1x1x16xf32>,
        %swap3A_1509 = vector.shape_cast %swap3A_1508 : vector<1x1x16xf32> to vector<16xf32>
        %swap3A_1510 = vector.shape_cast %mul3A_1498 : vector<16xf32> to vector<1x1x16xf32>
        tpu.vector_store %arg18[%swap3A_1505, %swap3A_1506, %swap3A_1507], %swap3A_1510 {strides = array<i32>} : memref<2x64x128xf32, #tpu.memory_space<vmem>>, vector<1x1x16xf32>,
        %broadcast_in_dim3A_1511 = arith.constant 4 : i32
        %broadcast_in_dim3A_1512 = vector.broadcast %broadcast_in_dim3A_1511 : i32 to vector<16x1xi32>
        %gather3A_1513 = vector.shape_cast %broadcast_in_dim3A_1512 : vector<16x1xi32> to vector<16xi32>
        %gather3A_1514 = tpu.dynamic_gather %get3A_1289[%gather3A_1513] in [0] : vector<16xf32>, vector<16xi32> -> vector<16xf32>
        %get3A_1515 = arith.index_cast %select_n3A_1156 : i32 to index
        %get3A_1516 = arith.index_cast %add3A_1450 : i32 to index
        %get3A_1517 = arith.constant 0 : index
        %get3A_1518 = tpu.vector_load %arg15[%get3A_1515, %get3A_1516, %get3A_1517] {strides = array<i32>} : memref<2x64x96xf32, #tpu.memory_space<vmem>>, vector<1x1x16xf32>,
        %get3A_1519 = vector.shape_cast %get3A_1518 : vector<1x1x16xf32> to vector<16xf32>
        %get3A_1520 = arith.index_cast %select_n3A_1156 : i32 to index
        %get3A_1521 = arith.index_cast %add3A_1450 : i32 to index
        %get3A_1522 = arith.constant 16 : index
        %get3A_1523 = tpu.vector_load %arg15[%get3A_1520, %get3A_1521, %get3A_1522] {strides = array<i32>} : memref<2x64x96xf32, #tpu.memory_space<vmem>>, vector<1x1x16xf32>,
        %get3A_1524 = vector.shape_cast %get3A_1523 : vector<1x1x16xf32> to vector<16xf32>
        %mul3A_1525 = arith.mulf %get3A_1519, %mul3A_1495 : vector<16xf32>
        %mul3A_1526 = arith.mulf %gather3A_1514, %mul3A_1497 : vector<16xf32>
        %add3A_1527 = arith.addf %mul3A_1525, %mul3A_1526 : vector<16xf32>
        %swap3A_1528 = arith.index_cast %select_n3A_1156 : i32 to index
        %swap3A_1529 = arith.index_cast %add3A_1450 : i32 to index
        %swap3A_1530 = arith.constant 32 : index
        %swap3A_1531 = tpu.vector_load %arg18[%swap3A_1528, %swap3A_1529, %swap3A_1530] {strides = array<i32>} : memref<2x64x128xf32, #tpu.memory_space<vmem>>, vector<1x1x16xf32>,
        %swap3A_1532 = vector.shape_cast %swap3A_1531 : vector<1x1x16xf32> to vector<16xf32>
        %swap3A_1533 = vector.shape_cast %add3A_1527 : vector<16xf32> to vector<1x1x16xf32>
        tpu.vector_store %arg18[%swap3A_1528, %swap3A_1529, %swap3A_1530], %swap3A_1533 {strides = array<i32>} : memref<2x64x128xf32, #tpu.memory_space<vmem>>, vector<1x1x16xf32>,
        %mul3A_1534 = arith.mulf %get3A_1524, %mul3A_1496 : vector<16xf32>
        %mul3A_1535 = arith.mulf %gather3A_1514, %mul3A_1498 : vector<16xf32>
        %add3A_1536 = arith.addf %mul3A_1534, %mul3A_1535 : vector<16xf32>
        %swap3A_1537 = arith.index_cast %select_n3A_1156 : i32 to index
        %swap3A_1538 = arith.index_cast %add3A_1450 : i32 to index
        %swap3A_1539 = arith.constant 48 : index
        %swap3A_1540 = tpu.vector_load %arg18[%swap3A_1537, %swap3A_1538, %swap3A_1539] {strides = array<i32>} : memref<2x64x128xf32, #tpu.memory_space<vmem>>, vector<1x1x16xf32>,
        %swap3A_1541 = vector.shape_cast %swap3A_1540 : vector<1x1x16xf32> to vector<16xf32>
        %swap3A_1542 = vector.shape_cast %add3A_1536 : vector<16xf32> to vector<1x1x16xf32>
        tpu.vector_store %arg18[%swap3A_1537, %swap3A_1538, %swap3A_1539], %swap3A_1542 {strides = array<i32>} : memref<2x64x128xf32, #tpu.memory_space<vmem>>, vector<1x1x16xf32>,
        %broadcast_in_dim3A_1543 = arith.constant 5 : i32
        %broadcast_in_dim3A_1544 = vector.broadcast %broadcast_in_dim3A_1543 : i32 to vector<16x1xi32>
        %gather3A_1545 = vector.shape_cast %broadcast_in_dim3A_1544 : vector<16x1xi32> to vector<16xi32>
        %gather3A_1546 = tpu.dynamic_gather %get3A_1289[%gather3A_1545] in [0] : vector<16xf32>, vector<16xi32> -> vector<16xf32>
        %get3A_1547 = arith.index_cast %select_n3A_1156 : i32 to index
        %get3A_1548 = arith.index_cast %add3A_1450 : i32 to index
        %get3A_1549 = arith.constant 32 : index
        %get3A_1550 = tpu.vector_load %arg15[%get3A_1547, %get3A_1548, %get3A_1549] {strides = array<i32>} : memref<2x64x96xf32, #tpu.memory_space<vmem>>, vector<1x1x16xf32>,
        %get3A_1551 = vector.shape_cast %get3A_1550 : vector<1x1x16xf32> to vector<16xf32>
        %get3A_1552 = arith.index_cast %select_n3A_1156 : i32 to index
        %get3A_1553 = arith.index_cast %add3A_1450 : i32 to index
        %get3A_1554 = arith.constant 48 : index
        %get3A_1555 = tpu.vector_load %arg15[%get3A_1552, %get3A_1553, %get3A_1554] {strides = array<i32>} : memref<2x64x96xf32, #tpu.memory_space<vmem>>, vector<1x1x16xf32>,
        %get3A_1556 = vector.shape_cast %get3A_1555 : vector<1x1x16xf32> to vector<16xf32>
        %mul3A_1557 = arith.mulf %get3A_1551, %mul3A_1495 : vector<16xf32>
        %mul3A_1558 = arith.mulf %gather3A_1546, %mul3A_1497 : vector<16xf32>
        %add3A_1559 = arith.addf %mul3A_1557, %mul3A_1558 : vector<16xf32>
        %swap3A_1560 = arith.index_cast %select_n3A_1156 : i32 to index
        %swap3A_1561 = arith.index_cast %add3A_1450 : i32 to index
        %swap3A_1562 = arith.constant 64 : index
        %swap3A_1563 = tpu.vector_load %arg18[%swap3A_1560, %swap3A_1561, %swap3A_1562] {strides = array<i32>} : memref<2x64x128xf32, #tpu.memory_space<vmem>>, vector<1x1x16xf32>,
        %swap3A_1564 = vector.shape_cast %swap3A_1563 : vector<1x1x16xf32> to vector<16xf32>
        %swap3A_1565 = vector.shape_cast %add3A_1559 : vector<16xf32> to vector<1x1x16xf32>
        tpu.vector_store %arg18[%swap3A_1560, %swap3A_1561, %swap3A_1562], %swap3A_1565 {strides = array<i32>} : memref<2x64x128xf32, #tpu.memory_space<vmem>>, vector<1x1x16xf32>,
        %mul3A_1566 = arith.mulf %get3A_1556, %mul3A_1496 : vector<16xf32>
        %mul3A_1567 = arith.mulf %gather3A_1546, %mul3A_1498 : vector<16xf32>
        %add3A_1568 = arith.addf %mul3A_1566, %mul3A_1567 : vector<16xf32>
        %swap3A_1569 = arith.index_cast %select_n3A_1156 : i32 to index
        %swap3A_1570 = arith.index_cast %add3A_1450 : i32 to index
        %swap3A_1571 = arith.constant 80 : index
        %swap3A_1572 = tpu.vector_load %arg18[%swap3A_1569, %swap3A_1570, %swap3A_1571] {strides = array<i32>} : memref<2x64x128xf32, #tpu.memory_space<vmem>>, vector<1x1x16xf32>,
        %swap3A_1573 = vector.shape_cast %swap3A_1572 : vector<1x1x16xf32> to vector<16xf32>
        %swap3A_1574 = vector.shape_cast %add3A_1568 : vector<16xf32> to vector<1x1x16xf32>
        tpu.vector_store %arg18[%swap3A_1569, %swap3A_1570, %swap3A_1571], %swap3A_1574 {strides = array<i32>} : memref<2x64x128xf32, #tpu.memory_space<vmem>>, vector<1x1x16xf32>,
        %broadcast_in_dim3A_1575 = arith.constant 6 : i32
        %broadcast_in_dim3A_1576 = vector.broadcast %broadcast_in_dim3A_1575 : i32 to vector<16x1xi32>
        %gather3A_1577 = vector.shape_cast %broadcast_in_dim3A_1576 : vector<16x1xi32> to vector<16xi32>
        %gather3A_1578 = tpu.dynamic_gather %get3A_1289[%gather3A_1577] in [0] : vector<16xf32>, vector<16xi32> -> vector<16xf32>
        %get3A_1579 = arith.index_cast %select_n3A_1156 : i32 to index
        %get3A_1580 = arith.index_cast %add3A_1450 : i32 to index
        %get3A_1581 = arith.constant 64 : index
        %get3A_1582 = tpu.vector_load %arg15[%get3A_1579, %get3A_1580, %get3A_1581] {strides = array<i32>} : memref<2x64x96xf32, #tpu.memory_space<vmem>>, vector<1x1x16xf32>,
        %get3A_1583 = vector.shape_cast %get3A_1582 : vector<1x1x16xf32> to vector<16xf32>
        %get3A_1584 = arith.index_cast %select_n3A_1156 : i32 to index
        %get3A_1585 = arith.index_cast %add3A_1450 : i32 to index
        %get3A_1586 = arith.constant 80 : index
        %get3A_1587 = tpu.vector_load %arg15[%get3A_1584, %get3A_1585, %get3A_1586] {strides = array<i32>} : memref<2x64x96xf32, #tpu.memory_space<vmem>>, vector<1x1x16xf32>,
        %get3A_1588 = vector.shape_cast %get3A_1587 : vector<1x1x16xf32> to vector<16xf32>
        %mul3A_1589 = arith.mulf %get3A_1583, %mul3A_1495 : vector<16xf32>
        %mul3A_1590 = arith.mulf %gather3A_1578, %mul3A_1497 : vector<16xf32>
        %add3A_1591 = arith.addf %mul3A_1589, %mul3A_1590 : vector<16xf32>
        %swap3A_1592 = arith.index_cast %select_n3A_1156 : i32 to index
        %swap3A_1593 = arith.index_cast %add3A_1450 : i32 to index
        %swap3A_1594 = arith.constant 96 : index
        %swap3A_1595 = tpu.vector_load %arg18[%swap3A_1592, %swap3A_1593, %swap3A_1594] {strides = array<i32>} : memref<2x64x128xf32, #tpu.memory_space<vmem>>, vector<1x1x16xf32>,
        %swap3A_1596 = vector.shape_cast %swap3A_1595 : vector<1x1x16xf32> to vector<16xf32>
        %swap3A_1597 = vector.shape_cast %add3A_1591 : vector<16xf32> to vector<1x1x16xf32>
        tpu.vector_store %arg18[%swap3A_1592, %swap3A_1593, %swap3A_1594], %swap3A_1597 {strides = array<i32>} : memref<2x64x128xf32, #tpu.memory_space<vmem>>, vector<1x1x16xf32>,
        %mul3A_1598 = arith.mulf %get3A_1588, %mul3A_1496 : vector<16xf32>
        %mul3A_1599 = arith.mulf %gather3A_1578, %mul3A_1498 : vector<16xf32>
        %add3A_1600 = arith.addf %mul3A_1598, %mul3A_1599 : vector<16xf32>
        %swap3A_1601 = arith.index_cast %select_n3A_1156 : i32 to index
        %swap3A_1602 = arith.index_cast %add3A_1450 : i32 to index
        %swap3A_1603 = arith.constant 112 : index
        %swap3A_1604 = tpu.vector_load %arg18[%swap3A_1601, %swap3A_1602, %swap3A_1603] {strides = array<i32>} : memref<2x64x128xf32, #tpu.memory_space<vmem>>, vector<1x1x16xf32>,
        %swap3A_1605 = vector.shape_cast %swap3A_1604 : vector<1x1x16xf32> to vector<16xf32>
        %swap3A_1606 = vector.shape_cast %add3A_1600 : vector<16xf32> to vector<1x1x16xf32>
        tpu.vector_store %arg18[%swap3A_1601, %swap3A_1602, %swap3A_1603], %swap3A_1606 {strides = array<i32>} : memref<2x64x128xf32, #tpu.memory_space<vmem>>, vector<1x1x16xf32>,
        %mul3A_1607 = arith.constant 4 : i32
        %mul3A_1608 = arith.muli %scan3A_1284, %mul3A_1607 : i32
        %add3A_1609 = arith.constant 2 : i32
        %add3A_1610 = arith.addi %mul3A_1608, %add3A_1609 : i32
        %mul3A_1611 = arith.constant 2 : i32
        %mul3A_1612 = arith.muli %scan3A_1284, %mul3A_1611 : i32
        %add3A_1613 = arith.constant 1 : i32
        %add3A_1614 = arith.addi %mul3A_1612, %add3A_1613 : i32
        %get3A_1615 = arith.index_cast %select_n3A_1156 : i32 to index
        %get3A_1616 = arith.index_cast %add3A_1614 : i32 to index
        %get3A_1617 = arith.constant 0 : index
        %get3A_1618 = tpu.vector_load %arg16[%get3A_1615, %get3A_1616, %get3A_1617] {strides = array<i32>} : memref<2x32x128xf32, #tpu.memory_space<vmem>>, vector<1x1x16xf32>,
        %get3A_1619 = vector.shape_cast %get3A_1618 : vector<1x1x16xf32> to vector<16xf32>
        %get3A_1620 = arith.index_cast %select_n3A_1156 : i32 to index
        %get3A_1621 = arith.index_cast %add3A_1614 : i32 to index
        %get3A_1622 = arith.constant 16 : index
        %get3A_1623 = tpu.vector_load %arg16[%get3A_1620, %get3A_1621, %get3A_1622] {strides = array<i32>} : memref<2x32x128xf32, #tpu.memory_space<vmem>>, vector<1x1x16xf32>,
        %get3A_1624 = vector.shape_cast %get3A_1623 : vector<1x1x16xf32> to vector<16xf32>
        %get3A_1625 = arith.index_cast %select_n3A_1156 : i32 to index
        %get3A_1626 = arith.index_cast %add3A_1614 : i32 to index
        %get3A_1627 = arith.constant 32 : index
        %get3A_1628 = tpu.vector_load %arg16[%get3A_1625, %get3A_1626, %get3A_1627] {strides = array<i32>} : memref<2x32x128xf32, #tpu.memory_space<vmem>>, vector<1x1x16xf32>,
        %get3A_1629 = vector.shape_cast %get3A_1628 : vector<1x1x16xf32> to vector<16xf32>
        %get3A_1630 = arith.index_cast %select_n3A_1156 : i32 to index
        %get3A_1631 = arith.index_cast %add3A_1614 : i32 to index
        %get3A_1632 = arith.constant 48 : index
        %get3A_1633 = tpu.vector_load %arg16[%get3A_1630, %get3A_1631, %get3A_1632] {strides = array<i32>} : memref<2x32x128xf32, #tpu.memory_space<vmem>>, vector<1x1x16xf32>,
        %get3A_1634 = vector.shape_cast %get3A_1633 : vector<1x1x16xf32> to vector<16xf32>
        %get3A_1635 = arith.index_cast %select_n3A_1156 : i32 to index
        %get3A_1636 = arith.index_cast %add3A_1610 : i32 to index
        %get3A_1637 = arith.constant 0 : index
        %get3A_1638 = tpu.vector_load %arg14[%get3A_1635, %get3A_1636, %get3A_1637] {strides = array<i32>} : memref<2x64x64xf32, #tpu.memory_space<vmem>>, vector<1x1x16xf32>,
        %get3A_1639 = vector.shape_cast %get3A_1638 : vector<1x1x16xf32> to vector<16xf32>
        %get3A_1640 = arith.index_cast %select_n3A_1156 : i32 to index
        %get3A_1641 = arith.index_cast %add3A_1610 : i32 to index
        %get3A_1642 = arith.constant 16 : index
        %get3A_1643 = tpu.vector_load %arg14[%get3A_1640, %get3A_1641, %get3A_1642] {strides = array<i32>} : memref<2x64x64xf32, #tpu.memory_space<vmem>>, vector<1x1x16xf32>,
        %get3A_1644 = vector.shape_cast %get3A_1643 : vector<1x1x16xf32> to vector<16xf32>
        %get3A_1645 = arith.index_cast %select_n3A_1156 : i32 to index
        %get3A_1646 = arith.index_cast %add3A_1610 : i32 to index
        %get3A_1647 = arith.constant 32 : index
        %get3A_1648 = tpu.vector_load %arg14[%get3A_1645, %get3A_1646, %get3A_1647] {strides = array<i32>} : memref<2x64x64xf32, #tpu.memory_space<vmem>>, vector<1x1x16xf32>,
        %get3A_1649 = vector.shape_cast %get3A_1648 : vector<1x1x16xf32> to vector<16xf32>
        %get3A_1650 = arith.index_cast %select_n3A_1156 : i32 to index
        %get3A_1651 = arith.index_cast %add3A_1610 : i32 to index
        %get3A_1652 = arith.constant 48 : index
        %get3A_1653 = tpu.vector_load %arg14[%get3A_1650, %get3A_1651, %get3A_1652] {strides = array<i32>} : memref<2x64x64xf32, #tpu.memory_space<vmem>>, vector<1x1x16xf32>,
        %get3A_1654 = vector.shape_cast %get3A_1653 : vector<1x1x16xf32> to vector<16xf32>
        %mul3A_1655 = arith.mulf %get3A_1619, %get3A_1639 : vector<16xf32>
        %mul3A_1656 = arith.mulf %get3A_1624, %get3A_1644 : vector<16xf32>
        %mul3A_1657 = arith.mulf %get3A_1629, %get3A_1649 : vector<16xf32>
        %mul3A_1658 = arith.mulf %get3A_1634, %get3A_1654 : vector<16xf32>
        %swap3A_1659 = arith.index_cast %select_n3A_1156 : i32 to index
        %swap3A_1660 = arith.index_cast %add3A_1610 : i32 to index
        %swap3A_1661 = arith.constant 0 : index
        %swap3A_1662 = tpu.vector_load %arg18[%swap3A_1659, %swap3A_1660, %swap3A_1661] {strides = array<i32>} : memref<2x64x128xf32, #tpu.memory_space<vmem>>, vector<1x1x16xf32>,
        %swap3A_1663 = vector.shape_cast %swap3A_1662 : vector<1x1x16xf32> to vector<16xf32>
        %swap3A_1664 = vector.shape_cast %mul3A_1657 : vector<16xf32> to vector<1x1x16xf32>
        tpu.vector_store %arg18[%swap3A_1659, %swap3A_1660, %swap3A_1661], %swap3A_1664 {strides = array<i32>} : memref<2x64x128xf32, #tpu.memory_space<vmem>>, vector<1x1x16xf32>,
        %swap3A_1665 = arith.index_cast %select_n3A_1156 : i32 to index
        %swap3A_1666 = arith.index_cast %add3A_1610 : i32 to index
        %swap3A_1667 = arith.constant 16 : index
        %swap3A_1668 = tpu.vector_load %arg18[%swap3A_1665, %swap3A_1666, %swap3A_1667] {strides = array<i32>} : memref<2x64x128xf32, #tpu.memory_space<vmem>>, vector<1x1x16xf32>,
        %swap3A_1669 = vector.shape_cast %swap3A_1668 : vector<1x1x16xf32> to vector<16xf32>
        %swap3A_1670 = vector.shape_cast %mul3A_1658 : vector<16xf32> to vector<1x1x16xf32>
        tpu.vector_store %arg18[%swap3A_1665, %swap3A_1666, %swap3A_1667], %swap3A_1670 {strides = array<i32>} : memref<2x64x128xf32, #tpu.memory_space<vmem>>, vector<1x1x16xf32>,
        %broadcast_in_dim3A_1671 = arith.constant 8 : i32
        %broadcast_in_dim3A_1672 = vector.broadcast %broadcast_in_dim3A_1671 : i32 to vector<16x1xi32>
        %gather3A_1673 = vector.shape_cast %broadcast_in_dim3A_1672 : vector<16x1xi32> to vector<16xi32>
        %gather3A_1674 = tpu.dynamic_gather %get3A_1289[%gather3A_1673] in [0] : vector<16xf32>, vector<16xi32> -> vector<16xf32>
        %get3A_1675 = arith.index_cast %select_n3A_1156 : i32 to index
        %get3A_1676 = arith.index_cast %add3A_1610 : i32 to index
        %get3A_1677 = arith.constant 0 : index
        %get3A_1678 = tpu.vector_load %arg15[%get3A_1675, %get3A_1676, %get3A_1677] {strides = array<i32>} : memref<2x64x96xf32, #tpu.memory_space<vmem>>, vector<1x1x16xf32>,
        %get3A_1679 = vector.shape_cast %get3A_1678 : vector<1x1x16xf32> to vector<16xf32>
        %get3A_1680 = arith.index_cast %select_n3A_1156 : i32 to index
        %get3A_1681 = arith.index_cast %add3A_1610 : i32 to index
        %get3A_1682 = arith.constant 16 : index
        %get3A_1683 = tpu.vector_load %arg15[%get3A_1680, %get3A_1681, %get3A_1682] {strides = array<i32>} : memref<2x64x96xf32, #tpu.memory_space<vmem>>, vector<1x1x16xf32>,
        %get3A_1684 = vector.shape_cast %get3A_1683 : vector<1x1x16xf32> to vector<16xf32>
        %mul3A_1685 = arith.mulf %get3A_1679, %mul3A_1655 : vector<16xf32>
        %mul3A_1686 = arith.mulf %gather3A_1674, %mul3A_1657 : vector<16xf32>
        %add3A_1687 = arith.addf %mul3A_1685, %mul3A_1686 : vector<16xf32>
        %swap3A_1688 = arith.index_cast %select_n3A_1156 : i32 to index
        %swap3A_1689 = arith.index_cast %add3A_1610 : i32 to index
        %swap3A_1690 = arith.constant 32 : index
        %swap3A_1691 = tpu.vector_load %arg18[%swap3A_1688, %swap3A_1689, %swap3A_1690] {strides = array<i32>} : memref<2x64x128xf32, #tpu.memory_space<vmem>>, vector<1x1x16xf32>,
        %swap3A_1692 = vector.shape_cast %swap3A_1691 : vector<1x1x16xf32> to vector<16xf32>
        %swap3A_1693 = vector.shape_cast %add3A_1687 : vector<16xf32> to vector<1x1x16xf32>
        tpu.vector_store %arg18[%swap3A_1688, %swap3A_1689, %swap3A_1690], %swap3A_1693 {strides = array<i32>} : memref<2x64x128xf32, #tpu.memory_space<vmem>>, vector<1x1x16xf32>,
        %mul3A_1694 = arith.mulf %get3A_1684, %mul3A_1656 : vector<16xf32>
        %mul3A_1695 = arith.mulf %gather3A_1674, %mul3A_1658 : vector<16xf32>
        %add3A_1696 = arith.addf %mul3A_1694, %mul3A_1695 : vector<16xf32>
        %swap3A_1697 = arith.index_cast %select_n3A_1156 : i32 to index
        %swap3A_1698 = arith.index_cast %add3A_1610 : i32 to index
        %swap3A_1699 = arith.constant 48 : index
        %swap3A_1700 = tpu.vector_load %arg18[%swap3A_1697, %swap3A_1698, %swap3A_1699] {strides = array<i32>} : memref<2x64x128xf32, #tpu.memory_space<vmem>>, vector<1x1x16xf32>,
        %swap3A_1701 = vector.shape_cast %swap3A_1700 : vector<1x1x16xf32> to vector<16xf32>
        %swap3A_1702 = vector.shape_cast %add3A_1696 : vector<16xf32> to vector<1x1x16xf32>
        tpu.vector_store %arg18[%swap3A_1697, %swap3A_1698, %swap3A_1699], %swap3A_1702 {strides = array<i32>} : memref<2x64x128xf32, #tpu.memory_space<vmem>>, vector<1x1x16xf32>,
        %broadcast_in_dim3A_1703 = arith.constant 9 : i32
        %broadcast_in_dim3A_1704 = vector.broadcast %broadcast_in_dim3A_1703 : i32 to vector<16x1xi32>
        %gather3A_1705 = vector.shape_cast %broadcast_in_dim3A_1704 : vector<16x1xi32> to vector<16xi32>
        %gather3A_1706 = tpu.dynamic_gather %get3A_1289[%gather3A_1705] in [0] : vector<16xf32>, vector<16xi32> -> vector<16xf32>
        %get3A_1707 = arith.index_cast %select_n3A_1156 : i32 to index
        %get3A_1708 = arith.index_cast %add3A_1610 : i32 to index
        %get3A_1709 = arith.constant 32 : index
        %get3A_1710 = tpu.vector_load %arg15[%get3A_1707, %get3A_1708, %get3A_1709] {strides = array<i32>} : memref<2x64x96xf32, #tpu.memory_space<vmem>>, vector<1x1x16xf32>,
        %get3A_1711 = vector.shape_cast %get3A_1710 : vector<1x1x16xf32> to vector<16xf32>
        %get3A_1712 = arith.index_cast %select_n3A_1156 : i32 to index
        %get3A_1713 = arith.index_cast %add3A_1610 : i32 to index
        %get3A_1714 = arith.constant 48 : index
        %get3A_1715 = tpu.vector_load %arg15[%get3A_1712, %get3A_1713, %get3A_1714] {strides = array<i32>} : memref<2x64x96xf32, #tpu.memory_space<vmem>>, vector<1x1x16xf32>,
        %get3A_1716 = vector.shape_cast %get3A_1715 : vector<1x1x16xf32> to vector<16xf32>
        %mul3A_1717 = arith.mulf %get3A_1711, %mul3A_1655 : vector<16xf32>
        %mul3A_1718 = arith.mulf %gather3A_1706, %mul3A_1657 : vector<16xf32>
        %add3A_1719 = arith.addf %mul3A_1717, %mul3A_1718 : vector<16xf32>
        %swap3A_1720 = arith.index_cast %select_n3A_1156 : i32 to index
        %swap3A_1721 = arith.index_cast %add3A_1610 : i32 to index
        %swap3A_1722 = arith.constant 64 : index
        %swap3A_1723 = tpu.vector_load %arg18[%swap3A_1720, %swap3A_1721, %swap3A_1722] {strides = array<i32>} : memref<2x64x128xf32, #tpu.memory_space<vmem>>, vector<1x1x16xf32>,
        %swap3A_1724 = vector.shape_cast %swap3A_1723 : vector<1x1x16xf32> to vector<16xf32>
        %swap3A_1725 = vector.shape_cast %add3A_1719 : vector<16xf32> to vector<1x1x16xf32>
        tpu.vector_store %arg18[%swap3A_1720, %swap3A_1721, %swap3A_1722], %swap3A_1725 {strides = array<i32>} : memref<2x64x128xf32, #tpu.memory_space<vmem>>, vector<1x1x16xf32>,
        %mul3A_1726 = arith.mulf %get3A_1716, %mul3A_1656 : vector<16xf32>
        %mul3A_1727 = arith.mulf %gather3A_1706, %mul3A_1658 : vector<16xf32>
        %add3A_1728 = arith.addf %mul3A_1726, %mul3A_1727 : vector<16xf32>
        %swap3A_1729 = arith.index_cast %select_n3A_1156 : i32 to index
        %swap3A_1730 = arith.index_cast %add3A_1610 : i32 to index
        %swap3A_1731 = arith.constant 80 : index
        %swap3A_1732 = tpu.vector_load %arg18[%swap3A_1729, %swap3A_1730, %swap3A_1731] {strides = array<i32>} : memref<2x64x128xf32, #tpu.memory_space<vmem>>, vector<1x1x16xf32>,
        %swap3A_1733 = vector.shape_cast %swap3A_1732 : vector<1x1x16xf32> to vector<16xf32>
        %swap3A_1734 = vector.shape_cast %add3A_1728 : vector<16xf32> to vector<1x1x16xf32>
        tpu.vector_store %arg18[%swap3A_1729, %swap3A_1730, %swap3A_1731], %swap3A_1734 {strides = array<i32>} : memref<2x64x128xf32, #tpu.memory_space<vmem>>, vector<1x1x16xf32>,
        %broadcast_in_dim3A_1735 = arith.constant 10 : i32
        %broadcast_in_dim3A_1736 = vector.broadcast %broadcast_in_dim3A_1735 : i32 to vector<16x1xi32>
        %gather3A_1737 = vector.shape_cast %broadcast_in_dim3A_1736 : vector<16x1xi32> to vector<16xi32>
        %gather3A_1738 = tpu.dynamic_gather %get3A_1289[%gather3A_1737] in [0] : vector<16xf32>, vector<16xi32> -> vector<16xf32>
        %get3A_1739 = arith.index_cast %select_n3A_1156 : i32 to index
        %get3A_1740 = arith.index_cast %add3A_1610 : i32 to index
        %get3A_1741 = arith.constant 64 : index
        %get3A_1742 = tpu.vector_load %arg15[%get3A_1739, %get3A_1740, %get3A_1741] {strides = array<i32>} : memref<2x64x96xf32, #tpu.memory_space<vmem>>, vector<1x1x16xf32>,
        %get3A_1743 = vector.shape_cast %get3A_1742 : vector<1x1x16xf32> to vector<16xf32>
        %get3A_1744 = arith.index_cast %select_n3A_1156 : i32 to index
        %get3A_1745 = arith.index_cast %add3A_1610 : i32 to index
        %get3A_1746 = arith.constant 80 : index
        %get3A_1747 = tpu.vector_load %arg15[%get3A_1744, %get3A_1745, %get3A_1746] {strides = array<i32>} : memref<2x64x96xf32, #tpu.memory_space<vmem>>, vector<1x1x16xf32>,
        %get3A_1748 = vector.shape_cast %get3A_1747 : vector<1x1x16xf32> to vector<16xf32>
        %mul3A_1749 = arith.mulf %get3A_1743, %mul3A_1655 : vector<16xf32>
        %mul3A_1750 = arith.mulf %gather3A_1738, %mul3A_1657 : vector<16xf32>
        %add3A_1751 = arith.addf %mul3A_1749, %mul3A_1750 : vector<16xf32>
        %swap3A_1752 = arith.index_cast %select_n3A_1156 : i32 to index
        %swap3A_1753 = arith.index_cast %add3A_1610 : i32 to index
        %swap3A_1754 = arith.constant 96 : index
        %swap3A_1755 = tpu.vector_load %arg18[%swap3A_1752, %swap3A_1753, %swap3A_1754] {strides = array<i32>} : memref<2x64x128xf32, #tpu.memory_space<vmem>>, vector<1x1x16xf32>,
        %swap3A_1756 = vector.shape_cast %swap3A_1755 : vector<1x1x16xf32> to vector<16xf32>
        %swap3A_1757 = vector.shape_cast %add3A_1751 : vector<16xf32> to vector<1x1x16xf32>
        tpu.vector_store %arg18[%swap3A_1752, %swap3A_1753, %swap3A_1754], %swap3A_1757 {strides = array<i32>} : memref<2x64x128xf32, #tpu.memory_space<vmem>>, vector<1x1x16xf32>,
        %mul3A_1758 = arith.mulf %get3A_1748, %mul3A_1656 : vector<16xf32>
        %mul3A_1759 = arith.mulf %gather3A_1738, %mul3A_1658 : vector<16xf32>
        %add3A_1760 = arith.addf %mul3A_1758, %mul3A_1759 : vector<16xf32>
        %swap3A_1761 = arith.index_cast %select_n3A_1156 : i32 to index
        %swap3A_1762 = arith.index_cast %add3A_1610 : i32 to index
        %swap3A_1763 = arith.constant 112 : index
        %swap3A_1764 = tpu.vector_load %arg18[%swap3A_1761, %swap3A_1762, %swap3A_1763] {strides = array<i32>} : memref<2x64x128xf32, #tpu.memory_space<vmem>>, vector<1x1x16xf32>,
        %swap3A_1765 = vector.shape_cast %swap3A_1764 : vector<1x1x16xf32> to vector<16xf32>
        %swap3A_1766 = vector.shape_cast %add3A_1760 : vector<16xf32> to vector<1x1x16xf32>
        tpu.vector_store %arg18[%swap3A_1761, %swap3A_1762, %swap3A_1763], %swap3A_1766 {strides = array<i32>} : memref<2x64x128xf32, #tpu.memory_space<vmem>>, vector<1x1x16xf32>,
        %mul3A_1767 = arith.constant 4 : i32
        %mul3A_1768 = arith.muli %scan3A_1284, %mul3A_1767 : i32
        %add3A_1769 = arith.constant 3 : i32
        %add3A_1770 = arith.addi %mul3A_1768, %add3A_1769 : i32
        %mul3A_1771 = arith.constant 2 : i32
        %mul3A_1772 = arith.muli %scan3A_1284, %mul3A_1771 : i32
        %add3A_1773 = arith.constant 1 : i32
        %add3A_1774 = arith.addi %mul3A_1772, %add3A_1773 : i32
        %get3A_1775 = arith.index_cast %select_n3A_1156 : i32 to index
        %get3A_1776 = arith.index_cast %add3A_1774 : i32 to index
        %get3A_1777 = arith.constant 64 : index
        %get3A_1778 = tpu.vector_load %arg16[%get3A_1775, %get3A_1776, %get3A_1777] {strides = array<i32>} : memref<2x32x128xf32, #tpu.memory_space<vmem>>, vector<1x1x16xf32>,
        %get3A_1779 = vector.shape_cast %get3A_1778 : vector<1x1x16xf32> to vector<16xf32>
        %get3A_1780 = arith.index_cast %select_n3A_1156 : i32 to index
        %get3A_1781 = arith.index_cast %add3A_1774 : i32 to index
        %get3A_1782 = arith.constant 80 : index
        %get3A_1783 = tpu.vector_load %arg16[%get3A_1780, %get3A_1781, %get3A_1782] {strides = array<i32>} : memref<2x32x128xf32, #tpu.memory_space<vmem>>, vector<1x1x16xf32>,
        %get3A_1784 = vector.shape_cast %get3A_1783 : vector<1x1x16xf32> to vector<16xf32>
        %get3A_1785 = arith.index_cast %select_n3A_1156 : i32 to index
        %get3A_1786 = arith.index_cast %add3A_1774 : i32 to index
        %get3A_1787 = arith.constant 96 : index
        %get3A_1788 = tpu.vector_load %arg16[%get3A_1785, %get3A_1786, %get3A_1787] {strides = array<i32>} : memref<2x32x128xf32, #tpu.memory_space<vmem>>, vector<1x1x16xf32>,
        %get3A_1789 = vector.shape_cast %get3A_1788 : vector<1x1x16xf32> to vector<16xf32>
        %get3A_1790 = arith.index_cast %select_n3A_1156 : i32 to index
        %get3A_1791 = arith.index_cast %add3A_1774 : i32 to index
        %get3A_1792 = arith.constant 112 : index
        %get3A_1793 = tpu.vector_load %arg16[%get3A_1790, %get3A_1791, %get3A_1792] {strides = array<i32>} : memref<2x32x128xf32, #tpu.memory_space<vmem>>, vector<1x1x16xf32>,
        %get3A_1794 = vector.shape_cast %get3A_1793 : vector<1x1x16xf32> to vector<16xf32>
        %get3A_1795 = arith.index_cast %select_n3A_1156 : i32 to index
        %get3A_1796 = arith.index_cast %add3A_1770 : i32 to index
        %get3A_1797 = arith.constant 0 : index
        %get3A_1798 = tpu.vector_load %arg14[%get3A_1795, %get3A_1796, %get3A_1797] {strides = array<i32>} : memref<2x64x64xf32, #tpu.memory_space<vmem>>, vector<1x1x16xf32>,
        %get3A_1799 = vector.shape_cast %get3A_1798 : vector<1x1x16xf32> to vector<16xf32>
        %get3A_1800 = arith.index_cast %select_n3A_1156 : i32 to index
        %get3A_1801 = arith.index_cast %add3A_1770 : i32 to index
        %get3A_1802 = arith.constant 16 : index
        %get3A_1803 = tpu.vector_load %arg14[%get3A_1800, %get3A_1801, %get3A_1802] {strides = array<i32>} : memref<2x64x64xf32, #tpu.memory_space<vmem>>, vector<1x1x16xf32>,
        %get3A_1804 = vector.shape_cast %get3A_1803 : vector<1x1x16xf32> to vector<16xf32>
        %get3A_1805 = arith.index_cast %select_n3A_1156 : i32 to index
        %get3A_1806 = arith.index_cast %add3A_1770 : i32 to index
        %get3A_1807 = arith.constant 32 : index
        %get3A_1808 = tpu.vector_load %arg14[%get3A_1805, %get3A_1806, %get3A_1807] {strides = array<i32>} : memref<2x64x64xf32, #tpu.memory_space<vmem>>, vector<1x1x16xf32>,
        %get3A_1809 = vector.shape_cast %get3A_1808 : vector<1x1x16xf32> to vector<16xf32>
        %get3A_1810 = arith.index_cast %select_n3A_1156 : i32 to index
        %get3A_1811 = arith.index_cast %add3A_1770 : i32 to index
        %get3A_1812 = arith.constant 48 : index
        %get3A_1813 = tpu.vector_load %arg14[%get3A_1810, %get3A_1811, %get3A_1812] {strides = array<i32>} : memref<2x64x64xf32, #tpu.memory_space<vmem>>, vector<1x1x16xf32>,
        %get3A_1814 = vector.shape_cast %get3A_1813 : vector<1x1x16xf32> to vector<16xf32>
        %mul3A_1815 = arith.mulf %get3A_1779, %get3A_1799 : vector<16xf32>
        %mul3A_1816 = arith.mulf %get3A_1784, %get3A_1804 : vector<16xf32>
        %mul3A_1817 = arith.mulf %get3A_1789, %get3A_1809 : vector<16xf32>
        %mul3A_1818 = arith.mulf %get3A_1794, %get3A_1814 : vector<16xf32>
        %swap3A_1819 = arith.index_cast %select_n3A_1156 : i32 to index
        %swap3A_1820 = arith.index_cast %add3A_1770 : i32 to index
        %swap3A_1821 = arith.constant 0 : index
        %swap3A_1822 = tpu.vector_load %arg18[%swap3A_1819, %swap3A_1820, %swap3A_1821] {strides = array<i32>} : memref<2x64x128xf32, #tpu.memory_space<vmem>>, vector<1x1x16xf32>,
        %swap3A_1823 = vector.shape_cast %swap3A_1822 : vector<1x1x16xf32> to vector<16xf32>
        %swap3A_1824 = vector.shape_cast %mul3A_1817 : vector<16xf32> to vector<1x1x16xf32>
        tpu.vector_store %arg18[%swap3A_1819, %swap3A_1820, %swap3A_1821], %swap3A_1824 {strides = array<i32>} : memref<2x64x128xf32, #tpu.memory_space<vmem>>, vector<1x1x16xf32>,
        %swap3A_1825 = arith.index_cast %select_n3A_1156 : i32 to index
        %swap3A_1826 = arith.index_cast %add3A_1770 : i32 to index
        %swap3A_1827 = arith.constant 16 : index
        %swap3A_1828 = tpu.vector_load %arg18[%swap3A_1825, %swap3A_1826, %swap3A_1827] {strides = array<i32>} : memref<2x64x128xf32, #tpu.memory_space<vmem>>, vector<1x1x16xf32>,
        %swap3A_1829 = vector.shape_cast %swap3A_1828 : vector<1x1x16xf32> to vector<16xf32>
        %swap3A_1830 = vector.shape_cast %mul3A_1818 : vector<16xf32> to vector<1x1x16xf32>
        tpu.vector_store %arg18[%swap3A_1825, %swap3A_1826, %swap3A_1827], %swap3A_1830 {strides = array<i32>} : memref<2x64x128xf32, #tpu.memory_space<vmem>>, vector<1x1x16xf32>,
        %broadcast_in_dim3A_1831 = arith.constant 12 : i32
        %broadcast_in_dim3A_1832 = vector.broadcast %broadcast_in_dim3A_1831 : i32 to vector<16x1xi32>
        %gather3A_1833 = vector.shape_cast %broadcast_in_dim3A_1832 : vector<16x1xi32> to vector<16xi32>
        %gather3A_1834 = tpu.dynamic_gather %get3A_1289[%gather3A_1833] in [0] : vector<16xf32>, vector<16xi32> -> vector<16xf32>
        %get3A_1835 = arith.index_cast %select_n3A_1156 : i32 to index
        %get3A_1836 = arith.index_cast %add3A_1770 : i32 to index
        %get3A_1837 = arith.constant 0 : index
        %get3A_1838 = tpu.vector_load %arg15[%get3A_1835, %get3A_1836, %get3A_1837] {strides = array<i32>} : memref<2x64x96xf32, #tpu.memory_space<vmem>>, vector<1x1x16xf32>,
        %get3A_1839 = vector.shape_cast %get3A_1838 : vector<1x1x16xf32> to vector<16xf32>
        %get3A_1840 = arith.index_cast %select_n3A_1156 : i32 to index
        %get3A_1841 = arith.index_cast %add3A_1770 : i32 to index
        %get3A_1842 = arith.constant 16 : index
        %get3A_1843 = tpu.vector_load %arg15[%get3A_1840, %get3A_1841, %get3A_1842] {strides = array<i32>} : memref<2x64x96xf32, #tpu.memory_space<vmem>>, vector<1x1x16xf32>,
        %get3A_1844 = vector.shape_cast %get3A_1843 : vector<1x1x16xf32> to vector<16xf32>
        %mul3A_1845 = arith.mulf %get3A_1839, %mul3A_1815 : vector<16xf32>
        %mul3A_1846 = arith.mulf %gather3A_1834, %mul3A_1817 : vector<16xf32>
        %add3A_1847 = arith.addf %mul3A_1845, %mul3A_1846 : vector<16xf32>
        %swap3A_1848 = arith.index_cast %select_n3A_1156 : i32 to index
        %swap3A_1849 = arith.index_cast %add3A_1770 : i32 to index
        %swap3A_1850 = arith.constant 32 : index
        %swap3A_1851 = tpu.vector_load %arg18[%swap3A_1848, %swap3A_1849, %swap3A_1850] {strides = array<i32>} : memref<2x64x128xf32, #tpu.memory_space<vmem>>, vector<1x1x16xf32>,
        %swap3A_1852 = vector.shape_cast %swap3A_1851 : vector<1x1x16xf32> to vector<16xf32>
        %swap3A_1853 = vector.shape_cast %add3A_1847 : vector<16xf32> to vector<1x1x16xf32>
        tpu.vector_store %arg18[%swap3A_1848, %swap3A_1849, %swap3A_1850], %swap3A_1853 {strides = array<i32>} : memref<2x64x128xf32, #tpu.memory_space<vmem>>, vector<1x1x16xf32>,
        %mul3A_1854 = arith.mulf %get3A_1844, %mul3A_1816 : vector<16xf32>
        %mul3A_1855 = arith.mulf %gather3A_1834, %mul3A_1818 : vector<16xf32>
        %add3A_1856 = arith.addf %mul3A_1854, %mul3A_1855 : vector<16xf32>
        %swap3A_1857 = arith.index_cast %select_n3A_1156 : i32 to index
        %swap3A_1858 = arith.index_cast %add3A_1770 : i32 to index
        %swap3A_1859 = arith.constant 48 : index
        %swap3A_1860 = tpu.vector_load %arg18[%swap3A_1857, %swap3A_1858, %swap3A_1859] {strides = array<i32>} : memref<2x64x128xf32, #tpu.memory_space<vmem>>, vector<1x1x16xf32>,
        %swap3A_1861 = vector.shape_cast %swap3A_1860 : vector<1x1x16xf32> to vector<16xf32>
        %swap3A_1862 = vector.shape_cast %add3A_1856 : vector<16xf32> to vector<1x1x16xf32>
        tpu.vector_store %arg18[%swap3A_1857, %swap3A_1858, %swap3A_1859], %swap3A_1862 {strides = array<i32>} : memref<2x64x128xf32, #tpu.memory_space<vmem>>, vector<1x1x16xf32>,
        %broadcast_in_dim3A_1863 = arith.constant 13 : i32
        %broadcast_in_dim3A_1864 = vector.broadcast %broadcast_in_dim3A_1863 : i32 to vector<16x1xi32>
        %gather3A_1865 = vector.shape_cast %broadcast_in_dim3A_1864 : vector<16x1xi32> to vector<16xi32>
        %gather3A_1866 = tpu.dynamic_gather %get3A_1289[%gather3A_1865] in [0] : vector<16xf32>, vector<16xi32> -> vector<16xf32>
        %get3A_1867 = arith.index_cast %select_n3A_1156 : i32 to index
        %get3A_1868 = arith.index_cast %add3A_1770 : i32 to index
        %get3A_1869 = arith.constant 32 : index
        %get3A_1870 = tpu.vector_load %arg15[%get3A_1867, %get3A_1868, %get3A_1869] {strides = array<i32>} : memref<2x64x96xf32, #tpu.memory_space<vmem>>, vector<1x1x16xf32>,
        %get3A_1871 = vector.shape_cast %get3A_1870 : vector<1x1x16xf32> to vector<16xf32>
        %get3A_1872 = arith.index_cast %select_n3A_1156 : i32 to index
        %get3A_1873 = arith.index_cast %add3A_1770 : i32 to index
        %get3A_1874 = arith.constant 48 : index
        %get3A_1875 = tpu.vector_load %arg15[%get3A_1872, %get3A_1873, %get3A_1874] {strides = array<i32>} : memref<2x64x96xf32, #tpu.memory_space<vmem>>, vector<1x1x16xf32>,
        %get3A_1876 = vector.shape_cast %get3A_1875 : vector<1x1x16xf32> to vector<16xf32>
        %mul3A_1877 = arith.mulf %get3A_1871, %mul3A_1815 : vector<16xf32>
        %mul3A_1878 = arith.mulf %gather3A_1866, %mul3A_1817 : vector<16xf32>
        %add3A_1879 = arith.addf %mul3A_1877, %mul3A_1878 : vector<16xf32>
        %swap3A_1880 = arith.index_cast %select_n3A_1156 : i32 to index
        %swap3A_1881 = arith.index_cast %add3A_1770 : i32 to index
        %swap3A_1882 = arith.constant 64 : index
        %swap3A_1883 = tpu.vector_load %arg18[%swap3A_1880, %swap3A_1881, %swap3A_1882] {strides = array<i32>} : memref<2x64x128xf32, #tpu.memory_space<vmem>>, vector<1x1x16xf32>,
        %swap3A_1884 = vector.shape_cast %swap3A_1883 : vector<1x1x16xf32> to vector<16xf32>
        %swap3A_1885 = vector.shape_cast %add3A_1879 : vector<16xf32> to vector<1x1x16xf32>
        tpu.vector_store %arg18[%swap3A_1880, %swap3A_1881, %swap3A_1882], %swap3A_1885 {strides = array<i32>} : memref<2x64x128xf32, #tpu.memory_space<vmem>>, vector<1x1x16xf32>,
        %mul3A_1886 = arith.mulf %get3A_1876, %mul3A_1816 : vector<16xf32>
        %mul3A_1887 = arith.mulf %gather3A_1866, %mul3A_1818 : vector<16xf32>
        %add3A_1888 = arith.addf %mul3A_1886, %mul3A_1887 : vector<16xf32>
        %swap3A_1889 = arith.index_cast %select_n3A_1156 : i32 to index
        %swap3A_1890 = arith.index_cast %add3A_1770 : i32 to index
        %swap3A_1891 = arith.constant 80 : index
        %swap3A_1892 = tpu.vector_load %arg18[%swap3A_1889, %swap3A_1890, %swap3A_1891] {strides = array<i32>} : memref<2x64x128xf32, #tpu.memory_space<vmem>>, vector<1x1x16xf32>,
        %swap3A_1893 = vector.shape_cast %swap3A_1892 : vector<1x1x16xf32> to vector<16xf32>
        %swap3A_1894 = vector.shape_cast %add3A_1888 : vector<16xf32> to vector<1x1x16xf32>
        tpu.vector_store %arg18[%swap3A_1889, %swap3A_1890, %swap3A_1891], %swap3A_1894 {strides = array<i32>} : memref<2x64x128xf32, #tpu.memory_space<vmem>>, vector<1x1x16xf32>,
        %broadcast_in_dim3A_1895 = arith.constant 14 : i32
        %broadcast_in_dim3A_1896 = vector.broadcast %broadcast_in_dim3A_1895 : i32 to vector<16x1xi32>
        %gather3A_1897 = vector.shape_cast %broadcast_in_dim3A_1896 : vector<16x1xi32> to vector<16xi32>
        %gather3A_1898 = tpu.dynamic_gather %get3A_1289[%gather3A_1897] in [0] : vector<16xf32>, vector<16xi32> -> vector<16xf32>
        %get3A_1899 = arith.index_cast %select_n3A_1156 : i32 to index
        %get3A_1900 = arith.index_cast %add3A_1770 : i32 to index
        %get3A_1901 = arith.constant 64 : index
        %get3A_1902 = tpu.vector_load %arg15[%get3A_1899, %get3A_1900, %get3A_1901] {strides = array<i32>} : memref<2x64x96xf32, #tpu.memory_space<vmem>>, vector<1x1x16xf32>,
        %get3A_1903 = vector.shape_cast %get3A_1902 : vector<1x1x16xf32> to vector<16xf32>
        %get3A_1904 = arith.index_cast %select_n3A_1156 : i32 to index
        %get3A_1905 = arith.index_cast %add3A_1770 : i32 to index
        %get3A_1906 = arith.constant 80 : index
        %get3A_1907 = tpu.vector_load %arg15[%get3A_1904, %get3A_1905, %get3A_1906] {strides = array<i32>} : memref<2x64x96xf32, #tpu.memory_space<vmem>>, vector<1x1x16xf32>,
        %get3A_1908 = vector.shape_cast %get3A_1907 : vector<1x1x16xf32> to vector<16xf32>
        %mul3A_1909 = arith.mulf %get3A_1903, %mul3A_1815 : vector<16xf32>
        %mul3A_1910 = arith.mulf %gather3A_1898, %mul3A_1817 : vector<16xf32>
        %add3A_1911 = arith.addf %mul3A_1909, %mul3A_1910 : vector<16xf32>
        %swap3A_1912 = arith.index_cast %select_n3A_1156 : i32 to index
        %swap3A_1913 = arith.index_cast %add3A_1770 : i32 to index
        %swap3A_1914 = arith.constant 96 : index
        %swap3A_1915 = tpu.vector_load %arg18[%swap3A_1912, %swap3A_1913, %swap3A_1914] {strides = array<i32>} : memref<2x64x128xf32, #tpu.memory_space<vmem>>, vector<1x1x16xf32>,
        %swap3A_1916 = vector.shape_cast %swap3A_1915 : vector<1x1x16xf32> to vector<16xf32>
        %swap3A_1917 = vector.shape_cast %add3A_1911 : vector<16xf32> to vector<1x1x16xf32>
        tpu.vector_store %arg18[%swap3A_1912, %swap3A_1913, %swap3A_1914], %swap3A_1917 {strides = array<i32>} : memref<2x64x128xf32, #tpu.memory_space<vmem>>, vector<1x1x16xf32>,
        %mul3A_1918 = arith.mulf %get3A_1908, %mul3A_1816 : vector<16xf32>
        %mul3A_1919 = arith.mulf %gather3A_1898, %mul3A_1818 : vector<16xf32>
        %add3A_1920 = arith.addf %mul3A_1918, %mul3A_1919 : vector<16xf32>
        %swap3A_1921 = arith.index_cast %select_n3A_1156 : i32 to index
        %swap3A_1922 = arith.index_cast %add3A_1770 : i32 to index
        %swap3A_1923 = arith.constant 112 : index
        %swap3A_1924 = tpu.vector_load %arg18[%swap3A_1921, %swap3A_1922, %swap3A_1923] {strides = array<i32>} : memref<2x64x128xf32, #tpu.memory_space<vmem>>, vector<1x1x16xf32>,
        %swap3A_1925 = vector.shape_cast %swap3A_1924 : vector<1x1x16xf32> to vector<16xf32>
        %swap3A_1926 = vector.shape_cast %add3A_1920 : vector<16xf32> to vector<1x1x16xf32>
        tpu.vector_store %arg18[%swap3A_1921, %swap3A_1922, %swap3A_1923], %swap3A_1926 {strides = array<i32>} : memref<2x64x128xf32, #tpu.memory_space<vmem>>, vector<1x1x16xf32>,
      }
      %scan3A_1252 = arith.constant 16 : i32
      %jit3A_1253 = arith.constant 4 : i32
      %eq3A_1254 = arith.constant 0 : i32
      %eq3A_1255 = arith.cmpi eq, %jit3A_1253, %eq3A_1254 : i32
      %jit3A_1256 = arith.constant 1 : i32
      %select_n3A_1257 = arith.select %eq3A_1255, %jit3A_1256, %jit3A_1253 : i32
      %rem3A_1258 = arith.remsi %scan3A_1140, %select_n3A_1257 : i32
      %ne3A_1259 = arith.constant 0 : i32
      %ne3A_1260 = arith.cmpi ne, %rem3A_1258, %ne3A_1259 : i32
      %lt3A_1261 = arith.constant 0 : i32
      %lt3A_1262 = arith.cmpi slt, %rem3A_1258, %lt3A_1261 : i32
      %lt3A_1263 = arith.constant 0 : i32
      %lt3A_1264 = arith.cmpi slt, %select_n3A_1257, %lt3A_1263 : i32
      %ne3A_1265 = arith.xori %lt3A_1262, %lt3A_1264 : i1
      %and3A_1266 = arith.andi %ne3A_1265, %ne3A_1260 : i1
      %add3A_1267 = arith.addi %rem3A_1258, %select_n3A_1257 : i32
      %select_n3A_1268 = arith.select %and3A_1266, %add3A_1267, %rem3A_1258 : i32
      %dma_start3A_1269 = arith.constant 0 : i32
      %dma_start3A_1270 = arith.constant 0 : i32
      %dma_start3A_1271 = tpu.memref_slice %arg18[%select_n3A_1156, %dma_start3A_1269, %dma_start3A_1270] : memref<2x64x128xf32, #tpu.memory_space<vmem>> -> memref<1x64x128xf32, #tpu.memory_space<vmem>>
      %dma_start3A_1272 = tpu.memref_squeeze %dma_start3A_1271 : memref<1x64x128xf32, #tpu.memory_space<vmem>> -> memref<64x128xf32, #tpu.memory_space<vmem>>
      %dma_start3A_1273 = arith.constant 0 : i32
      %dma_start3A_1274 = tpu.memref_slice %arg13[%select_n3A_1268, %dma_start3A_1273] : memref<4x64xi32, #tpu.memory_space<vmem>> -> memref<1x64xi32, #tpu.memory_space<vmem>>
      %dma_start3A_1275 = tpu.memref_squeeze %dma_start3A_1274 : memref<1x64xi32, #tpu.memory_space<vmem>> -> memref<64xi32, #tpu.memory_space<vmem>>
      %dma_start3A_1276 = arith.constant 0 : i32
      %dma_start3A_1277 = arith.constant 0 : i32
      %dma_start3A_1278 = tpu.memref_slice %arg11[%dma_start3A_1276, %dma_start3A_1277] : memref<10112x128xf32, #tpu.memory_space<vmem_shared>> -> memref<10112x128xf32, #tpu.memory_space<vmem_shared>>
      tpu.enqueue_indirect_dma source(%dma_start3A_1272 : memref<64x128xf32, #tpu.memory_space<vmem>>) target(%dma_start3A_1278 : memref<10112x128xf32, #tpu.memory_space<vmem_shared>>) offsets(%dma_start3A_1275 : memref<64xi32, #tpu.memory_space<vmem>>) semaphore(%arg21 : memref<!tpu.dma_semaphore, #tpu.memory_space<semaphore_mem>>) {add = true}
      %le3A_1279 = arith.constant 317 : i32
      %le3A_1280 = arith.cmpi sle, %scan3A_1140, %le3A_1279 : i32
      %convert_element_type3A_1281 = arith.extui %le3A_1280 : i1 to i32
      %cond3A_1282 = arith.constant 0 : i32
      %cond3A_1283 = arith.cmpi ne, %convert_element_type3A_1281, %cond3A_1282 : i32
      scf.if %cond3A_1283 {
        %add3A_1284 = arith.constant 2 : i32
        %add3A_1285 = arith.addi %scan3A_1140, %add3A_1284 : i32
        %mul3A_1286 = arith.constant 16 : i32
        %mul3A_1287 = arith.muli %add3A_1285, %mul3A_1286 : i32
        %add3A_1288 = arith.addi %mul3A_1287, %arg1 : i32
        %jit3A_1289 = arith.constant 2 : i32
        %eq3A_1290 = arith.constant 0 : i32
        %eq3A_1291 = arith.cmpi eq, %jit3A_1289, %eq3A_1290 : i32
        %jit3A_1292 = arith.constant 1 : i32
        %select_n3A_1293 = arith.select %eq3A_1291, %jit3A_1292, %jit3A_1289 : i32
        %rem3A_1294 = arith.remsi %add3A_1285, %select_n3A_1293 : i32
        %ne3A_1295 = arith.constant 0 : i32
        %ne3A_1296 = arith.cmpi ne, %rem3A_1294, %ne3A_1295 : i32
        %lt3A_1297 = arith.constant 0 : i32
        %lt3A_1298 = arith.cmpi slt, %rem3A_1294, %lt3A_1297 : i32
        %lt3A_1299 = arith.constant 0 : i32
        %lt3A_1300 = arith.cmpi slt, %select_n3A_1293, %lt3A_1299 : i32
        %ne3A_1301 = arith.xori %lt3A_1298, %lt3A_1300 : i1
        %and3A_1302 = arith.andi %ne3A_1301, %ne3A_1296 : i1
        %add3A_1303 = arith.addi %rem3A_1294, %select_n3A_1293 : i32
        %select_n3A_1304 = arith.select %and3A_1302, %add3A_1303, %rem3A_1294 : i32
        %dma_start3A_1305 = arith.constant 0 : i32
        %dma_start3A_1306 = tpu.memref_slice %arg12[%select_n3A_1304, %dma_start3A_1305] : memref<2x64xi32, #tpu.memory_space<vmem>> -> memref<1x64xi32, #tpu.memory_space<vmem>>
        %dma_start3A_1307 = tpu.memref_squeeze %dma_start3A_1306 : memref<1x64xi32, #tpu.memory_space<vmem>> -> memref<64xi32, #tpu.memory_space<vmem>>
        %dma_start3A_1308 = arith.constant 0 : i32
        %dma_start3A_1309 = tpu.memref_slice %arg6[%add3A_1, %add3A_1288, %dma_start3A_1308] : memref<4x5120x64xi32, #tpu.memory_space<hbm>> -> memref<1x1x64xi32, #tpu.memory_space<hbm>>
        %dma_start3A_1310 = tpu.memref_squeeze %dma_start3A_1309 : memref<1x1x64xi32, #tpu.memory_space<hbm>> -> memref<64xi32, #tpu.memory_space<hbm>>
        %dma_start3A_1311 = arith.constant 0 : i32
        %dma_start3A_1312 = tpu.memref_slice %arg12[%select_n3A_1304, %dma_start3A_1311] : memref<2x64xi32, #tpu.memory_space<vmem>> -> memref<1x64xi32, #tpu.memory_space<vmem>>
        %dma_start3A_1313 = tpu.memref_squeeze %dma_start3A_1312 : memref<1x64xi32, #tpu.memory_space<vmem>> -> memref<64xi32, #tpu.memory_space<vmem>>
        %dma_start3A_1314 = arith.constant 0 : i32
        %dma_start3A_1315 = tpu.memref_slice %arg6[%add3A_1, %add3A_1288, %dma_start3A_1314] : memref<4x5120x64xi32, #tpu.memory_space<hbm>> -> memref<1x1x64xi32, #tpu.memory_space<hbm>>
        %dma_start3A_1316 = tpu.memref_squeeze %dma_start3A_1315 : memref<1x1x64xi32, #tpu.memory_space<hbm>> -> memref<64xi32, #tpu.memory_space<hbm>>
        tpu.enqueue_dma source(%dma_start3A_1316 : memref<64xi32, #tpu.memory_space<hbm>>) target(%dma_start3A_1313 : memref<64xi32, #tpu.memory_space<vmem>>) target_semaphore(%arg19 : memref<!tpu.dma_semaphore, #tpu.memory_space<semaphore_mem>>)
        %jit3A_1317 = arith.constant 4 : i32
        %eq3A_1318 = arith.constant 0 : i32
        %eq3A_1319 = arith.cmpi eq, %jit3A_1317, %eq3A_1318 : i32
        %jit3A_1320 = arith.constant 1 : i32
        %select_n3A_1321 = arith.select %eq3A_1319, %jit3A_1320, %jit3A_1317 : i32
        %rem3A_1322 = arith.remsi %add3A_1285, %select_n3A_1321 : i32
        %ne3A_1323 = arith.constant 0 : i32
        %ne3A_1324 = arith.cmpi ne, %rem3A_1322, %ne3A_1323 : i32
        %lt3A_1325 = arith.constant 0 : i32
        %lt3A_1326 = arith.cmpi slt, %rem3A_1322, %lt3A_1325 : i32
        %lt3A_1327 = arith.constant 0 : i32
        %lt3A_1328 = arith.cmpi slt, %select_n3A_1321, %lt3A_1327 : i32
        %ne3A_1329 = arith.xori %lt3A_1326, %lt3A_1328 : i1
        %and3A_1330 = arith.andi %ne3A_1329, %ne3A_1324 : i1
        %add3A_1331 = arith.addi %rem3A_1322, %select_n3A_1321 : i32
        %select_n3A_1332 = arith.select %and3A_1330, %add3A_1331, %rem3A_1322 : i32
        %dma_start3A_1333 = arith.constant 0 : i32
        %dma_start3A_1334 = tpu.memref_slice %arg13[%select_n3A_1332, %dma_start3A_1333] : memref<4x64xi32, #tpu.memory_space<vmem>> -> memref<1x64xi32, #tpu.memory_space<vmem>>
        %dma_start3A_1335 = tpu.memref_squeeze %dma_start3A_1334 : memref<1x64xi32, #tpu.memory_space<vmem>> -> memref<64xi32, #tpu.memory_space<vmem>>
        %dma_start3A_1336 = arith.constant 0 : i32
        %dma_start3A_1337 = tpu.memref_slice %arg7[%add3A_1288, %dma_start3A_1336] : memref<5120x64xi32, #tpu.memory_space<hbm>> -> memref<1x64xi32, #tpu.memory_space<hbm>>
        %dma_start3A_1338 = tpu.memref_squeeze %dma_start3A_1337 : memref<1x64xi32, #tpu.memory_space<hbm>> -> memref<64xi32, #tpu.memory_space<hbm>>
        %dma_start3A_1339 = arith.constant 0 : i32
        %dma_start3A_1340 = tpu.memref_slice %arg13[%select_n3A_1332, %dma_start3A_1339] : memref<4x64xi32, #tpu.memory_space<vmem>> -> memref<1x64xi32, #tpu.memory_space<vmem>>
        %dma_start3A_1341 = tpu.memref_squeeze %dma_start3A_1340 : memref<1x64xi32, #tpu.memory_space<vmem>> -> memref<64xi32, #tpu.memory_space<vmem>>
        %dma_start3A_1342 = arith.constant 0 : i32
        %dma_start3A_1343 = tpu.memref_slice %arg7[%add3A_1288, %dma_start3A_1342] : memref<5120x64xi32, #tpu.memory_space<hbm>> -> memref<1x64xi32, #tpu.memory_space<hbm>>
        %dma_start3A_1344 = tpu.memref_squeeze %dma_start3A_1343 : memref<1x64xi32, #tpu.memory_space<hbm>> -> memref<64xi32, #tpu.memory_space<hbm>>
        tpu.enqueue_dma source(%dma_start3A_1344 : memref<64xi32, #tpu.memory_space<hbm>>) target(%dma_start3A_1341 : memref<64xi32, #tpu.memory_space<vmem>>) target_semaphore(%arg19 : memref<!tpu.dma_semaphore, #tpu.memory_space<semaphore_mem>>)
        %mul3A_1345 = arith.constant 32 : i32
        %mul3A_1346 = arith.muli %add3A_1288, %mul3A_1345 : i32
        %jit3A_1347 = arith.constant 2 : i32
        %eq3A_1348 = arith.constant 0 : i32
        %eq3A_1349 = arith.cmpi eq, %jit3A_1347, %eq3A_1348 : i32
        %jit3A_1350 = arith.constant 1 : i32
        %select_n3A_1351 = arith.select %eq3A_1349, %jit3A_1350, %jit3A_1347 : i32
        %rem3A_1352 = arith.remsi %add3A_1285, %select_n3A_1351 : i32
        %ne3A_1353 = arith.constant 0 : i32
        %ne3A_1354 = arith.cmpi ne, %rem3A_1352, %ne3A_1353 : i32
        %lt3A_1355 = arith.constant 0 : i32
        %lt3A_1356 = arith.cmpi slt, %rem3A_1352, %lt3A_1355 : i32
        %lt3A_1357 = arith.constant 0 : i32
        %lt3A_1358 = arith.cmpi slt, %select_n3A_1351, %lt3A_1357 : i32
        %ne3A_1359 = arith.xori %lt3A_1356, %lt3A_1358 : i1
        %and3A_1360 = arith.andi %ne3A_1359, %ne3A_1354 : i1
        %add3A_1361 = arith.addi %rem3A_1352, %select_n3A_1351 : i32
        %select_n3A_1362 = arith.select %and3A_1360, %add3A_1361, %rem3A_1352 : i32
        %dma_start3A_1363 = arith.constant 0 : i32
        %dma_start3A_1364 = arith.constant 0 : i32
        %dma_start3A_1365 = tpu.memref_slice %arg16[%select_n3A_1362, %dma_start3A_1363, %dma_start3A_1364] : memref<2x32x128xf32, #tpu.memory_space<vmem>> -> memref<1x32x128xf32, #tpu.memory_space<vmem>>
        %dma_start3A_1366 = tpu.memref_squeeze %dma_start3A_1365 : memref<1x32x128xf32, #tpu.memory_space<vmem>> -> memref<32x128xf32, #tpu.memory_space<vmem>>
        %dma_start3A_1367 = arith.constant 0 : i32
        %dma_start3A_1368 = tpu.memref_slice %arg4[%add3A_1, %mul3A_1346, %dma_start3A_1367] : memref<4x163840x128xf32, #tpu.memory_space<hbm>> -> memref<1x32x128xf32, #tpu.memory_space<hbm>>
        %dma_start3A_1369 = tpu.memref_squeeze %dma_start3A_1368 : memref<1x32x128xf32, #tpu.memory_space<hbm>> -> memref<32x128xf32, #tpu.memory_space<hbm>>
        %dma_start3A_1370 = arith.constant 0 : i32
        %dma_start3A_1371 = arith.constant 0 : i32
        %dma_start3A_1372 = tpu.memref_slice %arg16[%select_n3A_1362, %dma_start3A_1370, %dma_start3A_1371] : memref<2x32x128xf32, #tpu.memory_space<vmem>> -> memref<1x32x128xf32, #tpu.memory_space<vmem>>
        %dma_start3A_1373 = tpu.memref_squeeze %dma_start3A_1372 : memref<1x32x128xf32, #tpu.memory_space<vmem>> -> memref<32x128xf32, #tpu.memory_space<vmem>>
        %dma_start3A_1374 = arith.constant 0 : i32
        %dma_start3A_1375 = tpu.memref_slice %arg4[%add3A_1, %mul3A_1346, %dma_start3A_1374] : memref<4x163840x128xf32, #tpu.memory_space<hbm>> -> memref<1x32x128xf32, #tpu.memory_space<hbm>>
        %dma_start3A_1376 = tpu.memref_squeeze %dma_start3A_1375 : memref<1x32x128xf32, #tpu.memory_space<hbm>> -> memref<32x128xf32, #tpu.memory_space<hbm>>
        tpu.enqueue_dma source(%dma_start3A_1376 : memref<32x128xf32, #tpu.memory_space<hbm>>) target(%dma_start3A_1373 : memref<32x128xf32, #tpu.memory_space<vmem>>) target_semaphore(%arg19 : memref<!tpu.dma_semaphore, #tpu.memory_space<semaphore_mem>>)
        %mul3A_1377 = arith.constant 64 : i32
        %mul3A_1378 = arith.muli %add3A_1288, %mul3A_1377 : i32
        %mul3A_1379 = arith.constant 4 : i32
        %mul3A_1380 = arith.muli %mul3A_1378, %mul3A_1379 : i32
        %jit3A_1381 = arith.constant 2 : i32
        %eq3A_1382 = arith.constant 0 : i32
        %eq3A_1383 = arith.cmpi eq, %jit3A_1381, %eq3A_1382 : i32
        %jit3A_1384 = arith.constant 1 : i32
        %select_n3A_1385 = arith.select %eq3A_1383, %jit3A_1384, %jit3A_1381 : i32
        %rem3A_1386 = arith.remsi %add3A_1285, %select_n3A_1385 : i32
        %ne3A_1387 = arith.constant 0 : i32
        %ne3A_1388 = arith.cmpi ne, %rem3A_1386, %ne3A_1387 : i32
        %lt3A_1389 = arith.constant 0 : i32
        %lt3A_1390 = arith.cmpi slt, %rem3A_1386, %lt3A_1389 : i32
        %lt3A_1391 = arith.constant 0 : i32
        %lt3A_1392 = arith.cmpi slt, %select_n3A_1385, %lt3A_1391 : i32
        %ne3A_1393 = arith.xori %lt3A_1390, %lt3A_1392 : i1
        %and3A_1394 = arith.andi %ne3A_1393, %ne3A_1388 : i1
        %add3A_1395 = arith.addi %rem3A_1386, %select_n3A_1385 : i32
        %select_n3A_1396 = arith.select %and3A_1394, %add3A_1395, %rem3A_1386 : i32
        %dma_start3A_1397 = arith.constant 0 : i32
        %dma_start3A_1398 = tpu.memref_slice %arg17[%select_n3A_1396, %dma_start3A_1397] : memref<2x256xf32, #tpu.memory_space<vmem>> -> memref<1x256xf32, #tpu.memory_space<vmem>>
        %dma_start3A_1399 = tpu.memref_squeeze %dma_start3A_1398 : memref<1x256xf32, #tpu.memory_space<vmem>> -> memref<256xf32, #tpu.memory_space<vmem>>
        %dma_start3A_1400 = tpu.memref_slice %arg5[%mul3A_1380] : memref<1310720xf32, #tpu.memory_space<hbm>> -> memref<256xf32, #tpu.memory_space<hbm>>
        %dma_start3A_1401 = arith.constant 0 : i32
        %dma_start3A_1402 = tpu.memref_slice %arg17[%select_n3A_1396, %dma_start3A_1401] : memref<2x256xf32, #tpu.memory_space<vmem>> -> memref<1x256xf32, #tpu.memory_space<vmem>>
        %dma_start3A_1403 = tpu.memref_squeeze %dma_start3A_1402 : memref<1x256xf32, #tpu.memory_space<vmem>> -> memref<256xf32, #tpu.memory_space<vmem>>
        %dma_start3A_1404 = tpu.memref_slice %arg5[%mul3A_1380] : memref<1310720xf32, #tpu.memory_space<hbm>> -> memref<256xf32, #tpu.memory_space<hbm>>
        tpu.enqueue_dma source(%dma_start3A_1404 : memref<256xf32, #tpu.memory_space<hbm>>) target(%dma_start3A_1403 : memref<256xf32, #tpu.memory_space<vmem>>) target_semaphore(%arg19 : memref<!tpu.dma_semaphore, #tpu.memory_space<semaphore_mem>>)
      } else {
      }
    }
    %scan3A_461 = arith.constant 320 : i32
    %jit3A_462 = arith.constant 318 : i32
    %jit3A_463 = arith.constant 2 : i32
    %eq3A_464 = arith.constant 0 : i32
    %eq3A_465 = arith.cmpi eq, %jit3A_463, %eq3A_464 : i32
    %jit3A_466 = arith.constant 1 : i32
    %select_n3A_467 = arith.select %eq3A_465, %jit3A_466, %jit3A_463 : i32
    %rem3A_468 = arith.remsi %jit3A_462, %select_n3A_467 : i32
    %ne3A_469 = arith.constant 0 : i32
    %ne3A_470 = arith.cmpi ne, %rem3A_468, %ne3A_469 : i32
    %lt3A_471 = arith.constant 0 : i32
    %lt3A_472 = arith.cmpi slt, %rem3A_468, %lt3A_471 : i32
    %lt3A_473 = arith.constant 0 : i32
    %lt3A_474 = arith.cmpi slt, %select_n3A_467, %lt3A_473 : i32
    %ne3A_475 = arith.xori %lt3A_472, %lt3A_474 : i1
    %and3A_476 = arith.andi %ne3A_475, %ne3A_470 : i1
    %add3A_477 = arith.addi %rem3A_468, %select_n3A_467 : i32
    %select_n3A_478 = arith.select %and3A_476, %add3A_477, %rem3A_468 : i32
    %jit3A_479 = arith.constant 318 : i32
    %jit3A_480 = arith.constant 4 : i32
    %eq3A_481 = arith.constant 0 : i32
    %eq3A_482 = arith.cmpi eq, %jit3A_480, %eq3A_481 : i32
    %jit3A_483 = arith.constant 1 : i32
    %select_n3A_484 = arith.select %eq3A_482, %jit3A_483, %jit3A_480 : i32
    %rem3A_485 = arith.remsi %jit3A_479, %select_n3A_484 : i32
    %ne3A_486 = arith.constant 0 : i32
    %ne3A_487 = arith.cmpi ne, %rem3A_485, %ne3A_486 : i32
    %lt3A_488 = arith.constant 0 : i32
    %lt3A_489 = arith.cmpi slt, %rem3A_485, %lt3A_488 : i32
    %lt3A_490 = arith.constant 0 : i32
    %lt3A_491 = arith.cmpi slt, %select_n3A_484, %lt3A_490 : i32
    %ne3A_492 = arith.xori %lt3A_489, %lt3A_491 : i1
    %and3A_493 = arith.andi %ne3A_492, %ne3A_487 : i1
    %add3A_494 = arith.addi %rem3A_485, %select_n3A_484 : i32
    %select_n3A_495 = arith.select %and3A_493, %add3A_494, %rem3A_485 : i32
    %dma_wait3A_496 = arith.constant 0 : i32
    %dma_wait3A_497 = arith.constant 0 : i32
    %dma_wait3A_498 = tpu.memref_slice %arg18[%select_n3A_478, %dma_wait3A_496, %dma_wait3A_497] : memref<2x64x128xf32, #tpu.memory_space<vmem>> -> memref<1x64x128xf32, #tpu.memory_space<vmem>>
    %dma_wait3A_499 = tpu.memref_squeeze %dma_wait3A_498 : memref<1x64x128xf32, #tpu.memory_space<vmem>> -> memref<64x128xf32, #tpu.memory_space<vmem>>
    %dma_wait3A_500 = arith.constant 0 : i32
    %dma_wait3A_501 = tpu.memref_slice %arg13[%select_n3A_495, %dma_wait3A_500] : memref<4x64xi32, #tpu.memory_space<vmem>> -> memref<1x64xi32, #tpu.memory_space<vmem>>
    %dma_wait3A_502 = tpu.memref_squeeze %dma_wait3A_501 : memref<1x64xi32, #tpu.memory_space<vmem>> -> memref<64xi32, #tpu.memory_space<vmem>>
    %dma_wait3A_503 = arith.constant 0 : i32
    %dma_wait3A_504 = arith.constant 0 : i32
    %dma_wait3A_505 = tpu.memref_slice %arg11[%dma_wait3A_503, %dma_wait3A_504] : memref<10112x128xf32, #tpu.memory_space<vmem_shared>> -> memref<10112x128xf32, #tpu.memory_space<vmem_shared>>
    tpu.wait_indirect_dma semaphore(%arg21 : memref<!tpu.dma_semaphore, #tpu.memory_space<semaphore_mem>>) src(%dma_wait3A_499 : memref<64x128xf32, #tpu.memory_space<vmem>>) dst(%dma_wait3A_505 : memref<10112x128xf32, #tpu.memory_space<vmem_shared>>)
    %jit3A_506 = arith.constant 319 : i32
    %jit3A_507 = arith.constant 2 : i32
    %eq3A_508 = arith.constant 0 : i32
    %eq3A_509 = arith.cmpi eq, %jit3A_507, %eq3A_508 : i32
    %jit3A_510 = arith.constant 1 : i32
    %select_n3A_511 = arith.select %eq3A_509, %jit3A_510, %jit3A_507 : i32
    %rem3A_512 = arith.remsi %jit3A_506, %select_n3A_511 : i32
    %ne3A_513 = arith.constant 0 : i32
    %ne3A_514 = arith.cmpi ne, %rem3A_512, %ne3A_513 : i32
    %lt3A_515 = arith.constant 0 : i32
    %lt3A_516 = arith.cmpi slt, %rem3A_512, %lt3A_515 : i32
    %lt3A_517 = arith.constant 0 : i32
    %lt3A_518 = arith.cmpi slt, %select_n3A_511, %lt3A_517 : i32
    %ne3A_519 = arith.xori %lt3A_516, %lt3A_518 : i1
    %and3A_520 = arith.andi %ne3A_519, %ne3A_514 : i1
    %add3A_521 = arith.addi %rem3A_512, %select_n3A_511 : i32
    %select_n3A_522 = arith.select %and3A_520, %add3A_521, %rem3A_512 : i32
    %jit3A_523 = arith.constant 319 : i32
    %jit3A_524 = arith.constant 4 : i32
    %eq3A_525 = arith.constant 0 : i32
    %eq3A_526 = arith.cmpi eq, %jit3A_524, %eq3A_525 : i32
    %jit3A_527 = arith.constant 1 : i32
    %select_n3A_528 = arith.select %eq3A_526, %jit3A_527, %jit3A_524 : i32
    %rem3A_529 = arith.remsi %jit3A_523, %select_n3A_528 : i32
    %ne3A_530 = arith.constant 0 : i32
    %ne3A_531 = arith.cmpi ne, %rem3A_529, %ne3A_530 : i32
    %lt3A_532 = arith.constant 0 : i32
    %lt3A_533 = arith.cmpi slt, %rem3A_529, %lt3A_532 : i32
    %lt3A_534 = arith.constant 0 : i32
    %lt3A_535 = arith.cmpi slt, %select_n3A_528, %lt3A_534 : i32
    %ne3A_536 = arith.xori %lt3A_533, %lt3A_535 : i1
    %and3A_537 = arith.andi %ne3A_536, %ne3A_531 : i1
    %add3A_538 = arith.addi %rem3A_529, %select_n3A_528 : i32
    %select_n3A_539 = arith.select %and3A_537, %add3A_538, %rem3A_529 : i32
    %dma_wait3A_540 = arith.constant 0 : i32
    %dma_wait3A_541 = arith.constant 0 : i32
    %dma_wait3A_542 = tpu.memref_slice %arg18[%select_n3A_522, %dma_wait3A_540, %dma_wait3A_541] : memref<2x64x128xf32, #tpu.memory_space<vmem>> -> memref<1x64x128xf32, #tpu.memory_space<vmem>>
    %dma_wait3A_543 = tpu.memref_squeeze %dma_wait3A_542 : memref<1x64x128xf32, #tpu.memory_space<vmem>> -> memref<64x128xf32, #tpu.memory_space<vmem>>
    %dma_wait3A_544 = arith.constant 0 : i32
    %dma_wait3A_545 = tpu.memref_slice %arg13[%select_n3A_539, %dma_wait3A_544] : memref<4x64xi32, #tpu.memory_space<vmem>> -> memref<1x64xi32, #tpu.memory_space<vmem>>
    %dma_wait3A_546 = tpu.memref_squeeze %dma_wait3A_545 : memref<1x64xi32, #tpu.memory_space<vmem>> -> memref<64xi32, #tpu.memory_space<vmem>>
    %dma_wait3A_547 = arith.constant 0 : i32
    %dma_wait3A_548 = arith.constant 0 : i32
    %dma_wait3A_549 = tpu.memref_slice %arg11[%dma_wait3A_547, %dma_wait3A_548] : memref<10112x128xf32, #tpu.memory_space<vmem_shared>> -> memref<10112x128xf32, #tpu.memory_space<vmem_shared>>
    tpu.wait_indirect_dma semaphore(%arg21 : memref<!tpu.dma_semaphore, #tpu.memory_space<semaphore_mem>>) src(%dma_wait3A_543 : memref<64x128xf32, #tpu.memory_space<vmem>>) dst(%dma_wait3A_549 : memref<10112x128xf32, #tpu.memory_space<vmem_shared>>)
    %barrier3A_550 = arith.constant 0 : index
    tpu.barrier barrier_id(%barrier3A_550)
    %mul3A_551 = arith.constant 632 : i32
    %mul3A_552 = arith.muli %arg1, %mul3A_551 : i32
    %mul3A_553 = arith.constant 32 : i32
    %mul3A_554 = arith.muli %add3A_1, %mul3A_553 : i32
    "tpu.region"() ({
      %run_scoped3A_1140 = tpu.sem_alloc : memref<!tpu.dma_semaphore, #tpu.memory_space<semaphore_mem>>
      %dma_start3A_1141 = tpu.memref_slice %arg9[%mul3A_552, %mul3A_554] : memref<10112x128xf32, #tpu.memory_space<hbm>> -> memref<632x32xf32, #tpu.memory_space<hbm>>
      %dma_start3A_1142 = arith.constant 0 : i32
      %dma_start3A_1143 = tpu.memref_slice %arg11[%mul3A_552, %dma_start3A_1142] : memref<10112x128xf32, #tpu.memory_space<vmem_shared>> -> memref<632x32xf32, #tpu.memory_space<vmem_shared>>
      tpu.enqueue_dma source(%dma_start3A_1143 : memref<632x32xf32, #tpu.memory_space<vmem_shared>>) target(%dma_start3A_1141 : memref<632x32xf32, #tpu.memory_space<hbm>>) target_semaphore(%run_scoped3A_1140 : memref<!tpu.dma_semaphore, #tpu.memory_space<semaphore_mem>>)
      %dma_wait3A_1144 = tpu.memref_slice %arg9[%mul3A_552, %mul3A_554] : memref<10112x128xf32, #tpu.memory_space<hbm>> -> memref<632x32xf32, #tpu.memory_space<hbm>>
      %dma_wait3A_1145 = arith.constant 0 : i32
      %dma_wait3A_1146 = tpu.memref_slice %arg11[%mul3A_552, %dma_wait3A_1145] : memref<10112x128xf32, #tpu.memory_space<vmem_shared>> -> memref<632x32xf32, #tpu.memory_space<vmem_shared>>
      tpu.wait_dma2 semaphore(%run_scoped3A_1140 : memref<!tpu.dma_semaphore, #tpu.memory_space<semaphore_mem>>) src(%dma_wait3A_1146 : memref<632x32xf32, #tpu.memory_space<vmem_shared>>) dst(%dma_wait3A_1144 : memref<632x32xf32, #tpu.memory_space<hbm>>)
      tpu.yield
    }) : () -> ()
    %mul3A_555 = arith.constant 32 : i32
    %mul3A_556 = arith.muli %add3A_1, %mul3A_555 : i32
    %run_scoped3A = arith.constant 0 : i32
    "tpu.region"() ({
      %run_scoped3A_1140 = tpu.sem_alloc : memref<!tpu.dma_semaphore, #tpu.memory_space<semaphore_mem>>
      %dma_start3A_1141 = tpu.memref_slice %arg10[%mul3A_552, %run_scoped3A, %mul3A_556] : memref<10112x3x128xf32, #tpu.memory_space<hbm>> -> memref<632x1x32xf32, #tpu.memory_space<hbm>>
      %dma_start3A_1142 = tpu.memref_squeeze %dma_start3A_1141 : memref<632x1x32xf32, #tpu.memory_space<hbm>> -> memref<632x32xf32, #tpu.memory_space<hbm>>
      %dma_start3A_1143 = arith.constant 32 : i32
      %dma_start3A_1144 = tpu.memref_slice %arg11[%mul3A_552, %dma_start3A_1143] : memref<10112x128xf32, #tpu.memory_space<vmem_shared>> -> memref<632x32xf32, #tpu.memory_space<vmem_shared>>
      tpu.enqueue_dma source(%dma_start3A_1144 : memref<632x32xf32, #tpu.memory_space<vmem_shared>>) target(%dma_start3A_1142 : memref<632x32xf32, #tpu.memory_space<hbm>>) target_semaphore(%run_scoped3A_1140 : memref<!tpu.dma_semaphore, #tpu.memory_space<semaphore_mem>>)
      %dma_wait3A_1145 = tpu.memref_slice %arg10[%mul3A_552, %run_scoped3A, %mul3A_556] : memref<10112x3x128xf32, #tpu.memory_space<hbm>> -> memref<632x1x32xf32, #tpu.memory_space<hbm>>
      %dma_wait3A_1146 = tpu.memref_squeeze %dma_wait3A_1145 : memref<632x1x32xf32, #tpu.memory_space<hbm>> -> memref<632x32xf32, #tpu.memory_space<hbm>>
      %dma_wait3A_1147 = arith.constant 32 : i32
      %dma_wait3A_1148 = tpu.memref_slice %arg11[%mul3A_552, %dma_wait3A_1147] : memref<10112x128xf32, #tpu.memory_space<vmem_shared>> -> memref<632x32xf32, #tpu.memory_space<vmem_shared>>
      tpu.wait_dma2 semaphore(%run_scoped3A_1140 : memref<!tpu.dma_semaphore, #tpu.memory_space<semaphore_mem>>) src(%dma_wait3A_1148 : memref<632x32xf32, #tpu.memory_space<vmem_shared>>) dst(%dma_wait3A_1146 : memref<632x32xf32, #tpu.memory_space<hbm>>)
      tpu.yield
    }) : () -> ()
    %mul3A_557 = arith.constant 32 : i32
    %mul3A_558 = arith.muli %add3A_1, %mul3A_557 : i32
    %run_scoped3A_559 = arith.constant 1 : i32
    "tpu.region"() ({
      %run_scoped3A_1140 = tpu.sem_alloc : memref<!tpu.dma_semaphore, #tpu.memory_space<semaphore_mem>>
      %dma_start3A_1141 = tpu.memref_slice %arg10[%mul3A_552, %run_scoped3A_559, %mul3A_558] : memref<10112x3x128xf32, #tpu.memory_space<hbm>> -> memref<632x1x32xf32, #tpu.memory_space<hbm>>
      %dma_start3A_1142 = tpu.memref_squeeze %dma_start3A_1141 : memref<632x1x32xf32, #tpu.memory_space<hbm>> -> memref<632x32xf32, #tpu.memory_space<hbm>>
      %dma_start3A_1143 = arith.constant 64 : i32
      %dma_start3A_1144 = tpu.memref_slice %arg11[%mul3A_552, %dma_start3A_1143] : memref<10112x128xf32, #tpu.memory_space<vmem_shared>> -> memref<632x32xf32, #tpu.memory_space<vmem_shared>>
      tpu.enqueue_dma source(%dma_start3A_1144 : memref<632x32xf32, #tpu.memory_space<vmem_shared>>) target(%dma_start3A_1142 : memref<632x32xf32, #tpu.memory_space<hbm>>) target_semaphore(%run_scoped3A_1140 : memref<!tpu.dma_semaphore, #tpu.memory_space<semaphore_mem>>)
      %dma_wait3A_1145 = tpu.memref_slice %arg10[%mul3A_552, %run_scoped3A_559, %mul3A_558] : memref<10112x3x128xf32, #tpu.memory_space<hbm>> -> memref<632x1x32xf32, #tpu.memory_space<hbm>>
      %dma_wait3A_1146 = tpu.memref_squeeze %dma_wait3A_1145 : memref<632x1x32xf32, #tpu.memory_space<hbm>> -> memref<632x32xf32, #tpu.memory_space<hbm>>
      %dma_wait3A_1147 = arith.constant 64 : i32
      %dma_wait3A_1148 = tpu.memref_slice %arg11[%mul3A_552, %dma_wait3A_1147] : memref<10112x128xf32, #tpu.memory_space<vmem_shared>> -> memref<632x32xf32, #tpu.memory_space<vmem_shared>>
      tpu.wait_dma2 semaphore(%run_scoped3A_1140 : memref<!tpu.dma_semaphore, #tpu.memory_space<semaphore_mem>>) src(%dma_wait3A_1148 : memref<632x32xf32, #tpu.memory_space<vmem_shared>>) dst(%dma_wait3A_1146 : memref<632x32xf32, #tpu.memory_space<hbm>>)
      tpu.yield
    }) : () -> ()
    %mul3A_560 = arith.constant 32 : i32
    %mul3A_561 = arith.muli %add3A_1, %mul3A_560 : i32
    %run_scoped3A_562 = arith.constant 2 : i32
    "tpu.region"() ({
      %run_scoped3A_1140 = tpu.sem_alloc : memref<!tpu.dma_semaphore, #tpu.memory_space<semaphore_mem>>
      %dma_start3A_1141 = tpu.memref_slice %arg10[%mul3A_552, %run_scoped3A_562, %mul3A_561] : memref<10112x3x128xf32, #tpu.memory_space<hbm>> -> memref<632x1x32xf32, #tpu.memory_space<hbm>>
      %dma_start3A_1142 = tpu.memref_squeeze %dma_start3A_1141 : memref<632x1x32xf32, #tpu.memory_space<hbm>> -> memref<632x32xf32, #tpu.memory_space<hbm>>
      %dma_start3A_1143 = arith.constant 96 : i32
      %dma_start3A_1144 = tpu.memref_slice %arg11[%mul3A_552, %dma_start3A_1143] : memref<10112x128xf32, #tpu.memory_space<vmem_shared>> -> memref<632x32xf32, #tpu.memory_space<vmem_shared>>
      tpu.enqueue_dma source(%dma_start3A_1144 : memref<632x32xf32, #tpu.memory_space<vmem_shared>>) target(%dma_start3A_1142 : memref<632x32xf32, #tpu.memory_space<hbm>>) target_semaphore(%run_scoped3A_1140 : memref<!tpu.dma_semaphore, #tpu.memory_space<semaphore_mem>>)
      %dma_wait3A_1145 = tpu.memref_slice %arg10[%mul3A_552, %run_scoped3A_562, %mul3A_561] : memref<10112x3x128xf32, #tpu.memory_space<hbm>> -> memref<632x1x32xf32, #tpu.memory_space<hbm>>
      %dma_wait3A_1146 = tpu.memref_squeeze %dma_wait3A_1145 : memref<632x1x32xf32, #tpu.memory_space<hbm>> -> memref<632x32xf32, #tpu.memory_space<hbm>>
      %dma_wait3A_1147 = arith.constant 96 : i32
      %dma_wait3A_1148 = tpu.memref_slice %arg11[%mul3A_552, %dma_wait3A_1147] : memref<10112x128xf32, #tpu.memory_space<vmem_shared>> -> memref<632x32xf32, #tpu.memory_space<vmem_shared>>
      tpu.wait_dma2 semaphore(%run_scoped3A_1140 : memref<!tpu.dma_semaphore, #tpu.memory_space<semaphore_mem>>) src(%dma_wait3A_1148 : memref<632x32xf32, #tpu.memory_space<vmem_shared>>) dst(%dma_wait3A_1146 : memref<632x32xf32, #tpu.memory_space<hbm>>)
      tpu.yield
    }) : () -> ()
    %mul3A_563 = arith.constant 2 : i32
    %mul3A_564 = arith.muli %arg0, %mul3A_563 : i32
    %add3A_565 = arith.constant 1 : i32
    %add3A_566 = arith.addi %mul3A_564, %add3A_565 : i32
    %mul3A_567 = arith.constant 632 : i32
    %mul3A_568 = arith.muli %arg1, %mul3A_567 : i32
    %mul3A_569 = arith.constant 632 : i32
    %mul3A_570 = arith.muli %arg1, %mul3A_569 : i32
    "tpu.region"() ({
      %run_scoped3A_1140 = tpu.sem_alloc : memref<!tpu.dma_semaphore, #tpu.memory_space<semaphore_mem>>
      %dma_start3A_1141 = arith.constant 0 : i32
      %dma_start3A_1142 = tpu.memref_slice %arg11[%mul3A_570, %dma_start3A_1141] : memref<10112x128xf32, #tpu.memory_space<vmem_shared>> -> memref<632x128xf32, #tpu.memory_space<vmem_shared>>
      %dma_start3A_1143 = arith.constant 0 : i32
      %dma_start3A_1144 = tpu.memref_slice %arg8[%mul3A_568, %dma_start3A_1143] : memref<10112x128xf32, #tpu.memory_space<hbm>> -> memref<632x128xf32, #tpu.memory_space<hbm>>
      tpu.enqueue_dma source(%dma_start3A_1144 : memref<632x128xf32, #tpu.memory_space<hbm>>) target(%dma_start3A_1142 : memref<632x128xf32, #tpu.memory_space<vmem_shared>>) target_semaphore(%run_scoped3A_1140 : memref<!tpu.dma_semaphore, #tpu.memory_space<semaphore_mem>>)
      %dma_wait3A_1145 = arith.constant 0 : i32
      %dma_wait3A_1146 = tpu.memref_slice %arg11[%mul3A_570, %dma_wait3A_1145] : memref<10112x128xf32, #tpu.memory_space<vmem_shared>> -> memref<632x128xf32, #tpu.memory_space<vmem_shared>>
      %dma_wait3A_1147 = arith.constant 0 : i32
      %dma_wait3A_1148 = tpu.memref_slice %arg8[%mul3A_568, %dma_wait3A_1147] : memref<10112x128xf32, #tpu.memory_space<hbm>> -> memref<632x128xf32, #tpu.memory_space<hbm>>
      tpu.wait_dma2 semaphore(%run_scoped3A_1140 : memref<!tpu.dma_semaphore, #tpu.memory_space<semaphore_mem>>) src(%dma_wait3A_1148 : memref<632x128xf32, #tpu.memory_space<hbm>>) dst(%dma_wait3A_1146 : memref<632x128xf32, #tpu.memory_space<vmem_shared>>)
      tpu.yield
    }) : () -> ()
    %barrier3A_571 = arith.constant 0 : index
    tpu.barrier barrier_id(%barrier3A_571)
    %mul3A_572 = arith.constant 0 : i32
    %mul3A_573 = arith.constant 16 : i32
    %mul3A_574 = arith.muli %mul3A_572, %mul3A_573 : i32
    %add3A_575 = arith.addi %mul3A_574, %arg1 : i32
    %jit3A_576 = arith.constant 0 : i32
    %jit3A_577 = arith.constant 2 : i32
    %eq3A_578 = arith.constant 0 : i32
    %eq3A_579 = arith.cmpi eq, %jit3A_577, %eq3A_578 : i32
    %jit3A_580 = arith.constant 1 : i32
    %select_n3A_581 = arith.select %eq3A_579, %jit3A_580, %jit3A_577 : i32
    %rem3A_582 = arith.remsi %jit3A_576, %select_n3A_581 : i32
    %ne3A_583 = arith.constant 0 : i32
    %ne3A_584 = arith.cmpi ne, %rem3A_582, %ne3A_583 : i32
    %lt3A_585 = arith.constant 0 : i32
    %lt3A_586 = arith.cmpi slt, %rem3A_582, %lt3A_585 : i32
    %lt3A_587 = arith.constant 0 : i32
    %lt3A_588 = arith.cmpi slt, %select_n3A_581, %lt3A_587 : i32
    %ne3A_589 = arith.xori %lt3A_586, %lt3A_588 : i1
    %and3A_590 = arith.andi %ne3A_589, %ne3A_584 : i1
    %add3A_591 = arith.addi %rem3A_582, %select_n3A_581 : i32
    %select_n3A_592 = arith.select %and3A_590, %add3A_591, %rem3A_582 : i32
    %dma_start3A_593 = arith.constant 0 : i32
    %dma_start3A_594 = tpu.memref_slice %arg12[%select_n3A_592, %dma_start3A_593] : memref<2x64xi32, #tpu.memory_space<vmem>> -> memref<1x64xi32, #tpu.memory_space<vmem>>
    %dma_start3A_595 = tpu.memref_squeeze %dma_start3A_594 : memref<1x64xi32, #tpu.memory_space<vmem>> -> memref<64xi32, #tpu.memory_space<vmem>>
    %dma_start3A_596 = arith.constant 0 : i32
    %dma_start3A_597 = tpu.memref_slice %arg6[%add3A_566, %add3A_575, %dma_start3A_596] : memref<4x5120x64xi32, #tpu.memory_space<hbm>> -> memref<1x1x64xi32, #tpu.memory_space<hbm>>
    %dma_start3A_598 = tpu.memref_squeeze %dma_start3A_597 : memref<1x1x64xi32, #tpu.memory_space<hbm>> -> memref<64xi32, #tpu.memory_space<hbm>>
    %dma_start3A_599 = arith.constant 0 : i32
    %dma_start3A_600 = tpu.memref_slice %arg12[%select_n3A_592, %dma_start3A_599] : memref<2x64xi32, #tpu.memory_space<vmem>> -> memref<1x64xi32, #tpu.memory_space<vmem>>
    %dma_start3A_601 = tpu.memref_squeeze %dma_start3A_600 : memref<1x64xi32, #tpu.memory_space<vmem>> -> memref<64xi32, #tpu.memory_space<vmem>>
    %dma_start3A_602 = arith.constant 0 : i32
    %dma_start3A_603 = tpu.memref_slice %arg6[%add3A_566, %add3A_575, %dma_start3A_602] : memref<4x5120x64xi32, #tpu.memory_space<hbm>> -> memref<1x1x64xi32, #tpu.memory_space<hbm>>
    %dma_start3A_604 = tpu.memref_squeeze %dma_start3A_603 : memref<1x1x64xi32, #tpu.memory_space<hbm>> -> memref<64xi32, #tpu.memory_space<hbm>>
    tpu.enqueue_dma source(%dma_start3A_604 : memref<64xi32, #tpu.memory_space<hbm>>) target(%dma_start3A_601 : memref<64xi32, #tpu.memory_space<vmem>>) target_semaphore(%arg19 : memref<!tpu.dma_semaphore, #tpu.memory_space<semaphore_mem>>)
    %jit3A_605 = arith.constant 0 : i32
    %jit3A_606 = arith.constant 4 : i32
    %eq3A_607 = arith.constant 0 : i32
    %eq3A_608 = arith.cmpi eq, %jit3A_606, %eq3A_607 : i32
    %jit3A_609 = arith.constant 1 : i32
    %select_n3A_610 = arith.select %eq3A_608, %jit3A_609, %jit3A_606 : i32
    %rem3A_611 = arith.remsi %jit3A_605, %select_n3A_610 : i32
    %ne3A_612 = arith.constant 0 : i32
    %ne3A_613 = arith.cmpi ne, %rem3A_611, %ne3A_612 : i32
    %lt3A_614 = arith.constant 0 : i32
    %lt3A_615 = arith.cmpi slt, %rem3A_611, %lt3A_614 : i32
    %lt3A_616 = arith.constant 0 : i32
    %lt3A_617 = arith.cmpi slt, %select_n3A_610, %lt3A_616 : i32
    %ne3A_618 = arith.xori %lt3A_615, %lt3A_617 : i1
    %and3A_619 = arith.andi %ne3A_618, %ne3A_613 : i1
    %add3A_620 = arith.addi %rem3A_611, %select_n3A_610 : i32
    %select_n3A_621 = arith.select %and3A_619, %add3A_620, %rem3A_611 : i32
    %dma_start3A_622 = arith.constant 0 : i32
    %dma_start3A_623 = tpu.memref_slice %arg13[%select_n3A_621, %dma_start3A_622] : memref<4x64xi32, #tpu.memory_space<vmem>> -> memref<1x64xi32, #tpu.memory_space<vmem>>
    %dma_start3A_624 = tpu.memref_squeeze %dma_start3A_623 : memref<1x64xi32, #tpu.memory_space<vmem>> -> memref<64xi32, #tpu.memory_space<vmem>>
    %dma_start3A_625 = arith.constant 0 : i32
    %dma_start3A_626 = tpu.memref_slice %arg7[%add3A_575, %dma_start3A_625] : memref<5120x64xi32, #tpu.memory_space<hbm>> -> memref<1x64xi32, #tpu.memory_space<hbm>>
    %dma_start3A_627 = tpu.memref_squeeze %dma_start3A_626 : memref<1x64xi32, #tpu.memory_space<hbm>> -> memref<64xi32, #tpu.memory_space<hbm>>
    %dma_start3A_628 = arith.constant 0 : i32
    %dma_start3A_629 = tpu.memref_slice %arg13[%select_n3A_621, %dma_start3A_628] : memref<4x64xi32, #tpu.memory_space<vmem>> -> memref<1x64xi32, #tpu.memory_space<vmem>>
    %dma_start3A_630 = tpu.memref_squeeze %dma_start3A_629 : memref<1x64xi32, #tpu.memory_space<vmem>> -> memref<64xi32, #tpu.memory_space<vmem>>
    %dma_start3A_631 = arith.constant 0 : i32
    %dma_start3A_632 = tpu.memref_slice %arg7[%add3A_575, %dma_start3A_631] : memref<5120x64xi32, #tpu.memory_space<hbm>> -> memref<1x64xi32, #tpu.memory_space<hbm>>
    %dma_start3A_633 = tpu.memref_squeeze %dma_start3A_632 : memref<1x64xi32, #tpu.memory_space<hbm>> -> memref<64xi32, #tpu.memory_space<hbm>>
    tpu.enqueue_dma source(%dma_start3A_633 : memref<64xi32, #tpu.memory_space<hbm>>) target(%dma_start3A_630 : memref<64xi32, #tpu.memory_space<vmem>>) target_semaphore(%arg19 : memref<!tpu.dma_semaphore, #tpu.memory_space<semaphore_mem>>)
    %mul3A_634 = arith.constant 32 : i32
    %mul3A_635 = arith.muli %add3A_575, %mul3A_634 : i32
    %jit3A_636 = arith.constant 0 : i32
    %jit3A_637 = arith.constant 2 : i32
    %eq3A_638 = arith.constant 0 : i32
    %eq3A_639 = arith.cmpi eq, %jit3A_637, %eq3A_638 : i32
    %jit3A_640 = arith.constant 1 : i32
    %select_n3A_641 = arith.select %eq3A_639, %jit3A_640, %jit3A_637 : i32
    %rem3A_642 = arith.remsi %jit3A_636, %select_n3A_641 : i32
    %ne3A_643 = arith.constant 0 : i32
    %ne3A_644 = arith.cmpi ne, %rem3A_642, %ne3A_643 : i32
    %lt3A_645 = arith.constant 0 : i32
    %lt3A_646 = arith.cmpi slt, %rem3A_642, %lt3A_645 : i32
    %lt3A_647 = arith.constant 0 : i32
    %lt3A_648 = arith.cmpi slt, %select_n3A_641, %lt3A_647 : i32
    %ne3A_649 = arith.xori %lt3A_646, %lt3A_648 : i1
    %and3A_650 = arith.andi %ne3A_649, %ne3A_644 : i1
    %add3A_651 = arith.addi %rem3A_642, %select_n3A_641 : i32
    %select_n3A_652 = arith.select %and3A_650, %add3A_651, %rem3A_642 : i32
    %dma_start3A_653 = arith.constant 0 : i32
    %dma_start3A_654 = arith.constant 0 : i32
    %dma_start3A_655 = tpu.memref_slice %arg16[%select_n3A_652, %dma_start3A_653, %dma_start3A_654] : memref<2x32x128xf32, #tpu.memory_space<vmem>> -> memref<1x32x128xf32, #tpu.memory_space<vmem>>
    %dma_start3A_656 = tpu.memref_squeeze %dma_start3A_655 : memref<1x32x128xf32, #tpu.memory_space<vmem>> -> memref<32x128xf32, #tpu.memory_space<vmem>>
    %dma_start3A_657 = arith.constant 0 : i32
    %dma_start3A_658 = tpu.memref_slice %arg4[%add3A_566, %mul3A_635, %dma_start3A_657] : memref<4x163840x128xf32, #tpu.memory_space<hbm>> -> memref<1x32x128xf32, #tpu.memory_space<hbm>>
    %dma_start3A_659 = tpu.memref_squeeze %dma_start3A_658 : memref<1x32x128xf32, #tpu.memory_space<hbm>> -> memref<32x128xf32, #tpu.memory_space<hbm>>
    %dma_start3A_660 = arith.constant 0 : i32
    %dma_start3A_661 = arith.constant 0 : i32
    %dma_start3A_662 = tpu.memref_slice %arg16[%select_n3A_652, %dma_start3A_660, %dma_start3A_661] : memref<2x32x128xf32, #tpu.memory_space<vmem>> -> memref<1x32x128xf32, #tpu.memory_space<vmem>>
    %dma_start3A_663 = tpu.memref_squeeze %dma_start3A_662 : memref<1x32x128xf32, #tpu.memory_space<vmem>> -> memref<32x128xf32, #tpu.memory_space<vmem>>
    %dma_start3A_664 = arith.constant 0 : i32
    %dma_start3A_665 = tpu.memref_slice %arg4[%add3A_566, %mul3A_635, %dma_start3A_664] : memref<4x163840x128xf32, #tpu.memory_space<hbm>> -> memref<1x32x128xf32, #tpu.memory_space<hbm>>
    %dma_start3A_666 = tpu.memref_squeeze %dma_start3A_665 : memref<1x32x128xf32, #tpu.memory_space<hbm>> -> memref<32x128xf32, #tpu.memory_space<hbm>>
    tpu.enqueue_dma source(%dma_start3A_666 : memref<32x128xf32, #tpu.memory_space<hbm>>) target(%dma_start3A_663 : memref<32x128xf32, #tpu.memory_space<vmem>>) target_semaphore(%arg19 : memref<!tpu.dma_semaphore, #tpu.memory_space<semaphore_mem>>)
    %mul3A_667 = arith.constant 64 : i32
    %mul3A_668 = arith.muli %add3A_575, %mul3A_667 : i32
    %mul3A_669 = arith.constant 4 : i32
    %mul3A_670 = arith.muli %mul3A_668, %mul3A_669 : i32
    %jit3A_671 = arith.constant 0 : i32
    %jit3A_672 = arith.constant 2 : i32
    %eq3A_673 = arith.constant 0 : i32
    %eq3A_674 = arith.cmpi eq, %jit3A_672, %eq3A_673 : i32
    %jit3A_675 = arith.constant 1 : i32
    %select_n3A_676 = arith.select %eq3A_674, %jit3A_675, %jit3A_672 : i32
    %rem3A_677 = arith.remsi %jit3A_671, %select_n3A_676 : i32
    %ne3A_678 = arith.constant 0 : i32
    %ne3A_679 = arith.cmpi ne, %rem3A_677, %ne3A_678 : i32
    %lt3A_680 = arith.constant 0 : i32
    %lt3A_681 = arith.cmpi slt, %rem3A_677, %lt3A_680 : i32
    %lt3A_682 = arith.constant 0 : i32
    %lt3A_683 = arith.cmpi slt, %select_n3A_676, %lt3A_682 : i32
    %ne3A_684 = arith.xori %lt3A_681, %lt3A_683 : i1
    %and3A_685 = arith.andi %ne3A_684, %ne3A_679 : i1
    %add3A_686 = arith.addi %rem3A_677, %select_n3A_676 : i32
    %select_n3A_687 = arith.select %and3A_685, %add3A_686, %rem3A_677 : i32
    %dma_start3A_688 = arith.constant 0 : i32
    %dma_start3A_689 = tpu.memref_slice %arg17[%select_n3A_687, %dma_start3A_688] : memref<2x256xf32, #tpu.memory_space<vmem>> -> memref<1x256xf32, #tpu.memory_space<vmem>>
    %dma_start3A_690 = tpu.memref_squeeze %dma_start3A_689 : memref<1x256xf32, #tpu.memory_space<vmem>> -> memref<256xf32, #tpu.memory_space<vmem>>
    %dma_start3A_691 = tpu.memref_slice %arg5[%mul3A_670] : memref<1310720xf32, #tpu.memory_space<hbm>> -> memref<256xf32, #tpu.memory_space<hbm>>
    %dma_start3A_692 = arith.constant 0 : i32
    %dma_start3A_693 = tpu.memref_slice %arg17[%select_n3A_687, %dma_start3A_692] : memref<2x256xf32, #tpu.memory_space<vmem>> -> memref<1x256xf32, #tpu.memory_space<vmem>>
    %dma_start3A_694 = tpu.memref_squeeze %dma_start3A_693 : memref<1x256xf32, #tpu.memory_space<vmem>> -> memref<256xf32, #tpu.memory_space<vmem>>
    %dma_start3A_695 = tpu.memref_slice %arg5[%mul3A_670] : memref<1310720xf32, #tpu.memory_space<hbm>> -> memref<256xf32, #tpu.memory_space<hbm>>
    tpu.enqueue_dma source(%dma_start3A_695 : memref<256xf32, #tpu.memory_space<hbm>>) target(%dma_start3A_694 : memref<256xf32, #tpu.memory_space<vmem>>) target_semaphore(%arg19 : memref<!tpu.dma_semaphore, #tpu.memory_space<semaphore_mem>>)
    %mul3A_696 = arith.constant 1 : i32
    %mul3A_697 = arith.constant 16 : i32
    %mul3A_698 = arith.muli %mul3A_696, %mul3A_697 : i32
    %add3A_699 = arith.addi %mul3A_698, %arg1 : i32
    %jit3A_700 = arith.constant 1 : i32
    %jit3A_701 = arith.constant 2 : i32
    %eq3A_702 = arith.constant 0 : i32
    %eq3A_703 = arith.cmpi eq, %jit3A_701, %eq3A_702 : i32
    %jit3A_704 = arith.constant 1 : i32
    %select_n3A_705 = arith.select %eq3A_703, %jit3A_704, %jit3A_701 : i32
    %rem3A_706 = arith.remsi %jit3A_700, %select_n3A_705 : i32
    %ne3A_707 = arith.constant 0 : i32
    %ne3A_708 = arith.cmpi ne, %rem3A_706, %ne3A_707 : i32
    %lt3A_709 = arith.constant 0 : i32
    %lt3A_710 = arith.cmpi slt, %rem3A_706, %lt3A_709 : i32
    %lt3A_711 = arith.constant 0 : i32
    %lt3A_712 = arith.cmpi slt, %select_n3A_705, %lt3A_711 : i32
    %ne3A_713 = arith.xori %lt3A_710, %lt3A_712 : i1
    %and3A_714 = arith.andi %ne3A_713, %ne3A_708 : i1
    %add3A_715 = arith.addi %rem3A_706, %select_n3A_705 : i32
    %select_n3A_716 = arith.select %and3A_714, %add3A_715, %rem3A_706 : i32
    %dma_start3A_717 = arith.constant 0 : i32
    %dma_start3A_718 = tpu.memref_slice %arg12[%select_n3A_716, %dma_start3A_717] : memref<2x64xi32, #tpu.memory_space<vmem>> -> memref<1x64xi32, #tpu.memory_space<vmem>>
    %dma_start3A_719 = tpu.memref_squeeze %dma_start3A_718 : memref<1x64xi32, #tpu.memory_space<vmem>> -> memref<64xi32, #tpu.memory_space<vmem>>
    %dma_start3A_720 = arith.constant 0 : i32
    %dma_start3A_721 = tpu.memref_slice %arg6[%add3A_566, %add3A_699, %dma_start3A_720] : memref<4x5120x64xi32, #tpu.memory_space<hbm>> -> memref<1x1x64xi32, #tpu.memory_space<hbm>>
    %dma_start3A_722 = tpu.memref_squeeze %dma_start3A_721 : memref<1x1x64xi32, #tpu.memory_space<hbm>> -> memref<64xi32, #tpu.memory_space<hbm>>
    %dma_start3A_723 = arith.constant 0 : i32
    %dma_start3A_724 = tpu.memref_slice %arg12[%select_n3A_716, %dma_start3A_723] : memref<2x64xi32, #tpu.memory_space<vmem>> -> memref<1x64xi32, #tpu.memory_space<vmem>>
    %dma_start3A_725 = tpu.memref_squeeze %dma_start3A_724 : memref<1x64xi32, #tpu.memory_space<vmem>> -> memref<64xi32, #tpu.memory_space<vmem>>
    %dma_start3A_726 = arith.constant 0 : i32
    %dma_start3A_727 = tpu.memref_slice %arg6[%add3A_566, %add3A_699, %dma_start3A_726] : memref<4x5120x64xi32, #tpu.memory_space<hbm>> -> memref<1x1x64xi32, #tpu.memory_space<hbm>>
    %dma_start3A_728 = tpu.memref_squeeze %dma_start3A_727 : memref<1x1x64xi32, #tpu.memory_space<hbm>> -> memref<64xi32, #tpu.memory_space<hbm>>
    tpu.enqueue_dma source(%dma_start3A_728 : memref<64xi32, #tpu.memory_space<hbm>>) target(%dma_start3A_725 : memref<64xi32, #tpu.memory_space<vmem>>) target_semaphore(%arg19 : memref<!tpu.dma_semaphore, #tpu.memory_space<semaphore_mem>>)
    %jit3A_729 = arith.constant 1 : i32
    %jit3A_730 = arith.constant 4 : i32
    %eq3A_731 = arith.constant 0 : i32
    %eq3A_732 = arith.cmpi eq, %jit3A_730, %eq3A_731 : i32
    %jit3A_733 = arith.constant 1 : i32
    %select_n3A_734 = arith.select %eq3A_732, %jit3A_733, %jit3A_730 : i32
    %rem3A_735 = arith.remsi %jit3A_729, %select_n3A_734 : i32
    %ne3A_736 = arith.constant 0 : i32
    %ne3A_737 = arith.cmpi ne, %rem3A_735, %ne3A_736 : i32
    %lt3A_738 = arith.constant 0 : i32
    %lt3A_739 = arith.cmpi slt, %rem3A_735, %lt3A_738 : i32
    %lt3A_740 = arith.constant 0 : i32
    %lt3A_741 = arith.cmpi slt, %select_n3A_734, %lt3A_740 : i32
    %ne3A_742 = arith.xori %lt3A_739, %lt3A_741 : i1
    %and3A_743 = arith.andi %ne3A_742, %ne3A_737 : i1
    %add3A_744 = arith.addi %rem3A_735, %select_n3A_734 : i32
    %select_n3A_745 = arith.select %and3A_743, %add3A_744, %rem3A_735 : i32
    %dma_start3A_746 = arith.constant 0 : i32
    %dma_start3A_747 = tpu.memref_slice %arg13[%select_n3A_745, %dma_start3A_746] : memref<4x64xi32, #tpu.memory_space<vmem>> -> memref<1x64xi32, #tpu.memory_space<vmem>>
    %dma_start3A_748 = tpu.memref_squeeze %dma_start3A_747 : memref<1x64xi32, #tpu.memory_space<vmem>> -> memref<64xi32, #tpu.memory_space<vmem>>
    %dma_start3A_749 = arith.constant 0 : i32
    %dma_start3A_750 = tpu.memref_slice %arg7[%add3A_699, %dma_start3A_749] : memref<5120x64xi32, #tpu.memory_space<hbm>> -> memref<1x64xi32, #tpu.memory_space<hbm>>
    %dma_start3A_751 = tpu.memref_squeeze %dma_start3A_750 : memref<1x64xi32, #tpu.memory_space<hbm>> -> memref<64xi32, #tpu.memory_space<hbm>>
    %dma_start3A_752 = arith.constant 0 : i32
    %dma_start3A_753 = tpu.memref_slice %arg13[%select_n3A_745, %dma_start3A_752] : memref<4x64xi32, #tpu.memory_space<vmem>> -> memref<1x64xi32, #tpu.memory_space<vmem>>
    %dma_start3A_754 = tpu.memref_squeeze %dma_start3A_753 : memref<1x64xi32, #tpu.memory_space<vmem>> -> memref<64xi32, #tpu.memory_space<vmem>>
    %dma_start3A_755 = arith.constant 0 : i32
    %dma_start3A_756 = tpu.memref_slice %arg7[%add3A_699, %dma_start3A_755] : memref<5120x64xi32, #tpu.memory_space<hbm>> -> memref<1x64xi32, #tpu.memory_space<hbm>>
    %dma_start3A_757 = tpu.memref_squeeze %dma_start3A_756 : memref<1x64xi32, #tpu.memory_space<hbm>> -> memref<64xi32, #tpu.memory_space<hbm>>
    tpu.enqueue_dma source(%dma_start3A_757 : memref<64xi32, #tpu.memory_space<hbm>>) target(%dma_start3A_754 : memref<64xi32, #tpu.memory_space<vmem>>) target_semaphore(%arg19 : memref<!tpu.dma_semaphore, #tpu.memory_space<semaphore_mem>>)
    %mul3A_758 = arith.constant 32 : i32
    %mul3A_759 = arith.muli %add3A_699, %mul3A_758 : i32
    %jit3A_760 = arith.constant 1 : i32
    %jit3A_761 = arith.constant 2 : i32
    %eq3A_762 = arith.constant 0 : i32
    %eq3A_763 = arith.cmpi eq, %jit3A_761, %eq3A_762 : i32
    %jit3A_764 = arith.constant 1 : i32
    %select_n3A_765 = arith.select %eq3A_763, %jit3A_764, %jit3A_761 : i32
    %rem3A_766 = arith.remsi %jit3A_760, %select_n3A_765 : i32
    %ne3A_767 = arith.constant 0 : i32
    %ne3A_768 = arith.cmpi ne, %rem3A_766, %ne3A_767 : i32
    %lt3A_769 = arith.constant 0 : i32
    %lt3A_770 = arith.cmpi slt, %rem3A_766, %lt3A_769 : i32
    %lt3A_771 = arith.constant 0 : i32
    %lt3A_772 = arith.cmpi slt, %select_n3A_765, %lt3A_771 : i32
    %ne3A_773 = arith.xori %lt3A_770, %lt3A_772 : i1
    %and3A_774 = arith.andi %ne3A_773, %ne3A_768 : i1
    %add3A_775 = arith.addi %rem3A_766, %select_n3A_765 : i32
    %select_n3A_776 = arith.select %and3A_774, %add3A_775, %rem3A_766 : i32
    %dma_start3A_777 = arith.constant 0 : i32
    %dma_start3A_778 = arith.constant 0 : i32
    %dma_start3A_779 = tpu.memref_slice %arg16[%select_n3A_776, %dma_start3A_777, %dma_start3A_778] : memref<2x32x128xf32, #tpu.memory_space<vmem>> -> memref<1x32x128xf32, #tpu.memory_space<vmem>>
    %dma_start3A_780 = tpu.memref_squeeze %dma_start3A_779 : memref<1x32x128xf32, #tpu.memory_space<vmem>> -> memref<32x128xf32, #tpu.memory_space<vmem>>
    %dma_start3A_781 = arith.constant 0 : i32
    %dma_start3A_782 = tpu.memref_slice %arg4[%add3A_566, %mul3A_759, %dma_start3A_781] : memref<4x163840x128xf32, #tpu.memory_space<hbm>> -> memref<1x32x128xf32, #tpu.memory_space<hbm>>
    %dma_start3A_783 = tpu.memref_squeeze %dma_start3A_782 : memref<1x32x128xf32, #tpu.memory_space<hbm>> -> memref<32x128xf32, #tpu.memory_space<hbm>>
    %dma_start3A_784 = arith.constant 0 : i32
    %dma_start3A_785 = arith.constant 0 : i32
    %dma_start3A_786 = tpu.memref_slice %arg16[%select_n3A_776, %dma_start3A_784, %dma_start3A_785] : memref<2x32x128xf32, #tpu.memory_space<vmem>> -> memref<1x32x128xf32, #tpu.memory_space<vmem>>
    %dma_start3A_787 = tpu.memref_squeeze %dma_start3A_786 : memref<1x32x128xf32, #tpu.memory_space<vmem>> -> memref<32x128xf32, #tpu.memory_space<vmem>>
    %dma_start3A_788 = arith.constant 0 : i32
    %dma_start3A_789 = tpu.memref_slice %arg4[%add3A_566, %mul3A_759, %dma_start3A_788] : memref<4x163840x128xf32, #tpu.memory_space<hbm>> -> memref<1x32x128xf32, #tpu.memory_space<hbm>>
    %dma_start3A_790 = tpu.memref_squeeze %dma_start3A_789 : memref<1x32x128xf32, #tpu.memory_space<hbm>> -> memref<32x128xf32, #tpu.memory_space<hbm>>
    tpu.enqueue_dma source(%dma_start3A_790 : memref<32x128xf32, #tpu.memory_space<hbm>>) target(%dma_start3A_787 : memref<32x128xf32, #tpu.memory_space<vmem>>) target_semaphore(%arg19 : memref<!tpu.dma_semaphore, #tpu.memory_space<semaphore_mem>>)
    %mul3A_791 = arith.constant 64 : i32
    %mul3A_792 = arith.muli %add3A_699, %mul3A_791 : i32
    %mul3A_793 = arith.constant 4 : i32
    %mul3A_794 = arith.muli %mul3A_792, %mul3A_793 : i32
    %jit3A_795 = arith.constant 1 : i32
    %jit3A_796 = arith.constant 2 : i32
    %eq3A_797 = arith.constant 0 : i32
    %eq3A_798 = arith.cmpi eq, %jit3A_796, %eq3A_797 : i32
    %jit3A_799 = arith.constant 1 : i32
    %select_n3A_800 = arith.select %eq3A_798, %jit3A_799, %jit3A_796 : i32
    %rem3A_801 = arith.remsi %jit3A_795, %select_n3A_800 : i32
    %ne3A_802 = arith.constant 0 : i32
    %ne3A_803 = arith.cmpi ne, %rem3A_801, %ne3A_802 : i32
    %lt3A_804 = arith.constant 0 : i32
    %lt3A_805 = arith.cmpi slt, %rem3A_801, %lt3A_804 : i32
    %lt3A_806 = arith.constant 0 : i32
    %lt3A_807 = arith.cmpi slt, %select_n3A_800, %lt3A_806 : i32
    %ne3A_808 = arith.xori %lt3A_805, %lt3A_807 : i1
    %and3A_809 = arith.andi %ne3A_808, %ne3A_803 : i1
    %add3A_810 = arith.addi %rem3A_801, %select_n3A_800 : i32
    %select_n3A_811 = arith.select %and3A_809, %add3A_810, %rem3A_801 : i32
    %dma_start3A_812 = arith.constant 0 : i32
    %dma_start3A_813 = tpu.memref_slice %arg17[%select_n3A_811, %dma_start3A_812] : memref<2x256xf32, #tpu.memory_space<vmem>> -> memref<1x256xf32, #tpu.memory_space<vmem>>
    %dma_start3A_814 = tpu.memref_squeeze %dma_start3A_813 : memref<1x256xf32, #tpu.memory_space<vmem>> -> memref<256xf32, #tpu.memory_space<vmem>>
    %dma_start3A_815 = tpu.memref_slice %arg5[%mul3A_794] : memref<1310720xf32, #tpu.memory_space<hbm>> -> memref<256xf32, #tpu.memory_space<hbm>>
    %dma_start3A_816 = arith.constant 0 : i32
    %dma_start3A_817 = tpu.memref_slice %arg17[%select_n3A_811, %dma_start3A_816] : memref<2x256xf32, #tpu.memory_space<vmem>> -> memref<1x256xf32, #tpu.memory_space<vmem>>
    %dma_start3A_818 = tpu.memref_squeeze %dma_start3A_817 : memref<1x256xf32, #tpu.memory_space<vmem>> -> memref<256xf32, #tpu.memory_space<vmem>>
    %dma_start3A_819 = tpu.memref_slice %arg5[%mul3A_794] : memref<1310720xf32, #tpu.memory_space<hbm>> -> memref<256xf32, #tpu.memory_space<hbm>>
    tpu.enqueue_dma source(%dma_start3A_819 : memref<256xf32, #tpu.memory_space<hbm>>) target(%dma_start3A_818 : memref<256xf32, #tpu.memory_space<vmem>>) target_semaphore(%arg19 : memref<!tpu.dma_semaphore, #tpu.memory_space<semaphore_mem>>)
    %mul3A_820 = arith.constant 0 : i32
    %mul3A_821 = arith.constant 16 : i32
    %mul3A_822 = arith.muli %mul3A_820, %mul3A_821 : i32
    %add3A_823 = arith.addi %mul3A_822, %arg1 : i32
    %jit3A_824 = arith.constant 0 : i32
    %jit3A_825 = arith.constant 2 : i32
    %eq3A_826 = arith.constant 0 : i32
    %eq3A_827 = arith.cmpi eq, %jit3A_825, %eq3A_826 : i32
    %jit3A_828 = arith.constant 1 : i32
    %select_n3A_829 = arith.select %eq3A_827, %jit3A_828, %jit3A_825 : i32
    %rem3A_830 = arith.remsi %jit3A_824, %select_n3A_829 : i32
    %ne3A_831 = arith.constant 0 : i32
    %ne3A_832 = arith.cmpi ne, %rem3A_830, %ne3A_831 : i32
    %lt3A_833 = arith.constant 0 : i32
    %lt3A_834 = arith.cmpi slt, %rem3A_830, %lt3A_833 : i32
    %lt3A_835 = arith.constant 0 : i32
    %lt3A_836 = arith.cmpi slt, %select_n3A_829, %lt3A_835 : i32
    %ne3A_837 = arith.xori %lt3A_834, %lt3A_836 : i1
    %and3A_838 = arith.andi %ne3A_837, %ne3A_832 : i1
    %add3A_839 = arith.addi %rem3A_830, %select_n3A_829 : i32
    %select_n3A_840 = arith.select %and3A_838, %add3A_839, %rem3A_830 : i32
    %dma_wait3A_841 = arith.constant 0 : i32
    %dma_wait3A_842 = tpu.memref_slice %arg12[%select_n3A_840, %dma_wait3A_841] : memref<2x64xi32, #tpu.memory_space<vmem>> -> memref<1x64xi32, #tpu.memory_space<vmem>>
    %dma_wait3A_843 = tpu.memref_squeeze %dma_wait3A_842 : memref<1x64xi32, #tpu.memory_space<vmem>> -> memref<64xi32, #tpu.memory_space<vmem>>
    %dma_wait3A_844 = arith.constant 0 : i32
    %dma_wait3A_845 = tpu.memref_slice %arg6[%add3A_566, %add3A_823, %dma_wait3A_844] : memref<4x5120x64xi32, #tpu.memory_space<hbm>> -> memref<1x1x64xi32, #tpu.memory_space<hbm>>
    %dma_wait3A_846 = tpu.memref_squeeze %dma_wait3A_845 : memref<1x1x64xi32, #tpu.memory_space<hbm>> -> memref<64xi32, #tpu.memory_space<hbm>>
    %dma_wait3A_847 = arith.constant 0 : i32
    %dma_wait3A_848 = tpu.memref_slice %arg12[%select_n3A_840, %dma_wait3A_847] : memref<2x64xi32, #tpu.memory_space<vmem>> -> memref<1x64xi32, #tpu.memory_space<vmem>>
    %dma_wait3A_849 = tpu.memref_squeeze %dma_wait3A_848 : memref<1x64xi32, #tpu.memory_space<vmem>> -> memref<64xi32, #tpu.memory_space<vmem>>
    %dma_wait3A_850 = arith.constant 0 : i32
    %dma_wait3A_851 = tpu.memref_slice %arg6[%add3A_566, %add3A_823, %dma_wait3A_850] : memref<4x5120x64xi32, #tpu.memory_space<hbm>> -> memref<1x1x64xi32, #tpu.memory_space<hbm>>
    %dma_wait3A_852 = tpu.memref_squeeze %dma_wait3A_851 : memref<1x1x64xi32, #tpu.memory_space<hbm>> -> memref<64xi32, #tpu.memory_space<hbm>>
    tpu.wait_dma2 semaphore(%arg19 : memref<!tpu.dma_semaphore, #tpu.memory_space<semaphore_mem>>) src(%dma_wait3A_852 : memref<64xi32, #tpu.memory_space<hbm>>) dst(%dma_wait3A_849 : memref<64xi32, #tpu.memory_space<vmem>>)
    %jit3A_853 = arith.constant 0 : i32
    %jit3A_854 = arith.constant 4 : i32
    %eq3A_855 = arith.constant 0 : i32
    %eq3A_856 = arith.cmpi eq, %jit3A_854, %eq3A_855 : i32
    %jit3A_857 = arith.constant 1 : i32
    %select_n3A_858 = arith.select %eq3A_856, %jit3A_857, %jit3A_854 : i32
    %rem3A_859 = arith.remsi %jit3A_853, %select_n3A_858 : i32
    %ne3A_860 = arith.constant 0 : i32
    %ne3A_861 = arith.cmpi ne, %rem3A_859, %ne3A_860 : i32
    %lt3A_862 = arith.constant 0 : i32
    %lt3A_863 = arith.cmpi slt, %rem3A_859, %lt3A_862 : i32
    %lt3A_864 = arith.constant 0 : i32
    %lt3A_865 = arith.cmpi slt, %select_n3A_858, %lt3A_864 : i32
    %ne3A_866 = arith.xori %lt3A_863, %lt3A_865 : i1
    %and3A_867 = arith.andi %ne3A_866, %ne3A_861 : i1
    %add3A_868 = arith.addi %rem3A_859, %select_n3A_858 : i32
    %select_n3A_869 = arith.select %and3A_867, %add3A_868, %rem3A_859 : i32
    %dma_wait3A_870 = arith.constant 0 : i32
    %dma_wait3A_871 = tpu.memref_slice %arg13[%select_n3A_869, %dma_wait3A_870] : memref<4x64xi32, #tpu.memory_space<vmem>> -> memref<1x64xi32, #tpu.memory_space<vmem>>
    %dma_wait3A_872 = tpu.memref_squeeze %dma_wait3A_871 : memref<1x64xi32, #tpu.memory_space<vmem>> -> memref<64xi32, #tpu.memory_space<vmem>>
    %dma_wait3A_873 = arith.constant 0 : i32
    %dma_wait3A_874 = tpu.memref_slice %arg7[%add3A_823, %dma_wait3A_873] : memref<5120x64xi32, #tpu.memory_space<hbm>> -> memref<1x64xi32, #tpu.memory_space<hbm>>
    %dma_wait3A_875 = tpu.memref_squeeze %dma_wait3A_874 : memref<1x64xi32, #tpu.memory_space<hbm>> -> memref<64xi32, #tpu.memory_space<hbm>>
    %dma_wait3A_876 = arith.constant 0 : i32
    %dma_wait3A_877 = tpu.memref_slice %arg13[%select_n3A_869, %dma_wait3A_876] : memref<4x64xi32, #tpu.memory_space<vmem>> -> memref<1x64xi32, #tpu.memory_space<vmem>>
    %dma_wait3A_878 = tpu.memref_squeeze %dma_wait3A_877 : memref<1x64xi32, #tpu.memory_space<vmem>> -> memref<64xi32, #tpu.memory_space<vmem>>
    %dma_wait3A_879 = arith.constant 0 : i32
    %dma_wait3A_880 = tpu.memref_slice %arg7[%add3A_823, %dma_wait3A_879] : memref<5120x64xi32, #tpu.memory_space<hbm>> -> memref<1x64xi32, #tpu.memory_space<hbm>>
    %dma_wait3A_881 = tpu.memref_squeeze %dma_wait3A_880 : memref<1x64xi32, #tpu.memory_space<hbm>> -> memref<64xi32, #tpu.memory_space<hbm>>
    tpu.wait_dma2 semaphore(%arg19 : memref<!tpu.dma_semaphore, #tpu.memory_space<semaphore_mem>>) src(%dma_wait3A_881 : memref<64xi32, #tpu.memory_space<hbm>>) dst(%dma_wait3A_878 : memref<64xi32, #tpu.memory_space<vmem>>)
    %mul3A_882 = arith.constant 32 : i32
    %mul3A_883 = arith.muli %add3A_823, %mul3A_882 : i32
    %jit3A_884 = arith.constant 0 : i32
    %jit3A_885 = arith.constant 2 : i32
    %eq3A_886 = arith.constant 0 : i32
    %eq3A_887 = arith.cmpi eq, %jit3A_885, %eq3A_886 : i32
    %jit3A_888 = arith.constant 1 : i32
    %select_n3A_889 = arith.select %eq3A_887, %jit3A_888, %jit3A_885 : i32
    %rem3A_890 = arith.remsi %jit3A_884, %select_n3A_889 : i32
    %ne3A_891 = arith.constant 0 : i32
    %ne3A_892 = arith.cmpi ne, %rem3A_890, %ne3A_891 : i32
    %lt3A_893 = arith.constant 0 : i32
    %lt3A_894 = arith.cmpi slt, %rem3A_890, %lt3A_893 : i32
    %lt3A_895 = arith.constant 0 : i32
    %lt3A_896 = arith.cmpi slt, %select_n3A_889, %lt3A_895 : i32
    %ne3A_897 = arith.xori %lt3A_894, %lt3A_896 : i1
    %and3A_898 = arith.andi %ne3A_897, %ne3A_892 : i1
    %add3A_899 = arith.addi %rem3A_890, %select_n3A_889 : i32
    %select_n3A_900 = arith.select %and3A_898, %add3A_899, %rem3A_890 : i32
    %dma_wait3A_901 = arith.constant 0 : i32
    %dma_wait3A_902 = arith.constant 0 : i32
    %dma_wait3A_903 = tpu.memref_slice %arg16[%select_n3A_900, %dma_wait3A_901, %dma_wait3A_902] : memref<2x32x128xf32, #tpu.memory_space<vmem>> -> memref<1x32x128xf32, #tpu.memory_space<vmem>>
    %dma_wait3A_904 = tpu.memref_squeeze %dma_wait3A_903 : memref<1x32x128xf32, #tpu.memory_space<vmem>> -> memref<32x128xf32, #tpu.memory_space<vmem>>
    %dma_wait3A_905 = arith.constant 0 : i32
    %dma_wait3A_906 = tpu.memref_slice %arg4[%add3A_566, %mul3A_883, %dma_wait3A_905] : memref<4x163840x128xf32, #tpu.memory_space<hbm>> -> memref<1x32x128xf32, #tpu.memory_space<hbm>>
    %dma_wait3A_907 = tpu.memref_squeeze %dma_wait3A_906 : memref<1x32x128xf32, #tpu.memory_space<hbm>> -> memref<32x128xf32, #tpu.memory_space<hbm>>
    %dma_wait3A_908 = arith.constant 0 : i32
    %dma_wait3A_909 = arith.constant 0 : i32
    %dma_wait3A_910 = tpu.memref_slice %arg16[%select_n3A_900, %dma_wait3A_908, %dma_wait3A_909] : memref<2x32x128xf32, #tpu.memory_space<vmem>> -> memref<1x32x128xf32, #tpu.memory_space<vmem>>
    %dma_wait3A_911 = tpu.memref_squeeze %dma_wait3A_910 : memref<1x32x128xf32, #tpu.memory_space<vmem>> -> memref<32x128xf32, #tpu.memory_space<vmem>>
    %dma_wait3A_912 = arith.constant 0 : i32
    %dma_wait3A_913 = tpu.memref_slice %arg4[%add3A_566, %mul3A_883, %dma_wait3A_912] : memref<4x163840x128xf32, #tpu.memory_space<hbm>> -> memref<1x32x128xf32, #tpu.memory_space<hbm>>
    %dma_wait3A_914 = tpu.memref_squeeze %dma_wait3A_913 : memref<1x32x128xf32, #tpu.memory_space<hbm>> -> memref<32x128xf32, #tpu.memory_space<hbm>>
    tpu.wait_dma2 semaphore(%arg19 : memref<!tpu.dma_semaphore, #tpu.memory_space<semaphore_mem>>) src(%dma_wait3A_914 : memref<32x128xf32, #tpu.memory_space<hbm>>) dst(%dma_wait3A_911 : memref<32x128xf32, #tpu.memory_space<vmem>>)
    %mul3A_915 = arith.constant 64 : i32
    %mul3A_916 = arith.muli %add3A_823, %mul3A_915 : i32
    %mul3A_917 = arith.constant 4 : i32
    %mul3A_918 = arith.muli %mul3A_916, %mul3A_917 : i32
    %jit3A_919 = arith.constant 0 : i32
    %jit3A_920 = arith.constant 2 : i32
    %eq3A_921 = arith.constant 0 : i32
    %eq3A_922 = arith.cmpi eq, %jit3A_920, %eq3A_921 : i32
    %jit3A_923 = arith.constant 1 : i32
    %select_n3A_924 = arith.select %eq3A_922, %jit3A_923, %jit3A_920 : i32
    %rem3A_925 = arith.remsi %jit3A_919, %select_n3A_924 : i32
    %ne3A_926 = arith.constant 0 : i32
    %ne3A_927 = arith.cmpi ne, %rem3A_925, %ne3A_926 : i32
    %lt3A_928 = arith.constant 0 : i32
    %lt3A_929 = arith.cmpi slt, %rem3A_925, %lt3A_928 : i32
    %lt3A_930 = arith.constant 0 : i32
    %lt3A_931 = arith.cmpi slt, %select_n3A_924, %lt3A_930 : i32
    %ne3A_932 = arith.xori %lt3A_929, %lt3A_931 : i1
    %and3A_933 = arith.andi %ne3A_932, %ne3A_927 : i1
    %add3A_934 = arith.addi %rem3A_925, %select_n3A_924 : i32
    %select_n3A_935 = arith.select %and3A_933, %add3A_934, %rem3A_925 : i32
    %dma_wait3A_936 = arith.constant 0 : i32
    %dma_wait3A_937 = tpu.memref_slice %arg17[%select_n3A_935, %dma_wait3A_936] : memref<2x256xf32, #tpu.memory_space<vmem>> -> memref<1x256xf32, #tpu.memory_space<vmem>>
    %dma_wait3A_938 = tpu.memref_squeeze %dma_wait3A_937 : memref<1x256xf32, #tpu.memory_space<vmem>> -> memref<256xf32, #tpu.memory_space<vmem>>
    %dma_wait3A_939 = tpu.memref_slice %arg5[%mul3A_918] : memref<1310720xf32, #tpu.memory_space<hbm>> -> memref<256xf32, #tpu.memory_space<hbm>>
    %dma_wait3A_940 = arith.constant 0 : i32
    %dma_wait3A_941 = tpu.memref_slice %arg17[%select_n3A_935, %dma_wait3A_940] : memref<2x256xf32, #tpu.memory_space<vmem>> -> memref<1x256xf32, #tpu.memory_space<vmem>>
    %dma_wait3A_942 = tpu.memref_squeeze %dma_wait3A_941 : memref<1x256xf32, #tpu.memory_space<vmem>> -> memref<256xf32, #tpu.memory_space<vmem>>
    %dma_wait3A_943 = tpu.memref_slice %arg5[%mul3A_918] : memref<1310720xf32, #tpu.memory_space<hbm>> -> memref<256xf32, #tpu.memory_space<hbm>>
    tpu.wait_dma2 semaphore(%arg19 : memref<!tpu.dma_semaphore, #tpu.memory_space<semaphore_mem>>) src(%dma_wait3A_943 : memref<256xf32, #tpu.memory_space<hbm>>) dst(%dma_wait3A_942 : memref<256xf32, #tpu.memory_space<vmem>>)
    %jit3A_944 = arith.constant 0 : i32
    %jit3A_945 = arith.constant 2 : i32
    %eq3A_946 = arith.constant 0 : i32
    %eq3A_947 = arith.cmpi eq, %jit3A_945, %eq3A_946 : i32
    %jit3A_948 = arith.constant 1 : i32
    %select_n3A_949 = arith.select %eq3A_947, %jit3A_948, %jit3A_945 : i32
    %rem3A_950 = arith.remsi %jit3A_944, %select_n3A_949 : i32
    %ne3A_951 = arith.constant 0 : i32
    %ne3A_952 = arith.cmpi ne, %rem3A_950, %ne3A_951 : i32
    %lt3A_953 = arith.constant 0 : i32
    %lt3A_954 = arith.cmpi slt, %rem3A_950, %lt3A_953 : i32
    %lt3A_955 = arith.constant 0 : i32
    %lt3A_956 = arith.cmpi slt, %select_n3A_949, %lt3A_955 : i32
    %ne3A_957 = arith.xori %lt3A_954, %lt3A_956 : i1
    %and3A_958 = arith.andi %ne3A_957, %ne3A_952 : i1
    %add3A_959 = arith.addi %rem3A_950, %select_n3A_949 : i32
    %select_n3A_960 = arith.select %and3A_958, %add3A_959, %rem3A_950 : i32
    %jit3A_961 = arith.constant 0 : i32
    %jit3A_962 = arith.constant 2 : i32
    %eq3A_963 = arith.constant 0 : i32
    %eq3A_964 = arith.cmpi eq, %jit3A_962, %eq3A_963 : i32
    %jit3A_965 = arith.constant 1 : i32
    %select_n3A_966 = arith.select %eq3A_964, %jit3A_965, %jit3A_962 : i32
    %rem3A_967 = arith.remsi %jit3A_961, %select_n3A_966 : i32
    %ne3A_968 = arith.constant 0 : i32
    %ne3A_969 = arith.cmpi ne, %rem3A_967, %ne3A_968 : i32
    %lt3A_970 = arith.constant 0 : i32
    %lt3A_971 = arith.cmpi slt, %rem3A_967, %lt3A_970 : i32
    %lt3A_972 = arith.constant 0 : i32
    %lt3A_973 = arith.cmpi slt, %select_n3A_966, %lt3A_972 : i32
    %ne3A_974 = arith.xori %lt3A_971, %lt3A_973 : i1
    %and3A_975 = arith.andi %ne3A_974, %ne3A_969 : i1
    %add3A_976 = arith.addi %rem3A_967, %select_n3A_966 : i32
    %select_n3A_977 = arith.select %and3A_975, %add3A_976, %rem3A_967 : i32
    %dma_start3A_978 = arith.constant 0 : i32
    %dma_start3A_979 = arith.constant 0 : i32
    %dma_start3A_980 = tpu.memref_slice %arg14[%select_n3A_977, %dma_start3A_978, %dma_start3A_979] : memref<2x64x64xf32, #tpu.memory_space<vmem>> -> memref<1x64x64xf32, #tpu.memory_space<vmem>>
    %dma_start3A_981 = tpu.memref_squeeze %dma_start3A_980 : memref<1x64x64xf32, #tpu.memory_space<vmem>> -> memref<64x64xf32, #tpu.memory_space<vmem>>
    %dma_start3A_982 = arith.constant 0 : i32
    %dma_start3A_983 = tpu.memref_slice %arg12[%select_n3A_960, %dma_start3A_982] : memref<2x64xi32, #tpu.memory_space<vmem>> -> memref<1x64xi32, #tpu.memory_space<vmem>>
    %dma_start3A_984 = tpu.memref_squeeze %dma_start3A_983 : memref<1x64xi32, #tpu.memory_space<vmem>> -> memref<64xi32, #tpu.memory_space<vmem>>
    %dma_start3A_985 = arith.constant 0 : i32
    %dma_start3A_986 = arith.constant 0 : i32
    %dma_start3A_987 = tpu.memref_slice %arg2[%dma_start3A_985, %dma_start3A_986] : memref<40960x64xf32, #tpu.memory_space<hbm>> -> memref<40960x64xf32, #tpu.memory_space<hbm>>
    tpu.enqueue_indirect_dma source(%dma_start3A_987 : memref<40960x64xf32, #tpu.memory_space<hbm>>) target(%dma_start3A_981 : memref<64x64xf32, #tpu.memory_space<vmem>>) offsets(%dma_start3A_984 : memref<64xi32, #tpu.memory_space<vmem>>) semaphore(%arg20 : memref<!tpu.dma_semaphore, #tpu.memory_space<semaphore_mem>>)
    %jit3A_988 = arith.constant 0 : i32
    %jit3A_989 = arith.constant 2 : i32
    %eq3A_990 = arith.constant 0 : i32
    %eq3A_991 = arith.cmpi eq, %jit3A_989, %eq3A_990 : i32
    %jit3A_992 = arith.constant 1 : i32
    %select_n3A_993 = arith.select %eq3A_991, %jit3A_992, %jit3A_989 : i32
    %rem3A_994 = arith.remsi %jit3A_988, %select_n3A_993 : i32
    %ne3A_995 = arith.constant 0 : i32
    %ne3A_996 = arith.cmpi ne, %rem3A_994, %ne3A_995 : i32
    %lt3A_997 = arith.constant 0 : i32
    %lt3A_998 = arith.cmpi slt, %rem3A_994, %lt3A_997 : i32
    %lt3A_999 = arith.constant 0 : i32
    %lt3A_1000 = arith.cmpi slt, %select_n3A_993, %lt3A_999 : i32
    %ne3A_1001 = arith.xori %lt3A_998, %lt3A_1000 : i1
    %and3A_1002 = arith.andi %ne3A_1001, %ne3A_996 : i1
    %add3A_1003 = arith.addi %rem3A_994, %select_n3A_993 : i32
    %select_n3A_1004 = arith.select %and3A_1002, %add3A_1003, %rem3A_994 : i32
    %jit3A_1005 = arith.constant 0 : i32
    %jit3A_1006 = arith.constant 2 : i32
    %eq3A_1007 = arith.constant 0 : i32
    %eq3A_1008 = arith.cmpi eq, %jit3A_1006, %eq3A_1007 : i32
    %jit3A_1009 = arith.constant 1 : i32
    %select_n3A_1010 = arith.select %eq3A_1008, %jit3A_1009, %jit3A_1006 : i32
    %rem3A_1011 = arith.remsi %jit3A_1005, %select_n3A_1010 : i32
    %ne3A_1012 = arith.constant 0 : i32
    %ne3A_1013 = arith.cmpi ne, %rem3A_1011, %ne3A_1012 : i32
    %lt3A_1014 = arith.constant 0 : i32
    %lt3A_1015 = arith.cmpi slt, %rem3A_1011, %lt3A_1014 : i32
    %lt3A_1016 = arith.constant 0 : i32
    %lt3A_1017 = arith.cmpi slt, %select_n3A_1010, %lt3A_1016 : i32
    %ne3A_1018 = arith.xori %lt3A_1015, %lt3A_1017 : i1
    %and3A_1019 = arith.andi %ne3A_1018, %ne3A_1013 : i1
    %add3A_1020 = arith.addi %rem3A_1011, %select_n3A_1010 : i32
    %select_n3A_1021 = arith.select %and3A_1019, %add3A_1020, %rem3A_1011 : i32
    %dma_start3A_1022 = arith.constant 0 : i32
    %dma_start3A_1023 = arith.constant 0 : i32
    %dma_start3A_1024 = tpu.memref_slice %arg15[%select_n3A_1021, %dma_start3A_1022, %dma_start3A_1023] : memref<2x64x96xf32, #tpu.memory_space<vmem>> -> memref<1x64x96xf32, #tpu.memory_space<vmem>>
    %dma_start3A_1025 = tpu.memref_squeeze %dma_start3A_1024 : memref<1x64x96xf32, #tpu.memory_space<vmem>> -> memref<64x96xf32, #tpu.memory_space<vmem>>
    %dma_start3A_1026 = arith.constant 0 : i32
    %dma_start3A_1027 = tpu.memref_slice %arg12[%select_n3A_1004, %dma_start3A_1026] : memref<2x64xi32, #tpu.memory_space<vmem>> -> memref<1x64xi32, #tpu.memory_space<vmem>>
    %dma_start3A_1028 = tpu.memref_squeeze %dma_start3A_1027 : memref<1x64xi32, #tpu.memory_space<vmem>> -> memref<64xi32, #tpu.memory_space<vmem>>
    %dma_start3A_1029 = arith.constant 0 : i32
    %dma_start3A_1030 = arith.constant 0 : i32
    %dma_start3A_1031 = tpu.memref_slice %arg3[%dma_start3A_1029, %dma_start3A_1030] : memref<40960x96xf32, #tpu.memory_space<hbm>> -> memref<40960x96xf32, #tpu.memory_space<hbm>>
    tpu.enqueue_indirect_dma source(%dma_start3A_1031 : memref<40960x96xf32, #tpu.memory_space<hbm>>) target(%dma_start3A_1025 : memref<64x96xf32, #tpu.memory_space<vmem>>) offsets(%dma_start3A_1028 : memref<64xi32, #tpu.memory_space<vmem>>) semaphore(%arg20 : memref<!tpu.dma_semaphore, #tpu.memory_space<semaphore_mem>>)
    %scan3A_1032 = arith.constant 0 : i32
    %scan3A_1033 = arith.constant 0 : i32
    %scan3A_1034 = arith.constant 320 : i32
    %scan3A_1035 = arith.addi %scan3A_1033, %scan3A_1034 : i32
    %scan3A_1036 = arith.constant 1 : i32
    scf.for %scan3A_1140 = %scan3A_1033 to %scan3A_1035 step %scan3A_1036  : i32 {
      %jit3A_1141 = arith.constant 2 : i32
      %eq3A_1142 = arith.constant 0 : i32
      %eq3A_1143 = arith.cmpi eq, %jit3A_1141, %eq3A_1142 : i32
      %jit3A_1144 = arith.constant 1 : i32
      %select_n3A_1145 = arith.select %eq3A_1143, %jit3A_1144, %jit3A_1141 : i32
      %rem3A_1146 = arith.remsi %scan3A_1140, %select_n3A_1145 : i32
      %ne3A_1147 = arith.constant 0 : i32
      %ne3A_1148 = arith.cmpi ne, %rem3A_1146, %ne3A_1147 : i32
      %lt3A_1149 = arith.constant 0 : i32
      %lt3A_1150 = arith.cmpi slt, %rem3A_1146, %lt3A_1149 : i32
      %lt3A_1151 = arith.constant 0 : i32
      %lt3A_1152 = arith.cmpi slt, %select_n3A_1145, %lt3A_1151 : i32
      %ne3A_1153 = arith.xori %lt3A_1150, %lt3A_1152 : i1
      %and3A_1154 = arith.andi %ne3A_1153, %ne3A_1148 : i1
      %add3A_1155 = arith.addi %rem3A_1146, %select_n3A_1145 : i32
      %select_n3A_1156 = arith.select %and3A_1154, %add3A_1155, %rem3A_1146 : i32
      %jit3A_1157 = arith.constant 2 : i32
      %eq3A_1158 = arith.constant 0 : i32
      %eq3A_1159 = arith.cmpi eq, %jit3A_1157, %eq3A_1158 : i32
      %jit3A_1160 = arith.constant 1 : i32
      %select_n3A_1161 = arith.select %eq3A_1159, %jit3A_1160, %jit3A_1157 : i32
      %rem3A_1162 = arith.remsi %scan3A_1140, %select_n3A_1161 : i32
      %ne3A_1163 = arith.constant 0 : i32
      %ne3A_1164 = arith.cmpi ne, %rem3A_1162, %ne3A_1163 : i32
      %lt3A_1165 = arith.constant 0 : i32
      %lt3A_1166 = arith.cmpi slt, %rem3A_1162, %lt3A_1165 : i32
      %lt3A_1167 = arith.constant 0 : i32
      %lt3A_1168 = arith.cmpi slt, %select_n3A_1161, %lt3A_1167 : i32
      %ne3A_1169 = arith.xori %lt3A_1166, %lt3A_1168 : i1
      %and3A_1170 = arith.andi %ne3A_1169, %ne3A_1164 : i1
      %add3A_1171 = arith.addi %rem3A_1162, %select_n3A_1161 : i32
      %select_n3A_1172 = arith.select %and3A_1170, %add3A_1171, %rem3A_1162 : i32
      %jit3A_1173 = arith.constant 2 : i32
      %eq3A_1174 = arith.constant 0 : i32
      %eq3A_1175 = arith.cmpi eq, %jit3A_1173, %eq3A_1174 : i32
      %jit3A_1176 = arith.constant 1 : i32
      %select_n3A_1177 = arith.select %eq3A_1175, %jit3A_1176, %jit3A_1173 : i32
      %rem3A_1178 = arith.remsi %scan3A_1140, %select_n3A_1177 : i32
      %ne3A_1179 = arith.constant 0 : i32
      %ne3A_1180 = arith.cmpi ne, %rem3A_1178, %ne3A_1179 : i32
      %lt3A_1181 = arith.constant 0 : i32
      %lt3A_1182 = arith.cmpi slt, %rem3A_1178, %lt3A_1181 : i32
      %lt3A_1183 = arith.constant 0 : i32
      %lt3A_1184 = arith.cmpi slt, %select_n3A_1177, %lt3A_1183 : i32
      %ne3A_1185 = arith.xori %lt3A_1182, %lt3A_1184 : i1
      %and3A_1186 = arith.andi %ne3A_1185, %ne3A_1180 : i1
      %add3A_1187 = arith.addi %rem3A_1178, %select_n3A_1177 : i32
      %select_n3A_1188 = arith.select %and3A_1186, %add3A_1187, %rem3A_1178 : i32
      %dma_wait3A_1189 = arith.constant 0 : i32
      %dma_wait3A_1190 = arith.constant 0 : i32
      %dma_wait3A_1191 = tpu.memref_slice %arg14[%select_n3A_1188, %dma_wait3A_1189, %dma_wait3A_1190] : memref<2x64x64xf32, #tpu.memory_space<vmem>> -> memref<1x64x64xf32, #tpu.memory_space<vmem>>
      %dma_wait3A_1192 = tpu.memref_squeeze %dma_wait3A_1191 : memref<1x64x64xf32, #tpu.memory_space<vmem>> -> memref<64x64xf32, #tpu.memory_space<vmem>>
      %dma_wait3A_1193 = arith.constant 0 : i32
      %dma_wait3A_1194 = tpu.memref_slice %arg12[%select_n3A_1172, %dma_wait3A_1193] : memref<2x64xi32, #tpu.memory_space<vmem>> -> memref<1x64xi32, #tpu.memory_space<vmem>>
      %dma_wait3A_1195 = tpu.memref_squeeze %dma_wait3A_1194 : memref<1x64xi32, #tpu.memory_space<vmem>> -> memref<64xi32, #tpu.memory_space<vmem>>
      %dma_wait3A_1196 = arith.constant 0 : i32
      %dma_wait3A_1197 = arith.constant 0 : i32
      %dma_wait3A_1198 = tpu.memref_slice %arg2[%dma_wait3A_1196, %dma_wait3A_1197] : memref<40960x64xf32, #tpu.memory_space<hbm>> -> memref<40960x64xf32, #tpu.memory_space<hbm>>
      tpu.wait_indirect_dma semaphore(%arg20 : memref<!tpu.dma_semaphore, #tpu.memory_space<semaphore_mem>>) src(%dma_wait3A_1198 : memref<40960x64xf32, #tpu.memory_space<hbm>>) dst(%dma_wait3A_1192 : memref<64x64xf32, #tpu.memory_space<vmem>>)
      %jit3A_1199 = arith.constant 2 : i32
      %eq3A_1200 = arith.constant 0 : i32
      %eq3A_1201 = arith.cmpi eq, %jit3A_1199, %eq3A_1200 : i32
      %jit3A_1202 = arith.constant 1 : i32
      %select_n3A_1203 = arith.select %eq3A_1201, %jit3A_1202, %jit3A_1199 : i32
      %rem3A_1204 = arith.remsi %scan3A_1140, %select_n3A_1203 : i32
      %ne3A_1205 = arith.constant 0 : i32
      %ne3A_1206 = arith.cmpi ne, %rem3A_1204, %ne3A_1205 : i32
      %lt3A_1207 = arith.constant 0 : i32
      %lt3A_1208 = arith.cmpi slt, %rem3A_1204, %lt3A_1207 : i32
      %lt3A_1209 = arith.constant 0 : i32
      %lt3A_1210 = arith.cmpi slt, %select_n3A_1203, %lt3A_1209 : i32
      %ne3A_1211 = arith.xori %lt3A_1208, %lt3A_1210 : i1
      %and3A_1212 = arith.andi %ne3A_1211, %ne3A_1206 : i1
      %add3A_1213 = arith.addi %rem3A_1204, %select_n3A_1203 : i32
      %select_n3A_1214 = arith.select %and3A_1212, %add3A_1213, %rem3A_1204 : i32
      %jit3A_1215 = arith.constant 2 : i32
      %eq3A_1216 = arith.constant 0 : i32
      %eq3A_1217 = arith.cmpi eq, %jit3A_1215, %eq3A_1216 : i32
      %jit3A_1218 = arith.constant 1 : i32
      %select_n3A_1219 = arith.select %eq3A_1217, %jit3A_1218, %jit3A_1215 : i32
      %rem3A_1220 = arith.remsi %scan3A_1140, %select_n3A_1219 : i32
      %ne3A_1221 = arith.constant 0 : i32
      %ne3A_1222 = arith.cmpi ne, %rem3A_1220, %ne3A_1221 : i32
      %lt3A_1223 = arith.constant 0 : i32
      %lt3A_1224 = arith.cmpi slt, %rem3A_1220, %lt3A_1223 : i32
      %lt3A_1225 = arith.constant 0 : i32
      %lt3A_1226 = arith.cmpi slt, %select_n3A_1219, %lt3A_1225 : i32
      %ne3A_1227 = arith.xori %lt3A_1224, %lt3A_1226 : i1
      %and3A_1228 = arith.andi %ne3A_1227, %ne3A_1222 : i1
      %add3A_1229 = arith.addi %rem3A_1220, %select_n3A_1219 : i32
      %select_n3A_1230 = arith.select %and3A_1228, %add3A_1229, %rem3A_1220 : i32
      %dma_wait3A_1231 = arith.constant 0 : i32
      %dma_wait3A_1232 = arith.constant 0 : i32
      %dma_wait3A_1233 = tpu.memref_slice %arg15[%select_n3A_1230, %dma_wait3A_1231, %dma_wait3A_1232] : memref<2x64x96xf32, #tpu.memory_space<vmem>> -> memref<1x64x96xf32, #tpu.memory_space<vmem>>
      %dma_wait3A_1234 = tpu.memref_squeeze %dma_wait3A_1233 : memref<1x64x96xf32, #tpu.memory_space<vmem>> -> memref<64x96xf32, #tpu.memory_space<vmem>>
      %dma_wait3A_1235 = arith.constant 0 : i32
      %dma_wait3A_1236 = tpu.memref_slice %arg12[%select_n3A_1214, %dma_wait3A_1235] : memref<2x64xi32, #tpu.memory_space<vmem>> -> memref<1x64xi32, #tpu.memory_space<vmem>>
      %dma_wait3A_1237 = tpu.memref_squeeze %dma_wait3A_1236 : memref<1x64xi32, #tpu.memory_space<vmem>> -> memref<64xi32, #tpu.memory_space<vmem>>
      %dma_wait3A_1238 = arith.constant 0 : i32
      %dma_wait3A_1239 = arith.constant 0 : i32
      %dma_wait3A_1240 = tpu.memref_slice %arg3[%dma_wait3A_1238, %dma_wait3A_1239] : memref<40960x96xf32, #tpu.memory_space<hbm>> -> memref<40960x96xf32, #tpu.memory_space<hbm>>
      tpu.wait_indirect_dma semaphore(%arg20 : memref<!tpu.dma_semaphore, #tpu.memory_space<semaphore_mem>>) src(%dma_wait3A_1240 : memref<40960x96xf32, #tpu.memory_space<hbm>>) dst(%dma_wait3A_1234 : memref<64x96xf32, #tpu.memory_space<vmem>>)
      %ge3A = arith.constant 2 : i32
      %ge3A_1241 = arith.cmpi sge, %scan3A_1140, %ge3A : i32
      %convert_element_type3A = arith.extui %ge3A_1241 : i1 to i32
      %cond3A = arith.constant 0 : i32
      %cond3A_1242 = arith.cmpi ne, %convert_element_type3A, %cond3A : i32
      scf.if %cond3A_1242 {
        %sub3A = arith.constant 2 : i32
        %sub3A_1284 = arith.subi %scan3A_1140, %sub3A : i32
        %jit3A_1285 = arith.constant 2 : i32
        %eq3A_1286 = arith.constant 0 : i32
        %eq3A_1287 = arith.cmpi eq, %jit3A_1285, %eq3A_1286 : i32
        %jit3A_1288 = arith.constant 1 : i32
        %select_n3A_1289 = arith.select %eq3A_1287, %jit3A_1288, %jit3A_1285 : i32
        %rem3A_1290 = arith.remsi %sub3A_1284, %select_n3A_1289 : i32
        %ne3A_1291 = arith.constant 0 : i32
        %ne3A_1292 = arith.cmpi ne, %rem3A_1290, %ne3A_1291 : i32
        %lt3A_1293 = arith.constant 0 : i32
        %lt3A_1294 = arith.cmpi slt, %rem3A_1290, %lt3A_1293 : i32
        %lt3A_1295 = arith.constant 0 : i32
        %lt3A_1296 = arith.cmpi slt, %select_n3A_1289, %lt3A_1295 : i32
        %ne3A_1297 = arith.xori %lt3A_1294, %lt3A_1296 : i1
        %and3A_1298 = arith.andi %ne3A_1297, %ne3A_1292 : i1
        %add3A_1299 = arith.addi %rem3A_1290, %select_n3A_1289 : i32
        %select_n3A_1300 = arith.select %and3A_1298, %add3A_1299, %rem3A_1290 : i32
        %jit3A_1301 = arith.constant 4 : i32
        %eq3A_1302 = arith.constant 0 : i32
        %eq3A_1303 = arith.cmpi eq, %jit3A_1301, %eq3A_1302 : i32
        %jit3A_1304 = arith.constant 1 : i32
        %select_n3A_1305 = arith.select %eq3A_1303, %jit3A_1304, %jit3A_1301 : i32
        %rem3A_1306 = arith.remsi %sub3A_1284, %select_n3A_1305 : i32
        %ne3A_1307 = arith.constant 0 : i32
        %ne3A_1308 = arith.cmpi ne, %rem3A_1306, %ne3A_1307 : i32
        %lt3A_1309 = arith.constant 0 : i32
        %lt3A_1310 = arith.cmpi slt, %rem3A_1306, %lt3A_1309 : i32
        %lt3A_1311 = arith.constant 0 : i32
        %lt3A_1312 = arith.cmpi slt, %select_n3A_1305, %lt3A_1311 : i32
        %ne3A_1313 = arith.xori %lt3A_1310, %lt3A_1312 : i1
        %and3A_1314 = arith.andi %ne3A_1313, %ne3A_1308 : i1
        %add3A_1315 = arith.addi %rem3A_1306, %select_n3A_1305 : i32
        %select_n3A_1316 = arith.select %and3A_1314, %add3A_1315, %rem3A_1306 : i32
        %dma_wait3A_1317 = arith.constant 0 : i32
        %dma_wait3A_1318 = arith.constant 0 : i32
        %dma_wait3A_1319 = tpu.memref_slice %arg18[%select_n3A_1300, %dma_wait3A_1317, %dma_wait3A_1318] : memref<2x64x128xf32, #tpu.memory_space<vmem>> -> memref<1x64x128xf32, #tpu.memory_space<vmem>>
        %dma_wait3A_1320 = tpu.memref_squeeze %dma_wait3A_1319 : memref<1x64x128xf32, #tpu.memory_space<vmem>> -> memref<64x128xf32, #tpu.memory_space<vmem>>
        %dma_wait3A_1321 = arith.constant 0 : i32
        %dma_wait3A_1322 = tpu.memref_slice %arg13[%select_n3A_1316, %dma_wait3A_1321] : memref<4x64xi32, #tpu.memory_space<vmem>> -> memref<1x64xi32, #tpu.memory_space<vmem>>
        %dma_wait3A_1323 = tpu.memref_squeeze %dma_wait3A_1322 : memref<1x64xi32, #tpu.memory_space<vmem>> -> memref<64xi32, #tpu.memory_space<vmem>>
        %dma_wait3A_1324 = arith.constant 0 : i32
        %dma_wait3A_1325 = arith.constant 0 : i32
        %dma_wait3A_1326 = tpu.memref_slice %arg11[%dma_wait3A_1324, %dma_wait3A_1325] : memref<10112x128xf32, #tpu.memory_space<vmem_shared>> -> memref<10112x128xf32, #tpu.memory_space<vmem_shared>>
        tpu.wait_indirect_dma semaphore(%arg21 : memref<!tpu.dma_semaphore, #tpu.memory_space<semaphore_mem>>) src(%dma_wait3A_1320 : memref<64x128xf32, #tpu.memory_space<vmem>>) dst(%dma_wait3A_1326 : memref<10112x128xf32, #tpu.memory_space<vmem_shared>>)
      } else {
      }
      %le3A = arith.constant 318 : i32
      %le3A_1243 = arith.cmpi sle, %scan3A_1140, %le3A : i32
      %convert_element_type3A_1244 = arith.extui %le3A_1243 : i1 to i32
      %cond3A_1245 = arith.constant 0 : i32
      %cond3A_1246 = arith.cmpi ne, %convert_element_type3A_1244, %cond3A_1245 : i32
      scf.if %cond3A_1246 {
        %add3A_1284 = arith.constant 1 : i32
        %add3A_1285 = arith.addi %scan3A_1140, %add3A_1284 : i32
        %mul3A_1286 = arith.constant 16 : i32
        %mul3A_1287 = arith.muli %add3A_1285, %mul3A_1286 : i32
        %add3A_1288 = arith.addi %mul3A_1287, %arg1 : i32
        %jit3A_1289 = arith.constant 2 : i32
        %eq3A_1290 = arith.constant 0 : i32
        %eq3A_1291 = arith.cmpi eq, %jit3A_1289, %eq3A_1290 : i32
        %jit3A_1292 = arith.constant 1 : i32
        %select_n3A_1293 = arith.select %eq3A_1291, %jit3A_1292, %jit3A_1289 : i32
        %rem3A_1294 = arith.remsi %add3A_1285, %select_n3A_1293 : i32
        %ne3A_1295 = arith.constant 0 : i32
        %ne3A_1296 = arith.cmpi ne, %rem3A_1294, %ne3A_1295 : i32
        %lt3A_1297 = arith.constant 0 : i32
        %lt3A_1298 = arith.cmpi slt, %rem3A_1294, %lt3A_1297 : i32
        %lt3A_1299 = arith.constant 0 : i32
        %lt3A_1300 = arith.cmpi slt, %select_n3A_1293, %lt3A_1299 : i32
        %ne3A_1301 = arith.xori %lt3A_1298, %lt3A_1300 : i1
        %and3A_1302 = arith.andi %ne3A_1301, %ne3A_1296 : i1
        %add3A_1303 = arith.addi %rem3A_1294, %select_n3A_1293 : i32
        %select_n3A_1304 = arith.select %and3A_1302, %add3A_1303, %rem3A_1294 : i32
        %dma_wait3A_1305 = arith.constant 0 : i32
        %dma_wait3A_1306 = tpu.memref_slice %arg12[%select_n3A_1304, %dma_wait3A_1305] : memref<2x64xi32, #tpu.memory_space<vmem>> -> memref<1x64xi32, #tpu.memory_space<vmem>>
        %dma_wait3A_1307 = tpu.memref_squeeze %dma_wait3A_1306 : memref<1x64xi32, #tpu.memory_space<vmem>> -> memref<64xi32, #tpu.memory_space<vmem>>
        %dma_wait3A_1308 = arith.constant 0 : i32
        %dma_wait3A_1309 = tpu.memref_slice %arg6[%add3A_566, %add3A_1288, %dma_wait3A_1308] : memref<4x5120x64xi32, #tpu.memory_space<hbm>> -> memref<1x1x64xi32, #tpu.memory_space<hbm>>
        %dma_wait3A_1310 = tpu.memref_squeeze %dma_wait3A_1309 : memref<1x1x64xi32, #tpu.memory_space<hbm>> -> memref<64xi32, #tpu.memory_space<hbm>>
        %dma_wait3A_1311 = arith.constant 0 : i32
        %dma_wait3A_1312 = tpu.memref_slice %arg12[%select_n3A_1304, %dma_wait3A_1311] : memref<2x64xi32, #tpu.memory_space<vmem>> -> memref<1x64xi32, #tpu.memory_space<vmem>>
        %dma_wait3A_1313 = tpu.memref_squeeze %dma_wait3A_1312 : memref<1x64xi32, #tpu.memory_space<vmem>> -> memref<64xi32, #tpu.memory_space<vmem>>
        %dma_wait3A_1314 = arith.constant 0 : i32
        %dma_wait3A_1315 = tpu.memref_slice %arg6[%add3A_566, %add3A_1288, %dma_wait3A_1314] : memref<4x5120x64xi32, #tpu.memory_space<hbm>> -> memref<1x1x64xi32, #tpu.memory_space<hbm>>
        %dma_wait3A_1316 = tpu.memref_squeeze %dma_wait3A_1315 : memref<1x1x64xi32, #tpu.memory_space<hbm>> -> memref<64xi32, #tpu.memory_space<hbm>>
        tpu.wait_dma2 semaphore(%arg19 : memref<!tpu.dma_semaphore, #tpu.memory_space<semaphore_mem>>) src(%dma_wait3A_1316 : memref<64xi32, #tpu.memory_space<hbm>>) dst(%dma_wait3A_1313 : memref<64xi32, #tpu.memory_space<vmem>>)
        %jit3A_1317 = arith.constant 4 : i32
        %eq3A_1318 = arith.constant 0 : i32
        %eq3A_1319 = arith.cmpi eq, %jit3A_1317, %eq3A_1318 : i32
        %jit3A_1320 = arith.constant 1 : i32
        %select_n3A_1321 = arith.select %eq3A_1319, %jit3A_1320, %jit3A_1317 : i32
        %rem3A_1322 = arith.remsi %add3A_1285, %select_n3A_1321 : i32
        %ne3A_1323 = arith.constant 0 : i32
        %ne3A_1324 = arith.cmpi ne, %rem3A_1322, %ne3A_1323 : i32
        %lt3A_1325 = arith.constant 0 : i32
        %lt3A_1326 = arith.cmpi slt, %rem3A_1322, %lt3A_1325 : i32
        %lt3A_1327 = arith.constant 0 : i32
        %lt3A_1328 = arith.cmpi slt, %select_n3A_1321, %lt3A_1327 : i32
        %ne3A_1329 = arith.xori %lt3A_1326, %lt3A_1328 : i1
        %and3A_1330 = arith.andi %ne3A_1329, %ne3A_1324 : i1
        %add3A_1331 = arith.addi %rem3A_1322, %select_n3A_1321 : i32
        %select_n3A_1332 = arith.select %and3A_1330, %add3A_1331, %rem3A_1322 : i32
        %dma_wait3A_1333 = arith.constant 0 : i32
        %dma_wait3A_1334 = tpu.memref_slice %arg13[%select_n3A_1332, %dma_wait3A_1333] : memref<4x64xi32, #tpu.memory_space<vmem>> -> memref<1x64xi32, #tpu.memory_space<vmem>>
        %dma_wait3A_1335 = tpu.memref_squeeze %dma_wait3A_1334 : memref<1x64xi32, #tpu.memory_space<vmem>> -> memref<64xi32, #tpu.memory_space<vmem>>
        %dma_wait3A_1336 = arith.constant 0 : i32
        %dma_wait3A_1337 = tpu.memref_slice %arg7[%add3A_1288, %dma_wait3A_1336] : memref<5120x64xi32, #tpu.memory_space<hbm>> -> memref<1x64xi32, #tpu.memory_space<hbm>>
        %dma_wait3A_1338 = tpu.memref_squeeze %dma_wait3A_1337 : memref<1x64xi32, #tpu.memory_space<hbm>> -> memref<64xi32, #tpu.memory_space<hbm>>
        %dma_wait3A_1339 = arith.constant 0 : i32
        %dma_wait3A_1340 = tpu.memref_slice %arg13[%select_n3A_1332, %dma_wait3A_1339] : memref<4x64xi32, #tpu.memory_space<vmem>> -> memref<1x64xi32, #tpu.memory_space<vmem>>
        %dma_wait3A_1341 = tpu.memref_squeeze %dma_wait3A_1340 : memref<1x64xi32, #tpu.memory_space<vmem>> -> memref<64xi32, #tpu.memory_space<vmem>>
        %dma_wait3A_1342 = arith.constant 0 : i32
        %dma_wait3A_1343 = tpu.memref_slice %arg7[%add3A_1288, %dma_wait3A_1342] : memref<5120x64xi32, #tpu.memory_space<hbm>> -> memref<1x64xi32, #tpu.memory_space<hbm>>
        %dma_wait3A_1344 = tpu.memref_squeeze %dma_wait3A_1343 : memref<1x64xi32, #tpu.memory_space<hbm>> -> memref<64xi32, #tpu.memory_space<hbm>>
        tpu.wait_dma2 semaphore(%arg19 : memref<!tpu.dma_semaphore, #tpu.memory_space<semaphore_mem>>) src(%dma_wait3A_1344 : memref<64xi32, #tpu.memory_space<hbm>>) dst(%dma_wait3A_1341 : memref<64xi32, #tpu.memory_space<vmem>>)
        %mul3A_1345 = arith.constant 32 : i32
        %mul3A_1346 = arith.muli %add3A_1288, %mul3A_1345 : i32
        %jit3A_1347 = arith.constant 2 : i32
        %eq3A_1348 = arith.constant 0 : i32
        %eq3A_1349 = arith.cmpi eq, %jit3A_1347, %eq3A_1348 : i32
        %jit3A_1350 = arith.constant 1 : i32
        %select_n3A_1351 = arith.select %eq3A_1349, %jit3A_1350, %jit3A_1347 : i32
        %rem3A_1352 = arith.remsi %add3A_1285, %select_n3A_1351 : i32
        %ne3A_1353 = arith.constant 0 : i32
        %ne3A_1354 = arith.cmpi ne, %rem3A_1352, %ne3A_1353 : i32
        %lt3A_1355 = arith.constant 0 : i32
        %lt3A_1356 = arith.cmpi slt, %rem3A_1352, %lt3A_1355 : i32
        %lt3A_1357 = arith.constant 0 : i32
        %lt3A_1358 = arith.cmpi slt, %select_n3A_1351, %lt3A_1357 : i32
        %ne3A_1359 = arith.xori %lt3A_1356, %lt3A_1358 : i1
        %and3A_1360 = arith.andi %ne3A_1359, %ne3A_1354 : i1
        %add3A_1361 = arith.addi %rem3A_1352, %select_n3A_1351 : i32
        %select_n3A_1362 = arith.select %and3A_1360, %add3A_1361, %rem3A_1352 : i32
        %dma_wait3A_1363 = arith.constant 0 : i32
        %dma_wait3A_1364 = arith.constant 0 : i32
        %dma_wait3A_1365 = tpu.memref_slice %arg16[%select_n3A_1362, %dma_wait3A_1363, %dma_wait3A_1364] : memref<2x32x128xf32, #tpu.memory_space<vmem>> -> memref<1x32x128xf32, #tpu.memory_space<vmem>>
        %dma_wait3A_1366 = tpu.memref_squeeze %dma_wait3A_1365 : memref<1x32x128xf32, #tpu.memory_space<vmem>> -> memref<32x128xf32, #tpu.memory_space<vmem>>
        %dma_wait3A_1367 = arith.constant 0 : i32
        %dma_wait3A_1368 = tpu.memref_slice %arg4[%add3A_566, %mul3A_1346, %dma_wait3A_1367] : memref<4x163840x128xf32, #tpu.memory_space<hbm>> -> memref<1x32x128xf32, #tpu.memory_space<hbm>>
        %dma_wait3A_1369 = tpu.memref_squeeze %dma_wait3A_1368 : memref<1x32x128xf32, #tpu.memory_space<hbm>> -> memref<32x128xf32, #tpu.memory_space<hbm>>
        %dma_wait3A_1370 = arith.constant 0 : i32
        %dma_wait3A_1371 = arith.constant 0 : i32
        %dma_wait3A_1372 = tpu.memref_slice %arg16[%select_n3A_1362, %dma_wait3A_1370, %dma_wait3A_1371] : memref<2x32x128xf32, #tpu.memory_space<vmem>> -> memref<1x32x128xf32, #tpu.memory_space<vmem>>
        %dma_wait3A_1373 = tpu.memref_squeeze %dma_wait3A_1372 : memref<1x32x128xf32, #tpu.memory_space<vmem>> -> memref<32x128xf32, #tpu.memory_space<vmem>>
        %dma_wait3A_1374 = arith.constant 0 : i32
        %dma_wait3A_1375 = tpu.memref_slice %arg4[%add3A_566, %mul3A_1346, %dma_wait3A_1374] : memref<4x163840x128xf32, #tpu.memory_space<hbm>> -> memref<1x32x128xf32, #tpu.memory_space<hbm>>
        %dma_wait3A_1376 = tpu.memref_squeeze %dma_wait3A_1375 : memref<1x32x128xf32, #tpu.memory_space<hbm>> -> memref<32x128xf32, #tpu.memory_space<hbm>>
        tpu.wait_dma2 semaphore(%arg19 : memref<!tpu.dma_semaphore, #tpu.memory_space<semaphore_mem>>) src(%dma_wait3A_1376 : memref<32x128xf32, #tpu.memory_space<hbm>>) dst(%dma_wait3A_1373 : memref<32x128xf32, #tpu.memory_space<vmem>>)
        %mul3A_1377 = arith.constant 64 : i32
        %mul3A_1378 = arith.muli %add3A_1288, %mul3A_1377 : i32
        %mul3A_1379 = arith.constant 4 : i32
        %mul3A_1380 = arith.muli %mul3A_1378, %mul3A_1379 : i32
        %jit3A_1381 = arith.constant 2 : i32
        %eq3A_1382 = arith.constant 0 : i32
        %eq3A_1383 = arith.cmpi eq, %jit3A_1381, %eq3A_1382 : i32
        %jit3A_1384 = arith.constant 1 : i32
        %select_n3A_1385 = arith.select %eq3A_1383, %jit3A_1384, %jit3A_1381 : i32
        %rem3A_1386 = arith.remsi %add3A_1285, %select_n3A_1385 : i32
        %ne3A_1387 = arith.constant 0 : i32
        %ne3A_1388 = arith.cmpi ne, %rem3A_1386, %ne3A_1387 : i32
        %lt3A_1389 = arith.constant 0 : i32
        %lt3A_1390 = arith.cmpi slt, %rem3A_1386, %lt3A_1389 : i32
        %lt3A_1391 = arith.constant 0 : i32
        %lt3A_1392 = arith.cmpi slt, %select_n3A_1385, %lt3A_1391 : i32
        %ne3A_1393 = arith.xori %lt3A_1390, %lt3A_1392 : i1
        %and3A_1394 = arith.andi %ne3A_1393, %ne3A_1388 : i1
        %add3A_1395 = arith.addi %rem3A_1386, %select_n3A_1385 : i32
        %select_n3A_1396 = arith.select %and3A_1394, %add3A_1395, %rem3A_1386 : i32
        %dma_wait3A_1397 = arith.constant 0 : i32
        %dma_wait3A_1398 = tpu.memref_slice %arg17[%select_n3A_1396, %dma_wait3A_1397] : memref<2x256xf32, #tpu.memory_space<vmem>> -> memref<1x256xf32, #tpu.memory_space<vmem>>
        %dma_wait3A_1399 = tpu.memref_squeeze %dma_wait3A_1398 : memref<1x256xf32, #tpu.memory_space<vmem>> -> memref<256xf32, #tpu.memory_space<vmem>>
        %dma_wait3A_1400 = tpu.memref_slice %arg5[%mul3A_1380] : memref<1310720xf32, #tpu.memory_space<hbm>> -> memref<256xf32, #tpu.memory_space<hbm>>
        %dma_wait3A_1401 = arith.constant 0 : i32
        %dma_wait3A_1402 = tpu.memref_slice %arg17[%select_n3A_1396, %dma_wait3A_1401] : memref<2x256xf32, #tpu.memory_space<vmem>> -> memref<1x256xf32, #tpu.memory_space<vmem>>
        %dma_wait3A_1403 = tpu.memref_squeeze %dma_wait3A_1402 : memref<1x256xf32, #tpu.memory_space<vmem>> -> memref<256xf32, #tpu.memory_space<vmem>>
        %dma_wait3A_1404 = tpu.memref_slice %arg5[%mul3A_1380] : memref<1310720xf32, #tpu.memory_space<hbm>> -> memref<256xf32, #tpu.memory_space<hbm>>
        tpu.wait_dma2 semaphore(%arg19 : memref<!tpu.dma_semaphore, #tpu.memory_space<semaphore_mem>>) src(%dma_wait3A_1404 : memref<256xf32, #tpu.memory_space<hbm>>) dst(%dma_wait3A_1403 : memref<256xf32, #tpu.memory_space<vmem>>)
        %add3A_1405 = arith.constant 1 : i32
        %add3A_1406 = arith.addi %scan3A_1140, %add3A_1405 : i32
        %jit3A_1407 = arith.constant 2 : i32
        %eq3A_1408 = arith.constant 0 : i32
        %eq3A_1409 = arith.cmpi eq, %jit3A_1407, %eq3A_1408 : i32
        %jit3A_1410 = arith.constant 1 : i32
        %select_n3A_1411 = arith.select %eq3A_1409, %jit3A_1410, %jit3A_1407 : i32
        %rem3A_1412 = arith.remsi %add3A_1406, %select_n3A_1411 : i32
        %ne3A_1413 = arith.constant 0 : i32
        %ne3A_1414 = arith.cmpi ne, %rem3A_1412, %ne3A_1413 : i32
        %lt3A_1415 = arith.constant 0 : i32
        %lt3A_1416 = arith.cmpi slt, %rem3A_1412, %lt3A_1415 : i32
        %lt3A_1417 = arith.constant 0 : i32
        %lt3A_1418 = arith.cmpi slt, %select_n3A_1411, %lt3A_1417 : i32
        %ne3A_1419 = arith.xori %lt3A_1416, %lt3A_1418 : i1
        %and3A_1420 = arith.andi %ne3A_1419, %ne3A_1414 : i1
        %add3A_1421 = arith.addi %rem3A_1412, %select_n3A_1411 : i32
        %select_n3A_1422 = arith.select %and3A_1420, %add3A_1421, %rem3A_1412 : i32
        %jit3A_1423 = arith.constant 2 : i32
        %eq3A_1424 = arith.constant 0 : i32
        %eq3A_1425 = arith.cmpi eq, %jit3A_1423, %eq3A_1424 : i32
        %jit3A_1426 = arith.constant 1 : i32
        %select_n3A_1427 = arith.select %eq3A_1425, %jit3A_1426, %jit3A_1423 : i32
        %rem3A_1428 = arith.remsi %add3A_1406, %select_n3A_1427 : i32
        %ne3A_1429 = arith.constant 0 : i32
        %ne3A_1430 = arith.cmpi ne, %rem3A_1428, %ne3A_1429 : i32
        %lt3A_1431 = arith.constant 0 : i32
        %lt3A_1432 = arith.cmpi slt, %rem3A_1428, %lt3A_1431 : i32
        %lt3A_1433 = arith.constant 0 : i32
        %lt3A_1434 = arith.cmpi slt, %select_n3A_1427, %lt3A_1433 : i32
        %ne3A_1435 = arith.xori %lt3A_1432, %lt3A_1434 : i1
        %and3A_1436 = arith.andi %ne3A_1435, %ne3A_1430 : i1
        %add3A_1437 = arith.addi %rem3A_1428, %select_n3A_1427 : i32
        %select_n3A_1438 = arith.select %and3A_1436, %add3A_1437, %rem3A_1428 : i32
        %dma_start3A_1439 = arith.constant 0 : i32
        %dma_start3A_1440 = arith.constant 0 : i32
        %dma_start3A_1441 = tpu.memref_slice %arg14[%select_n3A_1438, %dma_start3A_1439, %dma_start3A_1440] : memref<2x64x64xf32, #tpu.memory_space<vmem>> -> memref<1x64x64xf32, #tpu.memory_space<vmem>>
        %dma_start3A_1442 = tpu.memref_squeeze %dma_start3A_1441 : memref<1x64x64xf32, #tpu.memory_space<vmem>> -> memref<64x64xf32, #tpu.memory_space<vmem>>
        %dma_start3A_1443 = arith.constant 0 : i32
        %dma_start3A_1444 = tpu.memref_slice %arg12[%select_n3A_1422, %dma_start3A_1443] : memref<2x64xi32, #tpu.memory_space<vmem>> -> memref<1x64xi32, #tpu.memory_space<vmem>>
        %dma_start3A_1445 = tpu.memref_squeeze %dma_start3A_1444 : memref<1x64xi32, #tpu.memory_space<vmem>> -> memref<64xi32, #tpu.memory_space<vmem>>
        %dma_start3A_1446 = arith.constant 0 : i32
        %dma_start3A_1447 = arith.constant 0 : i32
        %dma_start3A_1448 = tpu.memref_slice %arg2[%dma_start3A_1446, %dma_start3A_1447] : memref<40960x64xf32, #tpu.memory_space<hbm>> -> memref<40960x64xf32, #tpu.memory_space<hbm>>
        tpu.enqueue_indirect_dma source(%dma_start3A_1448 : memref<40960x64xf32, #tpu.memory_space<hbm>>) target(%dma_start3A_1442 : memref<64x64xf32, #tpu.memory_space<vmem>>) offsets(%dma_start3A_1445 : memref<64xi32, #tpu.memory_space<vmem>>) semaphore(%arg20 : memref<!tpu.dma_semaphore, #tpu.memory_space<semaphore_mem>>)
        %jit3A_1449 = arith.constant 2 : i32
        %eq3A_1450 = arith.constant 0 : i32
        %eq3A_1451 = arith.cmpi eq, %jit3A_1449, %eq3A_1450 : i32
        %jit3A_1452 = arith.constant 1 : i32
        %select_n3A_1453 = arith.select %eq3A_1451, %jit3A_1452, %jit3A_1449 : i32
        %rem3A_1454 = arith.remsi %add3A_1406, %select_n3A_1453 : i32
        %ne3A_1455 = arith.constant 0 : i32
        %ne3A_1456 = arith.cmpi ne, %rem3A_1454, %ne3A_1455 : i32
        %lt3A_1457 = arith.constant 0 : i32
        %lt3A_1458 = arith.cmpi slt, %rem3A_1454, %lt3A_1457 : i32
        %lt3A_1459 = arith.constant 0 : i32
        %lt3A_1460 = arith.cmpi slt, %select_n3A_1453, %lt3A_1459 : i32
        %ne3A_1461 = arith.xori %lt3A_1458, %lt3A_1460 : i1
        %and3A_1462 = arith.andi %ne3A_1461, %ne3A_1456 : i1
        %add3A_1463 = arith.addi %rem3A_1454, %select_n3A_1453 : i32
        %select_n3A_1464 = arith.select %and3A_1462, %add3A_1463, %rem3A_1454 : i32
        %jit3A_1465 = arith.constant 2 : i32
        %eq3A_1466 = arith.constant 0 : i32
        %eq3A_1467 = arith.cmpi eq, %jit3A_1465, %eq3A_1466 : i32
        %jit3A_1468 = arith.constant 1 : i32
        %select_n3A_1469 = arith.select %eq3A_1467, %jit3A_1468, %jit3A_1465 : i32
        %rem3A_1470 = arith.remsi %add3A_1406, %select_n3A_1469 : i32
        %ne3A_1471 = arith.constant 0 : i32
        %ne3A_1472 = arith.cmpi ne, %rem3A_1470, %ne3A_1471 : i32
        %lt3A_1473 = arith.constant 0 : i32
        %lt3A_1474 = arith.cmpi slt, %rem3A_1470, %lt3A_1473 : i32
        %lt3A_1475 = arith.constant 0 : i32
        %lt3A_1476 = arith.cmpi slt, %select_n3A_1469, %lt3A_1475 : i32
        %ne3A_1477 = arith.xori %lt3A_1474, %lt3A_1476 : i1
        %and3A_1478 = arith.andi %ne3A_1477, %ne3A_1472 : i1
        %add3A_1479 = arith.addi %rem3A_1470, %select_n3A_1469 : i32
        %select_n3A_1480 = arith.select %and3A_1478, %add3A_1479, %rem3A_1470 : i32
        %dma_start3A_1481 = arith.constant 0 : i32
        %dma_start3A_1482 = arith.constant 0 : i32
        %dma_start3A_1483 = tpu.memref_slice %arg15[%select_n3A_1480, %dma_start3A_1481, %dma_start3A_1482] : memref<2x64x96xf32, #tpu.memory_space<vmem>> -> memref<1x64x96xf32, #tpu.memory_space<vmem>>
        %dma_start3A_1484 = tpu.memref_squeeze %dma_start3A_1483 : memref<1x64x96xf32, #tpu.memory_space<vmem>> -> memref<64x96xf32, #tpu.memory_space<vmem>>
        %dma_start3A_1485 = arith.constant 0 : i32
        %dma_start3A_1486 = tpu.memref_slice %arg12[%select_n3A_1464, %dma_start3A_1485] : memref<2x64xi32, #tpu.memory_space<vmem>> -> memref<1x64xi32, #tpu.memory_space<vmem>>
        %dma_start3A_1487 = tpu.memref_squeeze %dma_start3A_1486 : memref<1x64xi32, #tpu.memory_space<vmem>> -> memref<64xi32, #tpu.memory_space<vmem>>
        %dma_start3A_1488 = arith.constant 0 : i32
        %dma_start3A_1489 = arith.constant 0 : i32
        %dma_start3A_1490 = tpu.memref_slice %arg3[%dma_start3A_1488, %dma_start3A_1489] : memref<40960x96xf32, #tpu.memory_space<hbm>> -> memref<40960x96xf32, #tpu.memory_space<hbm>>
        tpu.enqueue_indirect_dma source(%dma_start3A_1490 : memref<40960x96xf32, #tpu.memory_space<hbm>>) target(%dma_start3A_1484 : memref<64x96xf32, #tpu.memory_space<vmem>>) offsets(%dma_start3A_1487 : memref<64xi32, #tpu.memory_space<vmem>>) semaphore(%arg20 : memref<!tpu.dma_semaphore, #tpu.memory_space<semaphore_mem>>)
      } else {
      }
      %scan3A_1247 = arith.constant 0 : i32
      %scan3A_1248 = arith.constant 0 : i32
      %scan3A_1249 = arith.constant 16 : i32
      %scan3A_1250 = arith.addi %scan3A_1248, %scan3A_1249 : i32
      %scan3A_1251 = arith.constant 1 : i32
      scf.for %scan3A_1284 = %scan3A_1248 to %scan3A_1250 step %scan3A_1251  : i32 {
        %mul3A_1285 = arith.constant 16 : i32
        %mul3A_1286 = arith.muli %scan3A_1284, %mul3A_1285 : i32
        %get3A = arith.index_cast %select_n3A_1156 : i32 to index
        %get3A_1287 = arith.index_cast %mul3A_1286 : i32 to index
        %get3A_1288 = tpu.vector_load %arg17[%get3A, %get3A_1287] {strides = array<i32>} : memref<2x256xf32, #tpu.memory_space<vmem>>, vector<1x16xf32>,
        %get3A_1289 = vector.shape_cast %get3A_1288 : vector<1x16xf32> to vector<16xf32>
        %mul3A_1290 = arith.constant 4 : i32
        %mul3A_1291 = arith.muli %scan3A_1284, %mul3A_1290 : i32
        %add3A_1292 = arith.constant 0 : i32
        %add3A_1293 = arith.addi %mul3A_1291, %add3A_1292 : i32
        %mul3A_1294 = arith.constant 2 : i32
        %mul3A_1295 = arith.muli %scan3A_1284, %mul3A_1294 : i32
        %add3A_1296 = arith.constant 0 : i32
        %add3A_1297 = arith.addi %mul3A_1295, %add3A_1296 : i32
        %get3A_1298 = arith.index_cast %select_n3A_1156 : i32 to index
        %get3A_1299 = arith.index_cast %add3A_1297 : i32 to index
        %get3A_1300 = arith.constant 0 : index
        %get3A_1301 = tpu.vector_load %arg16[%get3A_1298, %get3A_1299, %get3A_1300] {strides = array<i32>} : memref<2x32x128xf32, #tpu.memory_space<vmem>>, vector<1x1x16xf32>,
        %get3A_1302 = vector.shape_cast %get3A_1301 : vector<1x1x16xf32> to vector<16xf32>
        %get3A_1303 = arith.index_cast %select_n3A_1156 : i32 to index
        %get3A_1304 = arith.index_cast %add3A_1297 : i32 to index
        %get3A_1305 = arith.constant 16 : index
        %get3A_1306 = tpu.vector_load %arg16[%get3A_1303, %get3A_1304, %get3A_1305] {strides = array<i32>} : memref<2x32x128xf32, #tpu.memory_space<vmem>>, vector<1x1x16xf32>,
        %get3A_1307 = vector.shape_cast %get3A_1306 : vector<1x1x16xf32> to vector<16xf32>
        %get3A_1308 = arith.index_cast %select_n3A_1156 : i32 to index
        %get3A_1309 = arith.index_cast %add3A_1297 : i32 to index
        %get3A_1310 = arith.constant 32 : index
        %get3A_1311 = tpu.vector_load %arg16[%get3A_1308, %get3A_1309, %get3A_1310] {strides = array<i32>} : memref<2x32x128xf32, #tpu.memory_space<vmem>>, vector<1x1x16xf32>,
        %get3A_1312 = vector.shape_cast %get3A_1311 : vector<1x1x16xf32> to vector<16xf32>
        %get3A_1313 = arith.index_cast %select_n3A_1156 : i32 to index
        %get3A_1314 = arith.index_cast %add3A_1297 : i32 to index
        %get3A_1315 = arith.constant 48 : index
        %get3A_1316 = tpu.vector_load %arg16[%get3A_1313, %get3A_1314, %get3A_1315] {strides = array<i32>} : memref<2x32x128xf32, #tpu.memory_space<vmem>>, vector<1x1x16xf32>,
        %get3A_1317 = vector.shape_cast %get3A_1316 : vector<1x1x16xf32> to vector<16xf32>
        %get3A_1318 = arith.index_cast %select_n3A_1156 : i32 to index
        %get3A_1319 = arith.index_cast %add3A_1293 : i32 to index
        %get3A_1320 = arith.constant 0 : index
        %get3A_1321 = tpu.vector_load %arg14[%get3A_1318, %get3A_1319, %get3A_1320] {strides = array<i32>} : memref<2x64x64xf32, #tpu.memory_space<vmem>>, vector<1x1x16xf32>,
        %get3A_1322 = vector.shape_cast %get3A_1321 : vector<1x1x16xf32> to vector<16xf32>
        %get3A_1323 = arith.index_cast %select_n3A_1156 : i32 to index
        %get3A_1324 = arith.index_cast %add3A_1293 : i32 to index
        %get3A_1325 = arith.constant 16 : index
        %get3A_1326 = tpu.vector_load %arg14[%get3A_1323, %get3A_1324, %get3A_1325] {strides = array<i32>} : memref<2x64x64xf32, #tpu.memory_space<vmem>>, vector<1x1x16xf32>,
        %get3A_1327 = vector.shape_cast %get3A_1326 : vector<1x1x16xf32> to vector<16xf32>
        %get3A_1328 = arith.index_cast %select_n3A_1156 : i32 to index
        %get3A_1329 = arith.index_cast %add3A_1293 : i32 to index
        %get3A_1330 = arith.constant 32 : index
        %get3A_1331 = tpu.vector_load %arg14[%get3A_1328, %get3A_1329, %get3A_1330] {strides = array<i32>} : memref<2x64x64xf32, #tpu.memory_space<vmem>>, vector<1x1x16xf32>,
        %get3A_1332 = vector.shape_cast %get3A_1331 : vector<1x1x16xf32> to vector<16xf32>
        %get3A_1333 = arith.index_cast %select_n3A_1156 : i32 to index
        %get3A_1334 = arith.index_cast %add3A_1293 : i32 to index
        %get3A_1335 = arith.constant 48 : index
        %get3A_1336 = tpu.vector_load %arg14[%get3A_1333, %get3A_1334, %get3A_1335] {strides = array<i32>} : memref<2x64x64xf32, #tpu.memory_space<vmem>>, vector<1x1x16xf32>,
        %get3A_1337 = vector.shape_cast %get3A_1336 : vector<1x1x16xf32> to vector<16xf32>
        %mul3A_1338 = arith.mulf %get3A_1302, %get3A_1322 : vector<16xf32>
        %mul3A_1339 = arith.mulf %get3A_1307, %get3A_1327 : vector<16xf32>
        %mul3A_1340 = arith.mulf %get3A_1312, %get3A_1332 : vector<16xf32>
        %mul3A_1341 = arith.mulf %get3A_1317, %get3A_1337 : vector<16xf32>
        %swap3A = arith.index_cast %select_n3A_1156 : i32 to index
        %swap3A_1342 = arith.index_cast %add3A_1293 : i32 to index
        %swap3A_1343 = arith.constant 0 : index
        %swap3A_1344 = tpu.vector_load %arg18[%swap3A, %swap3A_1342, %swap3A_1343] {strides = array<i32>} : memref<2x64x128xf32, #tpu.memory_space<vmem>>, vector<1x1x16xf32>,
        %swap3A_1345 = vector.shape_cast %swap3A_1344 : vector<1x1x16xf32> to vector<16xf32>
        %swap3A_1346 = vector.shape_cast %mul3A_1340 : vector<16xf32> to vector<1x1x16xf32>
        tpu.vector_store %arg18[%swap3A, %swap3A_1342, %swap3A_1343], %swap3A_1346 {strides = array<i32>} : memref<2x64x128xf32, #tpu.memory_space<vmem>>, vector<1x1x16xf32>,
        %swap3A_1347 = arith.index_cast %select_n3A_1156 : i32 to index
        %swap3A_1348 = arith.index_cast %add3A_1293 : i32 to index
        %swap3A_1349 = arith.constant 16 : index
        %swap3A_1350 = tpu.vector_load %arg18[%swap3A_1347, %swap3A_1348, %swap3A_1349] {strides = array<i32>} : memref<2x64x128xf32, #tpu.memory_space<vmem>>, vector<1x1x16xf32>,
        %swap3A_1351 = vector.shape_cast %swap3A_1350 : vector<1x1x16xf32> to vector<16xf32>
        %swap3A_1352 = vector.shape_cast %mul3A_1341 : vector<16xf32> to vector<1x1x16xf32>
        tpu.vector_store %arg18[%swap3A_1347, %swap3A_1348, %swap3A_1349], %swap3A_1352 {strides = array<i32>} : memref<2x64x128xf32, #tpu.memory_space<vmem>>, vector<1x1x16xf32>,
        %broadcast_in_dim3A = arith.constant 0 : i32
        %broadcast_in_dim3A_1353 = vector.broadcast %broadcast_in_dim3A : i32 to vector<16x1xi32>
        %gather3A = vector.shape_cast %broadcast_in_dim3A_1353 : vector<16x1xi32> to vector<16xi32>
        %gather3A_1354 = tpu.dynamic_gather %get3A_1289[%gather3A] in [0] : vector<16xf32>, vector<16xi32> -> vector<16xf32>
        %get3A_1355 = arith.index_cast %select_n3A_1156 : i32 to index
        %get3A_1356 = arith.index_cast %add3A_1293 : i32 to index
        %get3A_1357 = arith.constant 0 : index
        %get3A_1358 = tpu.vector_load %arg15[%get3A_1355, %get3A_1356, %get3A_1357] {strides = array<i32>} : memref<2x64x96xf32, #tpu.memory_space<vmem>>, vector<1x1x16xf32>,
        %get3A_1359 = vector.shape_cast %get3A_1358 : vector<1x1x16xf32> to vector<16xf32>
        %get3A_1360 = arith.index_cast %select_n3A_1156 : i32 to index
        %get3A_1361 = arith.index_cast %add3A_1293 : i32 to index
        %get3A_1362 = arith.constant 16 : index
        %get3A_1363 = tpu.vector_load %arg15[%get3A_1360, %get3A_1361, %get3A_1362] {strides = array<i32>} : memref<2x64x96xf32, #tpu.memory_space<vmem>>, vector<1x1x16xf32>,
        %get3A_1364 = vector.shape_cast %get3A_1363 : vector<1x1x16xf32> to vector<16xf32>
        %mul3A_1365 = arith.mulf %get3A_1359, %mul3A_1338 : vector<16xf32>
        %mul3A_1366 = arith.mulf %gather3A_1354, %mul3A_1340 : vector<16xf32>
        %add3A_1367 = arith.addf %mul3A_1365, %mul3A_1366 : vector<16xf32>
        %swap3A_1368 = arith.index_cast %select_n3A_1156 : i32 to index
        %swap3A_1369 = arith.index_cast %add3A_1293 : i32 to index
        %swap3A_1370 = arith.constant 32 : index
        %swap3A_1371 = tpu.vector_load %arg18[%swap3A_1368, %swap3A_1369, %swap3A_1370] {strides = array<i32>} : memref<2x64x128xf32, #tpu.memory_space<vmem>>, vector<1x1x16xf32>,
        %swap3A_1372 = vector.shape_cast %swap3A_1371 : vector<1x1x16xf32> to vector<16xf32>
        %swap3A_1373 = vector.shape_cast %add3A_1367 : vector<16xf32> to vector<1x1x16xf32>
        tpu.vector_store %arg18[%swap3A_1368, %swap3A_1369, %swap3A_1370], %swap3A_1373 {strides = array<i32>} : memref<2x64x128xf32, #tpu.memory_space<vmem>>, vector<1x1x16xf32>,
        %mul3A_1374 = arith.mulf %get3A_1364, %mul3A_1339 : vector<16xf32>
        %mul3A_1375 = arith.mulf %gather3A_1354, %mul3A_1341 : vector<16xf32>
        %add3A_1376 = arith.addf %mul3A_1374, %mul3A_1375 : vector<16xf32>
        %swap3A_1377 = arith.index_cast %select_n3A_1156 : i32 to index
        %swap3A_1378 = arith.index_cast %add3A_1293 : i32 to index
        %swap3A_1379 = arith.constant 48 : index
        %swap3A_1380 = tpu.vector_load %arg18[%swap3A_1377, %swap3A_1378, %swap3A_1379] {strides = array<i32>} : memref<2x64x128xf32, #tpu.memory_space<vmem>>, vector<1x1x16xf32>,
        %swap3A_1381 = vector.shape_cast %swap3A_1380 : vector<1x1x16xf32> to vector<16xf32>
        %swap3A_1382 = vector.shape_cast %add3A_1376 : vector<16xf32> to vector<1x1x16xf32>
        tpu.vector_store %arg18[%swap3A_1377, %swap3A_1378, %swap3A_1379], %swap3A_1382 {strides = array<i32>} : memref<2x64x128xf32, #tpu.memory_space<vmem>>, vector<1x1x16xf32>,
        %broadcast_in_dim3A_1383 = arith.constant 1 : i32
        %broadcast_in_dim3A_1384 = vector.broadcast %broadcast_in_dim3A_1383 : i32 to vector<16x1xi32>
        %gather3A_1385 = vector.shape_cast %broadcast_in_dim3A_1384 : vector<16x1xi32> to vector<16xi32>
        %gather3A_1386 = tpu.dynamic_gather %get3A_1289[%gather3A_1385] in [0] : vector<16xf32>, vector<16xi32> -> vector<16xf32>
        %get3A_1387 = arith.index_cast %select_n3A_1156 : i32 to index
        %get3A_1388 = arith.index_cast %add3A_1293 : i32 to index
        %get3A_1389 = arith.constant 32 : index
        %get3A_1390 = tpu.vector_load %arg15[%get3A_1387, %get3A_1388, %get3A_1389] {strides = array<i32>} : memref<2x64x96xf32, #tpu.memory_space<vmem>>, vector<1x1x16xf32>,
        %get3A_1391 = vector.shape_cast %get3A_1390 : vector<1x1x16xf32> to vector<16xf32>
        %get3A_1392 = arith.index_cast %select_n3A_1156 : i32 to index
        %get3A_1393 = arith.index_cast %add3A_1293 : i32 to index
        %get3A_1394 = arith.constant 48 : index
        %get3A_1395 = tpu.vector_load %arg15[%get3A_1392, %get3A_1393, %get3A_1394] {strides = array<i32>} : memref<2x64x96xf32, #tpu.memory_space<vmem>>, vector<1x1x16xf32>,
        %get3A_1396 = vector.shape_cast %get3A_1395 : vector<1x1x16xf32> to vector<16xf32>
        %mul3A_1397 = arith.mulf %get3A_1391, %mul3A_1338 : vector<16xf32>
        %mul3A_1398 = arith.mulf %gather3A_1386, %mul3A_1340 : vector<16xf32>
        %add3A_1399 = arith.addf %mul3A_1397, %mul3A_1398 : vector<16xf32>
        %swap3A_1400 = arith.index_cast %select_n3A_1156 : i32 to index
        %swap3A_1401 = arith.index_cast %add3A_1293 : i32 to index
        %swap3A_1402 = arith.constant 64 : index
        %swap3A_1403 = tpu.vector_load %arg18[%swap3A_1400, %swap3A_1401, %swap3A_1402] {strides = array<i32>} : memref<2x64x128xf32, #tpu.memory_space<vmem>>, vector<1x1x16xf32>,
        %swap3A_1404 = vector.shape_cast %swap3A_1403 : vector<1x1x16xf32> to vector<16xf32>
        %swap3A_1405 = vector.shape_cast %add3A_1399 : vector<16xf32> to vector<1x1x16xf32>
        tpu.vector_store %arg18[%swap3A_1400, %swap3A_1401, %swap3A_1402], %swap3A_1405 {strides = array<i32>} : memref<2x64x128xf32, #tpu.memory_space<vmem>>, vector<1x1x16xf32>,
        %mul3A_1406 = arith.mulf %get3A_1396, %mul3A_1339 : vector<16xf32>
        %mul3A_1407 = arith.mulf %gather3A_1386, %mul3A_1341 : vector<16xf32>
        %add3A_1408 = arith.addf %mul3A_1406, %mul3A_1407 : vector<16xf32>
        %swap3A_1409 = arith.index_cast %select_n3A_1156 : i32 to index
        %swap3A_1410 = arith.index_cast %add3A_1293 : i32 to index
        %swap3A_1411 = arith.constant 80 : index
        %swap3A_1412 = tpu.vector_load %arg18[%swap3A_1409, %swap3A_1410, %swap3A_1411] {strides = array<i32>} : memref<2x64x128xf32, #tpu.memory_space<vmem>>, vector<1x1x16xf32>,
        %swap3A_1413 = vector.shape_cast %swap3A_1412 : vector<1x1x16xf32> to vector<16xf32>
        %swap3A_1414 = vector.shape_cast %add3A_1408 : vector<16xf32> to vector<1x1x16xf32>
        tpu.vector_store %arg18[%swap3A_1409, %swap3A_1410, %swap3A_1411], %swap3A_1414 {strides = array<i32>} : memref<2x64x128xf32, #tpu.memory_space<vmem>>, vector<1x1x16xf32>,
        %broadcast_in_dim3A_1415 = arith.constant 2 : i32
        %broadcast_in_dim3A_1416 = vector.broadcast %broadcast_in_dim3A_1415 : i32 to vector<16x1xi32>
        %gather3A_1417 = vector.shape_cast %broadcast_in_dim3A_1416 : vector<16x1xi32> to vector<16xi32>
        %gather3A_1418 = tpu.dynamic_gather %get3A_1289[%gather3A_1417] in [0] : vector<16xf32>, vector<16xi32> -> vector<16xf32>
        %get3A_1419 = arith.index_cast %select_n3A_1156 : i32 to index
        %get3A_1420 = arith.index_cast %add3A_1293 : i32 to index
        %get3A_1421 = arith.constant 64 : index
        %get3A_1422 = tpu.vector_load %arg15[%get3A_1419, %get3A_1420, %get3A_1421] {strides = array<i32>} : memref<2x64x96xf32, #tpu.memory_space<vmem>>, vector<1x1x16xf32>,
        %get3A_1423 = vector.shape_cast %get3A_1422 : vector<1x1x16xf32> to vector<16xf32>
        %get3A_1424 = arith.index_cast %select_n3A_1156 : i32 to index
        %get3A_1425 = arith.index_cast %add3A_1293 : i32 to index
        %get3A_1426 = arith.constant 80 : index
        %get3A_1427 = tpu.vector_load %arg15[%get3A_1424, %get3A_1425, %get3A_1426] {strides = array<i32>} : memref<2x64x96xf32, #tpu.memory_space<vmem>>, vector<1x1x16xf32>,
        %get3A_1428 = vector.shape_cast %get3A_1427 : vector<1x1x16xf32> to vector<16xf32>
        %mul3A_1429 = arith.mulf %get3A_1423, %mul3A_1338 : vector<16xf32>
        %mul3A_1430 = arith.mulf %gather3A_1418, %mul3A_1340 : vector<16xf32>
        %add3A_1431 = arith.addf %mul3A_1429, %mul3A_1430 : vector<16xf32>
        %swap3A_1432 = arith.index_cast %select_n3A_1156 : i32 to index
        %swap3A_1433 = arith.index_cast %add3A_1293 : i32 to index
        %swap3A_1434 = arith.constant 96 : index
        %swap3A_1435 = tpu.vector_load %arg18[%swap3A_1432, %swap3A_1433, %swap3A_1434] {strides = array<i32>} : memref<2x64x128xf32, #tpu.memory_space<vmem>>, vector<1x1x16xf32>,
        %swap3A_1436 = vector.shape_cast %swap3A_1435 : vector<1x1x16xf32> to vector<16xf32>
        %swap3A_1437 = vector.shape_cast %add3A_1431 : vector<16xf32> to vector<1x1x16xf32>
        tpu.vector_store %arg18[%swap3A_1432, %swap3A_1433, %swap3A_1434], %swap3A_1437 {strides = array<i32>} : memref<2x64x128xf32, #tpu.memory_space<vmem>>, vector<1x1x16xf32>,
        %mul3A_1438 = arith.mulf %get3A_1428, %mul3A_1339 : vector<16xf32>
        %mul3A_1439 = arith.mulf %gather3A_1418, %mul3A_1341 : vector<16xf32>
        %add3A_1440 = arith.addf %mul3A_1438, %mul3A_1439 : vector<16xf32>
        %swap3A_1441 = arith.index_cast %select_n3A_1156 : i32 to index
        %swap3A_1442 = arith.index_cast %add3A_1293 : i32 to index
        %swap3A_1443 = arith.constant 112 : index
        %swap3A_1444 = tpu.vector_load %arg18[%swap3A_1441, %swap3A_1442, %swap3A_1443] {strides = array<i32>} : memref<2x64x128xf32, #tpu.memory_space<vmem>>, vector<1x1x16xf32>,
        %swap3A_1445 = vector.shape_cast %swap3A_1444 : vector<1x1x16xf32> to vector<16xf32>
        %swap3A_1446 = vector.shape_cast %add3A_1440 : vector<16xf32> to vector<1x1x16xf32>
        tpu.vector_store %arg18[%swap3A_1441, %swap3A_1442, %swap3A_1443], %swap3A_1446 {strides = array<i32>} : memref<2x64x128xf32, #tpu.memory_space<vmem>>, vector<1x1x16xf32>,
        %mul3A_1447 = arith.constant 4 : i32
        %mul3A_1448 = arith.muli %scan3A_1284, %mul3A_1447 : i32
        %add3A_1449 = arith.constant 1 : i32
        %add3A_1450 = arith.addi %mul3A_1448, %add3A_1449 : i32
        %mul3A_1451 = arith.constant 2 : i32
        %mul3A_1452 = arith.muli %scan3A_1284, %mul3A_1451 : i32
        %add3A_1453 = arith.constant 0 : i32
        %add3A_1454 = arith.addi %mul3A_1452, %add3A_1453 : i32
        %get3A_1455 = arith.index_cast %select_n3A_1156 : i32 to index
        %get3A_1456 = arith.index_cast %add3A_1454 : i32 to index
        %get3A_1457 = arith.constant 64 : index
        %get3A_1458 = tpu.vector_load %arg16[%get3A_1455, %get3A_1456, %get3A_1457] {strides = array<i32>} : memref<2x32x128xf32, #tpu.memory_space<vmem>>, vector<1x1x16xf32>,
        %get3A_1459 = vector.shape_cast %get3A_1458 : vector<1x1x16xf32> to vector<16xf32>
        %get3A_1460 = arith.index_cast %select_n3A_1156 : i32 to index
        %get3A_1461 = arith.index_cast %add3A_1454 : i32 to index
        %get3A_1462 = arith.constant 80 : index
        %get3A_1463 = tpu.vector_load %arg16[%get3A_1460, %get3A_1461, %get3A_1462] {strides = array<i32>} : memref<2x32x128xf32, #tpu.memory_space<vmem>>, vector<1x1x16xf32>,
        %get3A_1464 = vector.shape_cast %get3A_1463 : vector<1x1x16xf32> to vector<16xf32>
        %get3A_1465 = arith.index_cast %select_n3A_1156 : i32 to index
        %get3A_1466 = arith.index_cast %add3A_1454 : i32 to index
        %get3A_1467 = arith.constant 96 : index
        %get3A_1468 = tpu.vector_load %arg16[%get3A_1465, %get3A_1466, %get3A_1467] {strides = array<i32>} : memref<2x32x128xf32, #tpu.memory_space<vmem>>, vector<1x1x16xf32>,
        %get3A_1469 = vector.shape_cast %get3A_1468 : vector<1x1x16xf32> to vector<16xf32>
        %get3A_1470 = arith.index_cast %select_n3A_1156 : i32 to index
        %get3A_1471 = arith.index_cast %add3A_1454 : i32 to index
        %get3A_1472 = arith.constant 112 : index
        %get3A_1473 = tpu.vector_load %arg16[%get3A_1470, %get3A_1471, %get3A_1472] {strides = array<i32>} : memref<2x32x128xf32, #tpu.memory_space<vmem>>, vector<1x1x16xf32>,
        %get3A_1474 = vector.shape_cast %get3A_1473 : vector<1x1x16xf32> to vector<16xf32>
        %get3A_1475 = arith.index_cast %select_n3A_1156 : i32 to index
        %get3A_1476 = arith.index_cast %add3A_1450 : i32 to index
        %get3A_1477 = arith.constant 0 : index
        %get3A_1478 = tpu.vector_load %arg14[%get3A_1475, %get3A_1476, %get3A_1477] {strides = array<i32>} : memref<2x64x64xf32, #tpu.memory_space<vmem>>, vector<1x1x16xf32>,
        %get3A_1479 = vector.shape_cast %get3A_1478 : vector<1x1x16xf32> to vector<16xf32>
        %get3A_1480 = arith.index_cast %select_n3A_1156 : i32 to index
        %get3A_1481 = arith.index_cast %add3A_1450 : i32 to index
        %get3A_1482 = arith.constant 16 : index
        %get3A_1483 = tpu.vector_load %arg14[%get3A_1480, %get3A_1481, %get3A_1482] {strides = array<i32>} : memref<2x64x64xf32, #tpu.memory_space<vmem>>, vector<1x1x16xf32>,
        %get3A_1484 = vector.shape_cast %get3A_1483 : vector<1x1x16xf32> to vector<16xf32>
        %get3A_1485 = arith.index_cast %select_n3A_1156 : i32 to index
        %get3A_1486 = arith.index_cast %add3A_1450 : i32 to index
        %get3A_1487 = arith.constant 32 : index
        %get3A_1488 = tpu.vector_load %arg14[%get3A_1485, %get3A_1486, %get3A_1487] {strides = array<i32>} : memref<2x64x64xf32, #tpu.memory_space<vmem>>, vector<1x1x16xf32>,
        %get3A_1489 = vector.shape_cast %get3A_1488 : vector<1x1x16xf32> to vector<16xf32>
        %get3A_1490 = arith.index_cast %select_n3A_1156 : i32 to index
        %get3A_1491 = arith.index_cast %add3A_1450 : i32 to index
        %get3A_1492 = arith.constant 48 : index
        %get3A_1493 = tpu.vector_load %arg14[%get3A_1490, %get3A_1491, %get3A_1492] {strides = array<i32>} : memref<2x64x64xf32, #tpu.memory_space<vmem>>, vector<1x1x16xf32>,
        %get3A_1494 = vector.shape_cast %get3A_1493 : vector<1x1x16xf32> to vector<16xf32>
        %mul3A_1495 = arith.mulf %get3A_1459, %get3A_1479 : vector<16xf32>
        %mul3A_1496 = arith.mulf %get3A_1464, %get3A_1484 : vector<16xf32>
        %mul3A_1497 = arith.mulf %get3A_1469, %get3A_1489 : vector<16xf32>
        %mul3A_1498 = arith.mulf %get3A_1474, %get3A_1494 : vector<16xf32>
        %swap3A_1499 = arith.index_cast %select_n3A_1156 : i32 to index
        %swap3A_1500 = arith.index_cast %add3A_1450 : i32 to index
        %swap3A_1501 = arith.constant 0 : index
        %swap3A_1502 = tpu.vector_load %arg18[%swap3A_1499, %swap3A_1500, %swap3A_1501] {strides = array<i32>} : memref<2x64x128xf32, #tpu.memory_space<vmem>>, vector<1x1x16xf32>,
        %swap3A_1503 = vector.shape_cast %swap3A_1502 : vector<1x1x16xf32> to vector<16xf32>
        %swap3A_1504 = vector.shape_cast %mul3A_1497 : vector<16xf32> to vector<1x1x16xf32>
        tpu.vector_store %arg18[%swap3A_1499, %swap3A_1500, %swap3A_1501], %swap3A_1504 {strides = array<i32>} : memref<2x64x128xf32, #tpu.memory_space<vmem>>, vector<1x1x16xf32>,
        %swap3A_1505 = arith.index_cast %select_n3A_1156 : i32 to index
        %swap3A_1506 = arith.index_cast %add3A_1450 : i32 to index
        %swap3A_1507 = arith.constant 16 : index
        %swap3A_1508 = tpu.vector_load %arg18[%swap3A_1505, %swap3A_1506, %swap3A_1507] {strides = array<i32>} : memref<2x64x128xf32, #tpu.memory_space<vmem>>, vector<1x1x16xf32>,
        %swap3A_1509 = vector.shape_cast %swap3A_1508 : vector<1x1x16xf32> to vector<16xf32>
        %swap3A_1510 = vector.shape_cast %mul3A_1498 : vector<16xf32> to vector<1x1x16xf32>
        tpu.vector_store %arg18[%swap3A_1505, %swap3A_1506, %swap3A_1507], %swap3A_1510 {strides = array<i32>} : memref<2x64x128xf32, #tpu.memory_space<vmem>>, vector<1x1x16xf32>,
        %broadcast_in_dim3A_1511 = arith.constant 4 : i32
        %broadcast_in_dim3A_1512 = vector.broadcast %broadcast_in_dim3A_1511 : i32 to vector<16x1xi32>
        %gather3A_1513 = vector.shape_cast %broadcast_in_dim3A_1512 : vector<16x1xi32> to vector<16xi32>
        %gather3A_1514 = tpu.dynamic_gather %get3A_1289[%gather3A_1513] in [0] : vector<16xf32>, vector<16xi32> -> vector<16xf32>
        %get3A_1515 = arith.index_cast %select_n3A_1156 : i32 to index
        %get3A_1516 = arith.index_cast %add3A_1450 : i32 to index
        %get3A_1517 = arith.constant 0 : index
        %get3A_1518 = tpu.vector_load %arg15[%get3A_1515, %get3A_1516, %get3A_1517] {strides = array<i32>} : memref<2x64x96xf32, #tpu.memory_space<vmem>>, vector<1x1x16xf32>,
        %get3A_1519 = vector.shape_cast %get3A_1518 : vector<1x1x16xf32> to vector<16xf32>
        %get3A_1520 = arith.index_cast %select_n3A_1156 : i32 to index
        %get3A_1521 = arith.index_cast %add3A_1450 : i32 to index
        %get3A_1522 = arith.constant 16 : index
        %get3A_1523 = tpu.vector_load %arg15[%get3A_1520, %get3A_1521, %get3A_1522] {strides = array<i32>} : memref<2x64x96xf32, #tpu.memory_space<vmem>>, vector<1x1x16xf32>,
        %get3A_1524 = vector.shape_cast %get3A_1523 : vector<1x1x16xf32> to vector<16xf32>
        %mul3A_1525 = arith.mulf %get3A_1519, %mul3A_1495 : vector<16xf32>
        %mul3A_1526 = arith.mulf %gather3A_1514, %mul3A_1497 : vector<16xf32>
        %add3A_1527 = arith.addf %mul3A_1525, %mul3A_1526 : vector<16xf32>
        %swap3A_1528 = arith.index_cast %select_n3A_1156 : i32 to index
        %swap3A_1529 = arith.index_cast %add3A_1450 : i32 to index
        %swap3A_1530 = arith.constant 32 : index
        %swap3A_1531 = tpu.vector_load %arg18[%swap3A_1528, %swap3A_1529, %swap3A_1530] {strides = array<i32>} : memref<2x64x128xf32, #tpu.memory_space<vmem>>, vector<1x1x16xf32>,
        %swap3A_1532 = vector.shape_cast %swap3A_1531 : vector<1x1x16xf32> to vector<16xf32>
        %swap3A_1533 = vector.shape_cast %add3A_1527 : vector<16xf32> to vector<1x1x16xf32>
        tpu.vector_store %arg18[%swap3A_1528, %swap3A_1529, %swap3A_1530], %swap3A_1533 {strides = array<i32>} : memref<2x64x128xf32, #tpu.memory_space<vmem>>, vector<1x1x16xf32>,
        %mul3A_1534 = arith.mulf %get3A_1524, %mul3A_1496 : vector<16xf32>
        %mul3A_1535 = arith.mulf %gather3A_1514, %mul3A_1498 : vector<16xf32>
        %add3A_1536 = arith.addf %mul3A_1534, %mul3A_1535 : vector<16xf32>
        %swap3A_1537 = arith.index_cast %select_n3A_1156 : i32 to index
        %swap3A_1538 = arith.index_cast %add3A_1450 : i32 to index
        %swap3A_1539 = arith.constant 48 : index
        %swap3A_1540 = tpu.vector_load %arg18[%swap3A_1537, %swap3A_1538, %swap3A_1539] {strides = array<i32>} : memref<2x64x128xf32, #tpu.memory_space<vmem>>, vector<1x1x16xf32>,
        %swap3A_1541 = vector.shape_cast %swap3A_1540 : vector<1x1x16xf32> to vector<16xf32>
        %swap3A_1542 = vector.shape_cast %add3A_1536 : vector<16xf32> to vector<1x1x16xf32>
        tpu.vector_store %arg18[%swap3A_1537, %swap3A_1538, %swap3A_1539], %swap3A_1542 {strides = array<i32>} : memref<2x64x128xf32, #tpu.memory_space<vmem>>, vector<1x1x16xf32>,
        %broadcast_in_dim3A_1543 = arith.constant 5 : i32
        %broadcast_in_dim3A_1544 = vector.broadcast %broadcast_in_dim3A_1543 : i32 to vector<16x1xi32>
        %gather3A_1545 = vector.shape_cast %broadcast_in_dim3A_1544 : vector<16x1xi32> to vector<16xi32>
        %gather3A_1546 = tpu.dynamic_gather %get3A_1289[%gather3A_1545] in [0] : vector<16xf32>, vector<16xi32> -> vector<16xf32>
        %get3A_1547 = arith.index_cast %select_n3A_1156 : i32 to index
        %get3A_1548 = arith.index_cast %add3A_1450 : i32 to index
        %get3A_1549 = arith.constant 32 : index
        %get3A_1550 = tpu.vector_load %arg15[%get3A_1547, %get3A_1548, %get3A_1549] {strides = array<i32>} : memref<2x64x96xf32, #tpu.memory_space<vmem>>, vector<1x1x16xf32>,
        %get3A_1551 = vector.shape_cast %get3A_1550 : vector<1x1x16xf32> to vector<16xf32>
        %get3A_1552 = arith.index_cast %select_n3A_1156 : i32 to index
        %get3A_1553 = arith.index_cast %add3A_1450 : i32 to index
        %get3A_1554 = arith.constant 48 : index
        %get3A_1555 = tpu.vector_load %arg15[%get3A_1552, %get3A_1553, %get3A_1554] {strides = array<i32>} : memref<2x64x96xf32, #tpu.memory_space<vmem>>, vector<1x1x16xf32>,
        %get3A_1556 = vector.shape_cast %get3A_1555 : vector<1x1x16xf32> to vector<16xf32>
        %mul3A_1557 = arith.mulf %get3A_1551, %mul3A_1495 : vector<16xf32>
        %mul3A_1558 = arith.mulf %gather3A_1546, %mul3A_1497 : vector<16xf32>
        %add3A_1559 = arith.addf %mul3A_1557, %mul3A_1558 : vector<16xf32>
        %swap3A_1560 = arith.index_cast %select_n3A_1156 : i32 to index
        %swap3A_1561 = arith.index_cast %add3A_1450 : i32 to index
        %swap3A_1562 = arith.constant 64 : index
        %swap3A_1563 = tpu.vector_load %arg18[%swap3A_1560, %swap3A_1561, %swap3A_1562] {strides = array<i32>} : memref<2x64x128xf32, #tpu.memory_space<vmem>>, vector<1x1x16xf32>,
        %swap3A_1564 = vector.shape_cast %swap3A_1563 : vector<1x1x16xf32> to vector<16xf32>
        %swap3A_1565 = vector.shape_cast %add3A_1559 : vector<16xf32> to vector<1x1x16xf32>
        tpu.vector_store %arg18[%swap3A_1560, %swap3A_1561, %swap3A_1562], %swap3A_1565 {strides = array<i32>} : memref<2x64x128xf32, #tpu.memory_space<vmem>>, vector<1x1x16xf32>,
        %mul3A_1566 = arith.mulf %get3A_1556, %mul3A_1496 : vector<16xf32>
        %mul3A_1567 = arith.mulf %gather3A_1546, %mul3A_1498 : vector<16xf32>
        %add3A_1568 = arith.addf %mul3A_1566, %mul3A_1567 : vector<16xf32>
        %swap3A_1569 = arith.index_cast %select_n3A_1156 : i32 to index
        %swap3A_1570 = arith.index_cast %add3A_1450 : i32 to index
        %swap3A_1571 = arith.constant 80 : index
        %swap3A_1572 = tpu.vector_load %arg18[%swap3A_1569, %swap3A_1570, %swap3A_1571] {strides = array<i32>} : memref<2x64x128xf32, #tpu.memory_space<vmem>>, vector<1x1x16xf32>,
        %swap3A_1573 = vector.shape_cast %swap3A_1572 : vector<1x1x16xf32> to vector<16xf32>
        %swap3A_1574 = vector.shape_cast %add3A_1568 : vector<16xf32> to vector<1x1x16xf32>
        tpu.vector_store %arg18[%swap3A_1569, %swap3A_1570, %swap3A_1571], %swap3A_1574 {strides = array<i32>} : memref<2x64x128xf32, #tpu.memory_space<vmem>>, vector<1x1x16xf32>,
        %broadcast_in_dim3A_1575 = arith.constant 6 : i32
        %broadcast_in_dim3A_1576 = vector.broadcast %broadcast_in_dim3A_1575 : i32 to vector<16x1xi32>
        %gather3A_1577 = vector.shape_cast %broadcast_in_dim3A_1576 : vector<16x1xi32> to vector<16xi32>
        %gather3A_1578 = tpu.dynamic_gather %get3A_1289[%gather3A_1577] in [0] : vector<16xf32>, vector<16xi32> -> vector<16xf32>
        %get3A_1579 = arith.index_cast %select_n3A_1156 : i32 to index
        %get3A_1580 = arith.index_cast %add3A_1450 : i32 to index
        %get3A_1581 = arith.constant 64 : index
        %get3A_1582 = tpu.vector_load %arg15[%get3A_1579, %get3A_1580, %get3A_1581] {strides = array<i32>} : memref<2x64x96xf32, #tpu.memory_space<vmem>>, vector<1x1x16xf32>,
        %get3A_1583 = vector.shape_cast %get3A_1582 : vector<1x1x16xf32> to vector<16xf32>
        %get3A_1584 = arith.index_cast %select_n3A_1156 : i32 to index
        %get3A_1585 = arith.index_cast %add3A_1450 : i32 to index
        %get3A_1586 = arith.constant 80 : index
        %get3A_1587 = tpu.vector_load %arg15[%get3A_1584, %get3A_1585, %get3A_1586] {strides = array<i32>} : memref<2x64x96xf32, #tpu.memory_space<vmem>>, vector<1x1x16xf32>,
        %get3A_1588 = vector.shape_cast %get3A_1587 : vector<1x1x16xf32> to vector<16xf32>
        %mul3A_1589 = arith.mulf %get3A_1583, %mul3A_1495 : vector<16xf32>
        %mul3A_1590 = arith.mulf %gather3A_1578, %mul3A_1497 : vector<16xf32>
        %add3A_1591 = arith.addf %mul3A_1589, %mul3A_1590 : vector<16xf32>
        %swap3A_1592 = arith.index_cast %select_n3A_1156 : i32 to index
        %swap3A_1593 = arith.index_cast %add3A_1450 : i32 to index
        %swap3A_1594 = arith.constant 96 : index
        %swap3A_1595 = tpu.vector_load %arg18[%swap3A_1592, %swap3A_1593, %swap3A_1594] {strides = array<i32>} : memref<2x64x128xf32, #tpu.memory_space<vmem>>, vector<1x1x16xf32>,
        %swap3A_1596 = vector.shape_cast %swap3A_1595 : vector<1x1x16xf32> to vector<16xf32>
        %swap3A_1597 = vector.shape_cast %add3A_1591 : vector<16xf32> to vector<1x1x16xf32>
        tpu.vector_store %arg18[%swap3A_1592, %swap3A_1593, %swap3A_1594], %swap3A_1597 {strides = array<i32>} : memref<2x64x128xf32, #tpu.memory_space<vmem>>, vector<1x1x16xf32>,
        %mul3A_1598 = arith.mulf %get3A_1588, %mul3A_1496 : vector<16xf32>
        %mul3A_1599 = arith.mulf %gather3A_1578, %mul3A_1498 : vector<16xf32>
        %add3A_1600 = arith.addf %mul3A_1598, %mul3A_1599 : vector<16xf32>
        %swap3A_1601 = arith.index_cast %select_n3A_1156 : i32 to index
        %swap3A_1602 = arith.index_cast %add3A_1450 : i32 to index
        %swap3A_1603 = arith.constant 112 : index
        %swap3A_1604 = tpu.vector_load %arg18[%swap3A_1601, %swap3A_1602, %swap3A_1603] {strides = array<i32>} : memref<2x64x128xf32, #tpu.memory_space<vmem>>, vector<1x1x16xf32>,
        %swap3A_1605 = vector.shape_cast %swap3A_1604 : vector<1x1x16xf32> to vector<16xf32>
        %swap3A_1606 = vector.shape_cast %add3A_1600 : vector<16xf32> to vector<1x1x16xf32>
        tpu.vector_store %arg18[%swap3A_1601, %swap3A_1602, %swap3A_1603], %swap3A_1606 {strides = array<i32>} : memref<2x64x128xf32, #tpu.memory_space<vmem>>, vector<1x1x16xf32>,
        %mul3A_1607 = arith.constant 4 : i32
        %mul3A_1608 = arith.muli %scan3A_1284, %mul3A_1607 : i32
        %add3A_1609 = arith.constant 2 : i32
        %add3A_1610 = arith.addi %mul3A_1608, %add3A_1609 : i32
        %mul3A_1611 = arith.constant 2 : i32
        %mul3A_1612 = arith.muli %scan3A_1284, %mul3A_1611 : i32
        %add3A_1613 = arith.constant 1 : i32
        %add3A_1614 = arith.addi %mul3A_1612, %add3A_1613 : i32
        %get3A_1615 = arith.index_cast %select_n3A_1156 : i32 to index
        %get3A_1616 = arith.index_cast %add3A_1614 : i32 to index
        %get3A_1617 = arith.constant 0 : index
        %get3A_1618 = tpu.vector_load %arg16[%get3A_1615, %get3A_1616, %get3A_1617] {strides = array<i32>} : memref<2x32x128xf32, #tpu.memory_space<vmem>>, vector<1x1x16xf32>,
        %get3A_1619 = vector.shape_cast %get3A_1618 : vector<1x1x16xf32> to vector<16xf32>
        %get3A_1620 = arith.index_cast %select_n3A_1156 : i32 to index
        %get3A_1621 = arith.index_cast %add3A_1614 : i32 to index
        %get3A_1622 = arith.constant 16 : index
        %get3A_1623 = tpu.vector_load %arg16[%get3A_1620, %get3A_1621, %get3A_1622] {strides = array<i32>} : memref<2x32x128xf32, #tpu.memory_space<vmem>>, vector<1x1x16xf32>,
        %get3A_1624 = vector.shape_cast %get3A_1623 : vector<1x1x16xf32> to vector<16xf32>
        %get3A_1625 = arith.index_cast %select_n3A_1156 : i32 to index
        %get3A_1626 = arith.index_cast %add3A_1614 : i32 to index
        %get3A_1627 = arith.constant 32 : index
        %get3A_1628 = tpu.vector_load %arg16[%get3A_1625, %get3A_1626, %get3A_1627] {strides = array<i32>} : memref<2x32x128xf32, #tpu.memory_space<vmem>>, vector<1x1x16xf32>,
        %get3A_1629 = vector.shape_cast %get3A_1628 : vector<1x1x16xf32> to vector<16xf32>
        %get3A_1630 = arith.index_cast %select_n3A_1156 : i32 to index
        %get3A_1631 = arith.index_cast %add3A_1614 : i32 to index
        %get3A_1632 = arith.constant 48 : index
        %get3A_1633 = tpu.vector_load %arg16[%get3A_1630, %get3A_1631, %get3A_1632] {strides = array<i32>} : memref<2x32x128xf32, #tpu.memory_space<vmem>>, vector<1x1x16xf32>,
        %get3A_1634 = vector.shape_cast %get3A_1633 : vector<1x1x16xf32> to vector<16xf32>
        %get3A_1635 = arith.index_cast %select_n3A_1156 : i32 to index
        %get3A_1636 = arith.index_cast %add3A_1610 : i32 to index
        %get3A_1637 = arith.constant 0 : index
        %get3A_1638 = tpu.vector_load %arg14[%get3A_1635, %get3A_1636, %get3A_1637] {strides = array<i32>} : memref<2x64x64xf32, #tpu.memory_space<vmem>>, vector<1x1x16xf32>,
        %get3A_1639 = vector.shape_cast %get3A_1638 : vector<1x1x16xf32> to vector<16xf32>
        %get3A_1640 = arith.index_cast %select_n3A_1156 : i32 to index
        %get3A_1641 = arith.index_cast %add3A_1610 : i32 to index
        %get3A_1642 = arith.constant 16 : index
        %get3A_1643 = tpu.vector_load %arg14[%get3A_1640, %get3A_1641, %get3A_1642] {strides = array<i32>} : memref<2x64x64xf32, #tpu.memory_space<vmem>>, vector<1x1x16xf32>,
        %get3A_1644 = vector.shape_cast %get3A_1643 : vector<1x1x16xf32> to vector<16xf32>
        %get3A_1645 = arith.index_cast %select_n3A_1156 : i32 to index
        %get3A_1646 = arith.index_cast %add3A_1610 : i32 to index
        %get3A_1647 = arith.constant 32 : index
        %get3A_1648 = tpu.vector_load %arg14[%get3A_1645, %get3A_1646, %get3A_1647] {strides = array<i32>} : memref<2x64x64xf32, #tpu.memory_space<vmem>>, vector<1x1x16xf32>,
        %get3A_1649 = vector.shape_cast %get3A_1648 : vector<1x1x16xf32> to vector<16xf32>
        %get3A_1650 = arith.index_cast %select_n3A_1156 : i32 to index
        %get3A_1651 = arith.index_cast %add3A_1610 : i32 to index
        %get3A_1652 = arith.constant 48 : index
        %get3A_1653 = tpu.vector_load %arg14[%get3A_1650, %get3A_1651, %get3A_1652] {strides = array<i32>} : memref<2x64x64xf32, #tpu.memory_space<vmem>>, vector<1x1x16xf32>,
        %get3A_1654 = vector.shape_cast %get3A_1653 : vector<1x1x16xf32> to vector<16xf32>
        %mul3A_1655 = arith.mulf %get3A_1619, %get3A_1639 : vector<16xf32>
        %mul3A_1656 = arith.mulf %get3A_1624, %get3A_1644 : vector<16xf32>
        %mul3A_1657 = arith.mulf %get3A_1629, %get3A_1649 : vector<16xf32>
        %mul3A_1658 = arith.mulf %get3A_1634, %get3A_1654 : vector<16xf32>
        %swap3A_1659 = arith.index_cast %select_n3A_1156 : i32 to index
        %swap3A_1660 = arith.index_cast %add3A_1610 : i32 to index
        %swap3A_1661 = arith.constant 0 : index
        %swap3A_1662 = tpu.vector_load %arg18[%swap3A_1659, %swap3A_1660, %swap3A_1661] {strides = array<i32>} : memref<2x64x128xf32, #tpu.memory_space<vmem>>, vector<1x1x16xf32>,
        %swap3A_1663 = vector.shape_cast %swap3A_1662 : vector<1x1x16xf32> to vector<16xf32>
        %swap3A_1664 = vector.shape_cast %mul3A_1657 : vector<16xf32> to vector<1x1x16xf32>
        tpu.vector_store %arg18[%swap3A_1659, %swap3A_1660, %swap3A_1661], %swap3A_1664 {strides = array<i32>} : memref<2x64x128xf32, #tpu.memory_space<vmem>>, vector<1x1x16xf32>,
        %swap3A_1665 = arith.index_cast %select_n3A_1156 : i32 to index
        %swap3A_1666 = arith.index_cast %add3A_1610 : i32 to index
        %swap3A_1667 = arith.constant 16 : index
        %swap3A_1668 = tpu.vector_load %arg18[%swap3A_1665, %swap3A_1666, %swap3A_1667] {strides = array<i32>} : memref<2x64x128xf32, #tpu.memory_space<vmem>>, vector<1x1x16xf32>,
        %swap3A_1669 = vector.shape_cast %swap3A_1668 : vector<1x1x16xf32> to vector<16xf32>
        %swap3A_1670 = vector.shape_cast %mul3A_1658 : vector<16xf32> to vector<1x1x16xf32>
        tpu.vector_store %arg18[%swap3A_1665, %swap3A_1666, %swap3A_1667], %swap3A_1670 {strides = array<i32>} : memref<2x64x128xf32, #tpu.memory_space<vmem>>, vector<1x1x16xf32>,
        %broadcast_in_dim3A_1671 = arith.constant 8 : i32
        %broadcast_in_dim3A_1672 = vector.broadcast %broadcast_in_dim3A_1671 : i32 to vector<16x1xi32>
        %gather3A_1673 = vector.shape_cast %broadcast_in_dim3A_1672 : vector<16x1xi32> to vector<16xi32>
        %gather3A_1674 = tpu.dynamic_gather %get3A_1289[%gather3A_1673] in [0] : vector<16xf32>, vector<16xi32> -> vector<16xf32>
        %get3A_1675 = arith.index_cast %select_n3A_1156 : i32 to index
        %get3A_1676 = arith.index_cast %add3A_1610 : i32 to index
        %get3A_1677 = arith.constant 0 : index
        %get3A_1678 = tpu.vector_load %arg15[%get3A_1675, %get3A_1676, %get3A_1677] {strides = array<i32>} : memref<2x64x96xf32, #tpu.memory_space<vmem>>, vector<1x1x16xf32>,
        %get3A_1679 = vector.shape_cast %get3A_1678 : vector<1x1x16xf32> to vector<16xf32>
        %get3A_1680 = arith.index_cast %select_n3A_1156 : i32 to index
        %get3A_1681 = arith.index_cast %add3A_1610 : i32 to index
        %get3A_1682 = arith.constant 16 : index
        %get3A_1683 = tpu.vector_load %arg15[%get3A_1680, %get3A_1681, %get3A_1682] {strides = array<i32>} : memref<2x64x96xf32, #tpu.memory_space<vmem>>, vector<1x1x16xf32>,
        %get3A_1684 = vector.shape_cast %get3A_1683 : vector<1x1x16xf32> to vector<16xf32>
        %mul3A_1685 = arith.mulf %get3A_1679, %mul3A_1655 : vector<16xf32>
        %mul3A_1686 = arith.mulf %gather3A_1674, %mul3A_1657 : vector<16xf32>
        %add3A_1687 = arith.addf %mul3A_1685, %mul3A_1686 : vector<16xf32>
        %swap3A_1688 = arith.index_cast %select_n3A_1156 : i32 to index
        %swap3A_1689 = arith.index_cast %add3A_1610 : i32 to index
        %swap3A_1690 = arith.constant 32 : index
        %swap3A_1691 = tpu.vector_load %arg18[%swap3A_1688, %swap3A_1689, %swap3A_1690] {strides = array<i32>} : memref<2x64x128xf32, #tpu.memory_space<vmem>>, vector<1x1x16xf32>,
        %swap3A_1692 = vector.shape_cast %swap3A_1691 : vector<1x1x16xf32> to vector<16xf32>
        %swap3A_1693 = vector.shape_cast %add3A_1687 : vector<16xf32> to vector<1x1x16xf32>
        tpu.vector_store %arg18[%swap3A_1688, %swap3A_1689, %swap3A_1690], %swap3A_1693 {strides = array<i32>} : memref<2x64x128xf32, #tpu.memory_space<vmem>>, vector<1x1x16xf32>,
        %mul3A_1694 = arith.mulf %get3A_1684, %mul3A_1656 : vector<16xf32>
        %mul3A_1695 = arith.mulf %gather3A_1674, %mul3A_1658 : vector<16xf32>
        %add3A_1696 = arith.addf %mul3A_1694, %mul3A_1695 : vector<16xf32>
        %swap3A_1697 = arith.index_cast %select_n3A_1156 : i32 to index
        %swap3A_1698 = arith.index_cast %add3A_1610 : i32 to index
        %swap3A_1699 = arith.constant 48 : index
        %swap3A_1700 = tpu.vector_load %arg18[%swap3A_1697, %swap3A_1698, %swap3A_1699] {strides = array<i32>} : memref<2x64x128xf32, #tpu.memory_space<vmem>>, vector<1x1x16xf32>,
        %swap3A_1701 = vector.shape_cast %swap3A_1700 : vector<1x1x16xf32> to vector<16xf32>
        %swap3A_1702 = vector.shape_cast %add3A_1696 : vector<16xf32> to vector<1x1x16xf32>
        tpu.vector_store %arg18[%swap3A_1697, %swap3A_1698, %swap3A_1699], %swap3A_1702 {strides = array<i32>} : memref<2x64x128xf32, #tpu.memory_space<vmem>>, vector<1x1x16xf32>,
        %broadcast_in_dim3A_1703 = arith.constant 9 : i32
        %broadcast_in_dim3A_1704 = vector.broadcast %broadcast_in_dim3A_1703 : i32 to vector<16x1xi32>
        %gather3A_1705 = vector.shape_cast %broadcast_in_dim3A_1704 : vector<16x1xi32> to vector<16xi32>
        %gather3A_1706 = tpu.dynamic_gather %get3A_1289[%gather3A_1705] in [0] : vector<16xf32>, vector<16xi32> -> vector<16xf32>
        %get3A_1707 = arith.index_cast %select_n3A_1156 : i32 to index
        %get3A_1708 = arith.index_cast %add3A_1610 : i32 to index
        %get3A_1709 = arith.constant 32 : index
        %get3A_1710 = tpu.vector_load %arg15[%get3A_1707, %get3A_1708, %get3A_1709] {strides = array<i32>} : memref<2x64x96xf32, #tpu.memory_space<vmem>>, vector<1x1x16xf32>,
        %get3A_1711 = vector.shape_cast %get3A_1710 : vector<1x1x16xf32> to vector<16xf32>
        %get3A_1712 = arith.index_cast %select_n3A_1156 : i32 to index
        %get3A_1713 = arith.index_cast %add3A_1610 : i32 to index
        %get3A_1714 = arith.constant 48 : index
        %get3A_1715 = tpu.vector_load %arg15[%get3A_1712, %get3A_1713, %get3A_1714] {strides = array<i32>} : memref<2x64x96xf32, #tpu.memory_space<vmem>>, vector<1x1x16xf32>,
        %get3A_1716 = vector.shape_cast %get3A_1715 : vector<1x1x16xf32> to vector<16xf32>
        %mul3A_1717 = arith.mulf %get3A_1711, %mul3A_1655 : vector<16xf32>
        %mul3A_1718 = arith.mulf %gather3A_1706, %mul3A_1657 : vector<16xf32>
        %add3A_1719 = arith.addf %mul3A_1717, %mul3A_1718 : vector<16xf32>
        %swap3A_1720 = arith.index_cast %select_n3A_1156 : i32 to index
        %swap3A_1721 = arith.index_cast %add3A_1610 : i32 to index
        %swap3A_1722 = arith.constant 64 : index
        %swap3A_1723 = tpu.vector_load %arg18[%swap3A_1720, %swap3A_1721, %swap3A_1722] {strides = array<i32>} : memref<2x64x128xf32, #tpu.memory_space<vmem>>, vector<1x1x16xf32>,
        %swap3A_1724 = vector.shape_cast %swap3A_1723 : vector<1x1x16xf32> to vector<16xf32>
        %swap3A_1725 = vector.shape_cast %add3A_1719 : vector<16xf32> to vector<1x1x16xf32>
        tpu.vector_store %arg18[%swap3A_1720, %swap3A_1721, %swap3A_1722], %swap3A_1725 {strides = array<i32>} : memref<2x64x128xf32, #tpu.memory_space<vmem>>, vector<1x1x16xf32>,
        %mul3A_1726 = arith.mulf %get3A_1716, %mul3A_1656 : vector<16xf32>
        %mul3A_1727 = arith.mulf %gather3A_1706, %mul3A_1658 : vector<16xf32>
        %add3A_1728 = arith.addf %mul3A_1726, %mul3A_1727 : vector<16xf32>
        %swap3A_1729 = arith.index_cast %select_n3A_1156 : i32 to index
        %swap3A_1730 = arith.index_cast %add3A_1610 : i32 to index
        %swap3A_1731 = arith.constant 80 : index
        %swap3A_1732 = tpu.vector_load %arg18[%swap3A_1729, %swap3A_1730, %swap3A_1731] {strides = array<i32>} : memref<2x64x128xf32, #tpu.memory_space<vmem>>, vector<1x1x16xf32>,
        %swap3A_1733 = vector.shape_cast %swap3A_1732 : vector<1x1x16xf32> to vector<16xf32>
        %swap3A_1734 = vector.shape_cast %add3A_1728 : vector<16xf32> to vector<1x1x16xf32>
        tpu.vector_store %arg18[%swap3A_1729, %swap3A_1730, %swap3A_1731], %swap3A_1734 {strides = array<i32>} : memref<2x64x128xf32, #tpu.memory_space<vmem>>, vector<1x1x16xf32>,
        %broadcast_in_dim3A_1735 = arith.constant 10 : i32
        %broadcast_in_dim3A_1736 = vector.broadcast %broadcast_in_dim3A_1735 : i32 to vector<16x1xi32>
        %gather3A_1737 = vector.shape_cast %broadcast_in_dim3A_1736 : vector<16x1xi32> to vector<16xi32>
        %gather3A_1738 = tpu.dynamic_gather %get3A_1289[%gather3A_1737] in [0] : vector<16xf32>, vector<16xi32> -> vector<16xf32>
        %get3A_1739 = arith.index_cast %select_n3A_1156 : i32 to index
        %get3A_1740 = arith.index_cast %add3A_1610 : i32 to index
        %get3A_1741 = arith.constant 64 : index
        %get3A_1742 = tpu.vector_load %arg15[%get3A_1739, %get3A_1740, %get3A_1741] {strides = array<i32>} : memref<2x64x96xf32, #tpu.memory_space<vmem>>, vector<1x1x16xf32>,
        %get3A_1743 = vector.shape_cast %get3A_1742 : vector<1x1x16xf32> to vector<16xf32>
        %get3A_1744 = arith.index_cast %select_n3A_1156 : i32 to index
        %get3A_1745 = arith.index_cast %add3A_1610 : i32 to index
        %get3A_1746 = arith.constant 80 : index
        %get3A_1747 = tpu.vector_load %arg15[%get3A_1744, %get3A_1745, %get3A_1746] {strides = array<i32>} : memref<2x64x96xf32, #tpu.memory_space<vmem>>, vector<1x1x16xf32>,
        %get3A_1748 = vector.shape_cast %get3A_1747 : vector<1x1x16xf32> to vector<16xf32>
        %mul3A_1749 = arith.mulf %get3A_1743, %mul3A_1655 : vector<16xf32>
        %mul3A_1750 = arith.mulf %gather3A_1738, %mul3A_1657 : vector<16xf32>
        %add3A_1751 = arith.addf %mul3A_1749, %mul3A_1750 : vector<16xf32>
        %swap3A_1752 = arith.index_cast %select_n3A_1156 : i32 to index
        %swap3A_1753 = arith.index_cast %add3A_1610 : i32 to index
        %swap3A_1754 = arith.constant 96 : index
        %swap3A_1755 = tpu.vector_load %arg18[%swap3A_1752, %swap3A_1753, %swap3A_1754] {strides = array<i32>} : memref<2x64x128xf32, #tpu.memory_space<vmem>>, vector<1x1x16xf32>,
        %swap3A_1756 = vector.shape_cast %swap3A_1755 : vector<1x1x16xf32> to vector<16xf32>
        %swap3A_1757 = vector.shape_cast %add3A_1751 : vector<16xf32> to vector<1x1x16xf32>
        tpu.vector_store %arg18[%swap3A_1752, %swap3A_1753, %swap3A_1754], %swap3A_1757 {strides = array<i32>} : memref<2x64x128xf32, #tpu.memory_space<vmem>>, vector<1x1x16xf32>,
        %mul3A_1758 = arith.mulf %get3A_1748, %mul3A_1656 : vector<16xf32>
        %mul3A_1759 = arith.mulf %gather3A_1738, %mul3A_1658 : vector<16xf32>
        %add3A_1760 = arith.addf %mul3A_1758, %mul3A_1759 : vector<16xf32>
        %swap3A_1761 = arith.index_cast %select_n3A_1156 : i32 to index
        %swap3A_1762 = arith.index_cast %add3A_1610 : i32 to index
        %swap3A_1763 = arith.constant 112 : index
        %swap3A_1764 = tpu.vector_load %arg18[%swap3A_1761, %swap3A_1762, %swap3A_1763] {strides = array<i32>} : memref<2x64x128xf32, #tpu.memory_space<vmem>>, vector<1x1x16xf32>,
        %swap3A_1765 = vector.shape_cast %swap3A_1764 : vector<1x1x16xf32> to vector<16xf32>
        %swap3A_1766 = vector.shape_cast %add3A_1760 : vector<16xf32> to vector<1x1x16xf32>
        tpu.vector_store %arg18[%swap3A_1761, %swap3A_1762, %swap3A_1763], %swap3A_1766 {strides = array<i32>} : memref<2x64x128xf32, #tpu.memory_space<vmem>>, vector<1x1x16xf32>,
        %mul3A_1767 = arith.constant 4 : i32
        %mul3A_1768 = arith.muli %scan3A_1284, %mul3A_1767 : i32
        %add3A_1769 = arith.constant 3 : i32
        %add3A_1770 = arith.addi %mul3A_1768, %add3A_1769 : i32
        %mul3A_1771 = arith.constant 2 : i32
        %mul3A_1772 = arith.muli %scan3A_1284, %mul3A_1771 : i32
        %add3A_1773 = arith.constant 1 : i32
        %add3A_1774 = arith.addi %mul3A_1772, %add3A_1773 : i32
        %get3A_1775 = arith.index_cast %select_n3A_1156 : i32 to index
        %get3A_1776 = arith.index_cast %add3A_1774 : i32 to index
        %get3A_1777 = arith.constant 64 : index
        %get3A_1778 = tpu.vector_load %arg16[%get3A_1775, %get3A_1776, %get3A_1777] {strides = array<i32>} : memref<2x32x128xf32, #tpu.memory_space<vmem>>, vector<1x1x16xf32>,
        %get3A_1779 = vector.shape_cast %get3A_1778 : vector<1x1x16xf32> to vector<16xf32>
        %get3A_1780 = arith.index_cast %select_n3A_1156 : i32 to index
        %get3A_1781 = arith.index_cast %add3A_1774 : i32 to index
        %get3A_1782 = arith.constant 80 : index
        %get3A_1783 = tpu.vector_load %arg16[%get3A_1780, %get3A_1781, %get3A_1782] {strides = array<i32>} : memref<2x32x128xf32, #tpu.memory_space<vmem>>, vector<1x1x16xf32>,
        %get3A_1784 = vector.shape_cast %get3A_1783 : vector<1x1x16xf32> to vector<16xf32>
        %get3A_1785 = arith.index_cast %select_n3A_1156 : i32 to index
        %get3A_1786 = arith.index_cast %add3A_1774 : i32 to index
        %get3A_1787 = arith.constant 96 : index
        %get3A_1788 = tpu.vector_load %arg16[%get3A_1785, %get3A_1786, %get3A_1787] {strides = array<i32>} : memref<2x32x128xf32, #tpu.memory_space<vmem>>, vector<1x1x16xf32>,
        %get3A_1789 = vector.shape_cast %get3A_1788 : vector<1x1x16xf32> to vector<16xf32>
        %get3A_1790 = arith.index_cast %select_n3A_1156 : i32 to index
        %get3A_1791 = arith.index_cast %add3A_1774 : i32 to index
        %get3A_1792 = arith.constant 112 : index
        %get3A_1793 = tpu.vector_load %arg16[%get3A_1790, %get3A_1791, %get3A_1792] {strides = array<i32>} : memref<2x32x128xf32, #tpu.memory_space<vmem>>, vector<1x1x16xf32>,
        %get3A_1794 = vector.shape_cast %get3A_1793 : vector<1x1x16xf32> to vector<16xf32>
        %get3A_1795 = arith.index_cast %select_n3A_1156 : i32 to index
        %get3A_1796 = arith.index_cast %add3A_1770 : i32 to index
        %get3A_1797 = arith.constant 0 : index
        %get3A_1798 = tpu.vector_load %arg14[%get3A_1795, %get3A_1796, %get3A_1797] {strides = array<i32>} : memref<2x64x64xf32, #tpu.memory_space<vmem>>, vector<1x1x16xf32>,
        %get3A_1799 = vector.shape_cast %get3A_1798 : vector<1x1x16xf32> to vector<16xf32>
        %get3A_1800 = arith.index_cast %select_n3A_1156 : i32 to index
        %get3A_1801 = arith.index_cast %add3A_1770 : i32 to index
        %get3A_1802 = arith.constant 16 : index
        %get3A_1803 = tpu.vector_load %arg14[%get3A_1800, %get3A_1801, %get3A_1802] {strides = array<i32>} : memref<2x64x64xf32, #tpu.memory_space<vmem>>, vector<1x1x16xf32>,
        %get3A_1804 = vector.shape_cast %get3A_1803 : vector<1x1x16xf32> to vector<16xf32>
        %get3A_1805 = arith.index_cast %select_n3A_1156 : i32 to index
        %get3A_1806 = arith.index_cast %add3A_1770 : i32 to index
        %get3A_1807 = arith.constant 32 : index
        %get3A_1808 = tpu.vector_load %arg14[%get3A_1805, %get3A_1806, %get3A_1807] {strides = array<i32>} : memref<2x64x64xf32, #tpu.memory_space<vmem>>, vector<1x1x16xf32>,
        %get3A_1809 = vector.shape_cast %get3A_1808 : vector<1x1x16xf32> to vector<16xf32>
        %get3A_1810 = arith.index_cast %select_n3A_1156 : i32 to index
        %get3A_1811 = arith.index_cast %add3A_1770 : i32 to index
        %get3A_1812 = arith.constant 48 : index
        %get3A_1813 = tpu.vector_load %arg14[%get3A_1810, %get3A_1811, %get3A_1812] {strides = array<i32>} : memref<2x64x64xf32, #tpu.memory_space<vmem>>, vector<1x1x16xf32>,
        %get3A_1814 = vector.shape_cast %get3A_1813 : vector<1x1x16xf32> to vector<16xf32>
        %mul3A_1815 = arith.mulf %get3A_1779, %get3A_1799 : vector<16xf32>
        %mul3A_1816 = arith.mulf %get3A_1784, %get3A_1804 : vector<16xf32>
        %mul3A_1817 = arith.mulf %get3A_1789, %get3A_1809 : vector<16xf32>
        %mul3A_1818 = arith.mulf %get3A_1794, %get3A_1814 : vector<16xf32>
        %swap3A_1819 = arith.index_cast %select_n3A_1156 : i32 to index
        %swap3A_1820 = arith.index_cast %add3A_1770 : i32 to index
        %swap3A_1821 = arith.constant 0 : index
        %swap3A_1822 = tpu.vector_load %arg18[%swap3A_1819, %swap3A_1820, %swap3A_1821] {strides = array<i32>} : memref<2x64x128xf32, #tpu.memory_space<vmem>>, vector<1x1x16xf32>,
        %swap3A_1823 = vector.shape_cast %swap3A_1822 : vector<1x1x16xf32> to vector<16xf32>
        %swap3A_1824 = vector.shape_cast %mul3A_1817 : vector<16xf32> to vector<1x1x16xf32>
        tpu.vector_store %arg18[%swap3A_1819, %swap3A_1820, %swap3A_1821], %swap3A_1824 {strides = array<i32>} : memref<2x64x128xf32, #tpu.memory_space<vmem>>, vector<1x1x16xf32>,
        %swap3A_1825 = arith.index_cast %select_n3A_1156 : i32 to index
        %swap3A_1826 = arith.index_cast %add3A_1770 : i32 to index
        %swap3A_1827 = arith.constant 16 : index
        %swap3A_1828 = tpu.vector_load %arg18[%swap3A_1825, %swap3A_1826, %swap3A_1827] {strides = array<i32>} : memref<2x64x128xf32, #tpu.memory_space<vmem>>, vector<1x1x16xf32>,
        %swap3A_1829 = vector.shape_cast %swap3A_1828 : vector<1x1x16xf32> to vector<16xf32>
        %swap3A_1830 = vector.shape_cast %mul3A_1818 : vector<16xf32> to vector<1x1x16xf32>
        tpu.vector_store %arg18[%swap3A_1825, %swap3A_1826, %swap3A_1827], %swap3A_1830 {strides = array<i32>} : memref<2x64x128xf32, #tpu.memory_space<vmem>>, vector<1x1x16xf32>,
        %broadcast_in_dim3A_1831 = arith.constant 12 : i32
        %broadcast_in_dim3A_1832 = vector.broadcast %broadcast_in_dim3A_1831 : i32 to vector<16x1xi32>
        %gather3A_1833 = vector.shape_cast %broadcast_in_dim3A_1832 : vector<16x1xi32> to vector<16xi32>
        %gather3A_1834 = tpu.dynamic_gather %get3A_1289[%gather3A_1833] in [0] : vector<16xf32>, vector<16xi32> -> vector<16xf32>
        %get3A_1835 = arith.index_cast %select_n3A_1156 : i32 to index
        %get3A_1836 = arith.index_cast %add3A_1770 : i32 to index
        %get3A_1837 = arith.constant 0 : index
        %get3A_1838 = tpu.vector_load %arg15[%get3A_1835, %get3A_1836, %get3A_1837] {strides = array<i32>} : memref<2x64x96xf32, #tpu.memory_space<vmem>>, vector<1x1x16xf32>,
        %get3A_1839 = vector.shape_cast %get3A_1838 : vector<1x1x16xf32> to vector<16xf32>
        %get3A_1840 = arith.index_cast %select_n3A_1156 : i32 to index
        %get3A_1841 = arith.index_cast %add3A_1770 : i32 to index
        %get3A_1842 = arith.constant 16 : index
        %get3A_1843 = tpu.vector_load %arg15[%get3A_1840, %get3A_1841, %get3A_1842] {strides = array<i32>} : memref<2x64x96xf32, #tpu.memory_space<vmem>>, vector<1x1x16xf32>,
        %get3A_1844 = vector.shape_cast %get3A_1843 : vector<1x1x16xf32> to vector<16xf32>
        %mul3A_1845 = arith.mulf %get3A_1839, %mul3A_1815 : vector<16xf32>
        %mul3A_1846 = arith.mulf %gather3A_1834, %mul3A_1817 : vector<16xf32>
        %add3A_1847 = arith.addf %mul3A_1845, %mul3A_1846 : vector<16xf32>
        %swap3A_1848 = arith.index_cast %select_n3A_1156 : i32 to index
        %swap3A_1849 = arith.index_cast %add3A_1770 : i32 to index
        %swap3A_1850 = arith.constant 32 : index
        %swap3A_1851 = tpu.vector_load %arg18[%swap3A_1848, %swap3A_1849, %swap3A_1850] {strides = array<i32>} : memref<2x64x128xf32, #tpu.memory_space<vmem>>, vector<1x1x16xf32>,
        %swap3A_1852 = vector.shape_cast %swap3A_1851 : vector<1x1x16xf32> to vector<16xf32>
        %swap3A_1853 = vector.shape_cast %add3A_1847 : vector<16xf32> to vector<1x1x16xf32>
        tpu.vector_store %arg18[%swap3A_1848, %swap3A_1849, %swap3A_1850], %swap3A_1853 {strides = array<i32>} : memref<2x64x128xf32, #tpu.memory_space<vmem>>, vector<1x1x16xf32>,
        %mul3A_1854 = arith.mulf %get3A_1844, %mul3A_1816 : vector<16xf32>
        %mul3A_1855 = arith.mulf %gather3A_1834, %mul3A_1818 : vector<16xf32>
        %add3A_1856 = arith.addf %mul3A_1854, %mul3A_1855 : vector<16xf32>
        %swap3A_1857 = arith.index_cast %select_n3A_1156 : i32 to index
        %swap3A_1858 = arith.index_cast %add3A_1770 : i32 to index
        %swap3A_1859 = arith.constant 48 : index
        %swap3A_1860 = tpu.vector_load %arg18[%swap3A_1857, %swap3A_1858, %swap3A_1859] {strides = array<i32>} : memref<2x64x128xf32, #tpu.memory_space<vmem>>, vector<1x1x16xf32>,
        %swap3A_1861 = vector.shape_cast %swap3A_1860 : vector<1x1x16xf32> to vector<16xf32>
        %swap3A_1862 = vector.shape_cast %add3A_1856 : vector<16xf32> to vector<1x1x16xf32>
        tpu.vector_store %arg18[%swap3A_1857, %swap3A_1858, %swap3A_1859], %swap3A_1862 {strides = array<i32>} : memref<2x64x128xf32, #tpu.memory_space<vmem>>, vector<1x1x16xf32>,
        %broadcast_in_dim3A_1863 = arith.constant 13 : i32
        %broadcast_in_dim3A_1864 = vector.broadcast %broadcast_in_dim3A_1863 : i32 to vector<16x1xi32>
        %gather3A_1865 = vector.shape_cast %broadcast_in_dim3A_1864 : vector<16x1xi32> to vector<16xi32>
        %gather3A_1866 = tpu.dynamic_gather %get3A_1289[%gather3A_1865] in [0] : vector<16xf32>, vector<16xi32> -> vector<16xf32>
        %get3A_1867 = arith.index_cast %select_n3A_1156 : i32 to index
        %get3A_1868 = arith.index_cast %add3A_1770 : i32 to index
        %get3A_1869 = arith.constant 32 : index
        %get3A_1870 = tpu.vector_load %arg15[%get3A_1867, %get3A_1868, %get3A_1869] {strides = array<i32>} : memref<2x64x96xf32, #tpu.memory_space<vmem>>, vector<1x1x16xf32>,
        %get3A_1871 = vector.shape_cast %get3A_1870 : vector<1x1x16xf32> to vector<16xf32>
        %get3A_1872 = arith.index_cast %select_n3A_1156 : i32 to index
        %get3A_1873 = arith.index_cast %add3A_1770 : i32 to index
        %get3A_1874 = arith.constant 48 : index
        %get3A_1875 = tpu.vector_load %arg15[%get3A_1872, %get3A_1873, %get3A_1874] {strides = array<i32>} : memref<2x64x96xf32, #tpu.memory_space<vmem>>, vector<1x1x16xf32>,
        %get3A_1876 = vector.shape_cast %get3A_1875 : vector<1x1x16xf32> to vector<16xf32>
        %mul3A_1877 = arith.mulf %get3A_1871, %mul3A_1815 : vector<16xf32>
        %mul3A_1878 = arith.mulf %gather3A_1866, %mul3A_1817 : vector<16xf32>
        %add3A_1879 = arith.addf %mul3A_1877, %mul3A_1878 : vector<16xf32>
        %swap3A_1880 = arith.index_cast %select_n3A_1156 : i32 to index
        %swap3A_1881 = arith.index_cast %add3A_1770 : i32 to index
        %swap3A_1882 = arith.constant 64 : index
        %swap3A_1883 = tpu.vector_load %arg18[%swap3A_1880, %swap3A_1881, %swap3A_1882] {strides = array<i32>} : memref<2x64x128xf32, #tpu.memory_space<vmem>>, vector<1x1x16xf32>,
        %swap3A_1884 = vector.shape_cast %swap3A_1883 : vector<1x1x16xf32> to vector<16xf32>
        %swap3A_1885 = vector.shape_cast %add3A_1879 : vector<16xf32> to vector<1x1x16xf32>
        tpu.vector_store %arg18[%swap3A_1880, %swap3A_1881, %swap3A_1882], %swap3A_1885 {strides = array<i32>} : memref<2x64x128xf32, #tpu.memory_space<vmem>>, vector<1x1x16xf32>,
        %mul3A_1886 = arith.mulf %get3A_1876, %mul3A_1816 : vector<16xf32>
        %mul3A_1887 = arith.mulf %gather3A_1866, %mul3A_1818 : vector<16xf32>
        %add3A_1888 = arith.addf %mul3A_1886, %mul3A_1887 : vector<16xf32>
        %swap3A_1889 = arith.index_cast %select_n3A_1156 : i32 to index
        %swap3A_1890 = arith.index_cast %add3A_1770 : i32 to index
        %swap3A_1891 = arith.constant 80 : index
        %swap3A_1892 = tpu.vector_load %arg18[%swap3A_1889, %swap3A_1890, %swap3A_1891] {strides = array<i32>} : memref<2x64x128xf32, #tpu.memory_space<vmem>>, vector<1x1x16xf32>,
        %swap3A_1893 = vector.shape_cast %swap3A_1892 : vector<1x1x16xf32> to vector<16xf32>
        %swap3A_1894 = vector.shape_cast %add3A_1888 : vector<16xf32> to vector<1x1x16xf32>
        tpu.vector_store %arg18[%swap3A_1889, %swap3A_1890, %swap3A_1891], %swap3A_1894 {strides = array<i32>} : memref<2x64x128xf32, #tpu.memory_space<vmem>>, vector<1x1x16xf32>,
        %broadcast_in_dim3A_1895 = arith.constant 14 : i32
        %broadcast_in_dim3A_1896 = vector.broadcast %broadcast_in_dim3A_1895 : i32 to vector<16x1xi32>
        %gather3A_1897 = vector.shape_cast %broadcast_in_dim3A_1896 : vector<16x1xi32> to vector<16xi32>
        %gather3A_1898 = tpu.dynamic_gather %get3A_1289[%gather3A_1897] in [0] : vector<16xf32>, vector<16xi32> -> vector<16xf32>
        %get3A_1899 = arith.index_cast %select_n3A_1156 : i32 to index
        %get3A_1900 = arith.index_cast %add3A_1770 : i32 to index
        %get3A_1901 = arith.constant 64 : index
        %get3A_1902 = tpu.vector_load %arg15[%get3A_1899, %get3A_1900, %get3A_1901] {strides = array<i32>} : memref<2x64x96xf32, #tpu.memory_space<vmem>>, vector<1x1x16xf32>,
        %get3A_1903 = vector.shape_cast %get3A_1902 : vector<1x1x16xf32> to vector<16xf32>
        %get3A_1904 = arith.index_cast %select_n3A_1156 : i32 to index
        %get3A_1905 = arith.index_cast %add3A_1770 : i32 to index
        %get3A_1906 = arith.constant 80 : index
        %get3A_1907 = tpu.vector_load %arg15[%get3A_1904, %get3A_1905, %get3A_1906] {strides = array<i32>} : memref<2x64x96xf32, #tpu.memory_space<vmem>>, vector<1x1x16xf32>,
        %get3A_1908 = vector.shape_cast %get3A_1907 : vector<1x1x16xf32> to vector<16xf32>
        %mul3A_1909 = arith.mulf %get3A_1903, %mul3A_1815 : vector<16xf32>
        %mul3A_1910 = arith.mulf %gather3A_1898, %mul3A_1817 : vector<16xf32>
        %add3A_1911 = arith.addf %mul3A_1909, %mul3A_1910 : vector<16xf32>
        %swap3A_1912 = arith.index_cast %select_n3A_1156 : i32 to index
        %swap3A_1913 = arith.index_cast %add3A_1770 : i32 to index
        %swap3A_1914 = arith.constant 96 : index
        %swap3A_1915 = tpu.vector_load %arg18[%swap3A_1912, %swap3A_1913, %swap3A_1914] {strides = array<i32>} : memref<2x64x128xf32, #tpu.memory_space<vmem>>, vector<1x1x16xf32>,
        %swap3A_1916 = vector.shape_cast %swap3A_1915 : vector<1x1x16xf32> to vector<16xf32>
        %swap3A_1917 = vector.shape_cast %add3A_1911 : vector<16xf32> to vector<1x1x16xf32>
        tpu.vector_store %arg18[%swap3A_1912, %swap3A_1913, %swap3A_1914], %swap3A_1917 {strides = array<i32>} : memref<2x64x128xf32, #tpu.memory_space<vmem>>, vector<1x1x16xf32>,
        %mul3A_1918 = arith.mulf %get3A_1908, %mul3A_1816 : vector<16xf32>
        %mul3A_1919 = arith.mulf %gather3A_1898, %mul3A_1818 : vector<16xf32>
        %add3A_1920 = arith.addf %mul3A_1918, %mul3A_1919 : vector<16xf32>
        %swap3A_1921 = arith.index_cast %select_n3A_1156 : i32 to index
        %swap3A_1922 = arith.index_cast %add3A_1770 : i32 to index
        %swap3A_1923 = arith.constant 112 : index
        %swap3A_1924 = tpu.vector_load %arg18[%swap3A_1921, %swap3A_1922, %swap3A_1923] {strides = array<i32>} : memref<2x64x128xf32, #tpu.memory_space<vmem>>, vector<1x1x16xf32>,
        %swap3A_1925 = vector.shape_cast %swap3A_1924 : vector<1x1x16xf32> to vector<16xf32>
        %swap3A_1926 = vector.shape_cast %add3A_1920 : vector<16xf32> to vector<1x1x16xf32>
        tpu.vector_store %arg18[%swap3A_1921, %swap3A_1922, %swap3A_1923], %swap3A_1926 {strides = array<i32>} : memref<2x64x128xf32, #tpu.memory_space<vmem>>, vector<1x1x16xf32>,
      }
      %scan3A_1252 = arith.constant 16 : i32
      %jit3A_1253 = arith.constant 4 : i32
      %eq3A_1254 = arith.constant 0 : i32
      %eq3A_1255 = arith.cmpi eq, %jit3A_1253, %eq3A_1254 : i32
      %jit3A_1256 = arith.constant 1 : i32
      %select_n3A_1257 = arith.select %eq3A_1255, %jit3A_1256, %jit3A_1253 : i32
      %rem3A_1258 = arith.remsi %scan3A_1140, %select_n3A_1257 : i32
      %ne3A_1259 = arith.constant 0 : i32
      %ne3A_1260 = arith.cmpi ne, %rem3A_1258, %ne3A_1259 : i32
      %lt3A_1261 = arith.constant 0 : i32
      %lt3A_1262 = arith.cmpi slt, %rem3A_1258, %lt3A_1261 : i32
      %lt3A_1263 = arith.constant 0 : i32
      %lt3A_1264 = arith.cmpi slt, %select_n3A_1257, %lt3A_1263 : i32
      %ne3A_1265 = arith.xori %lt3A_1262, %lt3A_1264 : i1
      %and3A_1266 = arith.andi %ne3A_1265, %ne3A_1260 : i1
      %add3A_1267 = arith.addi %rem3A_1258, %select_n3A_1257 : i32
      %select_n3A_1268 = arith.select %and3A_1266, %add3A_1267, %rem3A_1258 : i32
      %dma_start3A_1269 = arith.constant 0 : i32
      %dma_start3A_1270 = arith.constant 0 : i32
      %dma_start3A_1271 = tpu.memref_slice %arg18[%select_n3A_1156, %dma_start3A_1269, %dma_start3A_1270] : memref<2x64x128xf32, #tpu.memory_space<vmem>> -> memref<1x64x128xf32, #tpu.memory_space<vmem>>
      %dma_start3A_1272 = tpu.memref_squeeze %dma_start3A_1271 : memref<1x64x128xf32, #tpu.memory_space<vmem>> -> memref<64x128xf32, #tpu.memory_space<vmem>>
      %dma_start3A_1273 = arith.constant 0 : i32
      %dma_start3A_1274 = tpu.memref_slice %arg13[%select_n3A_1268, %dma_start3A_1273] : memref<4x64xi32, #tpu.memory_space<vmem>> -> memref<1x64xi32, #tpu.memory_space<vmem>>
      %dma_start3A_1275 = tpu.memref_squeeze %dma_start3A_1274 : memref<1x64xi32, #tpu.memory_space<vmem>> -> memref<64xi32, #tpu.memory_space<vmem>>
      %dma_start3A_1276 = arith.constant 0 : i32
      %dma_start3A_1277 = arith.constant 0 : i32
      %dma_start3A_1278 = tpu.memref_slice %arg11[%dma_start3A_1276, %dma_start3A_1277] : memref<10112x128xf32, #tpu.memory_space<vmem_shared>> -> memref<10112x128xf32, #tpu.memory_space<vmem_shared>>
      tpu.enqueue_indirect_dma source(%dma_start3A_1272 : memref<64x128xf32, #tpu.memory_space<vmem>>) target(%dma_start3A_1278 : memref<10112x128xf32, #tpu.memory_space<vmem_shared>>) offsets(%dma_start3A_1275 : memref<64xi32, #tpu.memory_space<vmem>>) semaphore(%arg21 : memref<!tpu.dma_semaphore, #tpu.memory_space<semaphore_mem>>) {add = true}
      %le3A_1279 = arith.constant 317 : i32
      %le3A_1280 = arith.cmpi sle, %scan3A_1140, %le3A_1279 : i32
      %convert_element_type3A_1281 = arith.extui %le3A_1280 : i1 to i32
      %cond3A_1282 = arith.constant 0 : i32
      %cond3A_1283 = arith.cmpi ne, %convert_element_type3A_1281, %cond3A_1282 : i32
      scf.if %cond3A_1283 {
        %add3A_1284 = arith.constant 2 : i32
        %add3A_1285 = arith.addi %scan3A_1140, %add3A_1284 : i32
        %mul3A_1286 = arith.constant 16 : i32
        %mul3A_1287 = arith.muli %add3A_1285, %mul3A_1286 : i32
        %add3A_1288 = arith.addi %mul3A_1287, %arg1 : i32
        %jit3A_1289 = arith.constant 2 : i32
        %eq3A_1290 = arith.constant 0 : i32
        %eq3A_1291 = arith.cmpi eq, %jit3A_1289, %eq3A_1290 : i32
        %jit3A_1292 = arith.constant 1 : i32
        %select_n3A_1293 = arith.select %eq3A_1291, %jit3A_1292, %jit3A_1289 : i32
        %rem3A_1294 = arith.remsi %add3A_1285, %select_n3A_1293 : i32
        %ne3A_1295 = arith.constant 0 : i32
        %ne3A_1296 = arith.cmpi ne, %rem3A_1294, %ne3A_1295 : i32
        %lt3A_1297 = arith.constant 0 : i32
        %lt3A_1298 = arith.cmpi slt, %rem3A_1294, %lt3A_1297 : i32
        %lt3A_1299 = arith.constant 0 : i32
        %lt3A_1300 = arith.cmpi slt, %select_n3A_1293, %lt3A_1299 : i32
        %ne3A_1301 = arith.xori %lt3A_1298, %lt3A_1300 : i1
        %and3A_1302 = arith.andi %ne3A_1301, %ne3A_1296 : i1
        %add3A_1303 = arith.addi %rem3A_1294, %select_n3A_1293 : i32
        %select_n3A_1304 = arith.select %and3A_1302, %add3A_1303, %rem3A_1294 : i32
        %dma_start3A_1305 = arith.constant 0 : i32
        %dma_start3A_1306 = tpu.memref_slice %arg12[%select_n3A_1304, %dma_start3A_1305] : memref<2x64xi32, #tpu.memory_space<vmem>> -> memref<1x64xi32, #tpu.memory_space<vmem>>
        %dma_start3A_1307 = tpu.memref_squeeze %dma_start3A_1306 : memref<1x64xi32, #tpu.memory_space<vmem>> -> memref<64xi32, #tpu.memory_space<vmem>>
        %dma_start3A_1308 = arith.constant 0 : i32
        %dma_start3A_1309 = tpu.memref_slice %arg6[%add3A_566, %add3A_1288, %dma_start3A_1308] : memref<4x5120x64xi32, #tpu.memory_space<hbm>> -> memref<1x1x64xi32, #tpu.memory_space<hbm>>
        %dma_start3A_1310 = tpu.memref_squeeze %dma_start3A_1309 : memref<1x1x64xi32, #tpu.memory_space<hbm>> -> memref<64xi32, #tpu.memory_space<hbm>>
        %dma_start3A_1311 = arith.constant 0 : i32
        %dma_start3A_1312 = tpu.memref_slice %arg12[%select_n3A_1304, %dma_start3A_1311] : memref<2x64xi32, #tpu.memory_space<vmem>> -> memref<1x64xi32, #tpu.memory_space<vmem>>
        %dma_start3A_1313 = tpu.memref_squeeze %dma_start3A_1312 : memref<1x64xi32, #tpu.memory_space<vmem>> -> memref<64xi32, #tpu.memory_space<vmem>>
        %dma_start3A_1314 = arith.constant 0 : i32
        %dma_start3A_1315 = tpu.memref_slice %arg6[%add3A_566, %add3A_1288, %dma_start3A_1314] : memref<4x5120x64xi32, #tpu.memory_space<hbm>> -> memref<1x1x64xi32, #tpu.memory_space<hbm>>
        %dma_start3A_1316 = tpu.memref_squeeze %dma_start3A_1315 : memref<1x1x64xi32, #tpu.memory_space<hbm>> -> memref<64xi32, #tpu.memory_space<hbm>>
        tpu.enqueue_dma source(%dma_start3A_1316 : memref<64xi32, #tpu.memory_space<hbm>>) target(%dma_start3A_1313 : memref<64xi32, #tpu.memory_space<vmem>>) target_semaphore(%arg19 : memref<!tpu.dma_semaphore, #tpu.memory_space<semaphore_mem>>)
        %jit3A_1317 = arith.constant 4 : i32
        %eq3A_1318 = arith.constant 0 : i32
        %eq3A_1319 = arith.cmpi eq, %jit3A_1317, %eq3A_1318 : i32
        %jit3A_1320 = arith.constant 1 : i32
        %select_n3A_1321 = arith.select %eq3A_1319, %jit3A_1320, %jit3A_1317 : i32
        %rem3A_1322 = arith.remsi %add3A_1285, %select_n3A_1321 : i32
        %ne3A_1323 = arith.constant 0 : i32
        %ne3A_1324 = arith.cmpi ne, %rem3A_1322, %ne3A_1323 : i32
        %lt3A_1325 = arith.constant 0 : i32
        %lt3A_1326 = arith.cmpi slt, %rem3A_1322, %lt3A_1325 : i32
        %lt3A_1327 = arith.constant 0 : i32
        %lt3A_1328 = arith.cmpi slt, %select_n3A_1321, %lt3A_1327 : i32
        %ne3A_1329 = arith.xori %lt3A_1326, %lt3A_1328 : i1
        %and3A_1330 = arith.andi %ne3A_1329, %ne3A_1324 : i1
        %add3A_1331 = arith.addi %rem3A_1322, %select_n3A_1321 : i32
        %select_n3A_1332 = arith.select %and3A_1330, %add3A_1331, %rem3A_1322 : i32
        %dma_start3A_1333 = arith.constant 0 : i32
        %dma_start3A_1334 = tpu.memref_slice %arg13[%select_n3A_1332, %dma_start3A_1333] : memref<4x64xi32, #tpu.memory_space<vmem>> -> memref<1x64xi32, #tpu.memory_space<vmem>>
        %dma_start3A_1335 = tpu.memref_squeeze %dma_start3A_1334 : memref<1x64xi32, #tpu.memory_space<vmem>> -> memref<64xi32, #tpu.memory_space<vmem>>
        %dma_start3A_1336 = arith.constant 0 : i32
        %dma_start3A_1337 = tpu.memref_slice %arg7[%add3A_1288, %dma_start3A_1336] : memref<5120x64xi32, #tpu.memory_space<hbm>> -> memref<1x64xi32, #tpu.memory_space<hbm>>
        %dma_start3A_1338 = tpu.memref_squeeze %dma_start3A_1337 : memref<1x64xi32, #tpu.memory_space<hbm>> -> memref<64xi32, #tpu.memory_space<hbm>>
        %dma_start3A_1339 = arith.constant 0 : i32
        %dma_start3A_1340 = tpu.memref_slice %arg13[%select_n3A_1332, %dma_start3A_1339] : memref<4x64xi32, #tpu.memory_space<vmem>> -> memref<1x64xi32, #tpu.memory_space<vmem>>
        %dma_start3A_1341 = tpu.memref_squeeze %dma_start3A_1340 : memref<1x64xi32, #tpu.memory_space<vmem>> -> memref<64xi32, #tpu.memory_space<vmem>>
        %dma_start3A_1342 = arith.constant 0 : i32
        %dma_start3A_1343 = tpu.memref_slice %arg7[%add3A_1288, %dma_start3A_1342] : memref<5120x64xi32, #tpu.memory_space<hbm>> -> memref<1x64xi32, #tpu.memory_space<hbm>>
        %dma_start3A_1344 = tpu.memref_squeeze %dma_start3A_1343 : memref<1x64xi32, #tpu.memory_space<hbm>> -> memref<64xi32, #tpu.memory_space<hbm>>
        tpu.enqueue_dma source(%dma_start3A_1344 : memref<64xi32, #tpu.memory_space<hbm>>) target(%dma_start3A_1341 : memref<64xi32, #tpu.memory_space<vmem>>) target_semaphore(%arg19 : memref<!tpu.dma_semaphore, #tpu.memory_space<semaphore_mem>>)
        %mul3A_1345 = arith.constant 32 : i32
        %mul3A_1346 = arith.muli %add3A_1288, %mul3A_1345 : i32
        %jit3A_1347 = arith.constant 2 : i32
        %eq3A_1348 = arith.constant 0 : i32
        %eq3A_1349 = arith.cmpi eq, %jit3A_1347, %eq3A_1348 : i32
        %jit3A_1350 = arith.constant 1 : i32
        %select_n3A_1351 = arith.select %eq3A_1349, %jit3A_1350, %jit3A_1347 : i32
        %rem3A_1352 = arith.remsi %add3A_1285, %select_n3A_1351 : i32
        %ne3A_1353 = arith.constant 0 : i32
        %ne3A_1354 = arith.cmpi ne, %rem3A_1352, %ne3A_1353 : i32
        %lt3A_1355 = arith.constant 0 : i32
        %lt3A_1356 = arith.cmpi slt, %rem3A_1352, %lt3A_1355 : i32
        %lt3A_1357 = arith.constant 0 : i32
        %lt3A_1358 = arith.cmpi slt, %select_n3A_1351, %lt3A_1357 : i32
        %ne3A_1359 = arith.xori %lt3A_1356, %lt3A_1358 : i1
        %and3A_1360 = arith.andi %ne3A_1359, %ne3A_1354 : i1
        %add3A_1361 = arith.addi %rem3A_1352, %select_n3A_1351 : i32
        %select_n3A_1362 = arith.select %and3A_1360, %add3A_1361, %rem3A_1352 : i32
        %dma_start3A_1363 = arith.constant 0 : i32
        %dma_start3A_1364 = arith.constant 0 : i32
        %dma_start3A_1365 = tpu.memref_slice %arg16[%select_n3A_1362, %dma_start3A_1363, %dma_start3A_1364] : memref<2x32x128xf32, #tpu.memory_space<vmem>> -> memref<1x32x128xf32, #tpu.memory_space<vmem>>
        %dma_start3A_1366 = tpu.memref_squeeze %dma_start3A_1365 : memref<1x32x128xf32, #tpu.memory_space<vmem>> -> memref<32x128xf32, #tpu.memory_space<vmem>>
        %dma_start3A_1367 = arith.constant 0 : i32
        %dma_start3A_1368 = tpu.memref_slice %arg4[%add3A_566, %mul3A_1346, %dma_start3A_1367] : memref<4x163840x128xf32, #tpu.memory_space<hbm>> -> memref<1x32x128xf32, #tpu.memory_space<hbm>>
        %dma_start3A_1369 = tpu.memref_squeeze %dma_start3A_1368 : memref<1x32x128xf32, #tpu.memory_space<hbm>> -> memref<32x128xf32, #tpu.memory_space<hbm>>
        %dma_start3A_1370 = arith.constant 0 : i32
        %dma_start3A_1371 = arith.constant 0 : i32
        %dma_start3A_1372 = tpu.memref_slice %arg16[%select_n3A_1362, %dma_start3A_1370, %dma_start3A_1371] : memref<2x32x128xf32, #tpu.memory_space<vmem>> -> memref<1x32x128xf32, #tpu.memory_space<vmem>>
        %dma_start3A_1373 = tpu.memref_squeeze %dma_start3A_1372 : memref<1x32x128xf32, #tpu.memory_space<vmem>> -> memref<32x128xf32, #tpu.memory_space<vmem>>
        %dma_start3A_1374 = arith.constant 0 : i32
        %dma_start3A_1375 = tpu.memref_slice %arg4[%add3A_566, %mul3A_1346, %dma_start3A_1374] : memref<4x163840x128xf32, #tpu.memory_space<hbm>> -> memref<1x32x128xf32, #tpu.memory_space<hbm>>
        %dma_start3A_1376 = tpu.memref_squeeze %dma_start3A_1375 : memref<1x32x128xf32, #tpu.memory_space<hbm>> -> memref<32x128xf32, #tpu.memory_space<hbm>>
        tpu.enqueue_dma source(%dma_start3A_1376 : memref<32x128xf32, #tpu.memory_space<hbm>>) target(%dma_start3A_1373 : memref<32x128xf32, #tpu.memory_space<vmem>>) target_semaphore(%arg19 : memref<!tpu.dma_semaphore, #tpu.memory_space<semaphore_mem>>)
        %mul3A_1377 = arith.constant 64 : i32
        %mul3A_1378 = arith.muli %add3A_1288, %mul3A_1377 : i32
        %mul3A_1379 = arith.constant 4 : i32
        %mul3A_1380 = arith.muli %mul3A_1378, %mul3A_1379 : i32
        %jit3A_1381 = arith.constant 2 : i32
        %eq3A_1382 = arith.constant 0 : i32
        %eq3A_1383 = arith.cmpi eq, %jit3A_1381, %eq3A_1382 : i32
        %jit3A_1384 = arith.constant 1 : i32
        %select_n3A_1385 = arith.select %eq3A_1383, %jit3A_1384, %jit3A_1381 : i32
        %rem3A_1386 = arith.remsi %add3A_1285, %select_n3A_1385 : i32
        %ne3A_1387 = arith.constant 0 : i32
        %ne3A_1388 = arith.cmpi ne, %rem3A_1386, %ne3A_1387 : i32
        %lt3A_1389 = arith.constant 0 : i32
        %lt3A_1390 = arith.cmpi slt, %rem3A_1386, %lt3A_1389 : i32
        %lt3A_1391 = arith.constant 0 : i32
        %lt3A_1392 = arith.cmpi slt, %select_n3A_1385, %lt3A_1391 : i32
        %ne3A_1393 = arith.xori %lt3A_1390, %lt3A_1392 : i1
        %and3A_1394 = arith.andi %ne3A_1393, %ne3A_1388 : i1
        %add3A_1395 = arith.addi %rem3A_1386, %select_n3A_1385 : i32
        %select_n3A_1396 = arith.select %and3A_1394, %add3A_1395, %rem3A_1386 : i32
        %dma_start3A_1397 = arith.constant 0 : i32
        %dma_start3A_1398 = tpu.memref_slice %arg17[%select_n3A_1396, %dma_start3A_1397] : memref<2x256xf32, #tpu.memory_space<vmem>> -> memref<1x256xf32, #tpu.memory_space<vmem>>
        %dma_start3A_1399 = tpu.memref_squeeze %dma_start3A_1398 : memref<1x256xf32, #tpu.memory_space<vmem>> -> memref<256xf32, #tpu.memory_space<vmem>>
        %dma_start3A_1400 = tpu.memref_slice %arg5[%mul3A_1380] : memref<1310720xf32, #tpu.memory_space<hbm>> -> memref<256xf32, #tpu.memory_space<hbm>>
        %dma_start3A_1401 = arith.constant 0 : i32
        %dma_start3A_1402 = tpu.memref_slice %arg17[%select_n3A_1396, %dma_start3A_1401] : memref<2x256xf32, #tpu.memory_space<vmem>> -> memref<1x256xf32, #tpu.memory_space<vmem>>
        %dma_start3A_1403 = tpu.memref_squeeze %dma_start3A_1402 : memref<1x256xf32, #tpu.memory_space<vmem>> -> memref<256xf32, #tpu.memory_space<vmem>>
        %dma_start3A_1404 = tpu.memref_slice %arg5[%mul3A_1380] : memref<1310720xf32, #tpu.memory_space<hbm>> -> memref<256xf32, #tpu.memory_space<hbm>>
        tpu.enqueue_dma source(%dma_start3A_1404 : memref<256xf32, #tpu.memory_space<hbm>>) target(%dma_start3A_1403 : memref<256xf32, #tpu.memory_space<vmem>>) target_semaphore(%arg19 : memref<!tpu.dma_semaphore, #tpu.memory_space<semaphore_mem>>)
      } else {
      }
    }
    %scan3A_1037 = arith.constant 320 : i32
    %jit3A_1038 = arith.constant 318 : i32
    %jit3A_1039 = arith.constant 2 : i32
    %eq3A_1040 = arith.constant 0 : i32
    %eq3A_1041 = arith.cmpi eq, %jit3A_1039, %eq3A_1040 : i32
    %jit3A_1042 = arith.constant 1 : i32
    %select_n3A_1043 = arith.select %eq3A_1041, %jit3A_1042, %jit3A_1039 : i32
    %rem3A_1044 = arith.remsi %jit3A_1038, %select_n3A_1043 : i32
    %ne3A_1045 = arith.constant 0 : i32
    %ne3A_1046 = arith.cmpi ne, %rem3A_1044, %ne3A_1045 : i32
    %lt3A_1047 = arith.constant 0 : i32
    %lt3A_1048 = arith.cmpi slt, %rem3A_1044, %lt3A_1047 : i32
    %lt3A_1049 = arith.constant 0 : i32
    %lt3A_1050 = arith.cmpi slt, %select_n3A_1043, %lt3A_1049 : i32
    %ne3A_1051 = arith.xori %lt3A_1048, %lt3A_1050 : i1
    %and3A_1052 = arith.andi %ne3A_1051, %ne3A_1046 : i1
    %add3A_1053 = arith.addi %rem3A_1044, %select_n3A_1043 : i32
    %select_n3A_1054 = arith.select %and3A_1052, %add3A_1053, %rem3A_1044 : i32
    %jit3A_1055 = arith.constant 318 : i32
    %jit3A_1056 = arith.constant 4 : i32
    %eq3A_1057 = arith.constant 0 : i32
    %eq3A_1058 = arith.cmpi eq, %jit3A_1056, %eq3A_1057 : i32
    %jit3A_1059 = arith.constant 1 : i32
    %select_n3A_1060 = arith.select %eq3A_1058, %jit3A_1059, %jit3A_1056 : i32
    %rem3A_1061 = arith.remsi %jit3A_1055, %select_n3A_1060 : i32
    %ne3A_1062 = arith.constant 0 : i32
    %ne3A_1063 = arith.cmpi ne, %rem3A_1061, %ne3A_1062 : i32
    %lt3A_1064 = arith.constant 0 : i32
    %lt3A_1065 = arith.cmpi slt, %rem3A_1061, %lt3A_1064 : i32
    %lt3A_1066 = arith.constant 0 : i32
    %lt3A_1067 = arith.cmpi slt, %select_n3A_1060, %lt3A_1066 : i32
    %ne3A_1068 = arith.xori %lt3A_1065, %lt3A_1067 : i1
    %and3A_1069 = arith.andi %ne3A_1068, %ne3A_1063 : i1
    %add3A_1070 = arith.addi %rem3A_1061, %select_n3A_1060 : i32
    %select_n3A_1071 = arith.select %and3A_1069, %add3A_1070, %rem3A_1061 : i32
    %dma_wait3A_1072 = arith.constant 0 : i32
    %dma_wait3A_1073 = arith.constant 0 : i32
    %dma_wait3A_1074 = tpu.memref_slice %arg18[%select_n3A_1054, %dma_wait3A_1072, %dma_wait3A_1073] : memref<2x64x128xf32, #tpu.memory_space<vmem>> -> memref<1x64x128xf32, #tpu.memory_space<vmem>>
    %dma_wait3A_1075 = tpu.memref_squeeze %dma_wait3A_1074 : memref<1x64x128xf32, #tpu.memory_space<vmem>> -> memref<64x128xf32, #tpu.memory_space<vmem>>
    %dma_wait3A_1076 = arith.constant 0 : i32
    %dma_wait3A_1077 = tpu.memref_slice %arg13[%select_n3A_1071, %dma_wait3A_1076] : memref<4x64xi32, #tpu.memory_space<vmem>> -> memref<1x64xi32, #tpu.memory_space<vmem>>
    %dma_wait3A_1078 = tpu.memref_squeeze %dma_wait3A_1077 : memref<1x64xi32, #tpu.memory_space<vmem>> -> memref<64xi32, #tpu.memory_space<vmem>>
    %dma_wait3A_1079 = arith.constant 0 : i32
    %dma_wait3A_1080 = arith.constant 0 : i32
    %dma_wait3A_1081 = tpu.memref_slice %arg11[%dma_wait3A_1079, %dma_wait3A_1080] : memref<10112x128xf32, #tpu.memory_space<vmem_shared>> -> memref<10112x128xf32, #tpu.memory_space<vmem_shared>>
    tpu.wait_indirect_dma semaphore(%arg21 : memref<!tpu.dma_semaphore, #tpu.memory_space<semaphore_mem>>) src(%dma_wait3A_1075 : memref<64x128xf32, #tpu.memory_space<vmem>>) dst(%dma_wait3A_1081 : memref<10112x128xf32, #tpu.memory_space<vmem_shared>>)
    %jit3A_1082 = arith.constant 319 : i32
    %jit3A_1083 = arith.constant 2 : i32
    %eq3A_1084 = arith.constant 0 : i32
    %eq3A_1085 = arith.cmpi eq, %jit3A_1083, %eq3A_1084 : i32
    %jit3A_1086 = arith.constant 1 : i32
    %select_n3A_1087 = arith.select %eq3A_1085, %jit3A_1086, %jit3A_1083 : i32
    %rem3A_1088 = arith.remsi %jit3A_1082, %select_n3A_1087 : i32
    %ne3A_1089 = arith.constant 0 : i32
    %ne3A_1090 = arith.cmpi ne, %rem3A_1088, %ne3A_1089 : i32
    %lt3A_1091 = arith.constant 0 : i32
    %lt3A_1092 = arith.cmpi slt, %rem3A_1088, %lt3A_1091 : i32
    %lt3A_1093 = arith.constant 0 : i32
    %lt3A_1094 = arith.cmpi slt, %select_n3A_1087, %lt3A_1093 : i32
    %ne3A_1095 = arith.xori %lt3A_1092, %lt3A_1094 : i1
    %and3A_1096 = arith.andi %ne3A_1095, %ne3A_1090 : i1
    %add3A_1097 = arith.addi %rem3A_1088, %select_n3A_1087 : i32
    %select_n3A_1098 = arith.select %and3A_1096, %add3A_1097, %rem3A_1088 : i32
    %jit3A_1099 = arith.constant 319 : i32
    %jit3A_1100 = arith.constant 4 : i32
    %eq3A_1101 = arith.constant 0 : i32
    %eq3A_1102 = arith.cmpi eq, %jit3A_1100, %eq3A_1101 : i32
    %jit3A_1103 = arith.constant 1 : i32
    %select_n3A_1104 = arith.select %eq3A_1102, %jit3A_1103, %jit3A_1100 : i32
    %rem3A_1105 = arith.remsi %jit3A_1099, %select_n3A_1104 : i32
    %ne3A_1106 = arith.constant 0 : i32
    %ne3A_1107 = arith.cmpi ne, %rem3A_1105, %ne3A_1106 : i32
    %lt3A_1108 = arith.constant 0 : i32
    %lt3A_1109 = arith.cmpi slt, %rem3A_1105, %lt3A_1108 : i32
    %lt3A_1110 = arith.constant 0 : i32
    %lt3A_1111 = arith.cmpi slt, %select_n3A_1104, %lt3A_1110 : i32
    %ne3A_1112 = arith.xori %lt3A_1109, %lt3A_1111 : i1
    %and3A_1113 = arith.andi %ne3A_1112, %ne3A_1107 : i1
    %add3A_1114 = arith.addi %rem3A_1105, %select_n3A_1104 : i32
    %select_n3A_1115 = arith.select %and3A_1113, %add3A_1114, %rem3A_1105 : i32
    %dma_wait3A_1116 = arith.constant 0 : i32
    %dma_wait3A_1117 = arith.constant 0 : i32
    %dma_wait3A_1118 = tpu.memref_slice %arg18[%select_n3A_1098, %dma_wait3A_1116, %dma_wait3A_1117] : memref<2x64x128xf32, #tpu.memory_space<vmem>> -> memref<1x64x128xf32, #tpu.memory_space<vmem>>
    %dma_wait3A_1119 = tpu.memref_squeeze %dma_wait3A_1118 : memref<1x64x128xf32, #tpu.memory_space<vmem>> -> memref<64x128xf32, #tpu.memory_space<vmem>>
    %dma_wait3A_1120 = arith.constant 0 : i32
    %dma_wait3A_1121 = tpu.memref_slice %arg13[%select_n3A_1115, %dma_wait3A_1120] : memref<4x64xi32, #tpu.memory_space<vmem>> -> memref<1x64xi32, #tpu.memory_space<vmem>>
    %dma_wait3A_1122 = tpu.memref_squeeze %dma_wait3A_1121 : memref<1x64xi32, #tpu.memory_space<vmem>> -> memref<64xi32, #tpu.memory_space<vmem>>
    %dma_wait3A_1123 = arith.constant 0 : i32
    %dma_wait3A_1124 = arith.constant 0 : i32
    %dma_wait3A_1125 = tpu.memref_slice %arg11[%dma_wait3A_1123, %dma_wait3A_1124] : memref<10112x128xf32, #tpu.memory_space<vmem_shared>> -> memref<10112x128xf32, #tpu.memory_space<vmem_shared>>
    tpu.wait_indirect_dma semaphore(%arg21 : memref<!tpu.dma_semaphore, #tpu.memory_space<semaphore_mem>>) src(%dma_wait3A_1119 : memref<64x128xf32, #tpu.memory_space<vmem>>) dst(%dma_wait3A_1125 : memref<10112x128xf32, #tpu.memory_space<vmem_shared>>)
    %barrier3A_1126 = arith.constant 0 : index
    tpu.barrier barrier_id(%barrier3A_1126)
    %mul3A_1127 = arith.constant 632 : i32
    %mul3A_1128 = arith.muli %arg1, %mul3A_1127 : i32
    %mul3A_1129 = arith.constant 32 : i32
    %mul3A_1130 = arith.muli %add3A_566, %mul3A_1129 : i32
    "tpu.region"() ({
      %run_scoped3A_1140 = tpu.sem_alloc : memref<!tpu.dma_semaphore, #tpu.memory_space<semaphore_mem>>
      %dma_start3A_1141 = tpu.memref_slice %arg9[%mul3A_1128, %mul3A_1130] : memref<10112x128xf32, #tpu.memory_space<hbm>> -> memref<632x32xf32, #tpu.memory_space<hbm>>
      %dma_start3A_1142 = arith.constant 0 : i32
      %dma_start3A_1143 = tpu.memref_slice %arg11[%mul3A_1128, %dma_start3A_1142] : memref<10112x128xf32, #tpu.memory_space<vmem_shared>> -> memref<632x32xf32, #tpu.memory_space<vmem_shared>>
      tpu.enqueue_dma source(%dma_start3A_1143 : memref<632x32xf32, #tpu.memory_space<vmem_shared>>) target(%dma_start3A_1141 : memref<632x32xf32, #tpu.memory_space<hbm>>) target_semaphore(%run_scoped3A_1140 : memref<!tpu.dma_semaphore, #tpu.memory_space<semaphore_mem>>)
      %dma_wait3A_1144 = tpu.memref_slice %arg9[%mul3A_1128, %mul3A_1130] : memref<10112x128xf32, #tpu.memory_space<hbm>> -> memref<632x32xf32, #tpu.memory_space<hbm>>
      %dma_wait3A_1145 = arith.constant 0 : i32
      %dma_wait3A_1146 = tpu.memref_slice %arg11[%mul3A_1128, %dma_wait3A_1145] : memref<10112x128xf32, #tpu.memory_space<vmem_shared>> -> memref<632x32xf32, #tpu.memory_space<vmem_shared>>
      tpu.wait_dma2 semaphore(%run_scoped3A_1140 : memref<!tpu.dma_semaphore, #tpu.memory_space<semaphore_mem>>) src(%dma_wait3A_1146 : memref<632x32xf32, #tpu.memory_space<vmem_shared>>) dst(%dma_wait3A_1144 : memref<632x32xf32, #tpu.memory_space<hbm>>)
      tpu.yield
    }) : () -> ()
    %mul3A_1131 = arith.constant 32 : i32
    %mul3A_1132 = arith.muli %add3A_566, %mul3A_1131 : i32
    %run_scoped3A_1133 = arith.constant 0 : i32
    "tpu.region"() ({
      %run_scoped3A_1140 = tpu.sem_alloc : memref<!tpu.dma_semaphore, #tpu.memory_space<semaphore_mem>>
      %dma_start3A_1141 = tpu.memref_slice %arg10[%mul3A_1128, %run_scoped3A_1133, %mul3A_1132] : memref<10112x3x128xf32, #tpu.memory_space<hbm>> -> memref<632x1x32xf32, #tpu.memory_space<hbm>>
      %dma_start3A_1142 = tpu.memref_squeeze %dma_start3A_1141 : memref<632x1x32xf32, #tpu.memory_space<hbm>> -> memref<632x32xf32, #tpu.memory_space<hbm>>
      %dma_start3A_1143 = arith.constant 32 : i32
      %dma_start3A_1144 = tpu.memref_slice %arg11[%mul3A_1128, %dma_start3A_1143] : memref<10112x128xf32, #tpu.memory_space<vmem_shared>> -> memref<632x32xf32, #tpu.memory_space<vmem_shared>>
      tpu.enqueue_dma source(%dma_start3A_1144 : memref<632x32xf32, #tpu.memory_space<vmem_shared>>) target(%dma_start3A_1142 : memref<632x32xf32, #tpu.memory_space<hbm>>) target_semaphore(%run_scoped3A_1140 : memref<!tpu.dma_semaphore, #tpu.memory_space<semaphore_mem>>)
      %dma_wait3A_1145 = tpu.memref_slice %arg10[%mul3A_1128, %run_scoped3A_1133, %mul3A_1132] : memref<10112x3x128xf32, #tpu.memory_space<hbm>> -> memref<632x1x32xf32, #tpu.memory_space<hbm>>
      %dma_wait3A_1146 = tpu.memref_squeeze %dma_wait3A_1145 : memref<632x1x32xf32, #tpu.memory_space<hbm>> -> memref<632x32xf32, #tpu.memory_space<hbm>>
      %dma_wait3A_1147 = arith.constant 32 : i32
      %dma_wait3A_1148 = tpu.memref_slice %arg11[%mul3A_1128, %dma_wait3A_1147] : memref<10112x128xf32, #tpu.memory_space<vmem_shared>> -> memref<632x32xf32, #tpu.memory_space<vmem_shared>>
      tpu.wait_dma2 semaphore(%run_scoped3A_1140 : memref<!tpu.dma_semaphore, #tpu.memory_space<semaphore_mem>>) src(%dma_wait3A_1148 : memref<632x32xf32, #tpu.memory_space<vmem_shared>>) dst(%dma_wait3A_1146 : memref<632x32xf32, #tpu.memory_space<hbm>>)
      tpu.yield
    }) : () -> ()
    %mul3A_1134 = arith.constant 32 : i32
    %mul3A_1135 = arith.muli %add3A_566, %mul3A_1134 : i32
    %run_scoped3A_1136 = arith.constant 1 : i32
    "tpu.region"() ({
      %run_scoped3A_1140 = tpu.sem_alloc : memref<!tpu.dma_semaphore, #tpu.memory_space<semaphore_mem>>
      %dma_start3A_1141 = tpu.memref_slice %arg10[%mul3A_1128, %run_scoped3A_1136, %mul3A_1135] : memref<10112x3x128xf32, #tpu.memory_space<hbm>> -> memref<632x1x32xf32, #tpu.memory_space<hbm>>
      %dma_start3A_1142 = tpu.memref_squeeze %dma_start3A_1141 : memref<632x1x32xf32, #tpu.memory_space<hbm>> -> memref<632x32xf32, #tpu.memory_space<hbm>>
      %dma_start3A_1143 = arith.constant 64 : i32
      %dma_start3A_1144 = tpu.memref_slice %arg11[%mul3A_1128, %dma_start3A_1143] : memref<10112x128xf32, #tpu.memory_space<vmem_shared>> -> memref<632x32xf32, #tpu.memory_space<vmem_shared>>
      tpu.enqueue_dma source(%dma_start3A_1144 : memref<632x32xf32, #tpu.memory_space<vmem_shared>>) target(%dma_start3A_1142 : memref<632x32xf32, #tpu.memory_space<hbm>>) target_semaphore(%run_scoped3A_1140 : memref<!tpu.dma_semaphore, #tpu.memory_space<semaphore_mem>>)
      %dma_wait3A_1145 = tpu.memref_slice %arg10[%mul3A_1128, %run_scoped3A_1136, %mul3A_1135] : memref<10112x3x128xf32, #tpu.memory_space<hbm>> -> memref<632x1x32xf32, #tpu.memory_space<hbm>>
      %dma_wait3A_1146 = tpu.memref_squeeze %dma_wait3A_1145 : memref<632x1x32xf32, #tpu.memory_space<hbm>> -> memref<632x32xf32, #tpu.memory_space<hbm>>
      %dma_wait3A_1147 = arith.constant 64 : i32
      %dma_wait3A_1148 = tpu.memref_slice %arg11[%mul3A_1128, %dma_wait3A_1147] : memref<10112x128xf32, #tpu.memory_space<vmem_shared>> -> memref<632x32xf32, #tpu.memory_space<vmem_shared>>
      tpu.wait_dma2 semaphore(%run_scoped3A_1140 : memref<!tpu.dma_semaphore, #tpu.memory_space<semaphore_mem>>) src(%dma_wait3A_1148 : memref<632x32xf32, #tpu.memory_space<vmem_shared>>) dst(%dma_wait3A_1146 : memref<632x32xf32, #tpu.memory_space<hbm>>)
      tpu.yield
    }) : () -> ()
    %mul3A_1137 = arith.constant 32 : i32
    %mul3A_1138 = arith.muli %add3A_566, %mul3A_1137 : i32
    %run_scoped3A_1139 = arith.constant 2 : i32
    "tpu.region"() ({
      %run_scoped3A_1140 = tpu.sem_alloc : memref<!tpu.dma_semaphore, #tpu.memory_space<semaphore_mem>>
      %dma_start3A_1141 = tpu.memref_slice %arg10[%mul3A_1128, %run_scoped3A_1139, %mul3A_1138] : memref<10112x3x128xf32, #tpu.memory_space<hbm>> -> memref<632x1x32xf32, #tpu.memory_space<hbm>>
      %dma_start3A_1142 = tpu.memref_squeeze %dma_start3A_1141 : memref<632x1x32xf32, #tpu.memory_space<hbm>> -> memref<632x32xf32, #tpu.memory_space<hbm>>
      %dma_start3A_1143 = arith.constant 96 : i32
      %dma_start3A_1144 = tpu.memref_slice %arg11[%mul3A_1128, %dma_start3A_1143] : memref<10112x128xf32, #tpu.memory_space<vmem_shared>> -> memref<632x32xf32, #tpu.memory_space<vmem_shared>>
      tpu.enqueue_dma source(%dma_start3A_1144 : memref<632x32xf32, #tpu.memory_space<vmem_shared>>) target(%dma_start3A_1142 : memref<632x32xf32, #tpu.memory_space<hbm>>) target_semaphore(%run_scoped3A_1140 : memref<!tpu.dma_semaphore, #tpu.memory_space<semaphore_mem>>)
      %dma_wait3A_1145 = tpu.memref_slice %arg10[%mul3A_1128, %run_scoped3A_1139, %mul3A_1138] : memref<10112x3x128xf32, #tpu.memory_space<hbm>> -> memref<632x1x32xf32, #tpu.memory_space<hbm>>
      %dma_wait3A_1146 = tpu.memref_squeeze %dma_wait3A_1145 : memref<632x1x32xf32, #tpu.memory_space<hbm>> -> memref<632x32xf32, #tpu.memory_space<hbm>>
      %dma_wait3A_1147 = arith.constant 96 : i32
      %dma_wait3A_1148 = tpu.memref_slice %arg11[%mul3A_1128, %dma_wait3A_1147] : memref<10112x128xf32, #tpu.memory_space<vmem_shared>> -> memref<632x32xf32, #tpu.memory_space<vmem_shared>>
      tpu.wait_dma2 semaphore(%run_scoped3A_1140 : memref<!tpu.dma_semaphore, #tpu.memory_space<semaphore_mem>>) src(%dma_wait3A_1148 : memref<632x32xf32, #tpu.memory_space<vmem_shared>>) dst(%dma_wait3A_1146 : memref<632x32xf32, #tpu.memory_space<hbm>>)
      tpu.yield
    }) : () -> ()
    return
  }
}

module attributes {stable_mosaic.version = 14 : i64} {
  func.func @_dense_body(%arg0: i32, %arg1: memref<128x128xf32, #tpu.memory_space<vmem>>, %arg2: memref<1x4096xf32, #tpu.memory_space<vmem>>, %arg3: memref<4096x4xf32, #tpu.memory_space<vmem>>, %arg4: memref<128x128xf32, #tpu.memory_space<vmem>>, %arg5: memref<128xf32, #tpu.memory_space<vmem>>, %arg6: memref<256x128xf32, #tpu.memory_space<vmem>>, %arg7: memref<256xf32, #tpu.memory_space<vmem>>, %arg8: memref<256x21xf32, #tpu.memory_space<vmem>>, %arg9: memref<128x256xf32, #tpu.memory_space<vmem>>, %arg10: memref<4x4096x64xf32, #tpu.memory_space<vmem>>, %arg11: memref<4096x4xf32, #tpu.memory_space<vmem>>) attributes {dimension_semantics = [#tpu.dimension_semantics<arbitrary>], iteration_bounds = array<i64: 80>, scalar_prefetch = 0 : i64, scratch_operands = 0 : i64, tpu.core_type = #tpu.core_type<tc>, window_params = [{transform_indices = @transform_0, window_bounds = array<i64: 128, 128>}, {transform_indices = @transform_1, window_bounds = array<i64: 1, 4096>}, {transform_indices = @transform_2, window_bounds = array<i64: 4096, 4>}, {pipeline_mode = #tpu.pipeline_mode<synchronous>, transform_indices = @transform_3, window_bounds = array<i64: 128, 128>}, {pipeline_mode = #tpu.pipeline_mode<synchronous>, transform_indices = @transform_4, window_bounds = array<i64: 128>}, {pipeline_mode = #tpu.pipeline_mode<synchronous>, transform_indices = @transform_5, window_bounds = array<i64: 256, 128>}, {pipeline_mode = #tpu.pipeline_mode<synchronous>, transform_indices = @transform_6, window_bounds = array<i64: 256>}, {pipeline_mode = #tpu.pipeline_mode<synchronous>, transform_indices = @transform_7, window_bounds = array<i64: 256, 21>}, {transform_indices = @transform_8, window_bounds = array<i64: 128, 256>}, {transform_indices = @transform_9, window_bounds = array<i64: 4, 4096, 64>}, {transform_indices = @transform_10, window_bounds = array<i64: 4096, 4>}]} {
    %get3A = arith.constant 0 : index
    %get3A_0 = arith.constant 0 : index
    %get3A_1 = vector.load %arg1[%get3A, %get3A_0] : memref<128x128xf32, #tpu.memory_space<vmem>>, vector<128x128xf32>
    %get3A_2 = arith.constant 0 : index
    %get3A_3 = arith.constant 0 : index
    %get3A_4 = vector.load %arg4[%get3A_2, %get3A_3] : memref<128x128xf32, #tpu.memory_space<vmem>>, vector<128x128xf32>
    %transpose3A = tpu.transpose %get3A_4, [1, 0] : vector<128x128xf32> -> vector<128x128xf32>
    %dot_general3A = arith.constant dense<0.000000e+00> : vector<128x128xf32>
    %dot_general3A_5 = tpu.matmul %get3A_1, %transpose3A, %dot_general3A {dimension_numbers = #tpu.dot_dimension_numbers<[1], [0], [0], [1], [0, 0, 1, 1], [], []>, transpose_lhs_hint = false} : vector<128x128xf32>, vector<128x128xf32>, vector<128x128xf32> -> vector<128x128xf32>
    %get3A_6 = arith.constant 0 : index
    %get3A_7 = vector.load %arg5[%get3A_6] : memref<128xf32, #tpu.memory_space<vmem>>, vector<128xf32>
    %broadcast_in_dim3A = vector.shape_cast %get3A_7 : vector<128xf32> to vector<1x128xf32>
    %add3A = vector.broadcast %broadcast_in_dim3A : vector<1x128xf32> to vector<128x128xf32>
    %add3A_8 = arith.addf %dot_general3A_5, %add3A : vector<128x128xf32>
    %logistic3A = arith.negf %add3A_8 : vector<128x128xf32>
    %logistic3A_9 = math.exp %logistic3A : vector<128x128xf32>
    %logistic3A_10 = arith.constant 1.000000e+00 : f32
    %logistic3A_11 = vector.broadcast %logistic3A_10 : f32 to vector<128x128xf32>
    %logistic3A_12 = arith.addf %logistic3A_11, %logistic3A_9 : vector<128x128xf32>
    %logistic3A_13 = arith.divf %logistic3A_11, %logistic3A_12 : vector<128x128xf32>
    %mul3A = arith.mulf %add3A_8, %logistic3A_13 : vector<128x128xf32>
    %get3A_14 = arith.constant 0 : index
    %get3A_15 = arith.constant 0 : index
    %get3A_16 = vector.load %arg6[%get3A_14, %get3A_15] : memref<256x128xf32, #tpu.memory_space<vmem>>, vector<256x128xf32>
    %transpose3A_17 = tpu.transpose %get3A_16, [1, 0] : vector<256x128xf32> -> vector<128x256xf32>
    %dot_general3A_18 = arith.constant dense<0.000000e+00> : vector<128x256xf32>
    %dot_general3A_19 = tpu.matmul %mul3A, %transpose3A_17, %dot_general3A_18 {dimension_numbers = #tpu.dot_dimension_numbers<[1], [0], [0], [1], [0, 0, 1, 1], [], []>, transpose_lhs_hint = false} : vector<128x128xf32>, vector<128x256xf32>, vector<128x256xf32> -> vector<128x256xf32>
    %get3A_20 = arith.constant 0 : index
    %get3A_21 = vector.load %arg7[%get3A_20] : memref<256xf32, #tpu.memory_space<vmem>>, vector<256xf32>
    %broadcast_in_dim3A_22 = vector.shape_cast %get3A_21 : vector<256xf32> to vector<1x256xf32>
    %add3A_23 = vector.broadcast %broadcast_in_dim3A_22 : vector<1x256xf32> to vector<128x256xf32>
    %add3A_24 = arith.addf %dot_general3A_19, %add3A_23 : vector<128x256xf32>
    %swap3A = arith.constant 0 : index
    %swap3A_25 = arith.constant 0 : index
    %swap3A_26 = vector.load %arg9[%swap3A, %swap3A_25] : memref<128x256xf32, #tpu.memory_space<vmem>>, vector<128x256xf32>
    tpu.vector_store %arg9[%swap3A, %swap3A_25], %add3A_24 {strides = array<i32>} : memref<128x256xf32, #tpu.memory_space<vmem>>, vector<128x256xf32>,
    %get3A_27 = arith.constant 0 : index
    %get3A_28 = arith.constant 0 : index
    %get3A_29 = vector.load %arg2[%get3A_27, %get3A_28] : memref<1x4096xf32, #tpu.memory_space<vmem>>, vector<1x4096xf32>
    %mul3A_30 = arith.constant 0.628318548 : f32
    %mul3A_31 = vector.broadcast %mul3A_30 : f32 to vector<1x4096xf32>
    %mul3A_32 = arith.mulf %get3A_29, %mul3A_31 : vector<1x4096xf32>
    %sin3A = math.sin %mul3A_32 : vector<1x4096xf32>
    %add3A_33 = arith.constant 1.57079637 : f32
    %add3A_34 = vector.broadcast %add3A_33 : f32 to vector<1x4096xf32>
    %add3A_35 = arith.addf %mul3A_32, %add3A_34 : vector<1x4096xf32>
    %sin3A_36 = math.sin %add3A_35 : vector<1x4096xf32>
    %lt3A = arith.constant 3.14159274 : f32
    %lt3A_37 = vector.broadcast %lt3A : f32 to vector<1x4096xf32>
    %lt3A_38 = arith.cmpf olt, %mul3A_32, %lt3A_37 : vector<1x4096xf32>
    %mul3A_39 = arith.constant 5.000000e-01 : f32
    %mul3A_40 = vector.broadcast %mul3A_39 : f32 to vector<1x4096xf32>
    %mul3A_41 = arith.mulf %mul3A_40, %sin3A_36 : vector<1x4096xf32>
    %add3A_42 = arith.constant 5.000000e-01 : f32
    %add3A_43 = vector.broadcast %add3A_42 : f32 to vector<1x4096xf32>
    %add3A_44 = arith.addf %mul3A_41, %add3A_43 : vector<1x4096xf32>
    %jit3A = arith.constant 0.000000e+00 : f32
    %broadcast_in_dim3A_45 = vector.broadcast %jit3A : f32 to vector<1x4096xf32>
    %select_n3A = arith.select %lt3A_38, %add3A_44, %broadcast_in_dim3A_45 : vector<1x4096xi1>, vector<1x4096xf32>
    %div3A = arith.constant 0.628318548 : f32
    %div3A_46 = vector.broadcast %div3A : f32 to vector<1x4096xf32>
    %div3A_47 = arith.divf %div3A_46, %mul3A_32 : vector<1x4096xf32>
    %mul3A_48 = arith.mulf %select_n3A, %div3A_47 : vector<1x4096xf32>
    %add3A_49 = arith.addf %sin3A_36, %sin3A_36 : vector<1x4096xf32>
    %mul3A_50 = arith.mulf %add3A_49, %sin3A : vector<1x4096xf32>
    %sub3A = arith.constant 0.000000e+00 : f32
    %sub3A_51 = vector.broadcast %sub3A : f32 to vector<1x4096xf32>
    %sub3A_52 = arith.subf %mul3A_50, %sub3A_51 : vector<1x4096xf32>
    %mul3A_53 = arith.mulf %add3A_49, %sub3A_52 : vector<1x4096xf32>
    %sub3A_54 = arith.subf %mul3A_53, %sin3A : vector<1x4096xf32>
    %mul3A_55 = arith.mulf %add3A_49, %sub3A_54 : vector<1x4096xf32>
    %sub3A_56 = arith.subf %mul3A_55, %sub3A_52 : vector<1x4096xf32>
    %mul3A_57 = arith.mulf %add3A_49, %sub3A_56 : vector<1x4096xf32>
    %sub3A_58 = arith.subf %mul3A_57, %sub3A_54 : vector<1x4096xf32>
    %mul3A_59 = arith.mulf %add3A_49, %sub3A_58 : vector<1x4096xf32>
    %sub3A_60 = arith.subf %mul3A_59, %sub3A_56 : vector<1x4096xf32>
    %mul3A_61 = arith.mulf %add3A_49, %sub3A_60 : vector<1x4096xf32>
    %sub3A_62 = arith.subf %mul3A_61, %sub3A_58 : vector<1x4096xf32>
    %mul3A_63 = arith.mulf %add3A_49, %sub3A_62 : vector<1x4096xf32>
    %sub3A_64 = arith.subf %mul3A_63, %sub3A_60 : vector<1x4096xf32>
    %mul3A_65 = arith.mulf %add3A_49, %sub3A_64 : vector<1x4096xf32>
    %sub3A_66 = arith.subf %mul3A_65, %sub3A_62 : vector<1x4096xf32>
    %mul3A_67 = arith.mulf %add3A_49, %sub3A_66 : vector<1x4096xf32>
    %sub3A_68 = arith.subf %mul3A_67, %sub3A_64 : vector<1x4096xf32>
    %mul3A_69 = arith.mulf %add3A_49, %sub3A_68 : vector<1x4096xf32>
    %sub3A_70 = arith.subf %mul3A_69, %sub3A_66 : vector<1x4096xf32>
    %mul3A_71 = arith.mulf %add3A_49, %sub3A_70 : vector<1x4096xf32>
    %sub3A_72 = arith.subf %mul3A_71, %sub3A_68 : vector<1x4096xf32>
    %mul3A_73 = arith.mulf %add3A_49, %sub3A_72 : vector<1x4096xf32>
    %sub3A_74 = arith.subf %mul3A_73, %sub3A_70 : vector<1x4096xf32>
    %mul3A_75 = arith.mulf %add3A_49, %sub3A_74 : vector<1x4096xf32>
    %sub3A_76 = arith.subf %mul3A_75, %sub3A_72 : vector<1x4096xf32>
    %mul3A_77 = arith.mulf %add3A_49, %sub3A_76 : vector<1x4096xf32>
    %sub3A_78 = arith.subf %mul3A_77, %sub3A_74 : vector<1x4096xf32>
    %mul3A_79 = arith.mulf %add3A_49, %sub3A_78 : vector<1x4096xf32>
    %sub3A_80 = arith.subf %mul3A_79, %sub3A_76 : vector<1x4096xf32>
    %mul3A_81 = arith.mulf %add3A_49, %sub3A_80 : vector<1x4096xf32>
    %sub3A_82 = arith.subf %mul3A_81, %sub3A_78 : vector<1x4096xf32>
    %mul3A_83 = arith.mulf %add3A_49, %sub3A_82 : vector<1x4096xf32>
    %sub3A_84 = arith.subf %mul3A_83, %sub3A_80 : vector<1x4096xf32>
    %mul3A_85 = arith.mulf %add3A_49, %sub3A_84 : vector<1x4096xf32>
    %sub3A_86 = arith.subf %mul3A_85, %sub3A_82 : vector<1x4096xf32>
    %mul3A_87 = arith.mulf %add3A_49, %sub3A_86 : vector<1x4096xf32>
    %sub3A_88 = arith.subf %mul3A_87, %sub3A_84 : vector<1x4096xf32>
    %mul3A_89 = arith.mulf %sin3A, %mul3A_48 : vector<1x4096xf32>
    %mul3A_90 = arith.mulf %sub3A_52, %mul3A_48 : vector<1x4096xf32>
    %mul3A_91 = arith.mulf %sub3A_54, %mul3A_48 : vector<1x4096xf32>
    %mul3A_92 = arith.mulf %sub3A_56, %mul3A_48 : vector<1x4096xf32>
    %mul3A_93 = arith.mulf %sub3A_58, %mul3A_48 : vector<1x4096xf32>
    %mul3A_94 = arith.mulf %sub3A_60, %mul3A_48 : vector<1x4096xf32>
    %mul3A_95 = arith.mulf %sub3A_62, %mul3A_48 : vector<1x4096xf32>
    %mul3A_96 = arith.mulf %sub3A_64, %mul3A_48 : vector<1x4096xf32>
    %mul3A_97 = arith.mulf %sub3A_66, %mul3A_48 : vector<1x4096xf32>
    %mul3A_98 = arith.mulf %sub3A_68, %mul3A_48 : vector<1x4096xf32>
    %mul3A_99 = arith.mulf %sub3A_70, %mul3A_48 : vector<1x4096xf32>
    %mul3A_100 = arith.mulf %sub3A_72, %mul3A_48 : vector<1x4096xf32>
    %mul3A_101 = arith.mulf %sub3A_74, %mul3A_48 : vector<1x4096xf32>
    %mul3A_102 = arith.mulf %sub3A_76, %mul3A_48 : vector<1x4096xf32>
    %mul3A_103 = arith.mulf %sub3A_78, %mul3A_48 : vector<1x4096xf32>
    %mul3A_104 = arith.mulf %sub3A_80, %mul3A_48 : vector<1x4096xf32>
    %mul3A_105 = arith.mulf %sub3A_82, %mul3A_48 : vector<1x4096xf32>
    %mul3A_106 = arith.mulf %sub3A_84, %mul3A_48 : vector<1x4096xf32>
    %mul3A_107 = arith.mulf %sub3A_86, %mul3A_48 : vector<1x4096xf32>
    %mul3A_108 = arith.mulf %sub3A_88, %mul3A_48 : vector<1x4096xf32>
    %concatenate3A = tpu.concatenate %mul3A_89, %mul3A_90, %mul3A_91, %mul3A_92, %mul3A_93, %mul3A_94, %mul3A_95, %mul3A_96, %mul3A_97, %mul3A_98, %mul3A_99, %mul3A_100, %mul3A_101, %mul3A_102, %mul3A_103, %mul3A_104, %mul3A_105, %mul3A_106, %mul3A_107, %mul3A_108, %select_n3A in 0 : vector<1x4096xf32>, vector<1x4096xf32>, vector<1x4096xf32>, vector<1x4096xf32>, vector<1x4096xf32>, vector<1x4096xf32>, vector<1x4096xf32>, vector<1x4096xf32>, vector<1x4096xf32>, vector<1x4096xf32>, vector<1x4096xf32>, vector<1x4096xf32>, vector<1x4096xf32>, vector<1x4096xf32>, vector<1x4096xf32>, vector<1x4096xf32>, vector<1x4096xf32>, vector<1x4096xf32>, vector<1x4096xf32>, vector<1x4096xf32>, vector<1x4096xf32> -> vector<21x4096xf32>
    %transpose3A_109 = tpu.transpose %concatenate3A, [1, 0] : vector<21x4096xf32> -> vector<4096x21xf32>
    %get3A_110 = arith.constant 0 : index
    %get3A_111 = arith.constant 0 : index
    %get3A_112 = vector.load %arg8[%get3A_110, %get3A_111] : memref<256x21xf32, #tpu.memory_space<vmem>>, vector<256x21xf32>
    %transpose3A_113 = tpu.transpose %get3A_112, [1, 0] : vector<256x21xf32> -> vector<21x256xf32>
    %dot_general3A_114 = arith.constant dense<0.000000e+00> : vector<4096x256xf32>
    %dot_general3A_115 = tpu.matmul %transpose3A_109, %transpose3A_113, %dot_general3A_114 {dimension_numbers = #tpu.dot_dimension_numbers<[1], [0], [0], [1], [0, 0, 1, 1], [], []>, transpose_lhs_hint = false} : vector<4096x21xf32>, vector<21x256xf32>, vector<4096x256xf32> -> vector<4096x256xf32>
    %slice3A = vector.extract_strided_slice %dot_general3A_115 {offsets = [0, 0], sizes = [4096, 64], strides = [1, 1]} : vector<4096x256xf32> to vector<4096x64xf32>
    %swap3A_116 = arith.constant 0 : index
    %swap3A_117 = arith.constant 0 : index
    %swap3A_118 = arith.constant 0 : index
    %swap3A_119 = vector.load %arg10[%swap3A_116, %swap3A_117, %swap3A_118] : memref<4x4096x64xf32, #tpu.memory_space<vmem>>, vector<1x4096x64xf32>
    %swap3A_120 = vector.shape_cast %swap3A_119 : vector<1x4096x64xf32> to vector<4096x64xf32>
    %swap3A_121 = vector.shape_cast %slice3A : vector<4096x64xf32> to vector<1x4096x64xf32>
    tpu.vector_store %arg10[%swap3A_116, %swap3A_117, %swap3A_118], %swap3A_121 {strides = array<i32>} : memref<4x4096x64xf32, #tpu.memory_space<vmem>>, vector<1x4096x64xf32>,
    %slice3A_122 = vector.extract_strided_slice %dot_general3A_115 {offsets = [0, 64], sizes = [4096, 64], strides = [1, 1]} : vector<4096x256xf32> to vector<4096x64xf32>
    %swap3A_123 = arith.constant 1 : index
    %swap3A_124 = arith.constant 0 : index
    %swap3A_125 = arith.constant 0 : index
    %swap3A_126 = vector.load %arg10[%swap3A_123, %swap3A_124, %swap3A_125] : memref<4x4096x64xf32, #tpu.memory_space<vmem>>, vector<1x4096x64xf32>
    %swap3A_127 = vector.shape_cast %swap3A_126 : vector<1x4096x64xf32> to vector<4096x64xf32>
    %swap3A_128 = vector.shape_cast %slice3A_122 : vector<4096x64xf32> to vector<1x4096x64xf32>
    tpu.vector_store %arg10[%swap3A_123, %swap3A_124, %swap3A_125], %swap3A_128 {strides = array<i32>} : memref<4x4096x64xf32, #tpu.memory_space<vmem>>, vector<1x4096x64xf32>,
    %slice3A_129 = vector.extract_strided_slice %dot_general3A_115 {offsets = [0, 128], sizes = [4096, 64], strides = [1, 1]} : vector<4096x256xf32> to vector<4096x64xf32>
    %swap3A_130 = arith.constant 2 : index
    %swap3A_131 = arith.constant 0 : index
    %swap3A_132 = arith.constant 0 : index
    %swap3A_133 = vector.load %arg10[%swap3A_130, %swap3A_131, %swap3A_132] : memref<4x4096x64xf32, #tpu.memory_space<vmem>>, vector<1x4096x64xf32>
    %swap3A_134 = vector.shape_cast %swap3A_133 : vector<1x4096x64xf32> to vector<4096x64xf32>
    %swap3A_135 = vector.shape_cast %slice3A_129 : vector<4096x64xf32> to vector<1x4096x64xf32>
    tpu.vector_store %arg10[%swap3A_130, %swap3A_131, %swap3A_132], %swap3A_135 {strides = array<i32>} : memref<4x4096x64xf32, #tpu.memory_space<vmem>>, vector<1x4096x64xf32>,
    %slice3A_136 = vector.extract_strided_slice %dot_general3A_115 {offsets = [0, 192], sizes = [4096, 64], strides = [1, 1]} : vector<4096x256xf32> to vector<4096x64xf32>
    %swap3A_137 = arith.constant 3 : index
    %swap3A_138 = arith.constant 0 : index
    %swap3A_139 = arith.constant 0 : index
    %swap3A_140 = vector.load %arg10[%swap3A_137, %swap3A_138, %swap3A_139] : memref<4x4096x64xf32, #tpu.memory_space<vmem>>, vector<1x4096x64xf32>
    %swap3A_141 = vector.shape_cast %swap3A_140 : vector<1x4096x64xf32> to vector<4096x64xf32>
    %swap3A_142 = vector.shape_cast %slice3A_136 : vector<4096x64xf32> to vector<1x4096x64xf32>
    tpu.vector_store %arg10[%swap3A_137, %swap3A_138, %swap3A_139], %swap3A_142 {strides = array<i32>} : memref<4x4096x64xf32, #tpu.memory_space<vmem>>, vector<1x4096x64xf32>,
    %get3A_143 = arith.constant 0 : index
    %get3A_144 = arith.constant 0 : index
    %get3A_145 = vector.load %arg3[%get3A_143, %get3A_144] : memref<4096x4xf32, #tpu.memory_space<vmem>>, vector<4096x4xf32>
    %transpose3A_146 = tpu.transpose %div3A_47, [1, 0] : vector<1x4096xf32> -> vector<4096x1xf32>
    %mul3A_147 = vector.broadcast %transpose3A_146 : vector<4096x1xf32> to vector<4096x4xf32>
    %mul3A_148 = arith.mulf %get3A_145, %mul3A_147 : vector<4096x4xf32>
    %swap3A_149 = arith.constant 0 : index
    %swap3A_150 = arith.constant 0 : index
    %swap3A_151 = vector.load %arg11[%swap3A_149, %swap3A_150] : memref<4096x4xf32, #tpu.memory_space<vmem>>, vector<4096x4xf32>
    tpu.vector_store %arg11[%swap3A_149, %swap3A_150], %mul3A_148 {strides = array<i32>} : memref<4096x4xf32, #tpu.memory_space<vmem>>, vector<4096x4xf32>,
    return
  }
  func.func @transform_0(%arg0: i32) -> (i32, i32) {
    %c0_i32 = arith.constant 0 : i32
    %c0_i32_0 = arith.constant 0 : i32
    return %arg0, %c0_i32 : i32, i32
  }
  func.func @transform_1(%arg0: i32) -> (i32, i32) {
    %c0_i32 = arith.constant 0 : i32
    %c0_i32_0 = arith.constant 0 : i32
    return %c0_i32, %arg0 : i32, i32
  }
  func.func @transform_2(%arg0: i32) -> (i32, i32) {
    %c0_i32 = arith.constant 0 : i32
    %c0_i32_0 = arith.constant 0 : i32
    return %arg0, %c0_i32 : i32, i32
  }
  func.func @transform_3(%arg0: i32) -> (i32, i32) {
    %c0_i32 = arith.constant 0 : i32
    %c0_i32_0 = arith.constant 0 : i32
    %c0_i32_1 = arith.constant 0 : i32
    return %c0_i32, %c0_i32_0 : i32, i32
  }
  func.func @transform_4(%arg0: i32) -> i32 {
    %c0_i32 = arith.constant 0 : i32
    %c0_i32_0 = arith.constant 0 : i32
    return %c0_i32 : i32
  }
  func.func @transform_5(%arg0: i32) -> (i32, i32) {
    %c0_i32 = arith.constant 0 : i32
    %c0_i32_0 = arith.constant 0 : i32
    %c0_i32_1 = arith.constant 0 : i32
    return %c0_i32, %c0_i32_0 : i32, i32
  }
  func.func @transform_6(%arg0: i32) -> i32 {
    %c0_i32 = arith.constant 0 : i32
    %c0_i32_0 = arith.constant 0 : i32
    return %c0_i32 : i32
  }
  func.func @transform_7(%arg0: i32) -> (i32, i32) {
    %c0_i32 = arith.constant 0 : i32
    %c0_i32_0 = arith.constant 0 : i32
    %c0_i32_1 = arith.constant 0 : i32
    return %c0_i32, %c0_i32_0 : i32, i32
  }
  func.func @transform_8(%arg0: i32) -> (i32, i32) {
    %c0_i32 = arith.constant 0 : i32
    %c0_i32_0 = arith.constant 0 : i32
    return %arg0, %c0_i32 : i32, i32
  }
  func.func @transform_9(%arg0: i32) -> (i32, i32, i32) {
    %c0_i32 = arith.constant 0 : i32
    %c0_i32_0 = arith.constant 0 : i32
    %c0_i32_1 = arith.constant 0 : i32
    return %c0_i32, %arg0, %c0_i32_0 : i32, i32, i32
  }
  func.func @transform_10(%arg0: i32) -> (i32, i32) {
    %c0_i32 = arith.constant 0 : i32
    %c0_i32_0 = arith.constant 0 : i32
    return %arg0, %c0_i32 : i32, i32
  }
}

</mosaic_0001>

<sc_bundles>
// kernel: kernel.4.cloned.1.call-start
scs
__scs_entry_jumppad:
0x0: {  	(pc) =	sbr.rel $0x88, $3  }
0x1: {  	(tag) =	ssettag $0x0;
	lr =	simm.s32 $0x1  }
0x2: {  	[smem:$0x3F96] =	sst lr;
	_ =	strace $0xD0000000  }
0x3: {  	_ = 	snop  }
0x4: {  	_ = 	snop  }
0x5: {  	_ = 	snop  }
0x6: {  	_ = 	snop  }
0x7: {  	_ = 	snop  }
__scs_overlays_trampoline_lowered:
0x8: {  	[smem:$0x3FA5] =	sst s0  }
0x9: {  	[smem:$0x3FA6] =	sst s1  }
0xa: {  	[smem:$0x3FA7] =	sst s2  }
0xb: {  	[smem:$0x3FA8] =	sst s3  }
0xc: {  	[smem:$0x3FA9] =	sst s4  }
0xd: {  	[smem:$0x3FAA] =	sst s5  }
0xe: {  	[smem:$0x3FAB] =	sst s6  }
0xf: {  	[smem:$0x3FAC] =	sst s7  }
0x10: {  	[smem:$0x3FAD] =	sst s8  }
0x11: {  	[smem:$0x3FAE] =	sst s9;
	s0 =	simm.s32 @!p0 $0x0  }
0x12: {  	s1 =	sld [smem:$0x3F94];
	s0 =	simm.s32 @p0 $0x1  }
0x13: {  	[smem:$0x3FAF] =	sst s0;
	s0 =	simm.s32 @!p1 $0x0  }
0x14: {  	s2 =	sld [smem:$0x3F93];
	s0 =	simm.s32 @p1 $0x1  }
0x15: {  	[smem:$0x3FB0] =	sst s0;
	s0 =	simm.s32 @!p2 $0x0  }
0x16: {  	s3 =	sld [smem:$0x3FDB];
	s0 =	simm.s32 @p2 $0x1  }
0x17: {  	s4 =	simm.s32 $0x1BF5;
	[smem:$0x3FB2] =	sst s0  }
0x18: {  	s0 =	sld [smem:$0x3F95];
	_ =	swait.ge [sflag:s4], $0x0  }
0x19: {  	s7 =	sld [smem:$0x3F96]  }
0x1a: {  	s8 =	sadd.s32 $0xFFFFE003, lr  }
0x1b: {  	s9 =	sadd.s32 $0xFFFFFEF7, lr;
	s5 =	simm.s32 $0xFFFFFFFF;
	p2 =	slt.u32 s8, $0xFFFFF086  }
0x1c: {  	p1 =	slt.u32 s9, $0xF7A;
	s5 =	simm.s32 @!p2 $0x0  }
0x1d: {  	s5 =	simm.s32 @p1 $0x1;
	p0 =	seq.s32 s7, s2  }
0x1e: {  	s7 =	smul.u32 @!p0 $0xF7A, s2;
	p2 =	seq.s32 @!p0 s5, $0x0  }
0x1f: {  	s9 =	smul.u32 $0xF7A, s1;
	s8 =	simm.s32 @!p0 $0x1BF5;
	p2 =	por !p2, p0  }
0x20: {  	[sflag:s8] =	ssyncset.s32 @!p0 $0xFFFFF086;
	s6 =	sadd.s32 @!p0 s3, s7;
	s7 =	simm.s32 @!p0 $0x108  }
0x21: {  	s3 =	sadd.s32 s3, s9;
	s6 =	sadd.s32 @!p0 $0x88, s6;
	s7 =	simm.s32 @p2 $0x1082  }
0x22: {  	[simem:s7], [sflag:s8] =	dma.local @!p0 [hbm:s6], $0xF7A  }
0x23: {  	s9 =	sor.u32 $0xD0000000, s2;
	s6 =	simm.s32 $0x108;
	_ =	swait.ge @!p0 [sflag:s8], $0x0  }
0x24: {  	s3 =	sadd.s32 $0x88, s3;
	s6 =	simm.s32 @!p1 $0x1082;
	[sflag:s4] =	ssyncset.s32 $0xFFFFF086  }
0x25: {  	[simem:s6], [sflag:s4] =	dma.local [hbm:s3], $0xF7A  }
0x26: {  	[smem:$0x3F96] =	sst s1;
	(tag) =	ssettag s2;
	_ =	strace s9  }
0x27: {  	s1 =	sld [smem:$0x3FA6]  }
0x28: {  	s2 =	sld [smem:$0x3FA7]  }
0x29: {  	s4 =	sld [smem:$0x3FA9]  }
0x2a: {  	p0 =	seq.s32 s5, $0x0;
	s5 =	sld [smem:$0x3FAA]  }
0x2b: {  	s6 =	sld [smem:$0x3FAB]  }
0x2c: {  	s7 =	sld [smem:$0x3FAC]  }
0x2d: {  	s3 =	simm.s32 $0x108;
	s8 =	sld [smem:$0x3FAD]  }
0x2e: {  	s3 =	simm.s32 @!p0 $0x1082;
	s9 =	sld [smem:$0x3FAE]  }
0x2f: {  	lr =	sadd.s32 s0, s3;
	s0 =	sld [smem:$0x3FA5]  }
0x30: {  	s3 =	sld [smem:$0x3FA8]  }
0x31: {  	[smem:$0x3FB1] =	sst s10  }
0x32: {  	s10 =	sld [smem:$0x3FAF];
	_ =	sdelay $0x3  }
0x33: {  	p0 =	seq.s32 s10, $0x1;
	s10 =	sld [smem:$0x3FB1];
	_ =	sdelay $0x3  }
0x34: {  	[smem:$0x3FB1] =	sst s10  }
0x35: {  	s10 =	sld [smem:$0x3FB0];
	_ =	sdelay $0x3  }
0x36: {  	p1 =	seq.s32 s10, $0x1;
	s10 =	sld [smem:$0x3FB1];
	_ =	sdelay $0x3  }
0x37: {  	[smem:$0x3FB1] =	sst s10  }
0x38: {  	s10 =	sld [smem:$0x3FB2]  }
0x39: {  	_ = 	snop;
	(pc) =	sbr.ind lr, $3  }
0x3a: {  	_ = 	snop  }
0x3b: {  	_ = 	snop  }
0x3c: {  	p2 =	seq.s32 s10, $0x1;
	s10 =	sld [smem:$0x3FB1]  }
0x3d: {  	_ =	shalt  }
0x3e: {  	_ =	shalt  }
0x3f: {  	_ =	shalt  }
0x40: {  	_ =	shalt  }
0x41: {  	_ =	shalt  }
0x42: {  	_ =	shalt  }
0x43: {  	_ =	shalt  }
0x44: {  	_ =	shalt  }
0x45: {  	_ =	shalt  }
0x46: {  	_ =	shalt  }
0x47: {  	_ =	shalt  }
0x48: {  	_ =	shalt  }
0x49: {  	_ =	shalt  }
0x4a: {  	_ =	shalt  }
0x4b: {  	_ =	shalt  }
0x4c: {  	_ =	shalt  }
0x4d: {  	_ =	shalt  }
0x4e: {  	_ =	shalt  }
0x4f: {  	_ =	shalt  }
0x50: {  	_ =	shalt  }
0x51: {  	_ =	shalt  }
0x52: {  	_ =	shalt  }
0x53: {  	_ =	shalt  }
0x54: {  	_ =	shalt  }
0x55: {  	_ =	shalt  }
0x56: {  	_ =	shalt  }
0x57: {  	_ =	shalt  }
0x58: {  	_ =	shalt  }
0x59: {  	_ =	shalt  }
0x5a: {  	_ =	shalt  }
0x5b: {  	_ =	shalt  }
0x5c: {  	_ =	shalt  }
0x5d: {  	_ =	shalt  }
0x5e: {  	_ =	shalt  }
0x5f: {  	_ =	shalt  }
0x60: {  	_ =	shalt  }
0x61: {  	_ =	shalt  }
0x62: {  	_ =	shalt  }
0x63: {  	_ =	shalt  }
0x64: {  	_ =	shalt  }
0x65: {  	_ =	shalt  }
0x66: {  	_ =	shalt  }
0x67: {  	_ =	shalt  }
0x68: {  	_ =	shalt  }
0x69: {  	_ =	shalt  }
0x6a: {  	_ =	shalt  }
0x6b: {  	_ =	shalt  }
0x6c: {  	_ =	shalt  }
0x6d: {  	_ =	shalt  }
0x6e: {  	_ =	shalt  }
0x6f: {  	_ =	shalt  }
0x70: {  	_ =	shalt  }
0x71: {  	_ =	shalt  }
0x72: {  	_ =	shalt  }
0x73: {  	_ =	shalt  }
0x74: {  	_ =	shalt  }
0x75: {  	_ =	shalt  }
0x76: {  	_ =	shalt  }
0x77: {  	_ =	shalt  }
0x78: {  	_ =	shalt  }
0x79: {  	_ =	shalt  }
0x7a: {  	_ =	shalt  }
0x7b: {  	_ =	shalt  }
0x7c: {  	_ =	shalt  }
0x7d: {  	_ =	shalt  }
0x7e: {  	_ =	shalt  }
0x7f: {  	_ =	shalt  }
0x80: {  	_ =	shalt  }
0x81: {  	_ =	shalt  }
0x82: {  	_ =	shalt  }
0x83: {  	_ =	shalt  }
0x84: {  	_ =	shalt  }
0x85: {  	_ =	shalt  }
0x86: {  	_ =	shalt  }
0x87: {  	_ =	shalt  }
.Lfunc_end0:
.L_simem_size_0:
called_computation_lowered:
.L_overlay_start_0:
0x88: {  	s2 =	sld [smem:$0x3FD9]  }
0x89: {  	s3 =	sld [smem:$0x3FFE];
	_ =	sdelay $0x1  }
0x8a: {  	s1 =	srdreg.scid  }
0x8b: {  	s0 =	sand.u32 $0x1, s1  }
0x8c: {  	s14 =	sshll.u32 s0, $0xA;
	s2 =	sadd.s32 s3, s2  }
0x8d: {  	s2 =	sadd.s32 s2, s14  }
0x8e: {  	[smem:$0x3FBD] =	sst s2  }
0x8f: {  	_ = 	snop  }
0x90: {  	s2 =	sld [smem:$0x3FD0];
	_ =	sdelay $0x2  }
0x91: {  	s15 =	simm.s32 $0xA;
	s4 =	simm.s32 $0x10  }
0x92: {  	[smem:s4], [sflag:s15] =	dma.local [hbm:s2], $0x1  }
0x93: {  	_ =	swait.eq [sflag:s15], $0x1  }
0x94: {  	[sflag:s15] =	ssyncset.done $0x0  }
0x95: {  	s16 =	sld [smem:$0x10];
	[sflag:s15] =	ssyncadd.s32 $0xFFFFFFFF  }
0x96: {  	s17 =	sld [smem:$0x11];
	(tm) =	ssettm $0x1  }
0x97: {  	s18 =	sld [smem:$0x3FFB];
	_ =	sdelay $0x3  }
0x98: {  	_ =	strace s18  }
0x99: {  	s4 =	sld [smem:$0x3FFC];
	_ =	sdelay $0x3  }
0x9a: {  	_ =	strace s4  }
0x9b: {  	s4 =	sld [smem:$0x3FFD];
	_ =	sdelay $0x3  }
0x9c: {  	_ =	strace s4  }
0x9d: {  	_ =	strace $0x8FFFFFFF  }
0x9e: {  	s19 =	sld [smem:$0x3FDB];
	_ =	sdelay $0x1  }
0x9f: {  	s5 =	simm.s32 $_scs_section_size  }
0xa0: {  	s6 =	simm.s32 $_size__tile_overlayer_lowered;
	s7 =	simm.s32 $_tile_overlayer_lowered  }
0xa1: {  	s22 =	simm.s32 $0x1BFF;
	s21 =	sshll.u32 s7, $0x1;
	s4 =	sadd.s32 s5, s19  }
0xa2: {  	s8 =	simm.s32 $0x0;
	s20 =	sshll.u32 s6, $0x1;
	s6 =	sadd.s32 s21, s4  }
0xa3: {  	[timem:s8], [sflag:s22] =	dma.local [hbm:s6], s20  }
0xa4: {  	_ =	swait.ge [sflag:s22], s20  }
0xa5: {  	s5 =	ssub.s32 $0x0, s20;
	[sflag:s22] =	ssyncset.done $0x0  }
0xa6: {  	[sflag:s22] =	ssyncadd.s32 s5;
	_ =	sdelay $0x1  }
0xa7: {  	s23 =	simm.s32 $0x1B8B  }
0xa8: {  	_ =	swait.ge [sflag:s23], $0x1  }
0xa9: {  	[sflag:s23] =	ssyncset.done $0x0  }
0xaa: {  	s25 =	simm.s32 $0x1B8E;
	s24 =	sld [smem:$0x3FFE];
	[sflag:s23] =	ssyncadd.s32 $0xFFFFFFFF  }
0xab: {  	s26 =	simm.s32 $execute0_lowered;
	[smem:$0x3FD2] =	sst s25  }
0xac: {  	s6 =	sshll.u32 s26, $0x1;
	_ =	strace $0x80000046;
	[dreg:$0x1] =	wrdreg $0xFFFFFFFF  }
0xad: {  	s28 =	simm.s32 $_size_execute0_lowered;
	s4 =	sadd.s32 s4, s6;
	[dreg:$0x0] =	wrdreg $0x0  }
0xae: {  	s6 =	sshll.u32 s28, $0x1;
	[dreg:$0x2] =	wrdreg s4  }
0xaf: {  	[dreg:$0x3] =	wrdreg s6  }
0xb0: {  	[dreg:$0x4] =	wrdreg $0xC0  }
0xb1: {  	_ =	task [dreg:s8], $0x5FFFF  }
0xb2: {  	[dreg:$0x1] =	wrdreg $0xFFFFFFFF  }
0xb3: {  	[dreg:$0x0] =	wrdreg $0x60  }
0xb4: {  	[dreg:$0x2] =	wrdreg s17  }
0xb5: {  	[dreg:$0x3] =	wrdreg s24  }
0xb6: {  	[dreg:$0x4] =	wrdreg s16  }
0xb7: {  	[dreg:$0x5] =	wrdreg $0x0  }
0xb8: {  	[dreg:$0x6] =	wrdreg $0x9  }
0xb9: {  	_ =	task.clear_ibuf [dreg:s8], $0x7FFFF;
	_ =	strace $0x90000046  }
0xba: {  	s29 =	simm.s32 $0x9;
	_ =	strace $0x80000048  }
0xbb: {  	_ =	swait.ge [sflag:s29], $0x1  }
0xbc: {  	[sflag:s29] =	ssyncadd.s32 $0xFFFFFFFF  }
0xbd: {  	_ =	strace $0x90000048  }
0xbe: {  	_ =	sfence  }
0xbf: {  	s30 =	sld [smem:$0x0];
	_ =	sdelay $0x2  }
0xc0: {  	s31 =	sshll.u32 s1, $0xD;
	s1 =	sshrl.u32 s1, $0x2  }
0xc1: {  	s3 =	sand.u32 $0x4000, s31;
	s1 =	sadd.s32 s1, s30  }
0xc2: {  	s0 =	sor.u32 s3, s0;
	s1 =	sshll.u32 s1, $0x11  }
0xc3: {  	s0 =	sor.u32 s1, s0  }
0xc4: {  	s0 =	sadd.s32 $0x8F2B, s0  }
0xc5: {  	[sflag:s0] =	ssyncadd.remote.s32 $0x1  }
0xc6: {  	_ =	sfence.sel $0xFFFF  }
0xc7: {  	[dreg:$0x0] =	wrdreg $0xFFFFFFFF;
	(pc) =	sbr.abs _section_cstart, $3  }
0xc8: {  	[dreg:$0x1] =	wrdreg $0xFFFFFFFF  }
0xc9: {  	_ =	task.clear_ibuf [dreg:s8], $0x2FFFF;
	_ =	strace $0x9FFFFFFF  }
0xca: {  	(tm) =	ssettm $0x7FFFFFFF  }
0xcb: {  	_ =	shalt  }
tec
execute0_lowered:
.L_overlay_start_1:
0x0: {  	(tag) =	ssettag $0x1  }
0x1: {  	s1 =	rddreg [dreg:$0x0]  }
0x2: {  	s5 =	rddreg [dreg:$0x1]  }
0x3: {  	s2 =	rddreg [dreg:$0x2]  }
0x4: {  	s3 =	rddreg [dreg:$0x3]  }
0x5: {  	s0 =	simm.s32 $0x0;
	s4 =	stileid.u32;
	s22 =	srdreg.scid  }
0x6: {  	[smem:$0x7FF] =	sst s0;
	s6 =	sadd.s32 $0x2D400, s5;
	s11 =	smul.u32 $0x13C00, s4  }
0x7: {  	s7 =	sadd.s32 $0xCD400, s5;
	s8 =	sadd.s32 $0xA5400, s5;
	s9 =	sadd.s32 $0x5400, s5  }
0x8: {  	s12 =	sand.u32 $0x1, s22;
	s14 =	sadd.s32 $0xAF4C00, s5;
	s15 =	sadd.s32 $0xB1C400, s5  }
0x9: {  	s16 =	smul.u32 $0x3B400, s4;
	s17 =	sshll.u32 s4, $0x6;
	s28 =	sadd.s32 $0xB1C410, s5  }
0xa: {  	_ =	strace $0x80000047;
	s10 =	ssub.s32 $0x2, s12;
	s18 =	sshll.u32 s12, $0x6  }
0xb: {  	s21 =	sshllo.u32 s12, $0x1;
	s30 =	sor.u32 $0x1C04, s17;
	s23 =	sshrl.u32 s11, $0x3  }
0xc: {  	s24 =	sshrl.u32 s10, $0x1;
	s19 =	sor.u32 s18, s11;
	s18 =	sor.u32 s18, s16  }
0xd: {  	s20 =	sshll.u32 s21, $0x5;
	s31 =	smul.u32 $0x1400000, s21;
	s13 =	sadd.s32 s23, s5  }
0xe: {  	s0 =	ssub.s32 s10, s24;
	s10 =	smul.u32 $0xA0000, s12;
	s19 =	sshrl.u32 s19, $0x3  }
0xf: {  	s18 =	sshrl.u32 s18, $0x3;
	s26 =	sor.u32 s11, s20;
	s19 =	sadd.s32 s14, s19  }
0x10: {  	s16 =	sor.u32 s16, s20;
	s25 =	sadd.s32 s15, s18;
	[dreg:$0x5] =	wrdreg s19  }
0x11: {  	s5 =	sadd.s32 $0xB1C420, s5;
	s22 =	sadd.s32 s18, s28;
	[dreg:$0x6] =	wrdreg s25  }
0x12: {  	s20 =	smul.u32 $0x2800000, s12;
	s23 =	sadd.s32 s18, s5;
	[dreg:$0x8] =	wrdreg s22  }
0x13: {  	s18 =	sadd.s32 s11, s3;
	s0 =	smax.u32 s0, $0x1;
	[dreg:$0x9] =	wrdreg s23  }
0x14: {  	s29 =	sadd.s32 $0xACD400, s13;
	s13 =	sor.u32 $0x10, s4;
	[dreg:$0x1b] =	wrdreg s0  }
0x15: {  	s19 =	sshrl.u32 s26, $0x3;
	s25 =	sor.u32 s17, s10;
	[dreg:$0xd] =	wrdreg s18  }
0x16: {  	s26 =	sshll.u32 s4, $0x3;
	[dreg:$0xe] =	wrdreg s29;
	s14 =	sadd.s32 s14, s19  }
0x17: {  	s19 =	sshrl.u32 s16, $0x3;
	s11 =	sadd.s32 s2, s26;
	[dreg:$0x7] =	wrdreg s14  }
0x18: {  	s22 =	sshll.u32 s13, $0x3;
	s15 =	sadd.s32 s15, s19;
	[dreg:$0x10] =	wrdreg s11  }
0x19: {  	s0 =	simm.s32 $0x1;
	s24 =	sadd.s32 s19, s28;
	[dreg:$0xa] =	wrdreg s15  }
0x1a: {  	s26 =	smul.u32 $0x50000, s21;
	s5 =	sadd.s32 s19, s5;
	[dreg:$0xb] =	wrdreg s24  }
0x1b: {  	s14 =	sshll.u32 s4, $0x5;
	s19 =	sshll.u32 s13, $0xC;
	[dreg:$0xc] =	wrdreg s5  }
0x1c: {  	s5 =	sshrl.u32 s25, $0x3;
	s23 =	sor.u32 s20, s19;
	s24 =	sadd.s32 s2, s22  }
0x1d: {  	s19 =	sor.u32 s19, s31;
	s5 =	sadd.s32 s9, s5;
	[dreg:$0x14] =	wrdreg s24  }
0x1e: {  	s25 =	sshrl.u32 s23, $0x3;
	s22 =	sshrl.u32 s19, $0x3;
	s24 =	sadd.s32 $0x20, s18  }
0x1f: {  	[dreg:$0xf] =	wrdreg s5;
	s5 =	sshll.u32 s4, $0xC;
	s23 =	sadd.s32 s7, s22  }
0x20: {  	[dreg:$0x1c] =	wrdreg s24;
	s12 =	sor.u32 s5, s20;
	s5 =	sor.u32 s5, s31  }
0x21: {  	[dreg:$0x1a] =	wrdreg s23;
	s28 =	sshrl.u32 s12, $0x3;
	s12 =	sshll.u32 s13, $0x6  }
0x22: {  	s5 =	sshrl.u32 s5, $0x3;
	s11 =	sadd.s32 s7, s28;
	s15 =	sor.u32 s10, s12  }
0x23: {  	s28 =	sor.u32 s17, s26;
	s5 =	sadd.s32 s7, s5;
	[dreg:$0x11] =	wrdreg s11  }
0x24: {  	s11 =	sadd.s32 s8, s14;
	s16 =	sshrl.u32 s15, $0x3;
	[dreg:$0x18] =	wrdreg s5  }
0x25: {  	s15 =	sshrl.u32 s28, $0x3;
	s28 =	sadd.s32 $0x60, s18;
	[dreg:$0x12] =	wrdreg s11  }
0x26: {  	s17 =	sor.u32 s12, s26;
	s11 =	sadd.s32 s9, s16;
	[dreg:$0x1e] =	wrdreg s28  }
0x27: {  	s21 =	sshrl.u32 s17, $0x3;
	s16 =	sadd.s32 s9, s15;
	[dreg:$0x13] =	wrdreg s11  }
0x28: {  	s24 =	simm.s32 $0x4;
	s5 =	sadd.s32 s9, s21;
	[dreg:$0x17] =	wrdreg s16  }
0x29: {  	v0 =	vimm.s32 $0x0;
	v1 =	vimm.s32 $0x1;
	v2 =	vimm.s32 $0x2;
	s13 =	sshll.u32 s13, $0x5;
	s11 =	sadd.s32 s7, s25;
	[dreg:$0x19] =	wrdreg s5  }
0x2a: {  	v3 =	vimm.s32 $0x4;
	v4 =	vimm.s32 $0x5;
	v5 =	vimm.s32 $0x6;
	s12 =	simm.s32 $0x40;
	s25 =	sadd.s32 $0x40, s18;
	[dreg:$0x15] =	wrdreg s11  }
0x2b: {  	v6 =	vimm.s32 $0x8;
	v7 =	vimm.s32 $0x9;
	v8 =	vimm.s32 $0xA;
	s14 =	simm.s32 $0x2;
	s11 =	sadd.s32 s8, s13;
	[dreg:$0x1d] =	wrdreg s25  }
0x2c: {  	v9 =	vimm.s32 $0xC;
	v10 =	vimm.s32 $0xD;
	v11 =	vimm.s32 $0xE;
	s15 =	simm.s32 $0x3;
	s18 =	simm.s32 $0x0;
	[dreg:$0x16] =	wrdreg s11  }
.LBB2_1:
0x2d: {  	s5 =	rddreg [dreg:$0xd]  }
0x2e: {  	s5 =	sshrl.u32 s5, $0x3  }
0x2f: {  	[dreg:$0x1f] =	wrdreg s5  }
0x30: {  	[spmem:s5], [sflag:s30] =	dma.local [hbm:s29], $0x2780  }
0x31: {  	_ =	swait.ge [sflag:s24], $0x2780  }
0x32: {  	[sflag:s24] =	ssyncset.done $0x0  }
0x33: {  	[sflag:s24] =	ssyncadd.s32 $0xFFFFD880  }
0x34: {  	[bflag:$0x0] =	sbarrier.arrive $0xFFFF  }
0x35: {  	s13 =	simm.s32 $0x13C00;
	s5 =	simm.s32 $0x0;
	s11 =	rddreg [dreg:$0xf]  }
0x36: {  	[tilespmem:s13], [sflag:$0x1] =	stream.linear.gather [hbm4b:s11+s5], $0x40, $0x38;
	[tilespmem:$0x1EF80] =	vst v63  }
0x37: {  	s16 =	simm.s32 $0x13C80;
	s17 =	rddreg [dreg:$0x10]  }
0x38: {  	[tilespmem:s16], [sflag:$0x1] =	stream.linear.gather [hbm4b:s17+s5], $0x40, $0x38;
	[tilespmem:$0x1EF80] =	vst v63  }
0x39: {  	s21 =	simm.s32 $0x18D80;
	s19 =	rddreg [dreg:$0x11]  }
0x3a: {  	[tilespmem:s21], [sflag:$0x1] =	stream.linear.gather [hbm4b:s19+s5], $0x1000, $0x38;
	[tilespmem:$0x1EF80] =	vst v63  }
0x3b: {  	s23 =	simm.s32 $0x1AD80;
	s22 =	rddreg [dreg:$0x12]  }
0x3c: {  	[tilespmem:s23], [sflag:$0x1] =	stream.linear.gather [hbm4b:s22+s5], $0x100, $0x38;
	[tilespmem:$0x1EF80] =	vst v63  }
0x3d: {  	s28 =	simm.s32 $0x13C40;
	s25 =	rddreg [dreg:$0x13]  }
0x3e: {  	[tilespmem:s28], [sflag:$0x1] =	stream.linear.gather [hbm4b:s25+s5], $0x40, $0x38;
	[tilespmem:$0x1EF80] =	vst v63  }
0x3f: {  	s16 =	rddreg [dreg:$0x14];
	s17 =	simm.s32 $0x13CC0  }
0x40: {  	[tilespmem:s17], [sflag:$0x1] =	stream.linear.gather [hbm4b:s16+s5], $0x40, $0x38;
	[tilespmem:$0x1EF80] =	vst v63  }
0x41: {  	s19 =	rddreg [dreg:$0x15];
	s21 =	simm.s32 $0x19D80  }
0x42: {  	[tilespmem:s21], [sflag:$0x1] =	stream.linear.gather [hbm4b:s19+s5], $0x1000, $0x38;
	[tilespmem:$0x1EF80] =	vst v63  }
0x43: {  	s22 =	rddreg [dreg:$0x16];
	s23 =	simm.s32 $0x1AE80  }
0x44: {  	[tilespmem:s23], [sflag:$0x1] =	stream.linear.gather [hbm4b:s22+s5], $0x100, $0x38;
	[tilespmem:$0x1EF80] =	vst v63  }
0x45: {  	_ =	swait.ge [sflag:s0], $0x40  }
0x46: {  	[sflag:s0] =	ssyncset.done $0x0  }
0x47: {  	[sflag:s0] =	ssyncadd.s32 $0xFFFFFFC0  }
0x48: {  	_ =	swait.ge [sflag:s0], $0x40  }
0x49: {  	[sflag:s0] =	ssyncset.done $0x0  }
0x4a: {  	[sflag:s0] =	ssyncadd.s32 $0xFFFFFFC0  }
0x4b: {  	_ =	swait.ge [sflag:s0], $0x1000  }
0x4c: {  	[sflag:s0] =	ssyncset.done $0x0  }
0x4d: {  	[sflag:s0] =	ssyncadd.s32 $0xFFFFF000  }
0x4e: {  	_ =	swait.ge [sflag:s0], $0x100  }
0x4f: {  	[sflag:s0] =	ssyncset.done $0x0  }
0x50: {  	s25 =	simm.s32 $0x13D80;
	[sflag:s0] =	ssyncadd.s32 $0xFFFFFF00  }
0x51: {  	[tilespmem:s25], [sflag:$0x2] =	stream.indirect.gather [hbm4b:s1+s12], $0x40, s13, s12, $0xb8;
	[tilespmem:$0x1EF80] =	vst v63  }
0x52: {  	p0 =	por $0x0, $0x0;
	s28 =	simm.s32 $0x15D80;
	s19 =	simm.s32 $0x0  }
0x53: {  	[tilespmem:s28], [sflag:$0x2] =	stream.indirect.gather [hbm4b:s6+s12], $0x60, s13, s12, $0xb8;
	[tilespmem:$0x1EF80] =	vst v63  }
.LBB2_2:
0x54: {  	_ =	swait.ge [sflag:s14], $0x1000  }
0x55: {  	[sflag:s14] =	ssyncset.done $0x0  }
0x56: {  	[sflag:s14] =	ssyncadd.s32 $0xFFFFF000  }
0x57: {  	_ =	swait.ge [sflag:s14], $0x1800  }
0x58: {  	p1 =	slt.u32 s19, $0x2;
	[sflag:s14] =	ssyncset.done $0x0  }
0x59: {  	s5 =	simm.s32 @!p1 $0x3;
	[sflag:s14] =	ssyncadd.s32 $0xFFFFE800  }
0x5a: {  	_ =	swait.ge @!p1 [sflag:s5], $0x2000  }
0x5b: {  	p2 =	seq.s32 @!p1 s19, $0x13F;
	[sflag:s5] =	ssyncset.done @!p1 $0x0  }
0x5c: {  	p2 =	por p1, !p2;
	[sflag:s5] =	ssyncadd.s32 @!p1 $0xFFFFE000  }
0x5d: {  	_ =	swait.ge @p2 [sflag:s0], $0x40  }
0x5e: {  	[sflag:s0] =	ssyncset.done @p2 $0x0  }
0x5f: {  	[sflag:s0] =	ssyncadd.s32 @p2 $0xFFFFFFC0  }
0x60: {  	_ =	swait.ge @p2 [sflag:s0], $0x40  }
0x61: {  	[sflag:s0] =	ssyncset.done @p2 $0x0  }
0x62: {  	[sflag:s0] =	ssyncadd.s32 @p2 $0xFFFFFFC0  }
0x63: {  	s21 =	sand.u32 $0x1, s19;
	_ =	swait.ge @p2 [sflag:s0], $0x1000  }
0x64: {  	s5 =	sxor.u32 @p2 $0x1, s21;
	[sflag:s0] =	ssyncset.done @p2 $0x0  }
0x65: {  	s11 =	sshll.u32 @p2 s5, $0x6;
	[sflag:s0] =	ssyncadd.s32 @p2 $0xFFFFF000  }
0x66: {  	s13 =	sshll.u32 @p2 s5, $0xC;
	s5 =	smul.u32 @p2 $0x6000, s5;
	_ =	swait.ge @p2 [sflag:s0], $0x100  }
0x67: {  	s11 =	sor.u32 @p2 $0x13C00, s11;
	[sflag:s0] =	ssyncset.done @p2 $0x0  }
0x68: {  	s13 =	sadd.s32 @p2 $0x13D80, s13;
	s5 =	sshrl.u32 @p2 s5, $0x2;
	[sflag:s0] =	ssyncadd.s32 @p2 $0xFFFFFF00  }
0x69: {  	[tilespmem:s13], [sflag:$0x2] =	stream.indirect.gather @p2 [hbm4b:s1+s12], $0x40, s11, s12, $0xb8;
	[tilespmem:$0x1EF80] =	vst v63  }
0x6a: {  	s5 =	sadd.s32 @p2 $0x15D80, s5  }
0x6b: {  	[tilespmem:s5], [sflag:$0x2] =	stream.indirect.gather @p2 [hbm4b:s6+s12], $0x60, s11, s12, $0xb8;
	[tilespmem:$0x1EF80] =	vst v63  }
0x6c: {  	s11 =	simm.s32 $0x1  }
0x6d: {  	s11 =	simm.s32 @!p0 $0x0  }
0x6e: {  	s28 =	sshll.u32 s11, $0xC  }
0x6f: {  	s16 =	sadd.s32 $0x13D80, s28  }
0x70: {  	v12 =	vmov s16  }
0x71: {  	s5 =	sor.u32 $0x18E00, s28  }
0x72: {  	v13 =	vmov s5;
	_ =	sdelay $0x1  }
0x73: {  	s17 =	simm.s32 $0x0  }
0x74: {  	v15 =	vld.idx.msk [tilespmem:v12+s17+$0x30 ss:$0x1], $0xffff  }
0x75: {  	v16 =	vld.idx.msk [tilespmem:v12+s17+$0x20 ss:$0x1], $0xffff  }
0x76: {  	v17 =	vld.idx.msk [tilespmem:v13+s17+$0xFFFFFFA0 ss:$0x1], $0xffff  }
0x77: {  	s22 =	sshll.u32 s11, $0x8;
	v18 =	vld.idx.msk [tilespmem:v13+s17+$0xFFFFFFB0 ss:$0x1], $0xffff  }
0x78: {  	s22 =	sadd.s32 $0x1AD80, s22  }
0x79: {  	v14 =	vld [tilespmem:s22+$0x0]  }
0x7a: {  	v19 =	vld.idx.msk [tilespmem:v12+s17+$0x10 ss:$0x1], $0xffff  }
0x7b: {  	s23 =	sshll.u32 s11, $0xD;
	s11 =	smul.u32 $0x6000, s11;
	v20 =	vld.idx.msk [tilespmem:v12+s17+$0x0 ss:$0x1], $0xffff;
	v16 =	vmul.f32 v16, v17  }
0x7c: {  	s23 =	sadd.s32 $0x1B080, s23;
	v21 =	vld.idx.msk [tilespmem:v13+s17+$0xFFFFFF90 ss:$0x1], $0xffff;
	v15 =	vmul.f32 v15, v18  }
0x7d: {  	s11 =	sshrl.u32 s11, $0x2;
	v17 =	vld.idx.msk [tilespmem:v13+s17+$0xFFFFFF80 ss:$0x1], $0xffff;
	[tilespmem:s23+$0xFFFFFF00] =	vst v16  }
0x7e: {  	s11 =	sadd.s32 $0x15E40, s11;
	[tilespmem:s23+$0xFFFFFF10] =	vst v15  }
0x7f: {  	v18 =	vld [tilespmem:s11+$0xFFFFFF40]  }
0x80: {  	v22 =	vld [tilespmem:s11+$0xFFFFFF50];
	_ =	sdelay $0x1  }
0x81: {  	v17 =	vmul.f32 v20, v17;
	v20 =	vperm.xlane v14, v0  }
0x82: {  	v19 =	vmul.f32 v19, v21  }
0x83: {  	v21 =	vmul.f32 v20, v16;
	v18 =	vmul.f32 v18, v17  }
0x84: {  	v20 =	vmul.f32 v20, v15;
	v22 =	vmul.f32 v22, v19  }
0x85: {  	v18 =	vadd.f32 v18, v21  }
0x86: {  	v20 =	vadd.f32 v22, v20  }
0x87: {  	[tilespmem:s23+$0xFFFFFF20] =	vst v18  }
0x88: {  	[tilespmem:s23+$0xFFFFFF30] =	vst v20  }
0x89: {  	v18 =	vld [tilespmem:s11+$0xFFFFFF60]  }
0x8a: {  	v20 =	vld [tilespmem:s11+$0xFFFFFF70];
	_ =	sdelay $0x1  }
0x8b: {  	v21 =	vperm.xlane v14, v1;
	_ =	sdelay $0x1  }
0x8c: {  	v22 =	vmul.f32 v21, v16;
	v18 =	vmul.f32 v18, v17  }
0x8d: {  	v21 =	vmul.f32 v21, v15;
	v20 =	vmul.f32 v20, v19  }
0x8e: {  	v18 =	vadd.f32 v18, v22  }
0x8f: {  	v20 =	vadd.f32 v20, v21  }
0x90: {  	[tilespmem:s23+$0xFFFFFF40] =	vst v18  }
0x91: {  	[tilespmem:s23+$0xFFFFFF50] =	vst v20  }
0x92: {  	v18 =	vld [tilespmem:s11+$0xFFFFFF80]  }
0x93: {  	v20 =	vld [tilespmem:s11+$0xFFFFFF90];
	_ =	sdelay $0x1  }
0x94: {  	v21 =	vperm.xlane v14, v2;
	_ =	sdelay $0x1  }
0x95: {  	v16 =	vmul.f32 v21, v16;
	v17 =	vmul.f32 v18, v17  }
0x96: {  	v15 =	vmul.f32 v21, v15;
	v18 =	vmul.f32 v20, v19  }
0x97: {  	v16 =	vadd.f32 v17, v16  }
0x98: {  	v15 =	vadd.f32 v18, v15  }
0x99: {  	[tilespmem:s23+$0xFFFFFF60] =	vst v16  }
0x9a: {  	[tilespmem:s23+$0xFFFFFF70] =	vst v15  }
0x9b: {  	v15 =	vld.idx.msk [tilespmem:v12+s17+$0x60 ss:$0x1], $0xffff  }
0x9c: {  	v16 =	vld.idx.msk [tilespmem:v12+s17+$0x70 ss:$0x1], $0xffff  }
0x9d: {  	v17 =	vld.idx.msk [tilespmem:v13+s17+$0xFFFFFFF0 ss:$0x1], $0xffff  }
0x9e: {  	v18 =	vld.idx.msk [tilespmem:v13+s17+$0xFFFFFFE0 ss:$0x1], $0xffff;
	_ =	sdelay $0x2  }
0x9f: {  	v19 =	vld.idx.msk [tilespmem:v12+s17+$0x50 ss:$0x1], $0xffff  }
0xa0: {  	v20 =	vld.idx.msk [tilespmem:v12+s17+$0x40 ss:$0x1], $0xffff;
	v16 =	vmul.f32 v16, v17  }
0xa1: {  	v21 =	vld.idx.msk [tilespmem:v13+s17+$0xFFFFFFD0 ss:$0x1], $0xffff;
	v15 =	vmul.f32 v15, v18  }
0xa2: {  	v17 =	vld.idx.msk [tilespmem:v13+s17+$0xFFFFFFC0 ss:$0x1], $0xffff;
	[tilespmem:s23+$0xFFFFFF90] =	vst v16  }
0xa3: {  	[tilespmem:s23+$0xFFFFFF80] =	vst v15  }
0xa4: {  	v18 =	vld [tilespmem:s11+$0xFFFFFFA0]  }
0xa5: {  	v22 =	vld [tilespmem:s11+$0xFFFFFFB0];
	_ =	sdelay $0x1  }
0xa6: {  	v17 =	vmul.f32 v20, v17;
	v20 =	vperm.xlane v14, v3  }
0xa7: {  	v19 =	vmul.f32 v19, v21  }
0xa8: {  	v21 =	vmul.f32 v20, v15;
	v18 =	vmul.f32 v18, v17  }
0xa9: {  	v20 =	vmul.f32 v20, v16;
	v22 =	vmul.f32 v22, v19  }
0xaa: {  	v18 =	vadd.f32 v18, v21  }
0xab: {  	v20 =	vadd.f32 v22, v20  }
0xac: {  	[tilespmem:s23+$0xFFFFFFA0] =	vst v18  }
0xad: {  	[tilespmem:s23+$0xFFFFFFB0] =	vst v20  }
0xae: {  	v18 =	vld [tilespmem:s11+$0xFFFFFFC0]  }
0xaf: {  	v20 =	vld [tilespmem:s11+$0xFFFFFFD0];
	_ =	sdelay $0x1  }
0xb0: {  	v21 =	vperm.xlane v14, v4;
	_ =	sdelay $0x1  }
0xb1: {  	v22 =	vmul.f32 v21, v15;
	v18 =	vmul.f32 v18, v17  }
0xb2: {  	v21 =	vmul.f32 v21, v16;
	v20 =	vmul.f32 v20, v19  }
0xb3: {  	v18 =	vadd.f32 v18, v22  }
0xb4: {  	v20 =	vadd.f32 v20, v21  }
0xb5: {  	[tilespmem:s23+$0xFFFFFFC0] =	vst v18  }
0xb6: {  	[tilespmem:s23+$0xFFFFFFD0] =	vst v20  }
0xb7: {  	v18 =	vld [tilespmem:s11+$0xFFFFFFF0]  }
0xb8: {  	v20 =	vld [tilespmem:s11+$0xFFFFFFE0];
	_ =	sdelay $0x1  }
0xb9: {  	v21 =	vperm.xlane v14, v5;
	_ =	sdelay $0x1  }
0xba: {  	v16 =	vmul.f32 v21, v16;
	v18 =	vmul.f32 v18, v19  }
0xbb: {  	v15 =	vmul.f32 v21, v15;
	v17 =	vmul.f32 v20, v17  }
0xbc: {  	v16 =	vadd.f32 v18, v16  }
0xbd: {  	v15 =	vadd.f32 v17, v15  }
0xbe: {  	[tilespmem:s23+$0xFFFFFFF0] =	vst v16  }
0xbf: {  	[tilespmem:s23+$0xFFFFFFE0] =	vst v15  }
0xc0: {  	v15 =	vld.idx.msk [tilespmem:v12+s17+$0xB0 ss:$0x1], $0xffff  }
0xc1: {  	v16 =	vld.idx.msk [tilespmem:v12+s17+$0xA0 ss:$0x1], $0xffff  }
0xc2: {  	v17 =	vld.idx.msk [tilespmem:v13+s17+$0x20 ss:$0x1], $0xffff  }
0xc3: {  	v18 =	vld.idx.msk [tilespmem:v13+s17+$0x30 ss:$0x1], $0xffff;
	_ =	sdelay $0x2  }
0xc4: {  	v19 =	vld.idx.msk [tilespmem:v13+s17+$0x0 ss:$0x1], $0xffff  }
0xc5: {  	v20 =	vld.idx.msk [tilespmem:v13+s17+$0x10 ss:$0x1], $0xffff;
	v16 =	vmul.f32 v16, v17  }
0xc6: {  	v21 =	vld.idx.msk [tilespmem:v12+s17+$0x80 ss:$0x1], $0xffff;
	v15 =	vmul.f32 v15, v18  }
0xc7: {  	v17 =	vld.idx.msk [tilespmem:v12+s17+$0x90 ss:$0x1], $0xffff;
	[tilespmem:s23+$0x0] =	vst v16  }
0xc8: {  	[tilespmem:s23+$0x10] =	vst v15  }
0xc9: {  	v18 =	vld [tilespmem:s11+$0x0]  }
0xca: {  	v22 =	vld [tilespmem:s11+$0x10];
	_ =	sdelay $0x1  }
0xcb: {  	v19 =	vmul.f32 v21, v19;
	v21 =	vperm.xlane v14, v6  }
0xcc: {  	v17 =	vmul.f32 v17, v20  }
0xcd: {  	v20 =	vmul.f32 v21, v16;
	v18 =	vmul.f32 v18, v19  }
0xce: {  	v21 =	vmul.f32 v21, v15;
	v22 =	vmul.f32 v22, v17  }
0xcf: {  	v18 =	vadd.f32 v18, v20  }
0xd0: {  	v20 =	vadd.f32 v22, v21  }
0xd1: {  	[tilespmem:s23+$0x20] =	vst v18  }
0xd2: {  	[tilespmem:s23+$0x30] =	vst v20  }
0xd3: {  	v18 =	vld [tilespmem:s11+$0x20]  }
0xd4: {  	v20 =	vld [tilespmem:s11+$0x30];
	_ =	sdelay $0x1  }
0xd5: {  	v21 =	vperm.xlane v14, v7;
	_ =	sdelay $0x1  }
0xd6: {  	v22 =	vmul.f32 v21, v16;
	v18 =	vmul.f32 v18, v19  }
0xd7: {  	v21 =	vmul.f32 v21, v15;
	v20 =	vmul.f32 v20, v17  }
0xd8: {  	v18 =	vadd.f32 v18, v22  }
0xd9: {  	v20 =	vadd.f32 v20, v21  }
0xda: {  	[tilespmem:s23+$0x40] =	vst v18  }
0xdb: {  	[tilespmem:s23+$0x50] =	vst v20  }
0xdc: {  	v18 =	vld [tilespmem:s11+$0x40]  }
0xdd: {  	v20 =	vld [tilespmem:s11+$0x50];
	_ =	sdelay $0x1  }
0xde: {  	v21 =	vperm.xlane v14, v8;
	_ =	sdelay $0x1  }
0xdf: {  	v16 =	vmul.f32 v21, v16;
	v18 =	vmul.f32 v18, v19  }
0xe0: {  	v15 =	vmul.f32 v21, v15;
	v17 =	vmul.f32 v20, v17  }
0xe1: {  	v16 =	vadd.f32 v18, v16  }
0xe2: {  	v15 =	vadd.f32 v17, v15  }
0xe3: {  	[tilespmem:s23+$0x60] =	vst v16  }
0xe4: {  	[tilespmem:s23+$0x70] =	vst v15  }
0xe5: {  	v16 =	vld.idx.msk [tilespmem:v12+s17+$0xF0 ss:$0x1], $0xffff  }
0xe6: {  	v15 =	vld.idx.msk [tilespmem:v13+s17+$0x60 ss:$0x1], $0xffff  }
0xe7: {  	v17 =	vld.idx.msk [tilespmem:v12+s17+$0xE0 ss:$0x1], $0xffff  }
0xe8: {  	v18 =	vld.idx.msk [tilespmem:v13+s17+$0x70 ss:$0x1], $0xffff;
	_ =	sdelay $0x2  }
0xe9: {  	v19 =	vld.idx.msk [tilespmem:v13+s17+$0x40 ss:$0x1], $0xffff  }
0xea: {  	v20 =	vld.idx.msk [tilespmem:v13+s17+$0x50 ss:$0x1], $0xffff;
	v15 =	vmul.f32 v17, v15  }
0xeb: {  	v21 =	vld.idx.msk [tilespmem:v12+s17+$0xC0 ss:$0x1], $0xffff;
	v16 =	vmul.f32 v16, v18  }
0xec: {  	v22 =	vld.idx.msk [tilespmem:v12+s17+$0xD0 ss:$0x1], $0xffff;
	[tilespmem:s23+$0x80] =	vst v15  }
0xed: {  	[tilespmem:s23+$0x90] =	vst v16  }
0xee: {  	v23 =	vld [tilespmem:s11+$0x60];
	_ =	sdelay $0x1  }
0xef: {  	v24 =	vld [tilespmem:s11+$0x70]  }
0xf0: {  	v17 =	vmul.f32 v21, v19;
	v21 =	vperm.xlane v14, v9  }
0xf1: {  	v18 =	vmul.f32 v22, v20  }
0xf2: {  	s25 =	sshll.u32 s21, $0x8;
	v20 =	vmul.f32 v21, v15;
	v19 =	vmul.f32 v23, v17  }
0xf3: {  	s25 =	sadd.s32 $0x1AD80, s25;
	s13 =	simm.s32 $0x400;
	s28 =	sshll.u32 s21, $0xD  }
0xf4: {  	s5 =	smov.u32 s23;
	s16 =	smov.u32 s11;
	s17 =	sadd.s32 $0x1AF80, s28;
	v21 =	vmul.f32 v21, v16;
	v19 =	vadd.f32 v19, v20;
	v20 =	vmul.f32 v24, v18  }
.LBB2_3:
0xf5: {  	s22 =	sadd.s32 $0x10, s22;
	s23 =	sadd.s32 $0x200, s23;
	s11 =	sadd.s32 $0x180, s11  }
0xf6: {  	p1 =	sne.s32 s13, $0x3C00;
	s28 =	smov.u32 s13;
	s13 =	sadd.s32 $0x400, s13;
	[tilespmem:s5+$0xA0] =	vst v19;
	v19 =	vadd.f32 v20, v21  }
0xf7: {  	_ = 	snop  }
0xf8: {  	[tilespmem:s5+$0xB0] =	vst v19  }
0xf9: {  	v19 =	vld [tilespmem:s16+$0x80]  }
0xfa: {  	v20 =	vld [tilespmem:s16+$0x90]  }
0xfb: {  	v21 =	vperm.xlane v14, v10;
	_ =	sdelay $0x1  }
0xfc: {  	v22 =	vmul.f32 v21, v15  }
0xfd: {  	v21 =	vmul.f32 v21, v16;
	v19 =	vmul.f32 v19, v17  }
0xfe: {  	v20 =	vmul.f32 v20, v18  }
0xff: {  	v19 =	vadd.f32 v19, v22  }
0x100: {  	v20 =	vadd.f32 v20, v21  }
0x101: {  	[tilespmem:s5+$0xC0] =	vst v19  }
0x102: {  	[tilespmem:s5+$0xD0] =	vst v20  }
0x103: {  	v19 =	vld [tilespmem:s16+$0xA0]  }
0x104: {  	v20 =	vld [tilespmem:s16+$0xB0];
	s16 =	smov.u32 s11  }
0x105: {  	v14 =	vperm.xlane v14, v11;
	_ =	sdelay $0x1  }
0x106: {  	v15 =	vmul.f32 v14, v15;
	v14 =	vmul.f32 v14, v16  }
0x107: {  	v16 =	vmul.f32 v19, v17  }
0x108: {  	v17 =	vmul.f32 v20, v18  }
0x109: {  	v15 =	vadd.f32 v16, v15  }
0x10a: {  	v14 =	vadd.f32 v17, v14  }
0x10b: {  	[tilespmem:s5+$0xE0] =	vst v15  }
0x10c: {  	s28 =	sshra.s32 s28, $0x2;
	[tilespmem:s5+$0xF0] =	vst v14;
	s5 =	smov.u32 s23  }
0x10d: {  	v15 =	vld.idx.msk [tilespmem:v12+s28+$0x30 ss:$0x1], $0xffff  }
0x10e: {  	v16 =	vld.idx.msk [tilespmem:v12+s28+$0x20 ss:$0x1], $0xffff  }
0x10f: {  	v17 =	vld.idx.msk [tilespmem:v13+s28+$0xFFFFFFA0 ss:$0x1], $0xffff  }
0x110: {  	v18 =	vld.idx.msk [tilespmem:v13+s28+$0xFFFFFFB0 ss:$0x1], $0xffff;
	_ =	sdelay $0x1  }
0x111: {  	v14 =	vld [tilespmem:s22+$0x0]  }
0x112: {  	v19 =	vld.idx.msk [tilespmem:v12+s28+$0x10 ss:$0x1], $0xffff  }
0x113: {  	v20 =	vld.idx.msk [tilespmem:v12+s28+$0x0 ss:$0x1], $0xffff  }
0x114: {  	v16 =	vmul.f32 v16, v17;
	v21 =	vld.idx.msk [tilespmem:v13+s28+$0xFFFFFF90 ss:$0x1], $0xffff  }
0x115: {  	v15 =	vmul.f32 v15, v18;
	v17 =	vld.idx.msk [tilespmem:v13+s28+$0xFFFFFF80 ss:$0x1], $0xffff  }
0x116: {  	[tilespmem:s23+$0xFFFFFF00] =	vst v16;
	v18 =	vperm.xlane v14, v1;
	v22 =	vperm.xlane v14, v2  }
0x117: {  	[tilespmem:s23+$0xFFFFFF10] =	vst v15  }
0x118: {  	v23 =	vld [tilespmem:s11+$0xFFFFFF40];
	v24 =	vmul.f32 v18, v16;
	v18 =	vmul.f32 v18, v15  }
0x119: {  	v26 =	vmul.f32 v22, v16;
	v22 =	vmul.f32 v22, v15;
	v25 =	vld [tilespmem:s11+$0xFFFFFF50];
	_ =	sdelay $0x1  }
0x11a: {  	v17 =	vmul.f32 v20, v17;
	v20 =	vperm.xlane v14, v0  }
0x11b: {  	v19 =	vmul.f32 v19, v21  }
0x11c: {  	v16 =	vmul.f32 v20, v16;
	v21 =	vmul.f32 v23, v17  }
0x11d: {  	v15 =	vmul.f32 v20, v15;
	v23 =	vmul.f32 v25, v19  }
0x11e: {  	v16 =	vadd.f32 v21, v16  }
0x11f: {  	v15 =	vadd.f32 v23, v15  }
0x120: {  	[tilespmem:s23+$0xFFFFFF20] =	vst v16  }
0x121: {  	[tilespmem:s23+$0xFFFFFF30] =	vst v15  }
0x122: {  	v15 =	vld [tilespmem:s11+$0xFFFFFF60]  }
0x123: {  	v16 =	vld [tilespmem:s11+$0xFFFFFF70];
	_ =	sdelay $0x3  }
0x124: {  	v15 =	vmul.f32 v15, v17  }
0x125: {  	v16 =	vmul.f32 v16, v19  }
0x126: {  	v15 =	vadd.f32 v15, v24  }
0x127: {  	v16 =	vadd.f32 v16, v18  }
0x128: {  	[tilespmem:s23+$0xFFFFFF40] =	vst v15  }
0x129: {  	[tilespmem:s23+$0xFFFFFF50] =	vst v16  }
0x12a: {  	v15 =	vld [tilespmem:s11+$0xFFFFFF80]  }
0x12b: {  	v16 =	vld [tilespmem:s11+$0xFFFFFF90];
	_ =	sdelay $0x3  }
0x12c: {  	v15 =	vmul.f32 v15, v17  }
0x12d: {  	v16 =	vmul.f32 v16, v19  }
0x12e: {  	v15 =	vadd.f32 v15, v26  }
0x12f: {  	v16 =	vadd.f32 v16, v22  }
0x130: {  	[tilespmem:s23+$0xFFFFFF60] =	vst v15  }
0x131: {  	[tilespmem:s23+$0xFFFFFF70] =	vst v16  }
0x132: {  	v15 =	vld.idx.msk [tilespmem:v12+s28+$0x60 ss:$0x1], $0xffff  }
0x133: {  	v16 =	vld.idx.msk [tilespmem:v12+s28+$0x70 ss:$0x1], $0xffff  }
0x134: {  	v17 =	vld.idx.msk [tilespmem:v13+s28+$0xFFFFFFF0 ss:$0x1], $0xffff  }
0x135: {  	v18 =	vld.idx.msk [tilespmem:v13+s28+$0xFFFFFFE0 ss:$0x1], $0xffff;
	_ =	sdelay $0x2  }
0x136: {  	v19 =	vld.idx.msk [tilespmem:v12+s28+$0x50 ss:$0x1], $0xffff  }
0x137: {  	v20 =	vld.idx.msk [tilespmem:v12+s28+$0x40 ss:$0x1], $0xffff  }
0x138: {  	v16 =	vmul.f32 v16, v17;
	v21 =	vld.idx.msk [tilespmem:v13+s28+$0xFFFFFFD0 ss:$0x1], $0xffff  }
0x139: {  	v15 =	vmul.f32 v15, v18;
	v17 =	vld.idx.msk [tilespmem:v13+s28+$0xFFFFFFC0 ss:$0x1], $0xffff  }
0x13a: {  	[tilespmem:s23+$0xFFFFFF90] =	vst v16  }
0x13b: {  	[tilespmem:s23+$0xFFFFFF80] =	vst v15  }
0x13c: {  	v18 =	vld [tilespmem:s11+$0xFFFFFFA0]  }
0x13d: {  	v22 =	vld [tilespmem:s11+$0xFFFFFFB0];
	_ =	sdelay $0x1  }
0x13e: {  	v17 =	vmul.f32 v20, v17;
	v20 =	vperm.xlane v14, v3  }
0x13f: {  	v19 =	vmul.f32 v19, v21  }
0x140: {  	v21 =	vmul.f32 v20, v15;
	v18 =	vmul.f32 v18, v17  }
0x141: {  	v20 =	vmul.f32 v20, v16;
	v22 =	vmul.f32 v22, v19  }
0x142: {  	v18 =	vadd.f32 v18, v21  }
0x143: {  	v20 =	vadd.f32 v22, v20  }
0x144: {  	[tilespmem:s23+$0xFFFFFFA0] =	vst v18  }
0x145: {  	[tilespmem:s23+$0xFFFFFFB0] =	vst v20  }
0x146: {  	v18 =	vld [tilespmem:s11+$0xFFFFFFC0]  }
0x147: {  	v20 =	vld [tilespmem:s11+$0xFFFFFFD0];
	_ =	sdelay $0x1  }
0x148: {  	v21 =	vperm.xlane v14, v4;
	_ =	sdelay $0x1  }
0x149: {  	v22 =	vmul.f32 v21, v15;
	v18 =	vmul.f32 v18, v17  }
0x14a: {  	v21 =	vmul.f32 v21, v16;
	v20 =	vmul.f32 v20, v19  }
0x14b: {  	v18 =	vadd.f32 v18, v22  }
0x14c: {  	v20 =	vadd.f32 v20, v21  }
0x14d: {  	[tilespmem:s23+$0xFFFFFFC0] =	vst v18  }
0x14e: {  	[tilespmem:s23+$0xFFFFFFD0] =	vst v20  }
0x14f: {  	v18 =	vld [tilespmem:s11+$0xFFFFFFF0]  }
0x150: {  	v20 =	vld [tilespmem:s11+$0xFFFFFFE0]  }
0x151: {  	v21 =	vperm.xlane v14, v5;
	_ =	sdelay $0x1  }
0x152: {  	v16 =	vmul.f32 v21, v16  }
0x153: {  	v15 =	vmul.f32 v21, v15;
	v18 =	vmul.f32 v18, v19  }
0x154: {  	v17 =	vmul.f32 v20, v17  }
0x155: {  	v16 =	vadd.f32 v18, v16  }
0x156: {  	v15 =	vadd.f32 v17, v15  }
0x157: {  	[tilespmem:s23+$0xFFFFFFF0] =	vst v16  }
0x158: {  	[tilespmem:s23+$0xFFFFFFE0] =	vst v15  }
0x159: {  	v15 =	vld.idx.msk [tilespmem:v12+s28+$0xB0 ss:$0x1], $0xffff  }
0x15a: {  	v16 =	vld.idx.msk [tilespmem:v12+s28+$0xA0 ss:$0x1], $0xffff  }
0x15b: {  	v17 =	vld.idx.msk [tilespmem:v13+s28+$0x20 ss:$0x1], $0xffff  }
0x15c: {  	v18 =	vld.idx.msk [tilespmem:v13+s28+$0x30 ss:$0x1], $0xffff  }
0x15d: {  	v19 =	vld.idx.msk [tilespmem:v13+s28+$0x0 ss:$0x1], $0xffff  }
0x15e: {  	v20 =	vld.idx.msk [tilespmem:v13+s28+$0x10 ss:$0x1], $0xffff  }
0x15f: {  	v21 =	vld.idx.msk [tilespmem:v12+s28+$0x80 ss:$0x1], $0xffff;
	_ =	sdelay $0x1  }
0x160: {  	v16 =	vmul.f32 v16, v17  }
0x161: {  	v15 =	vmul.f32 v15, v18;
	v17 =	vld.idx.msk [tilespmem:v12+s28+$0x90 ss:$0x1], $0xffff  }
0x162: {  	[tilespmem:s23+$0x0] =	vst v16  }
0x163: {  	[tilespmem:s23+$0x10] =	vst v15  }
0x164: {  	v18 =	vld [tilespmem:s11+$0x0]  }
0x165: {  	v22 =	vld [tilespmem:s11+$0x10];
	_ =	sdelay $0x1  }
0x166: {  	v19 =	vmul.f32 v21, v19;
	v21 =	vperm.xlane v14, v6  }
0x167: {  	v17 =	vmul.f32 v17, v20  }
0x168: {  	v20 =	vmul.f32 v21, v16;
	v18 =	vmul.f32 v18, v19  }
0x169: {  	v21 =	vmul.f32 v21, v15;
	v22 =	vmul.f32 v22, v17  }
0x16a: {  	v18 =	vadd.f32 v18, v20  }
0x16b: {  	v20 =	vadd.f32 v22, v21  }
0x16c: {  	[tilespmem:s23+$0x20] =	vst v18  }
0x16d: {  	[tilespmem:s23+$0x30] =	vst v20  }
0x16e: {  	v18 =	vld [tilespmem:s11+$0x20]  }
0x16f: {  	v20 =	vld [tilespmem:s11+$0x30];
	_ =	sdelay $0x1  }
0x170: {  	v21 =	vperm.xlane v14, v7;
	_ =	sdelay $0x1  }
0x171: {  	v22 =	vmul.f32 v21, v16;
	v18 =	vmul.f32 v18, v19  }
0x172: {  	v21 =	vmul.f32 v21, v15;
	v20 =	vmul.f32 v20, v17  }
0x173: {  	v18 =	vadd.f32 v18, v22  }
0x174: {  	v20 =	vadd.f32 v20, v21  }
0x175: {  	[tilespmem:s23+$0x40] =	vst v18  }
0x176: {  	[tilespmem:s23+$0x50] =	vst v20  }
0x177: {  	v18 =	vld [tilespmem:s11+$0x40]  }
0x178: {  	v20 =	vld [tilespmem:s11+$0x50];
	_ =	sdelay $0x1  }
0x179: {  	v21 =	vperm.xlane v14, v8;
	_ =	sdelay $0x1  }
0x17a: {  	v16 =	vmul.f32 v21, v16;
	v18 =	vmul.f32 v18, v19  }
0x17b: {  	v15 =	vmul.f32 v21, v15;
	v17 =	vmul.f32 v20, v17  }
0x17c: {  	v16 =	vadd.f32 v18, v16  }
0x17d: {  	v15 =	vadd.f32 v17, v15  }
0x17e: {  	[tilespmem:s23+$0x60] =	vst v16  }
0x17f: {  	[tilespmem:s23+$0x70] =	vst v15  }
0x180: {  	v16 =	vld.idx.msk [tilespmem:v12+s28+$0xF0 ss:$0x1], $0xffff  }
0x181: {  	v15 =	vld.idx.msk [tilespmem:v13+s28+$0x60 ss:$0x1], $0xffff  }
0x182: {  	v17 =	vld.idx.msk [tilespmem:v12+s28+$0xE0 ss:$0x1], $0xffff  }
0x183: {  	v18 =	vld.idx.msk [tilespmem:v13+s28+$0x70 ss:$0x1], $0xffff  }
0x184: {  	v19 =	vld.idx.msk [tilespmem:v13+s28+$0x40 ss:$0x1], $0xffff  }
0x185: {  	v20 =	vld.idx.msk [tilespmem:v13+s28+$0x50 ss:$0x1], $0xffff  }
0x186: {  	v21 =	vld.idx.msk [tilespmem:v12+s28+$0xC0 ss:$0x1], $0xffff  }
0x187: {  	v22 =	vld.idx.msk [tilespmem:v12+s28+$0xD0 ss:$0x1], $0xffff  }
0x188: {  	v15 =	vmul.f32 v17, v15  }
0x189: {  	v16 =	vmul.f32 v16, v18  }
0x18a: {  	[tilespmem:s23+$0x80] =	vst v15  }
0x18b: {  	[tilespmem:s23+$0x90] =	vst v16  }
0x18c: {  	v23 =	vld [tilespmem:s11+$0x60]  }
0x18d: {  	v24 =	vld [tilespmem:s11+$0x70];
	_ =	sdelay $0x1  }
.Ltmp0:
0x18e: {  	v17 =	vmul.f32 v21, v19;
	v21 =	vperm.xlane v14, v9;
	(pc) =	sbr.rel @p1 .LBB2_3-.Ltmp0, $3  }
0x18f: {  	v18 =	vmul.f32 v22, v20  }
0x190: {  	v20 =	vmul.f32 v21, v15;
	v19 =	vmul.f32 v23, v17;
	_ =	sdelay $0x1  }
0x191: {  	v21 =	vmul.f32 v21, v16;
	v19 =	vadd.f32 v19, v20;
	v20 =	vmul.f32 v24, v18  }
0x192: {  	_ = 	snop  }
0x193: {  	v12 =	vadd.f32 v20, v21  }
0x194: {  	[tilespmem:s5+$0xA0] =	vst v19  }
0x195: {  	[tilespmem:s5+$0xB0] =	vst v12  }
0x196: {  	v12 =	vld [tilespmem:s16+$0x80]  }
0x197: {  	v13 =	vld [tilespmem:s16+$0x90];
	_ =	sdelay $0x1  }
0x198: {  	v60 =	vperm.xlane v14, v10;
	_ =	sdelay $0x1  }
0x199: {  	v61 =	vmul.f32 v60, v15;
	v12 =	vmul.f32 v12, v17  }
0x19a: {  	v19 =	vmul.f32 v60, v16;
	v13 =	vmul.f32 v13, v18  }
0x19b: {  	v12 =	vadd.f32 v12, v61  }
0x19c: {  	v13 =	vadd.f32 v13, v19  }
0x19d: {  	[tilespmem:s5+$0xC0] =	vst v12  }
0x19e: {  	[tilespmem:s5+$0xD0] =	vst v13  }
0x19f: {  	v12 =	vld [tilespmem:s16+$0xA0]  }
0x1a0: {  	v13 =	vld [tilespmem:s16+$0xB0];
	_ =	sdelay $0x1  }
0x1a1: {  	v62 =	vperm.xlane v14, v11;
	_ =	sdelay $0x1  }
0x1a2: {  	v63 =	vmul.f32 v62, v15;
	v12 =	vmul.f32 v12, v17  }
0x1a3: {  	v14 =	vmul.f32 v62, v16;
	v13 =	vmul.f32 v13, v18  }
0x1a4: {  	v12 =	vadd.f32 v12, v63  }
0x1a5: {  	s11 =	sshll.u32 s19, $0x6;
	v13 =	vadd.f32 v13, v14  }
0x1a6: {  	p1 =	sgt.u32 s19, $0x13D;
	s11 =	sand.u32 $0xC0, s11;
	[tilespmem:s5+$0xE0] =	vst v12  }
0x1a7: {  	s28 =	sadd.s32 $0x13C80, s11;
	[tilespmem:s5+$0xF0] =	vst v13;
	s5 =	sadd.s32 @!p1 $0x2, s19  }
0x1a8: {  	[spmem:s3] =	stream.indirect.scatter.add.f32 [tilespmem:s17], [sflag:$0x3], $0x80, s28, s12, $0xb8;
	[tilespmem:$0x1EF80] =	vst v63  }
0x1a9: {  	s11 =	sshll.u32 @!p1 s5, $0x4  }
0x1aa: {  	s11 =	sor.u32 @!p1 s4, s11  }
0x1ab: {  	s13 =	sshll.u32 @!p1 s11, $0x6  }
0x1ac: {  	s16 =	sshll.u32 @!p1 s21, $0x6;
	s13 =	sadd.s32 @!p1 s10, s13  }
0x1ad: {  	s16 =	sor.u32 @!p1 $0x13C00, s16;
	s13 =	sshrl.u32 @!p1 s13, $0x3  }
0x1ae: {  	s17 =	simm.s32 @!p1 $0x0;
	s5 =	sshll.u32 @!p1 s5, $0x6;
	s13 =	sadd.s32 @!p1 s9, s13  }
0x1af: {  	[tilespmem:s16], [sflag:$0x1] =	stream.linear.gather @!p1 [hbm4b:s13+s17], $0x40, $0x38;
	[tilespmem:$0x1EF80] =	vst v63  }
0x1b0: {  	s5 =	sand.u32 @!p1 $0xC0, s5;
	s13 =	sshll.u32 @!p1 s11, $0x3  }
0x1b1: {  	s5 =	sadd.s32 @!p1 $0x13C80, s5;
	s13 =	sadd.s32 @!p1 s2, s13  }
0x1b2: {  	[tilespmem:s5], [sflag:$0x1] =	stream.linear.gather @!p1 [hbm4b:s13+s17], $0x40, $0x38;
	[tilespmem:$0x1EF80] =	vst v63  }
0x1b3: {  	s5 =	sshll.u32 @!p1 s11, $0xC  }
0x1b4: {  	s5 =	sadd.s32 @!p1 s20, s5  }
0x1b5: {  	s13 =	sshll.u32 @!p1 s21, $0xC;
	s5 =	sshrl.u32 @!p1 s5, $0x3  }
0x1b6: {  	s13 =	sor.u32 @!p1 $0x18D80, s13;
	s5 =	sadd.s32 @!p1 s7, s5  }
0x1b7: {  	[tilespmem:s13], [sflag:$0x1] =	stream.linear.gather @!p1 [hbm4b:s5+s17], $0x1000, $0x38;
	[tilespmem:$0x1EF80] =	vst v63  }
0x1b8: {  	s5 =	sshll.u32 @!p1 s11, $0x5  }
0x1b9: {  	s19 =	sadd.s32 $0x1, s19;
	s5 =	sadd.s32 @!p1 s8, s5  }
0x1ba: {  	[tilespmem:s25], [sflag:$0x1] =	stream.linear.gather @!p1 [hbm4b:s5+s17], $0x100, $0x38;
	[tilespmem:$0x1EF80] =	vst v63  }
0x1bb: {  	p1 =	sne.s32 s19, $0x140  }
.Ltmp1:
0x1bc: {  	_ = 	snop;
	(pc) =	sbr.rel @p1 .LBB2_2-.Ltmp1, $2  }
0x1bd: {  	_ =	sdelay $0x2  }
0x1be: {  	p0 =	por !p0, !p0  }
0x1bf: {  	_ =	swait.ge [sflag:s15], $0x2000  }
0x1c0: {  	[sflag:s15] =	ssyncset.done $0x0  }
0x1c1: {  	[sflag:s15] =	ssyncadd.s32 $0xFFFFE000  }
0x1c2: {  	_ =	swait.ge [sflag:s15], $0x2000  }
0x1c3: {  	[sflag:s15] =	ssyncset.done $0x0  }
0x1c4: {  	[sflag:s15] =	ssyncadd.s32 $0xFFFFE000  }
0x1c5: {  	[bflag:$0x0] =	sbarrier.arrive $0xFFFF  }
0x1c6: {  	s5 =	rddreg [dreg:$0x5]  }
0x1c7: {  	s11 =	simm.s32 $0x10;
	s16 =	rddreg [dreg:$0x1f]  }
0x1c8: {  	[hbm:s5@s11], [sflag:s30] =	dma.strided [spmem:s16@s11], $0x9E0, s0, $0x4   }
0x1c9: {  	_ =	swait.ge [sflag:s24], $0x9E0  }
0x1ca: {  	s17 =	rddreg [dreg:$0x1c]  }
0x1cb: {  	[sflag:s24] =	ssyncset.done $0x0;
	s19 =	rddreg [dreg:$0x6];
	s17 =	sshrl.u32 s17, $0x3  }
0x1cc: {  	s13 =	simm.s32 $0x30;
	[sflag:s24] =	ssyncadd.s32 $0xFFFFF620;
	[smem:$0x7FC] =	sst s17  }
0x1cd: {  	[hbm:s19@s13], [sflag:s30] =	dma.strided [spmem:s17@s11], $0x9E0, s0, $0x4   }
0x1ce: {  	_ =	swait.ge [sflag:s24], $0x9E0  }
0x1cf: {  	s21 =	rddreg [dreg:$0x1d]  }
0x1d0: {  	[sflag:s24] =	ssyncset.done $0x0;
	s23 =	rddreg [dreg:$0x8];
	s22 =	sshrl.u32 s21, $0x3  }
0x1d1: {  	[sflag:s24] =	ssyncadd.s32 $0xFFFFF620;
	[smem:$0x7FD] =	sst s22  }
0x1d2: {  	[hbm:s23@s13], [sflag:s30] =	dma.strided [spmem:s22@s11], $0x9E0, s0, $0x4   }
0x1d3: {  	_ =	swait.ge [sflag:s24], $0x9E0  }
0x1d4: {  	[sflag:s24] =	ssyncset.done $0x0;
	s25 =	rddreg [dreg:$0x1e]  }
0x1d5: {  	s28 =	rddreg [dreg:$0x9];
	[sflag:s24] =	ssyncadd.s32 $0xFFFFF620;
	s21 =	sshrl.u32 s25, $0x3  }
0x1d6: {  	[hbm:s28@s13], [sflag:s30] =	dma.strided [spmem:s21@s11], $0x9E0, s0, $0x4   }
0x1d7: {  	_ =	swait.ge [sflag:s24], $0x9E0  }
0x1d8: {  	[sflag:s24] =	ssyncset.done $0x0  }
0x1d9: {  	[sflag:s24] =	ssyncadd.s32 $0xFFFFF620  }
0x1da: {  	[spmem:s16], [sflag:s30] =	dma.local [hbm:s29], $0x2780  }
0x1db: {  	_ =	swait.ge [sflag:s24], $0x2780  }
0x1dc: {  	[sflag:s24] =	ssyncset.done $0x0  }
0x1dd: {  	[sflag:s24] =	ssyncadd.s32 $0xFFFFD880  }
0x1de: {  	[bflag:$0x0] =	sbarrier.arrive $0xFFFF  }
0x1df: {  	s23 =	simm.s32 $0x0;
	s11 =	simm.s32 $0x13C00;
	s29 =	rddreg [dreg:$0x17]  }
0x1e0: {  	[tilespmem:s11], [sflag:$0x1] =	stream.linear.gather [hbm4b:s29+s23], $0x40, $0x38;
	[tilespmem:$0x1EF80] =	vst v63  }
0x1e1: {  	s16 =	simm.s32 $0x13C80;
	s13 =	rddreg [dreg:$0x10]  }
0x1e2: {  	[tilespmem:s16], [sflag:$0x1] =	stream.linear.gather [hbm4b:s13+s23], $0x40, $0x38;
	[tilespmem:$0x1EF80] =	vst v63  }
0x1e3: {  	s19 =	simm.s32 $0x18D80;
	s17 =	rddreg [dreg:$0x18]  }
0x1e4: {  	[tilespmem:s19], [sflag:$0x1] =	stream.linear.gather [hbm4b:s17+s23], $0x1000, $0x38;
	[tilespmem:$0x1EF80] =	vst v63  }
0x1e5: {  	s25 =	simm.s32 $0x1AD80;
	s22 =	rddreg [dreg:$0x12]  }
0x1e6: {  	[tilespmem:s25], [sflag:$0x1] =	stream.linear.gather [hbm4b:s22+s23], $0x100, $0x38;
	[tilespmem:$0x1EF80] =	vst v63  }
0x1e7: {  	s28 =	rddreg [dreg:$0x19];
	s29 =	simm.s32 $0x13C40  }
0x1e8: {  	[tilespmem:s29], [sflag:$0x1] =	stream.linear.gather [hbm4b:s28+s23], $0x40, $0x38;
	[tilespmem:$0x1EF80] =	vst v63  }
0x1e9: {  	s13 =	rddreg [dreg:$0x14];
	s16 =	simm.s32 $0x13CC0  }
0x1ea: {  	[tilespmem:s16], [sflag:$0x1] =	stream.linear.gather [hbm4b:s13+s23], $0x40, $0x38;
	[tilespmem:$0x1EF80] =	vst v63  }
0x1eb: {  	s17 =	rddreg [dreg:$0x1a];
	s19 =	simm.s32 $0x19D80  }
0x1ec: {  	[tilespmem:s19], [sflag:$0x1] =	stream.linear.gather [hbm4b:s17+s23], $0x1000, $0x38;
	[tilespmem:$0x1EF80] =	vst v63  }
0x1ed: {  	s22 =	rddreg [dreg:$0x16];
	s25 =	simm.s32 $0x1AE80  }
0x1ee: {  	[tilespmem:s25], [sflag:$0x1] =	stream.linear.gather [hbm4b:s22+s23], $0x100, $0x38;
	[tilespmem:$0x1EF80] =	vst v63  }
0x1ef: {  	_ =	swait.ge [sflag:s0], $0x40  }
0x1f0: {  	[sflag:s0] =	ssyncset.done $0x0  }
0x1f1: {  	[sflag:s0] =	ssyncadd.s32 $0xFFFFFFC0  }
0x1f2: {  	_ =	swait.ge [sflag:s0], $0x40  }
0x1f3: {  	[sflag:s0] =	ssyncset.done $0x0  }
0x1f4: {  	[sflag:s0] =	ssyncadd.s32 $0xFFFFFFC0  }
0x1f5: {  	_ =	swait.ge [sflag:s0], $0x1000  }
0x1f6: {  	[sflag:s0] =	ssyncset.done $0x0  }
0x1f7: {  	[sflag:s0] =	ssyncadd.s32 $0xFFFFF000  }
0x1f8: {  	_ =	swait.ge [sflag:s0], $0x100  }
0x1f9: {  	[sflag:s0] =	ssyncset.done $0x0  }
0x1fa: {  	s28 =	simm.s32 $0x13D80;
	[sflag:s0] =	ssyncadd.s32 $0xFFFFFF00  }
0x1fb: {  	[tilespmem:s28], [sflag:$0x2] =	stream.indirect.gather [hbm4b:s1+s12], $0x40, s11, s12, $0xb8;
	[tilespmem:$0x1EF80] =	vst v63  }
0x1fc: {  	p0 =	por $0x0, $0x0;
	s29 =	simm.s32 $0x15D80  }
0x1fd: {  	[tilespmem:s29], [sflag:$0x2] =	stream.indirect.gather [hbm4b:s6+s12], $0x60, s11, s12, $0xb8;
	[tilespmem:$0x1EF80] =	vst v63  }
.LBB2_6:
0x1fe: {  	_ =	swait.ge [sflag:s14], $0x1000  }
0x1ff: {  	[sflag:s14] =	ssyncset.done $0x0  }
0x200: {  	[sflag:s14] =	ssyncadd.s32 $0xFFFFF000  }
0x201: {  	_ =	swait.ge [sflag:s14], $0x1800  }
0x202: {  	p1 =	slt.u32 s23, $0x2;
	[sflag:s14] =	ssyncset.done $0x0  }
0x203: {  	s5 =	simm.s32 @!p1 $0x3;
	[sflag:s14] =	ssyncadd.s32 $0xFFFFE800  }
0x204: {  	_ =	swait.ge @!p1 [sflag:s5], $0x2000  }
0x205: {  	p2 =	seq.s32 @!p1 s23, $0x13F;
	[sflag:s5] =	ssyncset.done @!p1 $0x0  }
0x206: {  	p2 =	por p1, !p2;
	[sflag:s5] =	ssyncadd.s32 @!p1 $0xFFFFE000  }
0x207: {  	_ =	swait.ge @p2 [sflag:s0], $0x40  }
0x208: {  	[sflag:s0] =	ssyncset.done @p2 $0x0  }
0x209: {  	[sflag:s0] =	ssyncadd.s32 @p2 $0xFFFFFFC0  }
0x20a: {  	_ =	swait.ge @p2 [sflag:s0], $0x40  }
0x20b: {  	[sflag:s0] =	ssyncset.done @p2 $0x0  }
0x20c: {  	[sflag:s0] =	ssyncadd.s32 @p2 $0xFFFFFFC0  }
0x20d: {  	s25 =	sand.u32 $0x1, s23;
	_ =	swait.ge @p2 [sflag:s0], $0x1000  }
0x20e: {  	s5 =	sxor.u32 @p2 $0x1, s25;
	[sflag:s0] =	ssyncset.done @p2 $0x0  }
0x20f: {  	s11 =	sshll.u32 @p2 s5, $0x6;
	[sflag:s0] =	ssyncadd.s32 @p2 $0xFFFFF000  }
0x210: {  	s13 =	sshll.u32 @p2 s5, $0xC;
	s5 =	smul.u32 @p2 $0x6000, s5;
	_ =	swait.ge @p2 [sflag:s0], $0x100  }
0x211: {  	s11 =	sor.u32 @p2 $0x13C00, s11;
	[sflag:s0] =	ssyncset.done @p2 $0x0  }
0x212: {  	s13 =	sadd.s32 @p2 $0x13D80, s13;
	s5 =	sshrl.u32 @p2 s5, $0x2;
	[sflag:s0] =	ssyncadd.s32 @p2 $0xFFFFFF00  }
0x213: {  	[tilespmem:s13], [sflag:$0x2] =	stream.indirect.gather @p2 [hbm4b:s1+s12], $0x40, s11, s12, $0xb8;
	[tilespmem:$0x1EF80] =	vst v63  }
0x214: {  	s5 =	sadd.s32 @p2 $0x15D80, s5  }
0x215: {  	[tilespmem:s5], [sflag:$0x2] =	stream.indirect.gather @p2 [hbm4b:s6+s12], $0x60, s11, s12, $0xb8;
	[tilespmem:$0x1EF80] =	vst v63  }
0x216: {  	s11 =	simm.s32 $0x1  }
0x217: {  	s11 =	simm.s32 @!p0 $0x0  }
0x218: {  	s16 =	sshll.u32 s11, $0xC  }
0x219: {  	s17 =	sadd.s32 $0x13D80, s16  }
0x21a: {  	v12 =	vmov s17  }
0x21b: {  	s5 =	sor.u32 $0x18E00, s16  }
0x21c: {  	v13 =	vmov s5;
	_ =	sdelay $0x1  }
0x21d: {  	s5 =	simm.s32 $0x0  }
0x21e: {  	v15 =	vld.idx.msk [tilespmem:v12+s5+$0x30 ss:$0x1], $0xffff  }
0x21f: {  	v16 =	vld.idx.msk [tilespmem:v12+s5+$0x20 ss:$0x1], $0xffff  }
0x220: {  	v17 =	vld.idx.msk [tilespmem:v13+s5+$0xFFFFFFA0 ss:$0x1], $0xffff  }
0x221: {  	s19 =	sshll.u32 s11, $0x8;
	v18 =	vld.idx.msk [tilespmem:v13+s5+$0xFFFFFFB0 ss:$0x1], $0xffff  }
0x222: {  	s29 =	sadd.s32 $0x1AD80, s19  }
0x223: {  	v14 =	vld [tilespmem:s29+$0x0]  }
0x224: {  	v19 =	vld.idx.msk [tilespmem:v12+s5+$0x10 ss:$0x1], $0xffff  }
0x225: {  	s22 =	sshll.u32 s11, $0xD;
	s16 =	smul.u32 $0x6000, s11;
	v20 =	vld.idx.msk [tilespmem:v12+s5+$0x0 ss:$0x1], $0xffff;
	v16 =	vmul.f32 v16, v17  }
0x226: {  	s11 =	sadd.s32 $0x1B080, s22;
	v21 =	vld.idx.msk [tilespmem:v13+s5+$0xFFFFFF90 ss:$0x1], $0xffff;
	v15 =	vmul.f32 v15, v18  }
0x227: {  	s17 =	sshrl.u32 s16, $0x2;
	v17 =	vld.idx.msk [tilespmem:v13+s5+$0xFFFFFF80 ss:$0x1], $0xffff;
	[tilespmem:s11+$0xFFFFFF00] =	vst v16  }
0x228: {  	s28 =	sadd.s32 $0x15E40, s17;
	[tilespmem:s11+$0xFFFFFF10] =	vst v15  }
0x229: {  	v18 =	vld [tilespmem:s28+$0xFFFFFF40]  }
0x22a: {  	v22 =	vld [tilespmem:s28+$0xFFFFFF50];
	_ =	sdelay $0x1  }
0x22b: {  	v17 =	vmul.f32 v20, v17;
	v20 =	vperm.xlane v14, v0  }
0x22c: {  	v19 =	vmul.f32 v19, v21  }
0x22d: {  	v21 =	vmul.f32 v20, v16;
	v18 =	vmul.f32 v18, v17  }
0x22e: {  	v20 =	vmul.f32 v20, v15;
	v22 =	vmul.f32 v22, v19  }
0x22f: {  	v18 =	vadd.f32 v18, v21  }
0x230: {  	v20 =	vadd.f32 v22, v20  }
0x231: {  	[tilespmem:s11+$0xFFFFFF20] =	vst v18  }
0x232: {  	[tilespmem:s11+$0xFFFFFF30] =	vst v20  }
0x233: {  	v18 =	vld [tilespmem:s28+$0xFFFFFF60]  }
0x234: {  	v20 =	vld [tilespmem:s28+$0xFFFFFF70];
	_ =	sdelay $0x1  }
0x235: {  	v21 =	vperm.xlane v14, v1;
	_ =	sdelay $0x1  }
0x236: {  	v22 =	vmul.f32 v21, v16;
	v18 =	vmul.f32 v18, v17  }
0x237: {  	v21 =	vmul.f32 v21, v15;
	v20 =	vmul.f32 v20, v19  }
0x238: {  	v18 =	vadd.f32 v18, v22  }
0x239: {  	v20 =	vadd.f32 v20, v21  }
0x23a: {  	[tilespmem:s11+$0xFFFFFF40] =	vst v18  }
0x23b: {  	[tilespmem:s11+$0xFFFFFF50] =	vst v20  }
0x23c: {  	v18 =	vld [tilespmem:s28+$0xFFFFFF80]  }
0x23d: {  	v20 =	vld [tilespmem:s28+$0xFFFFFF90];
	_ =	sdelay $0x1  }
0x23e: {  	v21 =	vperm.xlane v14, v2;
	_ =	sdelay $0x1  }
0x23f: {  	v16 =	vmul.f32 v21, v16;
	v17 =	vmul.f32 v18, v17  }
0x240: {  	v15 =	vmul.f32 v21, v15;
	v18 =	vmul.f32 v20, v19  }
0x241: {  	v16 =	vadd.f32 v17, v16  }
0x242: {  	v15 =	vadd.f32 v18, v15  }
0x243: {  	[tilespmem:s11+$0xFFFFFF60] =	vst v16  }
0x244: {  	[tilespmem:s11+$0xFFFFFF70] =	vst v15  }
0x245: {  	v15 =	vld.idx.msk [tilespmem:v12+s5+$0x60 ss:$0x1], $0xffff  }
0x246: {  	v16 =	vld.idx.msk [tilespmem:v12+s5+$0x70 ss:$0x1], $0xffff  }
0x247: {  	v17 =	vld.idx.msk [tilespmem:v13+s5+$0xFFFFFFF0 ss:$0x1], $0xffff  }
0x248: {  	v18 =	vld.idx.msk [tilespmem:v13+s5+$0xFFFFFFE0 ss:$0x1], $0xffff;
	_ =	sdelay $0x2  }
0x249: {  	v19 =	vld.idx.msk [tilespmem:v12+s5+$0x50 ss:$0x1], $0xffff  }
0x24a: {  	v20 =	vld.idx.msk [tilespmem:v12+s5+$0x40 ss:$0x1], $0xffff;
	v16 =	vmul.f32 v16, v17  }
0x24b: {  	v21 =	vld.idx.msk [tilespmem:v13+s5+$0xFFFFFFD0 ss:$0x1], $0xffff;
	v15 =	vmul.f32 v15, v18  }
0x24c: {  	v17 =	vld.idx.msk [tilespmem:v13+s5+$0xFFFFFFC0 ss:$0x1], $0xffff;
	[tilespmem:s11+$0xFFFFFF90] =	vst v16  }
0x24d: {  	[tilespmem:s11+$0xFFFFFF80] =	vst v15  }
0x24e: {  	v18 =	vld [tilespmem:s28+$0xFFFFFFA0]  }
0x24f: {  	v22 =	vld [tilespmem:s28+$0xFFFFFFB0];
	_ =	sdelay $0x1  }
0x250: {  	v17 =	vmul.f32 v20, v17;
	v20 =	vperm.xlane v14, v3  }
0x251: {  	v19 =	vmul.f32 v19, v21  }
0x252: {  	v21 =	vmul.f32 v20, v15;
	v18 =	vmul.f32 v18, v17  }
0x253: {  	v20 =	vmul.f32 v20, v16;
	v22 =	vmul.f32 v22, v19  }
0x254: {  	v18 =	vadd.f32 v18, v21  }
0x255: {  	v20 =	vadd.f32 v22, v20  }
0x256: {  	[tilespmem:s11+$0xFFFFFFA0] =	vst v18  }
0x257: {  	[tilespmem:s11+$0xFFFFFFB0] =	vst v20  }
0x258: {  	v18 =	vld [tilespmem:s28+$0xFFFFFFC0]  }
0x259: {  	v20 =	vld [tilespmem:s28+$0xFFFFFFD0];
	_ =	sdelay $0x1  }
0x25a: {  	v21 =	vperm.xlane v14, v4;
	_ =	sdelay $0x1  }
0x25b: {  	v22 =	vmul.f32 v21, v15;
	v18 =	vmul.f32 v18, v17  }
0x25c: {  	v21 =	vmul.f32 v21, v16;
	v20 =	vmul.f32 v20, v19  }
0x25d: {  	v18 =	vadd.f32 v18, v22  }
0x25e: {  	v20 =	vadd.f32 v20, v21  }
0x25f: {  	[tilespmem:s11+$0xFFFFFFC0] =	vst v18  }
0x260: {  	[tilespmem:s11+$0xFFFFFFD0] =	vst v20  }
0x261: {  	v18 =	vld [tilespmem:s28+$0xFFFFFFF0]  }
0x262: {  	v20 =	vld [tilespmem:s28+$0xFFFFFFE0];
	_ =	sdelay $0x1  }
0x263: {  	v21 =	vperm.xlane v14, v5;
	_ =	sdelay $0x1  }
0x264: {  	v16 =	vmul.f32 v21, v16;
	v18 =	vmul.f32 v18, v19  }
0x265: {  	v15 =	vmul.f32 v21, v15;
	v17 =	vmul.f32 v20, v17  }
0x266: {  	v16 =	vadd.f32 v18, v16  }
0x267: {  	v15 =	vadd.f32 v17, v15  }
0x268: {  	[tilespmem:s11+$0xFFFFFFF0] =	vst v16  }
0x269: {  	[tilespmem:s11+$0xFFFFFFE0] =	vst v15  }
0x26a: {  	v15 =	vld.idx.msk [tilespmem:v12+s5+$0xB0 ss:$0x1], $0xffff  }
0x26b: {  	v16 =	vld.idx.msk [tilespmem:v12+s5+$0xA0 ss:$0x1], $0xffff  }
0x26c: {  	v17 =	vld.idx.msk [tilespmem:v13+s5+$0x20 ss:$0x1], $0xffff  }
0x26d: {  	v18 =	vld.idx.msk [tilespmem:v13+s5+$0x30 ss:$0x1], $0xffff;
	_ =	sdelay $0x2  }
0x26e: {  	v19 =	vld.idx.msk [tilespmem:v13+s5+$0x0 ss:$0x1], $0xffff  }
0x26f: {  	v20 =	vld.idx.msk [tilespmem:v13+s5+$0x10 ss:$0x1], $0xffff;
	v16 =	vmul.f32 v16, v17  }
0x270: {  	v21 =	vld.idx.msk [tilespmem:v12+s5+$0x80 ss:$0x1], $0xffff;
	v15 =	vmul.f32 v15, v18  }
0x271: {  	v17 =	vld.idx.msk [tilespmem:v12+s5+$0x90 ss:$0x1], $0xffff;
	[tilespmem:s11+$0x0] =	vst v16  }
0x272: {  	[tilespmem:s11+$0x10] =	vst v15  }
0x273: {  	v18 =	vld [tilespmem:s28+$0x0]  }
0x274: {  	v22 =	vld [tilespmem:s28+$0x10];
	_ =	sdelay $0x1  }
0x275: {  	v19 =	vmul.f32 v21, v19;
	v21 =	vperm.xlane v14, v6  }
0x276: {  	v17 =	vmul.f32 v17, v20  }
0x277: {  	v20 =	vmul.f32 v21, v16;
	v18 =	vmul.f32 v18, v19  }
0x278: {  	v21 =	vmul.f32 v21, v15;
	v22 =	vmul.f32 v22, v17  }
0x279: {  	v18 =	vadd.f32 v18, v20  }
0x27a: {  	v20 =	vadd.f32 v22, v21  }
0x27b: {  	[tilespmem:s11+$0x20] =	vst v18  }
0x27c: {  	[tilespmem:s11+$0x30] =	vst v20  }
0x27d: {  	v18 =	vld [tilespmem:s28+$0x20]  }
0x27e: {  	v20 =	vld [tilespmem:s28+$0x30];
	_ =	sdelay $0x1  }
0x27f: {  	v21 =	vperm.xlane v14, v7;
	_ =	sdelay $0x1  }
0x280: {  	v22 =	vmul.f32 v21, v16;
	v18 =	vmul.f32 v18, v19  }
0x281: {  	v21 =	vmul.f32 v21, v15;
	v20 =	vmul.f32 v20, v17  }
0x282: {  	v18 =	vadd.f32 v18, v22  }
0x283: {  	v20 =	vadd.f32 v20, v21  }
0x284: {  	[tilespmem:s11+$0x40] =	vst v18  }
0x285: {  	[tilespmem:s11+$0x50] =	vst v20  }
0x286: {  	v18 =	vld [tilespmem:s28+$0x40]  }
0x287: {  	v20 =	vld [tilespmem:s28+$0x50];
	_ =	sdelay $0x1  }
0x288: {  	v21 =	vperm.xlane v14, v8;
	_ =	sdelay $0x1  }
0x289: {  	v16 =	vmul.f32 v21, v16;
	v18 =	vmul.f32 v18, v19  }
0x28a: {  	v15 =	vmul.f32 v21, v15;
	v17 =	vmul.f32 v20, v17  }
0x28b: {  	v16 =	vadd.f32 v18, v16  }
0x28c: {  	v15 =	vadd.f32 v17, v15  }
0x28d: {  	[tilespmem:s11+$0x60] =	vst v16  }
0x28e: {  	[tilespmem:s11+$0x70] =	vst v15  }
0x28f: {  	v16 =	vld.idx.msk [tilespmem:v12+s5+$0xF0 ss:$0x1], $0xffff  }
0x290: {  	v15 =	vld.idx.msk [tilespmem:v13+s5+$0x60 ss:$0x1], $0xffff  }
0x291: {  	v17 =	vld.idx.msk [tilespmem:v12+s5+$0xE0 ss:$0x1], $0xffff  }
0x292: {  	v18 =	vld.idx.msk [tilespmem:v13+s5+$0x70 ss:$0x1], $0xffff;
	_ =	sdelay $0x2  }
0x293: {  	v19 =	vld.idx.msk [tilespmem:v13+s5+$0x40 ss:$0x1], $0xffff  }
0x294: {  	v20 =	vld.idx.msk [tilespmem:v13+s5+$0x50 ss:$0x1], $0xffff;
	v15 =	vmul.f32 v17, v15  }
0x295: {  	v21 =	vld.idx.msk [tilespmem:v12+s5+$0xC0 ss:$0x1], $0xffff;
	v16 =	vmul.f32 v16, v18  }
0x296: {  	v22 =	vld.idx.msk [tilespmem:v12+s5+$0xD0 ss:$0x1], $0xffff;
	[tilespmem:s11+$0x80] =	vst v15  }
0x297: {  	[tilespmem:s11+$0x90] =	vst v16  }
0x298: {  	v23 =	vld [tilespmem:s28+$0x60];
	_ =	sdelay $0x1  }
0x299: {  	v24 =	vld [tilespmem:s28+$0x70]  }
0x29a: {  	v17 =	vmul.f32 v21, v19;
	v21 =	vperm.xlane v14, v9  }
0x29b: {  	v18 =	vmul.f32 v22, v20  }
0x29c: {  	s19 =	sshll.u32 s25, $0x8;
	v20 =	vmul.f32 v21, v15;
	v19 =	vmul.f32 v23, v17  }
0x29d: {  	s22 =	sshll.u32 s25, $0xD;
	s16 =	smov.u32 s11;
	s17 =	sadd.s32 $0x1AD80, s19  }
0x29e: {  	s13 =	smov.u32 s28;
	s5 =	sadd.s32 $0x1AF80, s22;
	s22 =	simm.s32 $0x400;
	v21 =	vmul.f32 v21, v16;
	v19 =	vadd.f32 v19, v20;
	v20 =	vmul.f32 v24, v18  }
.LBB2_7:
0x29f: {  	s29 =	sadd.s32 $0x10, s29;
	s11 =	sadd.s32 $0x200, s11;
	s28 =	sadd.s32 $0x180, s28  }
0x2a0: {  	p1 =	sne.s32 s22, $0x3C00;
	s19 =	smov.u32 s22;
	s22 =	sadd.s32 $0x400, s22;
	[tilespmem:s16+$0xA0] =	vst v19;
	v19 =	vadd.f32 v20, v21  }
0x2a1: {  	_ = 	snop  }
0x2a2: {  	[tilespmem:s16+$0xB0] =	vst v19  }
0x2a3: {  	v19 =	vld [tilespmem:s13+$0x80]  }
0x2a4: {  	v20 =	vld [tilespmem:s13+$0x90]  }
0x2a5: {  	v21 =	vperm.xlane v14, v10;
	_ =	sdelay $0x1  }
0x2a6: {  	v22 =	vmul.f32 v21, v15  }
0x2a7: {  	v21 =	vmul.f32 v21, v16;
	v19 =	vmul.f32 v19, v17  }
0x2a8: {  	v20 =	vmul.f32 v20, v18  }
0x2a9: {  	v19 =	vadd.f32 v19, v22  }
0x2aa: {  	v20 =	vadd.f32 v20, v21  }
0x2ab: {  	[tilespmem:s16+$0xC0] =	vst v19  }
0x2ac: {  	[tilespmem:s16+$0xD0] =	vst v20  }
0x2ad: {  	v19 =	vld [tilespmem:s13+$0xA0]  }
0x2ae: {  	v20 =	vld [tilespmem:s13+$0xB0];
	s13 =	smov.u32 s28  }
0x2af: {  	v14 =	vperm.xlane v14, v11;
	_ =	sdelay $0x1  }
0x2b0: {  	v15 =	vmul.f32 v14, v15;
	v14 =	vmul.f32 v14, v16  }
0x2b1: {  	v16 =	vmul.f32 v19, v17  }
0x2b2: {  	v17 =	vmul.f32 v20, v18  }
0x2b3: {  	v15 =	vadd.f32 v16, v15  }
0x2b4: {  	v14 =	vadd.f32 v17, v14  }
0x2b5: {  	[tilespmem:s16+$0xE0] =	vst v15  }
0x2b6: {  	s19 =	sshra.s32 s19, $0x2;
	[tilespmem:s16+$0xF0] =	vst v14;
	s16 =	smov.u32 s11  }
0x2b7: {  	v15 =	vld.idx.msk [tilespmem:v12+s19+$0x30 ss:$0x1], $0xffff  }
0x2b8: {  	v16 =	vld.idx.msk [tilespmem:v12+s19+$0x20 ss:$0x1], $0xffff  }
0x2b9: {  	v17 =	vld.idx.msk [tilespmem:v13+s19+$0xFFFFFFA0 ss:$0x1], $0xffff  }
0x2ba: {  	v18 =	vld.idx.msk [tilespmem:v13+s19+$0xFFFFFFB0 ss:$0x1], $0xffff;
	_ =	sdelay $0x1  }
0x2bb: {  	v14 =	vld [tilespmem:s29+$0x0]  }
0x2bc: {  	v19 =	vld.idx.msk [tilespmem:v12+s19+$0x10 ss:$0x1], $0xffff  }
0x2bd: {  	v20 =	vld.idx.msk [tilespmem:v12+s19+$0x0 ss:$0x1], $0xffff  }
0x2be: {  	v16 =	vmul.f32 v16, v17;
	v21 =	vld.idx.msk [tilespmem:v13+s19+$0xFFFFFF90 ss:$0x1], $0xffff  }
0x2bf: {  	v15 =	vmul.f32 v15, v18;
	v17 =	vld.idx.msk [tilespmem:v13+s19+$0xFFFFFF80 ss:$0x1], $0xffff  }
0x2c0: {  	[tilespmem:s11+$0xFFFFFF00] =	vst v16;
	v18 =	vperm.xlane v14, v1;
	v22 =	vperm.xlane v14, v2  }
0x2c1: {  	[tilespmem:s11+$0xFFFFFF10] =	vst v15  }
0x2c2: {  	v23 =	vld [tilespmem:s28+$0xFFFFFF40];
	v24 =	vmul.f32 v18, v16;
	v18 =	vmul.f32 v18, v15  }
0x2c3: {  	v26 =	vmul.f32 v22, v16;
	v22 =	vmul.f32 v22, v15;
	v25 =	vld [tilespmem:s28+$0xFFFFFF50];
	_ =	sdelay $0x1  }
0x2c4: {  	v17 =	vmul.f32 v20, v17;
	v20 =	vperm.xlane v14, v0  }
0x2c5: {  	v19 =	vmul.f32 v19, v21  }
0x2c6: {  	v16 =	vmul.f32 v20, v16;
	v21 =	vmul.f32 v23, v17  }
0x2c7: {  	v15 =	vmul.f32 v20, v15;
	v23 =	vmul.f32 v25, v19  }
0x2c8: {  	v16 =	vadd.f32 v21, v16  }
0x2c9: {  	v15 =	vadd.f32 v23, v15  }
0x2ca: {  	[tilespmem:s11+$0xFFFFFF20] =	vst v16  }
0x2cb: {  	[tilespmem:s11+$0xFFFFFF30] =	vst v15  }
0x2cc: {  	v15 =	vld [tilespmem:s28+$0xFFFFFF60]  }
0x2cd: {  	v16 =	vld [tilespmem:s28+$0xFFFFFF70];
	_ =	sdelay $0x3  }
0x2ce: {  	v15 =	vmul.f32 v15, v17  }
0x2cf: {  	v16 =	vmul.f32 v16, v19  }
0x2d0: {  	v15 =	vadd.f32 v15, v24  }
0x2d1: {  	v16 =	vadd.f32 v16, v18  }
0x2d2: {  	[tilespmem:s11+$0xFFFFFF40] =	vst v15  }
0x2d3: {  	[tilespmem:s11+$0xFFFFFF50] =	vst v16  }
0x2d4: {  	v15 =	vld [tilespmem:s28+$0xFFFFFF80]  }
0x2d5: {  	v16 =	vld [tilespmem:s28+$0xFFFFFF90];
	_ =	sdelay $0x3  }
0x2d6: {  	v15 =	vmul.f32 v15, v17  }
0x2d7: {  	v16 =	vmul.f32 v16, v19  }
0x2d8: {  	v15 =	vadd.f32 v15, v26  }
0x2d9: {  	v16 =	vadd.f32 v16, v22  }
0x2da: {  	[tilespmem:s11+$0xFFFFFF60] =	vst v15  }
0x2db: {  	[tilespmem:s11+$0xFFFFFF70] =	vst v16  }
0x2dc: {  	v15 =	vld.idx.msk [tilespmem:v12+s19+$0x60 ss:$0x1], $0xffff  }
0x2dd: {  	v16 =	vld.idx.msk [tilespmem:v12+s19+$0x70 ss:$0x1], $0xffff  }
0x2de: {  	v17 =	vld.idx.msk [tilespmem:v13+s19+$0xFFFFFFF0 ss:$0x1], $0xffff  }
0x2df: {  	v18 =	vld.idx.msk [tilespmem:v13+s19+$0xFFFFFFE0 ss:$0x1], $0xffff;
	_ =	sdelay $0x2  }
0x2e0: {  	v19 =	vld.idx.msk [tilespmem:v12+s19+$0x50 ss:$0x1], $0xffff  }
0x2e1: {  	v20 =	vld.idx.msk [tilespmem:v12+s19+$0x40 ss:$0x1], $0xffff  }
0x2e2: {  	v16 =	vmul.f32 v16, v17;
	v21 =	vld.idx.msk [tilespmem:v13+s19+$0xFFFFFFD0 ss:$0x1], $0xffff  }
0x2e3: {  	v15 =	vmul.f32 v15, v18;
	v17 =	vld.idx.msk [tilespmem:v13+s19+$0xFFFFFFC0 ss:$0x1], $0xffff  }
0x2e4: {  	[tilespmem:s11+$0xFFFFFF90] =	vst v16  }
0x2e5: {  	[tilespmem:s11+$0xFFFFFF80] =	vst v15  }
0x2e6: {  	v18 =	vld [tilespmem:s28+$0xFFFFFFA0]  }
0x2e7: {  	v22 =	vld [tilespmem:s28+$0xFFFFFFB0];
	_ =	sdelay $0x1  }
0x2e8: {  	v17 =	vmul.f32 v20, v17;
	v20 =	vperm.xlane v14, v3  }
0x2e9: {  	v19 =	vmul.f32 v19, v21  }
0x2ea: {  	v21 =	vmul.f32 v20, v15;
	v18 =	vmul.f32 v18, v17  }
0x2eb: {  	v20 =	vmul.f32 v20, v16;
	v22 =	vmul.f32 v22, v19  }
0x2ec: {  	v18 =	vadd.f32 v18, v21  }
0x2ed: {  	v20 =	vadd.f32 v22, v20  }
0x2ee: {  	[tilespmem:s11+$0xFFFFFFA0] =	vst v18  }
0x2ef: {  	[tilespmem:s11+$0xFFFFFFB0] =	vst v20  }
0x2f0: {  	v18 =	vld [tilespmem:s28+$0xFFFFFFC0]  }
0x2f1: {  	v20 =	vld [tilespmem:s28+$0xFFFFFFD0];
	_ =	sdelay $0x1  }
0x2f2: {  	v21 =	vperm.xlane v14, v4;
	_ =	sdelay $0x1  }
0x2f3: {  	v22 =	vmul.f32 v21, v15;
	v18 =	vmul.f32 v18, v17  }
0x2f4: {  	v21 =	vmul.f32 v21, v16;
	v20 =	vmul.f32 v20, v19  }
0x2f5: {  	v18 =	vadd.f32 v18, v22  }
0x2f6: {  	v20 =	vadd.f32 v20, v21  }
0x2f7: {  	[tilespmem:s11+$0xFFFFFFC0] =	vst v18  }
0x2f8: {  	[tilespmem:s11+$0xFFFFFFD0] =	vst v20  }
0x2f9: {  	v18 =	vld [tilespmem:s28+$0xFFFFFFF0]  }
0x2fa: {  	v20 =	vld [tilespmem:s28+$0xFFFFFFE0]  }
0x2fb: {  	v21 =	vperm.xlane v14, v5;
	_ =	sdelay $0x1  }
0x2fc: {  	v16 =	vmul.f32 v21, v16  }
0x2fd: {  	v15 =	vmul.f32 v21, v15;
	v18 =	vmul.f32 v18, v19  }
0x2fe: {  	v17 =	vmul.f32 v20, v17  }
0x2ff: {  	v16 =	vadd.f32 v18, v16  }
0x300: {  	v15 =	vadd.f32 v17, v15  }
0x301: {  	[tilespmem:s11+$0xFFFFFFF0] =	vst v16  }
0x302: {  	[tilespmem:s11+$0xFFFFFFE0] =	vst v15  }
0x303: {  	v15 =	vld.idx.msk [tilespmem:v12+s19+$0xB0 ss:$0x1], $0xffff  }
0x304: {  	v16 =	vld.idx.msk [tilespmem:v12+s19+$0xA0 ss:$0x1], $0xffff  }
0x305: {  	v17 =	vld.idx.msk [tilespmem:v13+s19+$0x20 ss:$0x1], $0xffff  }
0x306: {  	v18 =	vld.idx.msk [tilespmem:v13+s19+$0x30 ss:$0x1], $0xffff  }
0x307: {  	v19 =	vld.idx.msk [tilespmem:v13+s19+$0x0 ss:$0x1], $0xffff  }
0x308: {  	v20 =	vld.idx.msk [tilespmem:v13+s19+$0x10 ss:$0x1], $0xffff  }
0x309: {  	v21 =	vld.idx.msk [tilespmem:v12+s19+$0x80 ss:$0x1], $0xffff;
	_ =	sdelay $0x1  }
0x30a: {  	v16 =	vmul.f32 v16, v17  }
0x30b: {  	v15 =	vmul.f32 v15, v18;
	v17 =	vld.idx.msk [tilespmem:v12+s19+$0x90 ss:$0x1], $0xffff  }
0x30c: {  	[tilespmem:s11+$0x0] =	vst v16  }
0x30d: {  	[tilespmem:s11+$0x10] =	vst v15  }
0x30e: {  	v18 =	vld [tilespmem:s28+$0x0]  }
0x30f: {  	v22 =	vld [tilespmem:s28+$0x10];
	_ =	sdelay $0x1  }
0x310: {  	v19 =	vmul.f32 v21, v19;
	v21 =	vperm.xlane v14, v6  }
0x311: {  	v17 =	vmul.f32 v17, v20  }
0x312: {  	v20 =	vmul.f32 v21, v16;
	v18 =	vmul.f32 v18, v19  }
0x313: {  	v21 =	vmul.f32 v21, v15;
	v22 =	vmul.f32 v22, v17  }
0x314: {  	v18 =	vadd.f32 v18, v20  }
0x315: {  	v20 =	vadd.f32 v22, v21  }
0x316: {  	[tilespmem:s11+$0x20] =	vst v18  }
0x317: {  	[tilespmem:s11+$0x30] =	vst v20  }
0x318: {  	v18 =	vld [tilespmem:s28+$0x20]  }
0x319: {  	v20 =	vld [tilespmem:s28+$0x30];
	_ =	sdelay $0x1  }
0x31a: {  	v21 =	vperm.xlane v14, v7;
	_ =	sdelay $0x1  }
0x31b: {  	v22 =	vmul.f32 v21, v16;
	v18 =	vmul.f32 v18, v19  }
0x31c: {  	v21 =	vmul.f32 v21, v15;
	v20 =	vmul.f32 v20, v17  }
0x31d: {  	v18 =	vadd.f32 v18, v22  }
0x31e: {  	v20 =	vadd.f32 v20, v21  }
0x31f: {  	[tilespmem:s11+$0x40] =	vst v18  }
0x320: {  	[tilespmem:s11+$0x50] =	vst v20  }
0x321: {  	v18 =	vld [tilespmem:s28+$0x40]  }
0x322: {  	v20 =	vld [tilespmem:s28+$0x50];
	_ =	sdelay $0x1  }
0x323: {  	v21 =	vperm.xlane v14, v8;
	_ =	sdelay $0x1  }
0x324: {  	v16 =	vmul.f32 v21, v16;
	v18 =	vmul.f32 v18, v19  }
0x325: {  	v15 =	vmul.f32 v21, v15;
	v17 =	vmul.f32 v20, v17  }
0x326: {  	v16 =	vadd.f32 v18, v16  }
0x327: {  	v15 =	vadd.f32 v17, v15  }
0x328: {  	[tilespmem:s11+$0x60] =	vst v16  }
0x329: {  	[tilespmem:s11+$0x70] =	vst v15  }
0x32a: {  	v16 =	vld.idx.msk [tilespmem:v12+s19+$0xF0 ss:$0x1], $0xffff  }
0x32b: {  	v15 =	vld.idx.msk [tilespmem:v13+s19+$0x60 ss:$0x1], $0xffff  }
0x32c: {  	v17 =	vld.idx.msk [tilespmem:v12+s19+$0xE0 ss:$0x1], $0xffff  }
0x32d: {  	v18 =	vld.idx.msk [tilespmem:v13+s19+$0x70 ss:$0x1], $0xffff  }
0x32e: {  	v19 =	vld.idx.msk [tilespmem:v13+s19+$0x40 ss:$0x1], $0xffff  }
0x32f: {  	v20 =	vld.idx.msk [tilespmem:v13+s19+$0x50 ss:$0x1], $0xffff  }
0x330: {  	v21 =	vld.idx.msk [tilespmem:v12+s19+$0xC0 ss:$0x1], $0xffff  }
0x331: {  	v22 =	vld.idx.msk [tilespmem:v12+s19+$0xD0 ss:$0x1], $0xffff  }
0x332: {  	v15 =	vmul.f32 v17, v15  }
0x333: {  	v16 =	vmul.f32 v16, v18  }
0x334: {  	[tilespmem:s11+$0x80] =	vst v15  }
0x335: {  	[tilespmem:s11+$0x90] =	vst v16  }
0x336: {  	v23 =	vld [tilespmem:s28+$0x60]  }
0x337: {  	v24 =	vld [tilespmem:s28+$0x70];
	_ =	sdelay $0x1  }
.Ltmp2:
0x338: {  	v17 =	vmul.f32 v21, v19;
	v21 =	vperm.xlane v14, v9;
	(pc) =	sbr.rel @p1 .LBB2_7-.Ltmp2, $3  }
0x339: {  	v18 =	vmul.f32 v22, v20  }
0x33a: {  	v20 =	vmul.f32 v21, v15;
	v19 =	vmul.f32 v23, v17;
	_ =	sdelay $0x1  }
0x33b: {  	v21 =	vmul.f32 v21, v16;
	v19 =	vadd.f32 v19, v20;
	v20 =	vmul.f32 v24, v18  }
0x33c: {  	_ = 	snop  }
0x33d: {  	v12 =	vadd.f32 v20, v21  }
0x33e: {  	[tilespmem:s16+$0xA0] =	vst v19  }
0x33f: {  	[tilespmem:s16+$0xB0] =	vst v12  }
0x340: {  	v12 =	vld [tilespmem:s13+$0x80]  }
0x341: {  	v13 =	vld [tilespmem:s13+$0x90];
	_ =	sdelay $0x1  }
0x342: {  	v60 =	vperm.xlane v14, v10;
	_ =	sdelay $0x1  }
0x343: {  	v61 =	vmul.f32 v60, v15;
	v12 =	vmul.f32 v12, v17  }
0x344: {  	v19 =	vmul.f32 v60, v16;
	v13 =	vmul.f32 v13, v18  }
0x345: {  	v12 =	vadd.f32 v12, v61  }
0x346: {  	v13 =	vadd.f32 v13, v19  }
0x347: {  	[tilespmem:s16+$0xC0] =	vst v12  }
0x348: {  	[tilespmem:s16+$0xD0] =	vst v13  }
0x349: {  	v12 =	vld [tilespmem:s13+$0xA0]  }
0x34a: {  	v13 =	vld [tilespmem:s13+$0xB0];
	_ =	sdelay $0x1  }
0x34b: {  	v62 =	vperm.xlane v14, v11;
	_ =	sdelay $0x1  }
0x34c: {  	v63 =	vmul.f32 v62, v15;
	v12 =	vmul.f32 v12, v17  }
0x34d: {  	v14 =	vmul.f32 v62, v16;
	v13 =	vmul.f32 v13, v18  }
0x34e: {  	v12 =	vadd.f32 v12, v63  }
0x34f: {  	s11 =	sshll.u32 s23, $0x6;
	v13 =	vadd.f32 v13, v14  }
0x350: {  	s11 =	sand.u32 $0xC0, s11;
	[tilespmem:s16+$0xE0] =	vst v12  }
0x351: {  	p1 =	sgt.u32 s23, $0x13D;
	s11 =	sadd.s32 $0x13C80, s11;
	[tilespmem:s16+$0xF0] =	vst v13  }
0x352: {  	[spmem:s3] =	stream.indirect.scatter.add.f32 [tilespmem:s5], [sflag:$0x3], $0x80, s11, s12, $0xb8;
	[tilespmem:$0x1EF80] =	vst v63  }
0x353: {  	s5 =	sadd.s32 @!p1 $0x2, s23  }
0x354: {  	s11 =	sshll.u32 @!p1 s5, $0x4  }
0x355: {  	s11 =	sor.u32 @!p1 s4, s11  }
0x356: {  	s13 =	sshll.u32 @!p1 s11, $0x6  }
0x357: {  	s13 =	sadd.s32 @!p1 s26, s13  }
0x358: {  	s19 =	simm.s32 @!p1 $0x0;
	s16 =	sshll.u32 @!p1 s25, $0x6;
	s13 =	sshrl.u32 @!p1 s13, $0x3  }
0x359: {  	s16 =	sor.u32 @!p1 $0x13C00, s16;
	s5 =	sshll.u32 @!p1 s5, $0x6;
	s13 =	sadd.s32 @!p1 s9, s13  }
0x35a: {  	[tilespmem:s16], [sflag:$0x1] =	stream.linear.gather @!p1 [hbm4b:s13+s19], $0x40, $0x38;
	[tilespmem:$0x1EF80] =	vst v63  }
0x35b: {  	s5 =	sand.u32 @!p1 $0xC0, s5;
	s13 =	sshll.u32 @!p1 s11, $0x3  }
0x35c: {  	s5 =	sadd.s32 @!p1 $0x13C80, s5;
	s13 =	sadd.s32 @!p1 s2, s13  }
0x35d: {  	[tilespmem:s5], [sflag:$0x1] =	stream.linear.gather @!p1 [hbm4b:s13+s19], $0x40, $0x38;
	[tilespmem:$0x1EF80] =	vst v63  }
0x35e: {  	s5 =	sshll.u32 @!p1 s11, $0xC  }
0x35f: {  	s5 =	sadd.s32 @!p1 s31, s5  }
0x360: {  	s13 =	sshll.u32 @!p1 s25, $0xC;
	s5 =	sshrl.u32 @!p1 s5, $0x3  }
0x361: {  	s13 =	sor.u32 @!p1 $0x18D80, s13;
	s5 =	sadd.s32 @!p1 s7, s5  }
0x362: {  	[tilespmem:s13], [sflag:$0x1] =	stream.linear.gather @!p1 [hbm4b:s5+s19], $0x1000, $0x38;
	[tilespmem:$0x1EF80] =	vst v63  }
0x363: {  	s5 =	sshll.u32 @!p1 s11, $0x5  }
0x364: {  	s23 =	sadd.s32 $0x1, s23;
	s5 =	sadd.s32 @!p1 s8, s5  }
0x365: {  	[tilespmem:s17], [sflag:$0x1] =	stream.linear.gather @!p1 [hbm4b:s5+s19], $0x100, $0x38;
	[tilespmem:$0x1EF80] =	vst v63  }
0x366: {  	p1 =	sne.s32 s23, $0x140  }
.Ltmp3:
0x367: {  	_ = 	snop;
	(pc) =	sbr.rel @p1 .LBB2_6-.Ltmp3, $2  }
0x368: {  	_ =	sdelay $0x2  }
0x369: {  	p0 =	por !p0, !p0  }
0x36a: {  	_ =	swait.ge [sflag:s15], $0x2000  }
0x36b: {  	[sflag:s15] =	ssyncset.done $0x0  }
0x36c: {  	[sflag:s15] =	ssyncadd.s32 $0xFFFFE000  }
0x36d: {  	_ =	swait.ge [sflag:s15], $0x2000  }
0x36e: {  	[sflag:s15] =	ssyncset.done $0x0  }
0x36f: {  	[sflag:s15] =	ssyncadd.s32 $0xFFFFE000  }
0x370: {  	[bflag:$0x0] =	sbarrier.arrive $0xFFFF  }
0x371: {  	s5 =	rddreg [dreg:$0x7]  }
0x372: {  	s11 =	simm.s32 $0x10;
	s13 =	rddreg [dreg:$0x1f]  }
0x373: {  	[hbm:s5@s11], [sflag:s30] =	dma.strided [spmem:s13@s11], $0x9E0, s0, $0x4   }
0x374: {  	_ =	swait.ge [sflag:s24], $0x9E0  }
0x375: {  	s16 =	sld [smem:$0x7FC]  }
0x376: {  	[sflag:s24] =	ssyncset.done $0x0  }
0x377: {  	s19 =	simm.s32 $0x30;
	s17 =	rddreg [dreg:$0xa];
	[sflag:s24] =	ssyncadd.s32 $0xFFFFF620  }
0x378: {  	[hbm:s17@s19], [sflag:s30] =	dma.strided [spmem:s16@s11], $0x9E0, s0, $0x4   }
0x379: {  	_ =	swait.ge [sflag:s24], $0x9E0  }
0x37a: {  	s23 =	sld [smem:$0x7FD]  }
0x37b: {  	[sflag:s24] =	ssyncset.done $0x0  }
0x37c: {  	s22 =	rddreg [dreg:$0xb];
	[sflag:s24] =	ssyncadd.s32 $0xFFFFF620  }
0x37d: {  	[hbm:s22@s19], [sflag:s30] =	dma.strided [spmem:s23@s11], $0x9E0, s0, $0x4   }
0x37e: {  	_ =	swait.ge [sflag:s24], $0x9E0  }
0x37f: {  	[sflag:s24] =	ssyncset.done $0x0  }
0x380: {  	s25 =	rddreg [dreg:$0xc];
	[sflag:s24] =	ssyncadd.s32 $0xFFFFF620  }
0x381: {  	[hbm:s25@s19], [sflag:s30] =	dma.strided [spmem:s21@s11], $0x9E0, s0, $0x4   }
0x382: {  	_ =	swait.ge [sflag:s24], $0x9E0  }
0x383: {  	s18 =	sadd.s32 $0x1, s18;
	s28 =	rddreg [dreg:$0x1b]  }
0x384: {  	p0 =	sne.s32 s18, s28  }
.Ltmp4:
0x385: {  	_ = 	snop;
	(pc) =	sbr.rel @p0 .LBB2_1-.Ltmp4, $3  }
0x386: {  	_ =	sdelay $0x1  }
0x387: {  	[sflag:s24] =	ssyncset.done $0x0  }
0x388: {  	s29 =	rddreg [dreg:$0xe];
	[sflag:s24] =	ssyncadd.s32 $0xFFFFF620  }
0x389: {  	_ =	sfence.sel $0x180000  }
0x38a: {  	[bflag:$0x0] =	sbarrier.arrive $0xFFFF  }
0x38b: {  	_ =	strace $0x90000047  }
0x38c: {  	[bflag:$0x2] =	sbarrier.arrive $0xFFFF  }
0x38d: {  	p0 =	sne.s32 s4, $0x0;
	s0 =	rddreg [dreg:$0x4]  }
0x38e: {  	s0 =	sadd.s32 @!p0 $0x100000, s0  }
0x38f: {  	[sflag:s0] =	ssyncadd.tile.s32 @!p0 $0x1;
	_ =	shalt  }
.Lfunc_end2:
_tile_overlayer_lowered:
.L_overlay_start_2:
0x390: {  	(tag) =	ssettag $0x2  }
0x391: {  	s0 =	rddreg [dreg:$0x0];
	s2 =	stileid.u32  }
0x392: {  	s1 =	rddreg [dreg:$0x1];
	p0 =	sne.s32 s2, $0x0  }
0x393: {  	s3 =	rddreg [dreg:$0x2];
	[bflag:$0x3] =	sbarrier.arrive $0xFFFF;
	s2 =	simm.s32 @!p0 $0x1C04  }
0x394: {  	[timem:s3], [sflag:s2] =	dma.local @!p0 [hbm:s0], s1  }
0x395: {  	s0 =	simm.s32 @!p0 $0x4  }
0x396: {  	_ =	swait.ge @!p0 [sflag:s0], s1  }
0x397: {  	s1 =	ssub.s32 @!p0 $0x0, s1;
	[sflag:s0] =	ssyncset.done @!p0 $0x0  }
0x398: {  	[sflag:s0] =	ssyncadd.s32 @!p0 s1  }
0x399: {  	[bflag:$0x3] =	sbarrier.arrive $0xFFFF  }
0x39a: {  	_ =	shalt  }

</sc_bundles>
